<compile_context>
chip_gen: v7x
topology: tpu7x:2x2x1
jax: 0.10.2.dev20260603
libtpu: 0.0.44.dev20260713+nightly
codegen_flags: <defaults>
</compile_context>

<pallas_src>
import functools

import jax
import jax.numpy as jnp
from jax import lax
from jax.experimental import pallas as pl
from jax.experimental.pallas import tpu as pltpu
from jax.experimental.pallas import tpu_sc as plsc

N_ENTITIES = 1000000
N_RELATIONS = 1000
EMBED_DIM = 64
BATCH = 16384

NUM_WORKERS = 32
B_PER_W = BATCH // NUM_WORKERS
CH = 16
N_CHUNKS = B_PER_W // CH
N_PAIRS = N_CHUNKS // 2

TBLK = 8192


def _transpose_body(in_ref, out_ref):
    x = in_ref[...]
    xt = x.T
    out_ref[...] = jnp.concatenate(
        [xt, jnp.zeros((TBLK, 128 - EMBED_DIM), jnp.float32)], axis=1)


def _to_row_major(table_t, n_rows):
    n_pad = (n_rows + TBLK - 1) // TBLK * TBLK
    grid = n_pad // TBLK
    out = pl.pallas_call(
        _transpose_body,
        grid=(grid,),
        in_specs=[pl.BlockSpec((EMBED_DIM, TBLK), lambda i: (0, i))],
        out_specs=pl.BlockSpec((TBLK, 128), lambda i: (i, 0)),
        out_shape=jax.ShapeDtypeStruct((n_pad, 128), jnp.float32),
    )(table_t)
    return out


def _sc_body(heads_hbm, rels_hbm, tails_hbm, etab_hbm, rtab_hbm, out_hbm,
             h_idx, r_idx, t_idx, blocks, bidx, out_v, sem0, sem1):
    wid = lax.axis_index("s") * 2 + lax.axis_index("c")
    base = wid * B_PER_W

    pltpu.sync_copy(heads_hbm.at[pl.ds(base, B_PER_W)], h_idx)
    pltpu.sync_copy(rels_hbm.at[pl.ds(base, B_PER_W)], r_idx)
    pltpu.sync_copy(tails_hbm.at[pl.ds(base, B_PER_W)], t_idx)

    lane = lax.iota(jnp.int32, 16)
    sems = (sem0, sem1)

    def fire(c, buf, sem):
        bidx[3 * buf + 0] = h_idx[pl.ds(c * CH, 16)]
        bidx[3 * buf + 1] = t_idx[pl.ds(c * CH, 16)]
        bidx[3 * buf + 2] = r_idx[pl.ds(c * CH, 16)]
        pltpu.async_copy(etab_hbm.at[bidx.at[3 * buf + 0]],
                         blocks.at[buf, pl.ds(0, CH)], sem)
        pltpu.async_copy(etab_hbm.at[bidx.at[3 * buf + 1]],
                         blocks.at[buf, pl.ds(CH, CH)], sem)
        pltpu.async_copy(rtab_hbm.at[bidx.at[3 * buf + 2]],
                         blocks.at[buf, pl.ds(2 * CH, CH)], sem)

    def wait(buf, sem):
        pltpu.make_async_copy(etab_hbm.at[bidx.at[3 * buf + 0]],
                              blocks.at[buf, pl.ds(0, CH)], sem).wait()
        pltpu.make_async_copy(etab_hbm.at[bidx.at[3 * buf + 1]],
                              blocks.at[buf, pl.ds(CH, CH)], sem).wait()
        pltpu.make_async_copy(rtab_hbm.at[bidx.at[3 * buf + 2]],
                              blocks.at[buf, pl.ds(2 * CH, CH)], sem).wait()

    def compute(c, buf):
        bref = blocks.at[buf]
        ent_h = lane
        ent_t = lane + CH
        ent_r = lane + 2 * CH
        acc = jnp.zeros((16,), jnp.float32)
        for d in range(EMBED_DIM):
            dsplat = jnp.full((16,), d, jnp.int32)
            vh = plsc.load_gather(bref, [ent_h, dsplat])
            vt = plsc.load_gather(bref, [ent_t, dsplat])
            vr = plsc.load_gather(bref, [ent_r, dsplat])
            s = (vh + vr) - vt
            acc = acc + s * s
        out_v[pl.ds(c * CH, 16)] = -acc

    fire(0, 0, sems[0])

    def pair_body(j, _):
        c0 = 2 * j
        fire(c0 + 1, 1, sems[1])
        wait(0, sems[0])
        compute(c0, 0)

        @pl.when(j < N_PAIRS - 1)
        def _():
            fire(c0 + 2, 0, sems[0])

        wait(1, sems[1])
        compute(c0 + 1, 1)
        return 0

    lax.fori_loop(0, N_PAIRS, pair_body, 0)

    pltpu.sync_copy(out_v, out_hbm.at[pl.ds(base, B_PER_W)])


@jax.jit
def _score(heads, relations, tails, etab_t, rtab_t):
    etab_rm = _to_row_major(etab_t, N_ENTITIES)
    rtab_rm = _to_row_major(rtab_t, N_RELATIONS)
    mesh = plsc.VectorSubcoreMesh(core_axis_name="c", subcore_axis_name="s")
    f = functools.partial(
        pl.kernel,
        mesh=mesh,
        compiler_params=pltpu.CompilerParams(
            needs_layout_passes=False, use_tc_tiling_on_sc=True),
        out_type=jax.ShapeDtypeStruct((BATCH,), jnp.float32),
        scratch_types=[
            pltpu.VMEM((B_PER_W,), jnp.int32),
            pltpu.VMEM((B_PER_W,), jnp.int32),
            pltpu.VMEM((B_PER_W,), jnp.int32),
            pltpu.VMEM((2, 3 * CH, 128), jnp.float32),
            pltpu.VMEM((6, CH), jnp.int32),
            pltpu.VMEM((B_PER_W,), jnp.float32),
            pltpu.SemaphoreType.DMA,
            pltpu.SemaphoreType.DMA,
        ],
    )(_sc_body)
    return f(heads, relations, tails, etab_rm, rtab_rm)


def kernel(heads, relations, tails, entity_table, relation_table):
    return _score(heads.astype(jnp.int32), relations.astype(jnp.int32),
                  tails.astype(jnp.int32), entity_table.T, relation_table.T)

# --- scband reference (transcript-rebuilt; emitter-appended) ---
"""Pipeline reference for scband-neural-knowledge-base-81003083202645 (READ-ONLY COPY).

The authoritative reference and input builder live on the scoring server;
editing this copy changes nothing except your own understanding.
"""

import jax, jax.numpy as jnp
import numpy as np

N_ENTITIES = 1000000
N_RELATIONS = 1000
EMBED_DIM = 64
BATCH = 16384


def setup_inputs(seed: int = 0) -> dict:
    key = jax.random.key(seed)
    k1, k2, k3, k4, k5 = jax.random.split(key, 5)
    heads = jax.random.randint(k1, (BATCH,), 0, N_ENTITIES, dtype=jnp.int64 if jax.config.jax_enable_x64 else jnp.int32)
    relations = jax.random.randint(k2, (BATCH,), 0, N_RELATIONS, dtype=jnp.int64 if jax.config.jax_enable_x64 else jnp.int32)
    tails = jax.random.randint(k3, (BATCH,), 0, N_ENTITIES, dtype=jnp.int64 if jax.config.jax_enable_x64 else jnp.int32)
    # nn.Embedding default init: N(0, 1)
    entity_table = jax.random.normal(k4, (N_ENTITIES, EMBED_DIM), dtype=jnp.float32)
    relation_table = jax.random.normal(k5, (N_RELATIONS, EMBED_DIM), dtype=jnp.float32)
    return {
        "heads": heads,
        "relations": relations,
        "tails": tails,
        "entity_table": entity_table,
        "relation_table": relation_table,
    }


def reference(heads, relations, tails, entity_table, relation_table):
    head_embeds = jnp.take(entity_table, heads, axis=0)
    rel_embeds = jnp.take(relation_table, relations, axis=0)
    tail_embeds = jnp.take(entity_table, tails, axis=0)
    score = jnp.sum(jnp.square(head_embeds + rel_embeds - tail_embeds), axis=-1)
    return -score

if __name__ == "__main__":
    import jax
    _d = setup_inputs()
    print(jax.jit(kernel)(*tuple(_d.values())))

</pallas_src>

<mosaic_0001>
#map = affine_map<(d0, d1) -> (0)>
#map1 = affine_map<(d0, d1) -> (0, 0)>
module attributes {stable_mosaic.version = 14 : i64} {
  func.func @_sc_body(%arg0: i32, %arg1: i32, %arg2: memref<16384xi32, #tpu.memory_space<hbm>>, %arg3: memref<16384xi32, #tpu.memory_space<hbm>>, %arg4: memref<16384xi32, #tpu.memory_space<hbm>>, %arg5: memref<1007616x128xf32, #tpu.memory_space<hbm>>, %arg6: memref<8192x128xf32, #tpu.memory_space<hbm>>, %arg7: memref<16384xf32, #tpu.memory_space<hbm>>, %arg8: memref<512xi32, #tpu.memory_space<vmem>>, %arg9: memref<512xi32, #tpu.memory_space<vmem>>, %arg10: memref<512xi32, #tpu.memory_space<vmem>>, %arg11: memref<2x48x128xf32, #tpu.memory_space<vmem>>, %arg12: memref<6x16xi32, #tpu.memory_space<vmem>>, %arg13: memref<512xf32, #tpu.memory_space<vmem>>, %arg14: memref<!tpu.dma_semaphore, #tpu.memory_space<semaphore_mem>>, %arg15: memref<!tpu.dma_semaphore, #tpu.memory_space<semaphore_mem>>) attributes {dimension_semantics = [#tpu.dimension_semantics<core_parallel>, #tpu.dimension_semantics<subcore_parallel>], iteration_bounds = array<i64: 2, 16>, scalar_prefetch = 0 : i64, scratch_operands = 8 : i64, tpu.core_type = #tpu.core_type<sc_vector_subcore>, window_params = [{transform_indices = #map}, {transform_indices = #map}, {transform_indices = #map}, {transform_indices = #map1}, {transform_indices = #map1}, {transform_indices = #map}]} {
    %mul3A = arith.constant 2 : i32
    %mul3A_0 = arith.muli %arg1, %mul3A : i32
    %add3A = arith.addi %mul3A_0, %arg0 : i32
    %mul3A_1 = arith.constant 512 : i32
    %mul3A_2 = arith.muli %add3A, %mul3A_1 : i32
    "tpu.region"() ({
      %run_scoped3A = tpu.sem_alloc : memref<!tpu.dma_semaphore, #tpu.memory_space<semaphore_mem>>
      %dma_start3A_60 = tpu.memref_slice %arg2[%mul3A_2] : memref<16384xi32, #tpu.memory_space<hbm>> -> memref<512xi32, #tpu.memory_space<hbm>>
      %dma_start3A_61 = tpu.memref_slice %arg2[%mul3A_2] : memref<16384xi32, #tpu.memory_space<hbm>> -> memref<512xi32, #tpu.memory_space<hbm>>
      tpu.enqueue_dma source(%dma_start3A_61 : memref<512xi32, #tpu.memory_space<hbm>>) target(%arg8 : memref<512xi32, #tpu.memory_space<vmem>>) target_semaphore(%run_scoped3A : memref<!tpu.dma_semaphore, #tpu.memory_space<semaphore_mem>>)
      %dma_wait3A = tpu.memref_slice %arg2[%mul3A_2] : memref<16384xi32, #tpu.memory_space<hbm>> -> memref<512xi32, #tpu.memory_space<hbm>>
      %dma_wait3A_62 = tpu.memref_slice %arg2[%mul3A_2] : memref<16384xi32, #tpu.memory_space<hbm>> -> memref<512xi32, #tpu.memory_space<hbm>>
      tpu.wait_dma2 semaphore(%run_scoped3A : memref<!tpu.dma_semaphore, #tpu.memory_space<semaphore_mem>>) src(%dma_wait3A_62 : memref<512xi32, #tpu.memory_space<hbm>>) dst(%arg8 : memref<512xi32, #tpu.memory_space<vmem>>)
      tpu.yield
    }) : () -> ()
    "tpu.region"() ({
      %run_scoped3A = tpu.sem_alloc : memref<!tpu.dma_semaphore, #tpu.memory_space<semaphore_mem>>
      %dma_start3A_60 = tpu.memref_slice %arg3[%mul3A_2] : memref<16384xi32, #tpu.memory_space<hbm>> -> memref<512xi32, #tpu.memory_space<hbm>>
      %dma_start3A_61 = tpu.memref_slice %arg3[%mul3A_2] : memref<16384xi32, #tpu.memory_space<hbm>> -> memref<512xi32, #tpu.memory_space<hbm>>
      tpu.enqueue_dma source(%dma_start3A_61 : memref<512xi32, #tpu.memory_space<hbm>>) target(%arg9 : memref<512xi32, #tpu.memory_space<vmem>>) target_semaphore(%run_scoped3A : memref<!tpu.dma_semaphore, #tpu.memory_space<semaphore_mem>>)
      %dma_wait3A = tpu.memref_slice %arg3[%mul3A_2] : memref<16384xi32, #tpu.memory_space<hbm>> -> memref<512xi32, #tpu.memory_space<hbm>>
      %dma_wait3A_62 = tpu.memref_slice %arg3[%mul3A_2] : memref<16384xi32, #tpu.memory_space<hbm>> -> memref<512xi32, #tpu.memory_space<hbm>>
      tpu.wait_dma2 semaphore(%run_scoped3A : memref<!tpu.dma_semaphore, #tpu.memory_space<semaphore_mem>>) src(%dma_wait3A_62 : memref<512xi32, #tpu.memory_space<hbm>>) dst(%arg9 : memref<512xi32, #tpu.memory_space<vmem>>)
      tpu.yield
    }) : () -> ()
    "tpu.region"() ({
      %run_scoped3A = tpu.sem_alloc : memref<!tpu.dma_semaphore, #tpu.memory_space<semaphore_mem>>
      %dma_start3A_60 = tpu.memref_slice %arg4[%mul3A_2] : memref<16384xi32, #tpu.memory_space<hbm>> -> memref<512xi32, #tpu.memory_space<hbm>>
      %dma_start3A_61 = tpu.memref_slice %arg4[%mul3A_2] : memref<16384xi32, #tpu.memory_space<hbm>> -> memref<512xi32, #tpu.memory_space<hbm>>
      tpu.enqueue_dma source(%dma_start3A_61 : memref<512xi32, #tpu.memory_space<hbm>>) target(%arg10 : memref<512xi32, #tpu.memory_space<vmem>>) target_semaphore(%run_scoped3A : memref<!tpu.dma_semaphore, #tpu.memory_space<semaphore_mem>>)
      %dma_wait3A = tpu.memref_slice %arg4[%mul3A_2] : memref<16384xi32, #tpu.memory_space<hbm>> -> memref<512xi32, #tpu.memory_space<hbm>>
      %dma_wait3A_62 = tpu.memref_slice %arg4[%mul3A_2] : memref<16384xi32, #tpu.memory_space<hbm>> -> memref<512xi32, #tpu.memory_space<hbm>>
      tpu.wait_dma2 semaphore(%run_scoped3A : memref<!tpu.dma_semaphore, #tpu.memory_space<semaphore_mem>>) src(%dma_wait3A_62 : memref<512xi32, #tpu.memory_space<hbm>>) dst(%arg10 : memref<512xi32, #tpu.memory_space<vmem>>)
      tpu.yield
    }) : () -> ()
    %iota3A = tpu.iota {dimensions = array<i32: 0>} : vector<16xi32>
    %get3A = arith.constant 0 : index
    %get3A_3 = tpu.vector_load %arg8[%get3A] {strides = array<i32>} : memref<512xi32, #tpu.memory_space<vmem>>, vector<16xi32>,
    %swap3A = arith.constant 0 : i32
    %swap3A_4 = arith.index_cast %swap3A : i32 to index
    %swap3A_5 = arith.constant 0 : index
    %swap3A_6 = tpu.vector_load %arg12[%swap3A_4, %swap3A_5] {strides = array<i32>} : memref<6x16xi32, #tpu.memory_space<vmem>>, vector<16xi32>,
    tpu.vector_store %arg12[%swap3A_4, %swap3A_5], %get3A_3 {strides = array<i32>} : memref<6x16xi32, #tpu.memory_space<vmem>>, vector<16xi32>,
    %get3A_7 = arith.constant 0 : index
    %get3A_8 = tpu.vector_load %arg10[%get3A_7] {strides = array<i32>} : memref<512xi32, #tpu.memory_space<vmem>>, vector<16xi32>,
    %swap3A_9 = arith.constant 1 : i32
    %swap3A_10 = arith.index_cast %swap3A_9 : i32 to index
    %swap3A_11 = arith.constant 0 : index
    %swap3A_12 = tpu.vector_load %arg12[%swap3A_10, %swap3A_11] {strides = array<i32>} : memref<6x16xi32, #tpu.memory_space<vmem>>, vector<16xi32>,
    tpu.vector_store %arg12[%swap3A_10, %swap3A_11], %get3A_8 {strides = array<i32>} : memref<6x16xi32, #tpu.memory_space<vmem>>, vector<16xi32>,
    %get3A_13 = arith.constant 0 : index
    %get3A_14 = tpu.vector_load %arg9[%get3A_13] {strides = array<i32>} : memref<512xi32, #tpu.memory_space<vmem>>, vector<16xi32>,
    %swap3A_15 = arith.constant 2 : i32
    %swap3A_16 = arith.index_cast %swap3A_15 : i32 to index
    %swap3A_17 = arith.constant 0 : index
    %swap3A_18 = tpu.vector_load %arg12[%swap3A_16, %swap3A_17] {strides = array<i32>} : memref<6x16xi32, #tpu.memory_space<vmem>>, vector<16xi32>,
    tpu.vector_store %arg12[%swap3A_16, %swap3A_17], %get3A_14 {strides = array<i32>} : memref<6x16xi32, #tpu.memory_space<vmem>>, vector<16xi32>,
    %dma_start3A = arith.constant 0 : i32
    %dma_start3A_19 = arith.constant 0 : i32
    %dma_start3A_20 = arith.constant 0 : i32
    %dma_start3A_21 = arith.constant 0 : i32
    %dma_start3A_22 = tpu.memref_slice %arg11[%dma_start3A_19, %dma_start3A_20, %dma_start3A_21] : memref<2x48x128xf32, #tpu.memory_space<vmem>> -> memref<1x16x128xf32, #tpu.memory_space<vmem>>
    %dma_start3A_23 = tpu.memref_squeeze %dma_start3A_22 : memref<1x16x128xf32, #tpu.memory_space<vmem>> -> memref<16x128xf32, #tpu.memory_space<vmem>>
    %dma_start3A_24 = arith.constant 0 : i32
    %dma_start3A_25 = tpu.memref_slice %arg12[%dma_start3A, %dma_start3A_24] : memref<6x16xi32, #tpu.memory_space<vmem>> -> memref<1x16xi32, #tpu.memory_space<vmem>>
    %dma_start3A_26 = tpu.memref_squeeze %dma_start3A_25 : memref<1x16xi32, #tpu.memory_space<vmem>> -> memref<16xi32, #tpu.memory_space<vmem>>
    %dma_start3A_27 = arith.constant 0 : i32
    %dma_start3A_28 = arith.constant 0 : i32
    %dma_start3A_29 = tpu.memref_slice %arg5[%dma_start3A_27, %dma_start3A_28] : memref<1007616x128xf32, #tpu.memory_space<hbm>> -> memref<1007616x128xf32, #tpu.memory_space<hbm>>
    tpu.enqueue_indirect_dma source(%dma_start3A_29 : memref<1007616x128xf32, #tpu.memory_space<hbm>>) target(%dma_start3A_23 : memref<16x128xf32, #tpu.memory_space<vmem>>) offsets(%dma_start3A_26 : memref<16xi32, #tpu.memory_space<vmem>>) semaphore(%arg14 : memref<!tpu.dma_semaphore, #tpu.memory_space<semaphore_mem>>)
    %dma_start3A_30 = arith.constant 1 : i32
    %dma_start3A_31 = arith.constant 0 : i32
    %dma_start3A_32 = arith.constant 16 : i32
    %dma_start3A_33 = arith.constant 0 : i32
    %dma_start3A_34 = tpu.memref_slice %arg11[%dma_start3A_31, %dma_start3A_32, %dma_start3A_33] : memref<2x48x128xf32, #tpu.memory_space<vmem>> -> memref<1x16x128xf32, #tpu.memory_space<vmem>>
    %dma_start3A_35 = tpu.memref_squeeze %dma_start3A_34 : memref<1x16x128xf32, #tpu.memory_space<vmem>> -> memref<16x128xf32, #tpu.memory_space<vmem>>
    %dma_start3A_36 = arith.constant 0 : i32
    %dma_start3A_37 = tpu.memref_slice %arg12[%dma_start3A_30, %dma_start3A_36] : memref<6x16xi32, #tpu.memory_space<vmem>> -> memref<1x16xi32, #tpu.memory_space<vmem>>
    %dma_start3A_38 = tpu.memref_squeeze %dma_start3A_37 : memref<1x16xi32, #tpu.memory_space<vmem>> -> memref<16xi32, #tpu.memory_space<vmem>>
    %dma_start3A_39 = arith.constant 0 : i32
    %dma_start3A_40 = arith.constant 0 : i32
    %dma_start3A_41 = tpu.memref_slice %arg5[%dma_start3A_39, %dma_start3A_40] : memref<1007616x128xf32, #tpu.memory_space<hbm>> -> memref<1007616x128xf32, #tpu.memory_space<hbm>>
    tpu.enqueue_indirect_dma source(%dma_start3A_41 : memref<1007616x128xf32, #tpu.memory_space<hbm>>) target(%dma_start3A_35 : memref<16x128xf32, #tpu.memory_space<vmem>>) offsets(%dma_start3A_38 : memref<16xi32, #tpu.memory_space<vmem>>) semaphore(%arg14 : memref<!tpu.dma_semaphore, #tpu.memory_space<semaphore_mem>>)
    %dma_start3A_42 = arith.constant 2 : i32
    %dma_start3A_43 = arith.constant 0 : i32
    %dma_start3A_44 = arith.constant 32 : i32
    %dma_start3A_45 = arith.constant 0 : i32
    %dma_start3A_46 = tpu.memref_slice %arg11[%dma_start3A_43, %dma_start3A_44, %dma_start3A_45] : memref<2x48x128xf32, #tpu.memory_space<vmem>> -> memref<1x16x128xf32, #tpu.memory_space<vmem>>
    %dma_start3A_47 = tpu.memref_squeeze %dma_start3A_46 : memref<1x16x128xf32, #tpu.memory_space<vmem>> -> memref<16x128xf32, #tpu.memory_space<vmem>>
    %dma_start3A_48 = arith.constant 0 : i32
    %dma_start3A_49 = tpu.memref_slice %arg12[%dma_start3A_42, %dma_start3A_48] : memref<6x16xi32, #tpu.memory_space<vmem>> -> memref<1x16xi32, #tpu.memory_space<vmem>>
    %dma_start3A_50 = tpu.memref_squeeze %dma_start3A_49 : memref<1x16xi32, #tpu.memory_space<vmem>> -> memref<16xi32, #tpu.memory_space<vmem>>
    %dma_start3A_51 = arith.constant 0 : i32
    %dma_start3A_52 = arith.constant 0 : i32
    %dma_start3A_53 = tpu.memref_slice %arg6[%dma_start3A_51, %dma_start3A_52] : memref<8192x128xf32, #tpu.memory_space<hbm>> -> memref<8192x128xf32, #tpu.memory_space<hbm>>
    tpu.enqueue_indirect_dma source(%dma_start3A_53 : memref<8192x128xf32, #tpu.memory_space<hbm>>) target(%dma_start3A_47 : memref<16x128xf32, #tpu.memory_space<vmem>>) offsets(%dma_start3A_50 : memref<16xi32, #tpu.memory_space<vmem>>) semaphore(%arg14 : memref<!tpu.dma_semaphore, #tpu.memory_space<semaphore_mem>>)
    %scan3A = arith.constant 0 : i32
    %scan3A_54 = arith.constant 0 : i32
    %scan3A_55 = arith.constant 16 : i32
    %scan3A_56 = arith.addi %scan3A_54, %scan3A_55 : i32
    %scan3A_57 = arith.constant 1 : i32
    %scan3A_58 = scf.for %scan3A_60 = %scan3A_54 to %scan3A_56 step %scan3A_57 iter_args(%scan3A_61 = %scan3A) -> (i32)  : i32 {
      %mul3A_62 = arith.constant 2 : i32
      %mul3A_63 = arith.muli %mul3A_62, %scan3A_60 : i32
      %add3A_64 = arith.constant 1 : i32
      %add3A_65 = arith.addi %mul3A_63, %add3A_64 : i32
      %mul3A_66 = arith.constant 16 : i32
      %mul3A_67 = arith.muli %add3A_65, %mul3A_66 : i32
      %get3A_68 = arith.index_cast %mul3A_67 : i32 to index
      %get3A_69 = tpu.vector_load %arg8[%get3A_68] {strides = array<i32>} : memref<512xi32, #tpu.memory_space<vmem>>, vector<16xi32>,
      %swap3A_70 = arith.constant 3 : i32
      %swap3A_71 = arith.index_cast %swap3A_70 : i32 to index
      %swap3A_72 = arith.constant 0 : index
      %swap3A_73 = tpu.vector_load %arg12[%swap3A_71, %swap3A_72] {strides = array<i32>} : memref<6x16xi32, #tpu.memory_space<vmem>>, vector<16xi32>,
      tpu.vector_store %arg12[%swap3A_71, %swap3A_72], %get3A_69 {strides = array<i32>} : memref<6x16xi32, #tpu.memory_space<vmem>>, vector<16xi32>,
      %mul3A_74 = arith.constant 16 : i32
      %mul3A_75 = arith.muli %add3A_65, %mul3A_74 : i32
      %get3A_76 = arith.index_cast %mul3A_75 : i32 to index
      %get3A_77 = tpu.vector_load %arg10[%get3A_76] {strides = array<i32>} : memref<512xi32, #tpu.memory_space<vmem>>, vector<16xi32>,
      %swap3A_78 = arith.constant 4 : i32
      %swap3A_79 = arith.index_cast %swap3A_78 : i32 to index
      %swap3A_80 = arith.constant 0 : index
      %swap3A_81 = tpu.vector_load %arg12[%swap3A_79, %swap3A_80] {strides = array<i32>} : memref<6x16xi32, #tpu.memory_space<vmem>>, vector<16xi32>,
      tpu.vector_store %arg12[%swap3A_79, %swap3A_80], %get3A_77 {strides = array<i32>} : memref<6x16xi32, #tpu.memory_space<vmem>>, vector<16xi32>,
      %mul3A_82 = arith.constant 16 : i32
      %mul3A_83 = arith.muli %add3A_65, %mul3A_82 : i32
      %get3A_84 = arith.index_cast %mul3A_83 : i32 to index
      %get3A_85 = tpu.vector_load %arg9[%get3A_84] {strides = array<i32>} : memref<512xi32, #tpu.memory_space<vmem>>, vector<16xi32>,
      %swap3A_86 = arith.constant 5 : i32
      %swap3A_87 = arith.index_cast %swap3A_86 : i32 to index
      %swap3A_88 = arith.constant 0 : index
      %swap3A_89 = tpu.vector_load %arg12[%swap3A_87, %swap3A_88] {strides = array<i32>} : memref<6x16xi32, #tpu.memory_space<vmem>>, vector<16xi32>,
      tpu.vector_store %arg12[%swap3A_87, %swap3A_88], %get3A_85 {strides = array<i32>} : memref<6x16xi32, #tpu.memory_space<vmem>>, vector<16xi32>,
      %dma_start3A_90 = arith.constant 3 : i32
      %dma_start3A_91 = arith.constant 1 : i32
      %dma_start3A_92 = arith.constant 0 : i32
      %dma_start3A_93 = arith.constant 0 : i32
      %dma_start3A_94 = tpu.memref_slice %arg11[%dma_start3A_91, %dma_start3A_92, %dma_start3A_93] : memref<2x48x128xf32, #tpu.memory_space<vmem>> -> memref<1x16x128xf32, #tpu.memory_space<vmem>>
      %dma_start3A_95 = tpu.memref_squeeze %dma_start3A_94 : memref<1x16x128xf32, #tpu.memory_space<vmem>> -> memref<16x128xf32, #tpu.memory_space<vmem>>
      %dma_start3A_96 = arith.constant 0 : i32
      %dma_start3A_97 = tpu.memref_slice %arg12[%dma_start3A_90, %dma_start3A_96] : memref<6x16xi32, #tpu.memory_space<vmem>> -> memref<1x16xi32, #tpu.memory_space<vmem>>
      %dma_start3A_98 = tpu.memref_squeeze %dma_start3A_97 : memref<1x16xi32, #tpu.memory_space<vmem>> -> memref<16xi32, #tpu.memory_space<vmem>>
      %dma_start3A_99 = arith.constant 0 : i32
      %dma_start3A_100 = arith.constant 0 : i32
      %dma_start3A_101 = tpu.memref_slice %arg5[%dma_start3A_99, %dma_start3A_100] : memref<1007616x128xf32, #tpu.memory_space<hbm>> -> memref<1007616x128xf32, #tpu.memory_space<hbm>>
      tpu.enqueue_indirect_dma source(%dma_start3A_101 : memref<1007616x128xf32, #tpu.memory_space<hbm>>) target(%dma_start3A_95 : memref<16x128xf32, #tpu.memory_space<vmem>>) offsets(%dma_start3A_98 : memref<16xi32, #tpu.memory_space<vmem>>) semaphore(%arg15 : memref<!tpu.dma_semaphore, #tpu.memory_space<semaphore_mem>>)
      %dma_start3A_102 = arith.constant 4 : i32
      %dma_start3A_103 = arith.constant 1 : i32
      %dma_start3A_104 = arith.constant 16 : i32
      %dma_start3A_105 = arith.constant 0 : i32
      %dma_start3A_106 = tpu.memref_slice %arg11[%dma_start3A_103, %dma_start3A_104, %dma_start3A_105] : memref<2x48x128xf32, #tpu.memory_space<vmem>> -> memref<1x16x128xf32, #tpu.memory_space<vmem>>
      %dma_start3A_107 = tpu.memref_squeeze %dma_start3A_106 : memref<1x16x128xf32, #tpu.memory_space<vmem>> -> memref<16x128xf32, #tpu.memory_space<vmem>>
      %dma_start3A_108 = arith.constant 0 : i32
      %dma_start3A_109 = tpu.memref_slice %arg12[%dma_start3A_102, %dma_start3A_108] : memref<6x16xi32, #tpu.memory_space<vmem>> -> memref<1x16xi32, #tpu.memory_space<vmem>>
      %dma_start3A_110 = tpu.memref_squeeze %dma_start3A_109 : memref<1x16xi32, #tpu.memory_space<vmem>> -> memref<16xi32, #tpu.memory_space<vmem>>
      %dma_start3A_111 = arith.constant 0 : i32
      %dma_start3A_112 = arith.constant 0 : i32
      %dma_start3A_113 = tpu.memref_slice %arg5[%dma_start3A_111, %dma_start3A_112] : memref<1007616x128xf32, #tpu.memory_space<hbm>> -> memref<1007616x128xf32, #tpu.memory_space<hbm>>
      tpu.enqueue_indirect_dma source(%dma_start3A_113 : memref<1007616x128xf32, #tpu.memory_space<hbm>>) target(%dma_start3A_107 : memref<16x128xf32, #tpu.memory_space<vmem>>) offsets(%dma_start3A_110 : memref<16xi32, #tpu.memory_space<vmem>>) semaphore(%arg15 : memref<!tpu.dma_semaphore, #tpu.memory_space<semaphore_mem>>)
      %dma_start3A_114 = arith.constant 5 : i32
      %dma_start3A_115 = arith.constant 1 : i32
      %dma_start3A_116 = arith.constant 32 : i32
      %dma_start3A_117 = arith.constant 0 : i32
      %dma_start3A_118 = tpu.memref_slice %arg11[%dma_start3A_115, %dma_start3A_116, %dma_start3A_117] : memref<2x48x128xf32, #tpu.memory_space<vmem>> -> memref<1x16x128xf32, #tpu.memory_space<vmem>>
      %dma_start3A_119 = tpu.memref_squeeze %dma_start3A_118 : memref<1x16x128xf32, #tpu.memory_space<vmem>> -> memref<16x128xf32, #tpu.memory_space<vmem>>
      %dma_start3A_120 = arith.constant 0 : i32
      %dma_start3A_121 = tpu.memref_slice %arg12[%dma_start3A_114, %dma_start3A_120] : memref<6x16xi32, #tpu.memory_space<vmem>> -> memref<1x16xi32, #tpu.memory_space<vmem>>
      %dma_start3A_122 = tpu.memref_squeeze %dma_start3A_121 : memref<1x16xi32, #tpu.memory_space<vmem>> -> memref<16xi32, #tpu.memory_space<vmem>>
      %dma_start3A_123 = arith.constant 0 : i32
      %dma_start3A_124 = arith.constant 0 : i32
      %dma_start3A_125 = tpu.memref_slice %arg6[%dma_start3A_123, %dma_start3A_124] : memref<8192x128xf32, #tpu.memory_space<hbm>> -> memref<8192x128xf32, #tpu.memory_space<hbm>>
      tpu.enqueue_indirect_dma source(%dma_start3A_125 : memref<8192x128xf32, #tpu.memory_space<hbm>>) target(%dma_start3A_119 : memref<16x128xf32, #tpu.memory_space<vmem>>) offsets(%dma_start3A_122 : memref<16xi32, #tpu.memory_space<vmem>>) semaphore(%arg15 : memref<!tpu.dma_semaphore, #tpu.memory_space<semaphore_mem>>)
      %dma_wait3A = arith.constant 0 : i32
      %dma_wait3A_126 = arith.constant 0 : i32
      %dma_wait3A_127 = arith.constant 0 : i32
      %dma_wait3A_128 = arith.constant 0 : i32
      %dma_wait3A_129 = tpu.memref_slice %arg11[%dma_wait3A_126, %dma_wait3A_127, %dma_wait3A_128] : memref<2x48x128xf32, #tpu.memory_space<vmem>> -> memref<1x16x128xf32, #tpu.memory_space<vmem>>
      %dma_wait3A_130 = tpu.memref_squeeze %dma_wait3A_129 : memref<1x16x128xf32, #tpu.memory_space<vmem>> -> memref<16x128xf32, #tpu.memory_space<vmem>>
      %dma_wait3A_131 = arith.constant 0 : i32
      %dma_wait3A_132 = tpu.memref_slice %arg12[%dma_wait3A, %dma_wait3A_131] : memref<6x16xi32, #tpu.memory_space<vmem>> -> memref<1x16xi32, #tpu.memory_space<vmem>>
      %dma_wait3A_133 = tpu.memref_squeeze %dma_wait3A_132 : memref<1x16xi32, #tpu.memory_space<vmem>> -> memref<16xi32, #tpu.memory_space<vmem>>
      %dma_wait3A_134 = arith.constant 0 : i32
      %dma_wait3A_135 = arith.constant 0 : i32
      %dma_wait3A_136 = tpu.memref_slice %arg5[%dma_wait3A_134, %dma_wait3A_135] : memref<1007616x128xf32, #tpu.memory_space<hbm>> -> memref<1007616x128xf32, #tpu.memory_space<hbm>>
      tpu.wait_indirect_dma semaphore(%arg14 : memref<!tpu.dma_semaphore, #tpu.memory_space<semaphore_mem>>) src(%dma_wait3A_136 : memref<1007616x128xf32, #tpu.memory_space<hbm>>) dst(%dma_wait3A_130 : memref<16x128xf32, #tpu.memory_space<vmem>>)
      %dma_wait3A_137 = arith.constant 1 : i32
      %dma_wait3A_138 = arith.constant 0 : i32
      %dma_wait3A_139 = arith.constant 16 : i32
      %dma_wait3A_140 = arith.constant 0 : i32
      %dma_wait3A_141 = tpu.memref_slice %arg11[%dma_wait3A_138, %dma_wait3A_139, %dma_wait3A_140] : memref<2x48x128xf32, #tpu.memory_space<vmem>> -> memref<1x16x128xf32, #tpu.memory_space<vmem>>
      %dma_wait3A_142 = tpu.memref_squeeze %dma_wait3A_141 : memref<1x16x128xf32, #tpu.memory_space<vmem>> -> memref<16x128xf32, #tpu.memory_space<vmem>>
      %dma_wait3A_143 = arith.constant 0 : i32
      %dma_wait3A_144 = tpu.memref_slice %arg12[%dma_wait3A_137, %dma_wait3A_143] : memref<6x16xi32, #tpu.memory_space<vmem>> -> memref<1x16xi32, #tpu.memory_space<vmem>>
      %dma_wait3A_145 = tpu.memref_squeeze %dma_wait3A_144 : memref<1x16xi32, #tpu.memory_space<vmem>> -> memref<16xi32, #tpu.memory_space<vmem>>
      %dma_wait3A_146 = arith.constant 0 : i32
      %dma_wait3A_147 = arith.constant 0 : i32
      %dma_wait3A_148 = tpu.memref_slice %arg5[%dma_wait3A_146, %dma_wait3A_147] : memref<1007616x128xf32, #tpu.memory_space<hbm>> -> memref<1007616x128xf32, #tpu.memory_space<hbm>>
      tpu.wait_indirect_dma semaphore(%arg14 : memref<!tpu.dma_semaphore, #tpu.memory_space<semaphore_mem>>) src(%dma_wait3A_148 : memref<1007616x128xf32, #tpu.memory_space<hbm>>) dst(%dma_wait3A_142 : memref<16x128xf32, #tpu.memory_space<vmem>>)
      %dma_wait3A_149 = arith.constant 2 : i32
      %dma_wait3A_150 = arith.constant 0 : i32
      %dma_wait3A_151 = arith.constant 32 : i32
      %dma_wait3A_152 = arith.constant 0 : i32
      %dma_wait3A_153 = tpu.memref_slice %arg11[%dma_wait3A_150, %dma_wait3A_151, %dma_wait3A_152] : memref<2x48x128xf32, #tpu.memory_space<vmem>> -> memref<1x16x128xf32, #tpu.memory_space<vmem>>
      %dma_wait3A_154 = tpu.memref_squeeze %dma_wait3A_153 : memref<1x16x128xf32, #tpu.memory_space<vmem>> -> memref<16x128xf32, #tpu.memory_space<vmem>>
      %dma_wait3A_155 = arith.constant 0 : i32
      %dma_wait3A_156 = tpu.memref_slice %arg12[%dma_wait3A_149, %dma_wait3A_155] : memref<6x16xi32, #tpu.memory_space<vmem>> -> memref<1x16xi32, #tpu.memory_space<vmem>>
      %dma_wait3A_157 = tpu.memref_squeeze %dma_wait3A_156 : memref<1x16xi32, #tpu.memory_space<vmem>> -> memref<16xi32, #tpu.memory_space<vmem>>
      %dma_wait3A_158 = arith.constant 0 : i32
      %dma_wait3A_159 = arith.constant 0 : i32
      %dma_wait3A_160 = tpu.memref_slice %arg6[%dma_wait3A_158, %dma_wait3A_159] : memref<8192x128xf32, #tpu.memory_space<hbm>> -> memref<8192x128xf32, #tpu.memory_space<hbm>>
      tpu.wait_indirect_dma semaphore(%arg14 : memref<!tpu.dma_semaphore, #tpu.memory_space<semaphore_mem>>) src(%dma_wait3A_160 : memref<8192x128xf32, #tpu.memory_space<hbm>>) dst(%dma_wait3A_154 : memref<16x128xf32, #tpu.memory_space<vmem>>)
      %add3A_161 = arith.constant 16 : i32
      %add3A_162 = vector.broadcast %add3A_161 : i32 to vector<16xi32>
      %add3A_163 = arith.addi %iota3A, %add3A_162 : vector<16xi32>
      %add3A_164 = arith.constant 32 : i32
      %add3A_165 = vector.broadcast %add3A_164 : i32 to vector<16xi32>
      %add3A_166 = arith.addi %iota3A, %add3A_165 : vector<16xi32>
      %broadcast_in_dim3A = arith.constant 0.000000e+00 : f32
      %broadcast_in_dim3A_167 = vector.broadcast %broadcast_in_dim3A : f32 to vector<16xf32>
      %broadcast_in_dim3A_168 = arith.constant 0 : i32
      %broadcast_in_dim3A_169 = vector.broadcast %broadcast_in_dim3A_168 : i32 to vector<16xi32>
      %gather3A = arith.constant 0 : i32
      %gather3A_170 = arith.constant 0 : i32
      %gather3A_171 = arith.constant 0 : i32
      %gather3A_172 = tpu.memref_slice %arg11[%gather3A, %gather3A_170, %gather3A_171] : memref<2x48x128xf32, #tpu.memory_space<vmem>> -> memref<1x48x128xf32, #tpu.memory_space<vmem>>
      %gather3A_173 = tpu.memref_squeeze %gather3A_172 : memref<1x48x128xf32, #tpu.memory_space<vmem>> -> memref<48x128xf32, #tpu.memory_space<vmem>>
      %gather3A_174 = tpu.vector_load_idx %gather3A_173[%iota3A, %broadcast_in_dim3A_169] : memref<48x128xf32, #tpu.memory_space<vmem>>[vector<16xi32>, vector<16xi32>], vector<16xf32>,
      %gather3A_175 = arith.constant 0 : i32
      %gather3A_176 = arith.constant 0 : i32
      %gather3A_177 = arith.constant 0 : i32
      %gather3A_178 = tpu.memref_slice %arg11[%gather3A_175, %gather3A_176, %gather3A_177] : memref<2x48x128xf32, #tpu.memory_space<vmem>> -> memref<1x48x128xf32, #tpu.memory_space<vmem>>
      %gather3A_179 = tpu.memref_squeeze %gather3A_178 : memref<1x48x128xf32, #tpu.memory_space<vmem>> -> memref<48x128xf32, #tpu.memory_space<vmem>>
      %gather3A_180 = tpu.vector_load_idx %gather3A_179[%add3A_163, %broadcast_in_dim3A_169] : memref<48x128xf32, #tpu.memory_space<vmem>>[vector<16xi32>, vector<16xi32>], vector<16xf32>,
      %gather3A_181 = arith.constant 0 : i32
      %gather3A_182 = arith.constant 0 : i32
      %gather3A_183 = arith.constant 0 : i32
      %gather3A_184 = tpu.memref_slice %arg11[%gather3A_181, %gather3A_182, %gather3A_183] : memref<2x48x128xf32, #tpu.memory_space<vmem>> -> memref<1x48x128xf32, #tpu.memory_space<vmem>>
      %gather3A_185 = tpu.memref_squeeze %gather3A_184 : memref<1x48x128xf32, #tpu.memory_space<vmem>> -> memref<48x128xf32, #tpu.memory_space<vmem>>
      %gather3A_186 = tpu.vector_load_idx %gather3A_185[%add3A_166, %broadcast_in_dim3A_169] : memref<48x128xf32, #tpu.memory_space<vmem>>[vector<16xi32>, vector<16xi32>], vector<16xf32>,
      %add3A_187 = arith.addf %gather3A_174, %gather3A_186 : vector<16xf32>
      %sub3A = arith.subf %add3A_187, %gather3A_180 : vector<16xf32>
      %mul3A_188 = arith.mulf %sub3A, %sub3A : vector<16xf32>
      %add3A_189 = arith.addf %broadcast_in_dim3A_167, %mul3A_188 : vector<16xf32>
      %broadcast_in_dim3A_190 = arith.constant 1 : i32
      %broadcast_in_dim3A_191 = vector.broadcast %broadcast_in_dim3A_190 : i32 to vector<16xi32>
      %gather3A_192 = arith.constant 0 : i32
      %gather3A_193 = arith.constant 0 : i32
      %gather3A_194 = arith.constant 0 : i32
      %gather3A_195 = tpu.memref_slice %arg11[%gather3A_192, %gather3A_193, %gather3A_194] : memref<2x48x128xf32, #tpu.memory_space<vmem>> -> memref<1x48x128xf32, #tpu.memory_space<vmem>>
      %gather3A_196 = tpu.memref_squeeze %gather3A_195 : memref<1x48x128xf32, #tpu.memory_space<vmem>> -> memref<48x128xf32, #tpu.memory_space<vmem>>
      %gather3A_197 = tpu.vector_load_idx %gather3A_196[%iota3A, %broadcast_in_dim3A_191] : memref<48x128xf32, #tpu.memory_space<vmem>>[vector<16xi32>, vector<16xi32>], vector<16xf32>,
      %gather3A_198 = arith.constant 0 : i32
      %gather3A_199 = arith.constant 0 : i32
      %gather3A_200 = arith.constant 0 : i32
      %gather3A_201 = tpu.memref_slice %arg11[%gather3A_198, %gather3A_199, %gather3A_200] : memref<2x48x128xf32, #tpu.memory_space<vmem>> -> memref<1x48x128xf32, #tpu.memory_space<vmem>>
      %gather3A_202 = tpu.memref_squeeze %gather3A_201 : memref<1x48x128xf32, #tpu.memory_space<vmem>> -> memref<48x128xf32, #tpu.memory_space<vmem>>
      %gather3A_203 = tpu.vector_load_idx %gather3A_202[%add3A_163, %broadcast_in_dim3A_191] : memref<48x128xf32, #tpu.memory_space<vmem>>[vector<16xi32>, vector<16xi32>], vector<16xf32>,
      %gather3A_204 = arith.constant 0 : i32
      %gather3A_205 = arith.constant 0 : i32
      %gather3A_206 = arith.constant 0 : i32
      %gather3A_207 = tpu.memref_slice %arg11[%gather3A_204, %gather3A_205, %gather3A_206] : memref<2x48x128xf32, #tpu.memory_space<vmem>> -> memref<1x48x128xf32, #tpu.memory_space<vmem>>
      %gather3A_208 = tpu.memref_squeeze %gather3A_207 : memref<1x48x128xf32, #tpu.memory_space<vmem>> -> memref<48x128xf32, #tpu.memory_space<vmem>>
      %gather3A_209 = tpu.vector_load_idx %gather3A_208[%add3A_166, %broadcast_in_dim3A_191] : memref<48x128xf32, #tpu.memory_space<vmem>>[vector<16xi32>, vector<16xi32>], vector<16xf32>,
      %add3A_210 = arith.addf %gather3A_197, %gather3A_209 : vector<16xf32>
      %sub3A_211 = arith.subf %add3A_210, %gather3A_203 : vector<16xf32>
      %mul3A_212 = arith.mulf %sub3A_211, %sub3A_211 : vector<16xf32>
      %add3A_213 = arith.addf %add3A_189, %mul3A_212 : vector<16xf32>
      %broadcast_in_dim3A_214 = arith.constant 2 : i32
      %broadcast_in_dim3A_215 = vector.broadcast %broadcast_in_dim3A_214 : i32 to vector<16xi32>
      %gather3A_216 = arith.constant 0 : i32
      %gather3A_217 = arith.constant 0 : i32
      %gather3A_218 = arith.constant 0 : i32
      %gather3A_219 = tpu.memref_slice %arg11[%gather3A_216, %gather3A_217, %gather3A_218] : memref<2x48x128xf32, #tpu.memory_space<vmem>> -> memref<1x48x128xf32, #tpu.memory_space<vmem>>
      %gather3A_220 = tpu.memref_squeeze %gather3A_219 : memref<1x48x128xf32, #tpu.memory_space<vmem>> -> memref<48x128xf32, #tpu.memory_space<vmem>>
      %gather3A_221 = tpu.vector_load_idx %gather3A_220[%iota3A, %broadcast_in_dim3A_215] : memref<48x128xf32, #tpu.memory_space<vmem>>[vector<16xi32>, vector<16xi32>], vector<16xf32>,
      %gather3A_222 = arith.constant 0 : i32
      %gather3A_223 = arith.constant 0 : i32
      %gather3A_224 = arith.constant 0 : i32
      %gather3A_225 = tpu.memref_slice %arg11[%gather3A_222, %gather3A_223, %gather3A_224] : memref<2x48x128xf32, #tpu.memory_space<vmem>> -> memref<1x48x128xf32, #tpu.memory_space<vmem>>
      %gather3A_226 = tpu.memref_squeeze %gather3A_225 : memref<1x48x128xf32, #tpu.memory_space<vmem>> -> memref<48x128xf32, #tpu.memory_space<vmem>>
      %gather3A_227 = tpu.vector_load_idx %gather3A_226[%add3A_163, %broadcast_in_dim3A_215] : memref<48x128xf32, #tpu.memory_space<vmem>>[vector<16xi32>, vector<16xi32>], vector<16xf32>,
      %gather3A_228 = arith.constant 0 : i32
      %gather3A_229 = arith.constant 0 : i32
      %gather3A_230 = arith.constant 0 : i32
      %gather3A_231 = tpu.memref_slice %arg11[%gather3A_228, %gather3A_229, %gather3A_230] : memref<2x48x128xf32, #tpu.memory_space<vmem>> -> memref<1x48x128xf32, #tpu.memory_space<vmem>>
      %gather3A_232 = tpu.memref_squeeze %gather3A_231 : memref<1x48x128xf32, #tpu.memory_space<vmem>> -> memref<48x128xf32, #tpu.memory_space<vmem>>
      %gather3A_233 = tpu.vector_load_idx %gather3A_232[%add3A_166, %broadcast_in_dim3A_215] : memref<48x128xf32, #tpu.memory_space<vmem>>[vector<16xi32>, vector<16xi32>], vector<16xf32>,
      %add3A_234 = arith.addf %gather3A_221, %gather3A_233 : vector<16xf32>
      %sub3A_235 = arith.subf %add3A_234, %gather3A_227 : vector<16xf32>
      %mul3A_236 = arith.mulf %sub3A_235, %sub3A_235 : vector<16xf32>
      %add3A_237 = arith.addf %add3A_213, %mul3A_236 : vector<16xf32>
      %broadcast_in_dim3A_238 = arith.constant 3 : i32
      %broadcast_in_dim3A_239 = vector.broadcast %broadcast_in_dim3A_238 : i32 to vector<16xi32>
      %gather3A_240 = arith.constant 0 : i32
      %gather3A_241 = arith.constant 0 : i32
      %gather3A_242 = arith.constant 0 : i32
      %gather3A_243 = tpu.memref_slice %arg11[%gather3A_240, %gather3A_241, %gather3A_242] : memref<2x48x128xf32, #tpu.memory_space<vmem>> -> memref<1x48x128xf32, #tpu.memory_space<vmem>>
      %gather3A_244 = tpu.memref_squeeze %gather3A_243 : memref<1x48x128xf32, #tpu.memory_space<vmem>> -> memref<48x128xf32, #tpu.memory_space<vmem>>
      %gather3A_245 = tpu.vector_load_idx %gather3A_244[%iota3A, %broadcast_in_dim3A_239] : memref<48x128xf32, #tpu.memory_space<vmem>>[vector<16xi32>, vector<16xi32>], vector<16xf32>,
      %gather3A_246 = arith.constant 0 : i32
      %gather3A_247 = arith.constant 0 : i32
      %gather3A_248 = arith.constant 0 : i32
      %gather3A_249 = tpu.memref_slice %arg11[%gather3A_246, %gather3A_247, %gather3A_248] : memref<2x48x128xf32, #tpu.memory_space<vmem>> -> memref<1x48x128xf32, #tpu.memory_space<vmem>>
      %gather3A_250 = tpu.memref_squeeze %gather3A_249 : memref<1x48x128xf32, #tpu.memory_space<vmem>> -> memref<48x128xf32, #tpu.memory_space<vmem>>
      %gather3A_251 = tpu.vector_load_idx %gather3A_250[%add3A_163, %broadcast_in_dim3A_239] : memref<48x128xf32, #tpu.memory_space<vmem>>[vector<16xi32>, vector<16xi32>], vector<16xf32>,
      %gather3A_252 = arith.constant 0 : i32
      %gather3A_253 = arith.constant 0 : i32
      %gather3A_254 = arith.constant 0 : i32
      %gather3A_255 = tpu.memref_slice %arg11[%gather3A_252, %gather3A_253, %gather3A_254] : memref<2x48x128xf32, #tpu.memory_space<vmem>> -> memref<1x48x128xf32, #tpu.memory_space<vmem>>
      %gather3A_256 = tpu.memref_squeeze %gather3A_255 : memref<1x48x128xf32, #tpu.memory_space<vmem>> -> memref<48x128xf32, #tpu.memory_space<vmem>>
      %gather3A_257 = tpu.vector_load_idx %gather3A_256[%add3A_166, %broadcast_in_dim3A_239] : memref<48x128xf32, #tpu.memory_space<vmem>>[vector<16xi32>, vector<16xi32>], vector<16xf32>,
      %add3A_258 = arith.addf %gather3A_245, %gather3A_257 : vector<16xf32>
      %sub3A_259 = arith.subf %add3A_258, %gather3A_251 : vector<16xf32>
      %mul3A_260 = arith.mulf %sub3A_259, %sub3A_259 : vector<16xf32>
      %add3A_261 = arith.addf %add3A_237, %mul3A_260 : vector<16xf32>
      %broadcast_in_dim3A_262 = arith.constant 4 : i32
      %broadcast_in_dim3A_263 = vector.broadcast %broadcast_in_dim3A_262 : i32 to vector<16xi32>
      %gather3A_264 = arith.constant 0 : i32
      %gather3A_265 = arith.constant 0 : i32
      %gather3A_266 = arith.constant 0 : i32
      %gather3A_267 = tpu.memref_slice %arg11[%gather3A_264, %gather3A_265, %gather3A_266] : memref<2x48x128xf32, #tpu.memory_space<vmem>> -> memref<1x48x128xf32, #tpu.memory_space<vmem>>
      %gather3A_268 = tpu.memref_squeeze %gather3A_267 : memref<1x48x128xf32, #tpu.memory_space<vmem>> -> memref<48x128xf32, #tpu.memory_space<vmem>>
      %gather3A_269 = tpu.vector_load_idx %gather3A_268[%iota3A, %broadcast_in_dim3A_263] : memref<48x128xf32, #tpu.memory_space<vmem>>[vector<16xi32>, vector<16xi32>], vector<16xf32>,
      %gather3A_270 = arith.constant 0 : i32
      %gather3A_271 = arith.constant 0 : i32
      %gather3A_272 = arith.constant 0 : i32
      %gather3A_273 = tpu.memref_slice %arg11[%gather3A_270, %gather3A_271, %gather3A_272] : memref<2x48x128xf32, #tpu.memory_space<vmem>> -> memref<1x48x128xf32, #tpu.memory_space<vmem>>
      %gather3A_274 = tpu.memref_squeeze %gather3A_273 : memref<1x48x128xf32, #tpu.memory_space<vmem>> -> memref<48x128xf32, #tpu.memory_space<vmem>>
      %gather3A_275 = tpu.vector_load_idx %gather3A_274[%add3A_163, %broadcast_in_dim3A_263] : memref<48x128xf32, #tpu.memory_space<vmem>>[vector<16xi32>, vector<16xi32>], vector<16xf32>,
      %gather3A_276 = arith.constant 0 : i32
      %gather3A_277 = arith.constant 0 : i32
      %gather3A_278 = arith.constant 0 : i32
      %gather3A_279 = tpu.memref_slice %arg11[%gather3A_276, %gather3A_277, %gather3A_278] : memref<2x48x128xf32, #tpu.memory_space<vmem>> -> memref<1x48x128xf32, #tpu.memory_space<vmem>>
      %gather3A_280 = tpu.memref_squeeze %gather3A_279 : memref<1x48x128xf32, #tpu.memory_space<vmem>> -> memref<48x128xf32, #tpu.memory_space<vmem>>
      %gather3A_281 = tpu.vector_load_idx %gather3A_280[%add3A_166, %broadcast_in_dim3A_263] : memref<48x128xf32, #tpu.memory_space<vmem>>[vector<16xi32>, vector<16xi32>], vector<16xf32>,
      %add3A_282 = arith.addf %gather3A_269, %gather3A_281 : vector<16xf32>
      %sub3A_283 = arith.subf %add3A_282, %gather3A_275 : vector<16xf32>
      %mul3A_284 = arith.mulf %sub3A_283, %sub3A_283 : vector<16xf32>
      %add3A_285 = arith.addf %add3A_261, %mul3A_284 : vector<16xf32>
      %broadcast_in_dim3A_286 = arith.constant 5 : i32
      %broadcast_in_dim3A_287 = vector.broadcast %broadcast_in_dim3A_286 : i32 to vector<16xi32>
      %gather3A_288 = arith.constant 0 : i32
      %gather3A_289 = arith.constant 0 : i32
      %gather3A_290 = arith.constant 0 : i32
      %gather3A_291 = tpu.memref_slice %arg11[%gather3A_288, %gather3A_289, %gather3A_290] : memref<2x48x128xf32, #tpu.memory_space<vmem>> -> memref<1x48x128xf32, #tpu.memory_space<vmem>>
      %gather3A_292 = tpu.memref_squeeze %gather3A_291 : memref<1x48x128xf32, #tpu.memory_space<vmem>> -> memref<48x128xf32, #tpu.memory_space<vmem>>
      %gather3A_293 = tpu.vector_load_idx %gather3A_292[%iota3A, %broadcast_in_dim3A_287] : memref<48x128xf32, #tpu.memory_space<vmem>>[vector<16xi32>, vector<16xi32>], vector<16xf32>,
      %gather3A_294 = arith.constant 0 : i32
      %gather3A_295 = arith.constant 0 : i32
      %gather3A_296 = arith.constant 0 : i32
      %gather3A_297 = tpu.memref_slice %arg11[%gather3A_294, %gather3A_295, %gather3A_296] : memref<2x48x128xf32, #tpu.memory_space<vmem>> -> memref<1x48x128xf32, #tpu.memory_space<vmem>>
      %gather3A_298 = tpu.memref_squeeze %gather3A_297 : memref<1x48x128xf32, #tpu.memory_space<vmem>> -> memref<48x128xf32, #tpu.memory_space<vmem>>
      %gather3A_299 = tpu.vector_load_idx %gather3A_298[%add3A_163, %broadcast_in_dim3A_287] : memref<48x128xf32, #tpu.memory_space<vmem>>[vector<16xi32>, vector<16xi32>], vector<16xf32>,
      %gather3A_300 = arith.constant 0 : i32
      %gather3A_301 = arith.constant 0 : i32
      %gather3A_302 = arith.constant 0 : i32
      %gather3A_303 = tpu.memref_slice %arg11[%gather3A_300, %gather3A_301, %gather3A_302] : memref<2x48x128xf32, #tpu.memory_space<vmem>> -> memref<1x48x128xf32, #tpu.memory_space<vmem>>
      %gather3A_304 = tpu.memref_squeeze %gather3A_303 : memref<1x48x128xf32, #tpu.memory_space<vmem>> -> memref<48x128xf32, #tpu.memory_space<vmem>>
      %gather3A_305 = tpu.vector_load_idx %gather3A_304[%add3A_166, %broadcast_in_dim3A_287] : memref<48x128xf32, #tpu.memory_space<vmem>>[vector<16xi32>, vector<16xi32>], vector<16xf32>,
      %add3A_306 = arith.addf %gather3A_293, %gather3A_305 : vector<16xf32>
      %sub3A_307 = arith.subf %add3A_306, %gather3A_299 : vector<16xf32>
      %mul3A_308 = arith.mulf %sub3A_307, %sub3A_307 : vector<16xf32>
      %add3A_309 = arith.addf %add3A_285, %mul3A_308 : vector<16xf32>
      %broadcast_in_dim3A_310 = arith.constant 6 : i32
      %broadcast_in_dim3A_311 = vector.broadcast %broadcast_in_dim3A_310 : i32 to vector<16xi32>
      %gather3A_312 = arith.constant 0 : i32
      %gather3A_313 = arith.constant 0 : i32
      %gather3A_314 = arith.constant 0 : i32
      %gather3A_315 = tpu.memref_slice %arg11[%gather3A_312, %gather3A_313, %gather3A_314] : memref<2x48x128xf32, #tpu.memory_space<vmem>> -> memref<1x48x128xf32, #tpu.memory_space<vmem>>
      %gather3A_316 = tpu.memref_squeeze %gather3A_315 : memref<1x48x128xf32, #tpu.memory_space<vmem>> -> memref<48x128xf32, #tpu.memory_space<vmem>>
      %gather3A_317 = tpu.vector_load_idx %gather3A_316[%iota3A, %broadcast_in_dim3A_311] : memref<48x128xf32, #tpu.memory_space<vmem>>[vector<16xi32>, vector<16xi32>], vector<16xf32>,
      %gather3A_318 = arith.constant 0 : i32
      %gather3A_319 = arith.constant 0 : i32
      %gather3A_320 = arith.constant 0 : i32
      %gather3A_321 = tpu.memref_slice %arg11[%gather3A_318, %gather3A_319, %gather3A_320] : memref<2x48x128xf32, #tpu.memory_space<vmem>> -> memref<1x48x128xf32, #tpu.memory_space<vmem>>
      %gather3A_322 = tpu.memref_squeeze %gather3A_321 : memref<1x48x128xf32, #tpu.memory_space<vmem>> -> memref<48x128xf32, #tpu.memory_space<vmem>>
      %gather3A_323 = tpu.vector_load_idx %gather3A_322[%add3A_163, %broadcast_in_dim3A_311] : memref<48x128xf32, #tpu.memory_space<vmem>>[vector<16xi32>, vector<16xi32>], vector<16xf32>,
      %gather3A_324 = arith.constant 0 : i32
      %gather3A_325 = arith.constant 0 : i32
      %gather3A_326 = arith.constant 0 : i32
      %gather3A_327 = tpu.memref_slice %arg11[%gather3A_324, %gather3A_325, %gather3A_326] : memref<2x48x128xf32, #tpu.memory_space<vmem>> -> memref<1x48x128xf32, #tpu.memory_space<vmem>>
      %gather3A_328 = tpu.memref_squeeze %gather3A_327 : memref<1x48x128xf32, #tpu.memory_space<vmem>> -> memref<48x128xf32, #tpu.memory_space<vmem>>
      %gather3A_329 = tpu.vector_load_idx %gather3A_328[%add3A_166, %broadcast_in_dim3A_311] : memref<48x128xf32, #tpu.memory_space<vmem>>[vector<16xi32>, vector<16xi32>], vector<16xf32>,
      %add3A_330 = arith.addf %gather3A_317, %gather3A_329 : vector<16xf32>
      %sub3A_331 = arith.subf %add3A_330, %gather3A_323 : vector<16xf32>
      %mul3A_332 = arith.mulf %sub3A_331, %sub3A_331 : vector<16xf32>
      %add3A_333 = arith.addf %add3A_309, %mul3A_332 : vector<16xf32>
      %broadcast_in_dim3A_334 = arith.constant 7 : i32
      %broadcast_in_dim3A_335 = vector.broadcast %broadcast_in_dim3A_334 : i32 to vector<16xi32>
      %gather3A_336 = arith.constant 0 : i32
      %gather3A_337 = arith.constant 0 : i32
      %gather3A_338 = arith.constant 0 : i32
      %gather3A_339 = tpu.memref_slice %arg11[%gather3A_336, %gather3A_337, %gather3A_338] : memref<2x48x128xf32, #tpu.memory_space<vmem>> -> memref<1x48x128xf32, #tpu.memory_space<vmem>>
      %gather3A_340 = tpu.memref_squeeze %gather3A_339 : memref<1x48x128xf32, #tpu.memory_space<vmem>> -> memref<48x128xf32, #tpu.memory_space<vmem>>
      %gather3A_341 = tpu.vector_load_idx %gather3A_340[%iota3A, %broadcast_in_dim3A_335] : memref<48x128xf32, #tpu.memory_space<vmem>>[vector<16xi32>, vector<16xi32>], vector<16xf32>,
      %gather3A_342 = arith.constant 0 : i32
      %gather3A_343 = arith.constant 0 : i32
      %gather3A_344 = arith.constant 0 : i32
      %gather3A_345 = tpu.memref_slice %arg11[%gather3A_342, %gather3A_343, %gather3A_344] : memref<2x48x128xf32, #tpu.memory_space<vmem>> -> memref<1x48x128xf32, #tpu.memory_space<vmem>>
      %gather3A_346 = tpu.memref_squeeze %gather3A_345 : memref<1x48x128xf32, #tpu.memory_space<vmem>> -> memref<48x128xf32, #tpu.memory_space<vmem>>
      %gather3A_347 = tpu.vector_load_idx %gather3A_346[%add3A_163, %broadcast_in_dim3A_335] : memref<48x128xf32, #tpu.memory_space<vmem>>[vector<16xi32>, vector<16xi32>], vector<16xf32>,
      %gather3A_348 = arith.constant 0 : i32
      %gather3A_349 = arith.constant 0 : i32
      %gather3A_350 = arith.constant 0 : i32
      %gather3A_351 = tpu.memref_slice %arg11[%gather3A_348, %gather3A_349, %gather3A_350] : memref<2x48x128xf32, #tpu.memory_space<vmem>> -> memref<1x48x128xf32, #tpu.memory_space<vmem>>
      %gather3A_352 = tpu.memref_squeeze %gather3A_351 : memref<1x48x128xf32, #tpu.memory_space<vmem>> -> memref<48x128xf32, #tpu.memory_space<vmem>>
      %gather3A_353 = tpu.vector_load_idx %gather3A_352[%add3A_166, %broadcast_in_dim3A_335] : memref<48x128xf32, #tpu.memory_space<vmem>>[vector<16xi32>, vector<16xi32>], vector<16xf32>,
      %add3A_354 = arith.addf %gather3A_341, %gather3A_353 : vector<16xf32>
      %sub3A_355 = arith.subf %add3A_354, %gather3A_347 : vector<16xf32>
      %mul3A_356 = arith.mulf %sub3A_355, %sub3A_355 : vector<16xf32>
      %add3A_357 = arith.addf %add3A_333, %mul3A_356 : vector<16xf32>
      %broadcast_in_dim3A_358 = arith.constant 8 : i32
      %broadcast_in_dim3A_359 = vector.broadcast %broadcast_in_dim3A_358 : i32 to vector<16xi32>
      %gather3A_360 = arith.constant 0 : i32
      %gather3A_361 = arith.constant 0 : i32
      %gather3A_362 = arith.constant 0 : i32
      %gather3A_363 = tpu.memref_slice %arg11[%gather3A_360, %gather3A_361, %gather3A_362] : memref<2x48x128xf32, #tpu.memory_space<vmem>> -> memref<1x48x128xf32, #tpu.memory_space<vmem>>
      %gather3A_364 = tpu.memref_squeeze %gather3A_363 : memref<1x48x128xf32, #tpu.memory_space<vmem>> -> memref<48x128xf32, #tpu.memory_space<vmem>>
      %gather3A_365 = tpu.vector_load_idx %gather3A_364[%iota3A, %broadcast_in_dim3A_359] : memref<48x128xf32, #tpu.memory_space<vmem>>[vector<16xi32>, vector<16xi32>], vector<16xf32>,
      %gather3A_366 = arith.constant 0 : i32
      %gather3A_367 = arith.constant 0 : i32
      %gather3A_368 = arith.constant 0 : i32
      %gather3A_369 = tpu.memref_slice %arg11[%gather3A_366, %gather3A_367, %gather3A_368] : memref<2x48x128xf32, #tpu.memory_space<vmem>> -> memref<1x48x128xf32, #tpu.memory_space<vmem>>
      %gather3A_370 = tpu.memref_squeeze %gather3A_369 : memref<1x48x128xf32, #tpu.memory_space<vmem>> -> memref<48x128xf32, #tpu.memory_space<vmem>>
      %gather3A_371 = tpu.vector_load_idx %gather3A_370[%add3A_163, %broadcast_in_dim3A_359] : memref<48x128xf32, #tpu.memory_space<vmem>>[vector<16xi32>, vector<16xi32>], vector<16xf32>,
      %gather3A_372 = arith.constant 0 : i32
      %gather3A_373 = arith.constant 0 : i32
      %gather3A_374 = arith.constant 0 : i32
      %gather3A_375 = tpu.memref_slice %arg11[%gather3A_372, %gather3A_373, %gather3A_374] : memref<2x48x128xf32, #tpu.memory_space<vmem>> -> memref<1x48x128xf32, #tpu.memory_space<vmem>>
      %gather3A_376 = tpu.memref_squeeze %gather3A_375 : memref<1x48x128xf32, #tpu.memory_space<vmem>> -> memref<48x128xf32, #tpu.memory_space<vmem>>
      %gather3A_377 = tpu.vector_load_idx %gather3A_376[%add3A_166, %broadcast_in_dim3A_359] : memref<48x128xf32, #tpu.memory_space<vmem>>[vector<16xi32>, vector<16xi32>], vector<16xf32>,
      %add3A_378 = arith.addf %gather3A_365, %gather3A_377 : vector<16xf32>
      %sub3A_379 = arith.subf %add3A_378, %gather3A_371 : vector<16xf32>
      %mul3A_380 = arith.mulf %sub3A_379, %sub3A_379 : vector<16xf32>
      %add3A_381 = arith.addf %add3A_357, %mul3A_380 : vector<16xf32>
      %broadcast_in_dim3A_382 = arith.constant 9 : i32
      %broadcast_in_dim3A_383 = vector.broadcast %broadcast_in_dim3A_382 : i32 to vector<16xi32>
      %gather3A_384 = arith.constant 0 : i32
      %gather3A_385 = arith.constant 0 : i32
      %gather3A_386 = arith.constant 0 : i32
      %gather3A_387 = tpu.memref_slice %arg11[%gather3A_384, %gather3A_385, %gather3A_386] : memref<2x48x128xf32, #tpu.memory_space<vmem>> -> memref<1x48x128xf32, #tpu.memory_space<vmem>>
      %gather3A_388 = tpu.memref_squeeze %gather3A_387 : memref<1x48x128xf32, #tpu.memory_space<vmem>> -> memref<48x128xf32, #tpu.memory_space<vmem>>
      %gather3A_389 = tpu.vector_load_idx %gather3A_388[%iota3A, %broadcast_in_dim3A_383] : memref<48x128xf32, #tpu.memory_space<vmem>>[vector<16xi32>, vector<16xi32>], vector<16xf32>,
      %gather3A_390 = arith.constant 0 : i32
      %gather3A_391 = arith.constant 0 : i32
      %gather3A_392 = arith.constant 0 : i32
      %gather3A_393 = tpu.memref_slice %arg11[%gather3A_390, %gather3A_391, %gather3A_392] : memref<2x48x128xf32, #tpu.memory_space<vmem>> -> memref<1x48x128xf32, #tpu.memory_space<vmem>>
      %gather3A_394 = tpu.memref_squeeze %gather3A_393 : memref<1x48x128xf32, #tpu.memory_space<vmem>> -> memref<48x128xf32, #tpu.memory_space<vmem>>
      %gather3A_395 = tpu.vector_load_idx %gather3A_394[%add3A_163, %broadcast_in_dim3A_383] : memref<48x128xf32, #tpu.memory_space<vmem>>[vector<16xi32>, vector<16xi32>], vector<16xf32>,
      %gather3A_396 = arith.constant 0 : i32
      %gather3A_397 = arith.constant 0 : i32
      %gather3A_398 = arith.constant 0 : i32
      %gather3A_399 = tpu.memref_slice %arg11[%gather3A_396, %gather3A_397, %gather3A_398] : memref<2x48x128xf32, #tpu.memory_space<vmem>> -> memref<1x48x128xf32, #tpu.memory_space<vmem>>
      %gather3A_400 = tpu.memref_squeeze %gather3A_399 : memref<1x48x128xf32, #tpu.memory_space<vmem>> -> memref<48x128xf32, #tpu.memory_space<vmem>>
      %gather3A_401 = tpu.vector_load_idx %gather3A_400[%add3A_166, %broadcast_in_dim3A_383] : memref<48x128xf32, #tpu.memory_space<vmem>>[vector<16xi32>, vector<16xi32>], vector<16xf32>,
      %add3A_402 = arith.addf %gather3A_389, %gather3A_401 : vector<16xf32>
      %sub3A_403 = arith.subf %add3A_402, %gather3A_395 : vector<16xf32>
      %mul3A_404 = arith.mulf %sub3A_403, %sub3A_403 : vector<16xf32>
      %add3A_405 = arith.addf %add3A_381, %mul3A_404 : vector<16xf32>
      %broadcast_in_dim3A_406 = arith.constant 10 : i32
      %broadcast_in_dim3A_407 = vector.broadcast %broadcast_in_dim3A_406 : i32 to vector<16xi32>
      %gather3A_408 = arith.constant 0 : i32
      %gather3A_409 = arith.constant 0 : i32
      %gather3A_410 = arith.constant 0 : i32
      %gather3A_411 = tpu.memref_slice %arg11[%gather3A_408, %gather3A_409, %gather3A_410] : memref<2x48x128xf32, #tpu.memory_space<vmem>> -> memref<1x48x128xf32, #tpu.memory_space<vmem>>
      %gather3A_412 = tpu.memref_squeeze %gather3A_411 : memref<1x48x128xf32, #tpu.memory_space<vmem>> -> memref<48x128xf32, #tpu.memory_space<vmem>>
      %gather3A_413 = tpu.vector_load_idx %gather3A_412[%iota3A, %broadcast_in_dim3A_407] : memref<48x128xf32, #tpu.memory_space<vmem>>[vector<16xi32>, vector<16xi32>], vector<16xf32>,
      %gather3A_414 = arith.constant 0 : i32
      %gather3A_415 = arith.constant 0 : i32
      %gather3A_416 = arith.constant 0 : i32
      %gather3A_417 = tpu.memref_slice %arg11[%gather3A_414, %gather3A_415, %gather3A_416] : memref<2x48x128xf32, #tpu.memory_space<vmem>> -> memref<1x48x128xf32, #tpu.memory_space<vmem>>
      %gather3A_418 = tpu.memref_squeeze %gather3A_417 : memref<1x48x128xf32, #tpu.memory_space<vmem>> -> memref<48x128xf32, #tpu.memory_space<vmem>>
      %gather3A_419 = tpu.vector_load_idx %gather3A_418[%add3A_163, %broadcast_in_dim3A_407] : memref<48x128xf32, #tpu.memory_space<vmem>>[vector<16xi32>, vector<16xi32>], vector<16xf32>,
      %gather3A_420 = arith.constant 0 : i32
      %gather3A_421 = arith.constant 0 : i32
      %gather3A_422 = arith.constant 0 : i32
      %gather3A_423 = tpu.memref_slice %arg11[%gather3A_420, %gather3A_421, %gather3A_422] : memref<2x48x128xf32, #tpu.memory_space<vmem>> -> memref<1x48x128xf32, #tpu.memory_space<vmem>>
      %gather3A_424 = tpu.memref_squeeze %gather3A_423 : memref<1x48x128xf32, #tpu.memory_space<vmem>> -> memref<48x128xf32, #tpu.memory_space<vmem>>
      %gather3A_425 = tpu.vector_load_idx %gather3A_424[%add3A_166, %broadcast_in_dim3A_407] : memref<48x128xf32, #tpu.memory_space<vmem>>[vector<16xi32>, vector<16xi32>], vector<16xf32>,
      %add3A_426 = arith.addf %gather3A_413, %gather3A_425 : vector<16xf32>
      %sub3A_427 = arith.subf %add3A_426, %gather3A_419 : vector<16xf32>
      %mul3A_428 = arith.mulf %sub3A_427, %sub3A_427 : vector<16xf32>
      %add3A_429 = arith.addf %add3A_405, %mul3A_428 : vector<16xf32>
      %broadcast_in_dim3A_430 = arith.constant 11 : i32
      %broadcast_in_dim3A_431 = vector.broadcast %broadcast_in_dim3A_430 : i32 to vector<16xi32>
      %gather3A_432 = arith.constant 0 : i32
      %gather3A_433 = arith.constant 0 : i32
      %gather3A_434 = arith.constant 0 : i32
      %gather3A_435 = tpu.memref_slice %arg11[%gather3A_432, %gather3A_433, %gather3A_434] : memref<2x48x128xf32, #tpu.memory_space<vmem>> -> memref<1x48x128xf32, #tpu.memory_space<vmem>>
      %gather3A_436 = tpu.memref_squeeze %gather3A_435 : memref<1x48x128xf32, #tpu.memory_space<vmem>> -> memref<48x128xf32, #tpu.memory_space<vmem>>
      %gather3A_437 = tpu.vector_load_idx %gather3A_436[%iota3A, %broadcast_in_dim3A_431] : memref<48x128xf32, #tpu.memory_space<vmem>>[vector<16xi32>, vector<16xi32>], vector<16xf32>,
      %gather3A_438 = arith.constant 0 : i32
      %gather3A_439 = arith.constant 0 : i32
      %gather3A_440 = arith.constant 0 : i32
      %gather3A_441 = tpu.memref_slice %arg11[%gather3A_438, %gather3A_439, %gather3A_440] : memref<2x48x128xf32, #tpu.memory_space<vmem>> -> memref<1x48x128xf32, #tpu.memory_space<vmem>>
      %gather3A_442 = tpu.memref_squeeze %gather3A_441 : memref<1x48x128xf32, #tpu.memory_space<vmem>> -> memref<48x128xf32, #tpu.memory_space<vmem>>
      %gather3A_443 = tpu.vector_load_idx %gather3A_442[%add3A_163, %broadcast_in_dim3A_431] : memref<48x128xf32, #tpu.memory_space<vmem>>[vector<16xi32>, vector<16xi32>], vector<16xf32>,
      %gather3A_444 = arith.constant 0 : i32
      %gather3A_445 = arith.constant 0 : i32
      %gather3A_446 = arith.constant 0 : i32
      %gather3A_447 = tpu.memref_slice %arg11[%gather3A_444, %gather3A_445, %gather3A_446] : memref<2x48x128xf32, #tpu.memory_space<vmem>> -> memref<1x48x128xf32, #tpu.memory_space<vmem>>
      %gather3A_448 = tpu.memref_squeeze %gather3A_447 : memref<1x48x128xf32, #tpu.memory_space<vmem>> -> memref<48x128xf32, #tpu.memory_space<vmem>>
      %gather3A_449 = tpu.vector_load_idx %gather3A_448[%add3A_166, %broadcast_in_dim3A_431] : memref<48x128xf32, #tpu.memory_space<vmem>>[vector<16xi32>, vector<16xi32>], vector<16xf32>,
      %add3A_450 = arith.addf %gather3A_437, %gather3A_449 : vector<16xf32>
      %sub3A_451 = arith.subf %add3A_450, %gather3A_443 : vector<16xf32>
      %mul3A_452 = arith.mulf %sub3A_451, %sub3A_451 : vector<16xf32>
      %add3A_453 = arith.addf %add3A_429, %mul3A_452 : vector<16xf32>
      %broadcast_in_dim3A_454 = arith.constant 12 : i32
      %broadcast_in_dim3A_455 = vector.broadcast %broadcast_in_dim3A_454 : i32 to vector<16xi32>
      %gather3A_456 = arith.constant 0 : i32
      %gather3A_457 = arith.constant 0 : i32
      %gather3A_458 = arith.constant 0 : i32
      %gather3A_459 = tpu.memref_slice %arg11[%gather3A_456, %gather3A_457, %gather3A_458] : memref<2x48x128xf32, #tpu.memory_space<vmem>> -> memref<1x48x128xf32, #tpu.memory_space<vmem>>
      %gather3A_460 = tpu.memref_squeeze %gather3A_459 : memref<1x48x128xf32, #tpu.memory_space<vmem>> -> memref<48x128xf32, #tpu.memory_space<vmem>>
      %gather3A_461 = tpu.vector_load_idx %gather3A_460[%iota3A, %broadcast_in_dim3A_455] : memref<48x128xf32, #tpu.memory_space<vmem>>[vector<16xi32>, vector<16xi32>], vector<16xf32>,
      %gather3A_462 = arith.constant 0 : i32
      %gather3A_463 = arith.constant 0 : i32
      %gather3A_464 = arith.constant 0 : i32
      %gather3A_465 = tpu.memref_slice %arg11[%gather3A_462, %gather3A_463, %gather3A_464] : memref<2x48x128xf32, #tpu.memory_space<vmem>> -> memref<1x48x128xf32, #tpu.memory_space<vmem>>
      %gather3A_466 = tpu.memref_squeeze %gather3A_465 : memref<1x48x128xf32, #tpu.memory_space<vmem>> -> memref<48x128xf32, #tpu.memory_space<vmem>>
      %gather3A_467 = tpu.vector_load_idx %gather3A_466[%add3A_163, %broadcast_in_dim3A_455] : memref<48x128xf32, #tpu.memory_space<vmem>>[vector<16xi32>, vector<16xi32>], vector<16xf32>,
      %gather3A_468 = arith.constant 0 : i32
      %gather3A_469 = arith.constant 0 : i32
      %gather3A_470 = arith.constant 0 : i32
      %gather3A_471 = tpu.memref_slice %arg11[%gather3A_468, %gather3A_469, %gather3A_470] : memref<2x48x128xf32, #tpu.memory_space<vmem>> -> memref<1x48x128xf32, #tpu.memory_space<vmem>>
      %gather3A_472 = tpu.memref_squeeze %gather3A_471 : memref<1x48x128xf32, #tpu.memory_space<vmem>> -> memref<48x128xf32, #tpu.memory_space<vmem>>
      %gather3A_473 = tpu.vector_load_idx %gather3A_472[%add3A_166, %broadcast_in_dim3A_455] : memref<48x128xf32, #tpu.memory_space<vmem>>[vector<16xi32>, vector<16xi32>], vector<16xf32>,
      %add3A_474 = arith.addf %gather3A_461, %gather3A_473 : vector<16xf32>
      %sub3A_475 = arith.subf %add3A_474, %gather3A_467 : vector<16xf32>
      %mul3A_476 = arith.mulf %sub3A_475, %sub3A_475 : vector<16xf32>
      %add3A_477 = arith.addf %add3A_453, %mul3A_476 : vector<16xf32>
      %broadcast_in_dim3A_478 = arith.constant 13 : i32
      %broadcast_in_dim3A_479 = vector.broadcast %broadcast_in_dim3A_478 : i32 to vector<16xi32>
      %gather3A_480 = arith.constant 0 : i32
      %gather3A_481 = arith.constant 0 : i32
      %gather3A_482 = arith.constant 0 : i32
      %gather3A_483 = tpu.memref_slice %arg11[%gather3A_480, %gather3A_481, %gather3A_482] : memref<2x48x128xf32, #tpu.memory_space<vmem>> -> memref<1x48x128xf32, #tpu.memory_space<vmem>>
      %gather3A_484 = tpu.memref_squeeze %gather3A_483 : memref<1x48x128xf32, #tpu.memory_space<vmem>> -> memref<48x128xf32, #tpu.memory_space<vmem>>
      %gather3A_485 = tpu.vector_load_idx %gather3A_484[%iota3A, %broadcast_in_dim3A_479] : memref<48x128xf32, #tpu.memory_space<vmem>>[vector<16xi32>, vector<16xi32>], vector<16xf32>,
      %gather3A_486 = arith.constant 0 : i32
      %gather3A_487 = arith.constant 0 : i32
      %gather3A_488 = arith.constant 0 : i32
      %gather3A_489 = tpu.memref_slice %arg11[%gather3A_486, %gather3A_487, %gather3A_488] : memref<2x48x128xf32, #tpu.memory_space<vmem>> -> memref<1x48x128xf32, #tpu.memory_space<vmem>>
      %gather3A_490 = tpu.memref_squeeze %gather3A_489 : memref<1x48x128xf32, #tpu.memory_space<vmem>> -> memref<48x128xf32, #tpu.memory_space<vmem>>
      %gather3A_491 = tpu.vector_load_idx %gather3A_490[%add3A_163, %broadcast_in_dim3A_479] : memref<48x128xf32, #tpu.memory_space<vmem>>[vector<16xi32>, vector<16xi32>], vector<16xf32>,
      %gather3A_492 = arith.constant 0 : i32
      %gather3A_493 = arith.constant 0 : i32
      %gather3A_494 = arith.constant 0 : i32
      %gather3A_495 = tpu.memref_slice %arg11[%gather3A_492, %gather3A_493, %gather3A_494] : memref<2x48x128xf32, #tpu.memory_space<vmem>> -> memref<1x48x128xf32, #tpu.memory_space<vmem>>
      %gather3A_496 = tpu.memref_squeeze %gather3A_495 : memref<1x48x128xf32, #tpu.memory_space<vmem>> -> memref<48x128xf32, #tpu.memory_space<vmem>>
      %gather3A_497 = tpu.vector_load_idx %gather3A_496[%add3A_166, %broadcast_in_dim3A_479] : memref<48x128xf32, #tpu.memory_space<vmem>>[vector<16xi32>, vector<16xi32>], vector<16xf32>,
      %add3A_498 = arith.addf %gather3A_485, %gather3A_497 : vector<16xf32>
      %sub3A_499 = arith.subf %add3A_498, %gather3A_491 : vector<16xf32>
      %mul3A_500 = arith.mulf %sub3A_499, %sub3A_499 : vector<16xf32>
      %add3A_501 = arith.addf %add3A_477, %mul3A_500 : vector<16xf32>
      %broadcast_in_dim3A_502 = arith.constant 14 : i32
      %broadcast_in_dim3A_503 = vector.broadcast %broadcast_in_dim3A_502 : i32 to vector<16xi32>
      %gather3A_504 = arith.constant 0 : i32
      %gather3A_505 = arith.constant 0 : i32
      %gather3A_506 = arith.constant 0 : i32
      %gather3A_507 = tpu.memref_slice %arg11[%gather3A_504, %gather3A_505, %gather3A_506] : memref<2x48x128xf32, #tpu.memory_space<vmem>> -> memref<1x48x128xf32, #tpu.memory_space<vmem>>
      %gather3A_508 = tpu.memref_squeeze %gather3A_507 : memref<1x48x128xf32, #tpu.memory_space<vmem>> -> memref<48x128xf32, #tpu.memory_space<vmem>>
      %gather3A_509 = tpu.vector_load_idx %gather3A_508[%iota3A, %broadcast_in_dim3A_503] : memref<48x128xf32, #tpu.memory_space<vmem>>[vector<16xi32>, vector<16xi32>], vector<16xf32>,
      %gather3A_510 = arith.constant 0 : i32
      %gather3A_511 = arith.constant 0 : i32
      %gather3A_512 = arith.constant 0 : i32
      %gather3A_513 = tpu.memref_slice %arg11[%gather3A_510, %gather3A_511, %gather3A_512] : memref<2x48x128xf32, #tpu.memory_space<vmem>> -> memref<1x48x128xf32, #tpu.memory_space<vmem>>
      %gather3A_514 = tpu.memref_squeeze %gather3A_513 : memref<1x48x128xf32, #tpu.memory_space<vmem>> -> memref<48x128xf32, #tpu.memory_space<vmem>>
      %gather3A_515 = tpu.vector_load_idx %gather3A_514[%add3A_163, %broadcast_in_dim3A_503] : memref<48x128xf32, #tpu.memory_space<vmem>>[vector<16xi32>, vector<16xi32>], vector<16xf32>,
      %gather3A_516 = arith.constant 0 : i32
      %gather3A_517 = arith.constant 0 : i32
      %gather3A_518 = arith.constant 0 : i32
      %gather3A_519 = tpu.memref_slice %arg11[%gather3A_516, %gather3A_517, %gather3A_518] : memref<2x48x128xf32, #tpu.memory_space<vmem>> -> memref<1x48x128xf32, #tpu.memory_space<vmem>>
      %gather3A_520 = tpu.memref_squeeze %gather3A_519 : memref<1x48x128xf32, #tpu.memory_space<vmem>> -> memref<48x128xf32, #tpu.memory_space<vmem>>
      %gather3A_521 = tpu.vector_load_idx %gather3A_520[%add3A_166, %broadcast_in_dim3A_503] : memref<48x128xf32, #tpu.memory_space<vmem>>[vector<16xi32>, vector<16xi32>], vector<16xf32>,
      %add3A_522 = arith.addf %gather3A_509, %gather3A_521 : vector<16xf32>
      %sub3A_523 = arith.subf %add3A_522, %gather3A_515 : vector<16xf32>
      %mul3A_524 = arith.mulf %sub3A_523, %sub3A_523 : vector<16xf32>
      %add3A_525 = arith.addf %add3A_501, %mul3A_524 : vector<16xf32>
      %broadcast_in_dim3A_526 = arith.constant 15 : i32
      %broadcast_in_dim3A_527 = vector.broadcast %broadcast_in_dim3A_526 : i32 to vector<16xi32>
      %gather3A_528 = arith.constant 0 : i32
      %gather3A_529 = arith.constant 0 : i32
      %gather3A_530 = arith.constant 0 : i32
      %gather3A_531 = tpu.memref_slice %arg11[%gather3A_528, %gather3A_529, %gather3A_530] : memref<2x48x128xf32, #tpu.memory_space<vmem>> -> memref<1x48x128xf32, #tpu.memory_space<vmem>>
      %gather3A_532 = tpu.memref_squeeze %gather3A_531 : memref<1x48x128xf32, #tpu.memory_space<vmem>> -> memref<48x128xf32, #tpu.memory_space<vmem>>
      %gather3A_533 = tpu.vector_load_idx %gather3A_532[%iota3A, %broadcast_in_dim3A_527] : memref<48x128xf32, #tpu.memory_space<vmem>>[vector<16xi32>, vector<16xi32>], vector<16xf32>,
      %gather3A_534 = arith.constant 0 : i32
      %gather3A_535 = arith.constant 0 : i32
      %gather3A_536 = arith.constant 0 : i32
      %gather3A_537 = tpu.memref_slice %arg11[%gather3A_534, %gather3A_535, %gather3A_536] : memref<2x48x128xf32, #tpu.memory_space<vmem>> -> memref<1x48x128xf32, #tpu.memory_space<vmem>>
      %gather3A_538 = tpu.memref_squeeze %gather3A_537 : memref<1x48x128xf32, #tpu.memory_space<vmem>> -> memref<48x128xf32, #tpu.memory_space<vmem>>
      %gather3A_539 = tpu.vector_load_idx %gather3A_538[%add3A_163, %broadcast_in_dim3A_527] : memref<48x128xf32, #tpu.memory_space<vmem>>[vector<16xi32>, vector<16xi32>], vector<16xf32>,
      %gather3A_540 = arith.constant 0 : i32
      %gather3A_541 = arith.constant 0 : i32
      %gather3A_542 = arith.constant 0 : i32
      %gather3A_543 = tpu.memref_slice %arg11[%gather3A_540, %gather3A_541, %gather3A_542] : memref<2x48x128xf32, #tpu.memory_space<vmem>> -> memref<1x48x128xf32, #tpu.memory_space<vmem>>
      %gather3A_544 = tpu.memref_squeeze %gather3A_543 : memref<1x48x128xf32, #tpu.memory_space<vmem>> -> memref<48x128xf32, #tpu.memory_space<vmem>>
      %gather3A_545 = tpu.vector_load_idx %gather3A_544[%add3A_166, %broadcast_in_dim3A_527] : memref<48x128xf32, #tpu.memory_space<vmem>>[vector<16xi32>, vector<16xi32>], vector<16xf32>,
      %add3A_546 = arith.addf %gather3A_533, %gather3A_545 : vector<16xf32>
      %sub3A_547 = arith.subf %add3A_546, %gather3A_539 : vector<16xf32>
      %mul3A_548 = arith.mulf %sub3A_547, %sub3A_547 : vector<16xf32>
      %add3A_549 = arith.addf %add3A_525, %mul3A_548 : vector<16xf32>
      %broadcast_in_dim3A_550 = arith.constant 16 : i32
      %broadcast_in_dim3A_551 = vector.broadcast %broadcast_in_dim3A_550 : i32 to vector<16xi32>
      %gather3A_552 = arith.constant 0 : i32
      %gather3A_553 = arith.constant 0 : i32
      %gather3A_554 = arith.constant 0 : i32
      %gather3A_555 = tpu.memref_slice %arg11[%gather3A_552, %gather3A_553, %gather3A_554] : memref<2x48x128xf32, #tpu.memory_space<vmem>> -> memref<1x48x128xf32, #tpu.memory_space<vmem>>
      %gather3A_556 = tpu.memref_squeeze %gather3A_555 : memref<1x48x128xf32, #tpu.memory_space<vmem>> -> memref<48x128xf32, #tpu.memory_space<vmem>>
      %gather3A_557 = tpu.vector_load_idx %gather3A_556[%iota3A, %broadcast_in_dim3A_551] : memref<48x128xf32, #tpu.memory_space<vmem>>[vector<16xi32>, vector<16xi32>], vector<16xf32>,
      %gather3A_558 = arith.constant 0 : i32
      %gather3A_559 = arith.constant 0 : i32
      %gather3A_560 = arith.constant 0 : i32
      %gather3A_561 = tpu.memref_slice %arg11[%gather3A_558, %gather3A_559, %gather3A_560] : memref<2x48x128xf32, #tpu.memory_space<vmem>> -> memref<1x48x128xf32, #tpu.memory_space<vmem>>
      %gather3A_562 = tpu.memref_squeeze %gather3A_561 : memref<1x48x128xf32, #tpu.memory_space<vmem>> -> memref<48x128xf32, #tpu.memory_space<vmem>>
      %gather3A_563 = tpu.vector_load_idx %gather3A_562[%add3A_163, %broadcast_in_dim3A_551] : memref<48x128xf32, #tpu.memory_space<vmem>>[vector<16xi32>, vector<16xi32>], vector<16xf32>,
      %gather3A_564 = arith.constant 0 : i32
      %gather3A_565 = arith.constant 0 : i32
      %gather3A_566 = arith.constant 0 : i32
      %gather3A_567 = tpu.memref_slice %arg11[%gather3A_564, %gather3A_565, %gather3A_566] : memref<2x48x128xf32, #tpu.memory_space<vmem>> -> memref<1x48x128xf32, #tpu.memory_space<vmem>>
      %gather3A_568 = tpu.memref_squeeze %gather3A_567 : memref<1x48x128xf32, #tpu.memory_space<vmem>> -> memref<48x128xf32, #tpu.memory_space<vmem>>
      %gather3A_569 = tpu.vector_load_idx %gather3A_568[%add3A_166, %broadcast_in_dim3A_551] : memref<48x128xf32, #tpu.memory_space<vmem>>[vector<16xi32>, vector<16xi32>], vector<16xf32>,
      %add3A_570 = arith.addf %gather3A_557, %gather3A_569 : vector<16xf32>
      %sub3A_571 = arith.subf %add3A_570, %gather3A_563 : vector<16xf32>
      %mul3A_572 = arith.mulf %sub3A_571, %sub3A_571 : vector<16xf32>
      %add3A_573 = arith.addf %add3A_549, %mul3A_572 : vector<16xf32>
      %broadcast_in_dim3A_574 = arith.constant 17 : i32
      %broadcast_in_dim3A_575 = vector.broadcast %broadcast_in_dim3A_574 : i32 to vector<16xi32>
      %gather3A_576 = arith.constant 0 : i32
      %gather3A_577 = arith.constant 0 : i32
      %gather3A_578 = arith.constant 0 : i32
      %gather3A_579 = tpu.memref_slice %arg11[%gather3A_576, %gather3A_577, %gather3A_578] : memref<2x48x128xf32, #tpu.memory_space<vmem>> -> memref<1x48x128xf32, #tpu.memory_space<vmem>>
      %gather3A_580 = tpu.memref_squeeze %gather3A_579 : memref<1x48x128xf32, #tpu.memory_space<vmem>> -> memref<48x128xf32, #tpu.memory_space<vmem>>
      %gather3A_581 = tpu.vector_load_idx %gather3A_580[%iota3A, %broadcast_in_dim3A_575] : memref<48x128xf32, #tpu.memory_space<vmem>>[vector<16xi32>, vector<16xi32>], vector<16xf32>,
      %gather3A_582 = arith.constant 0 : i32
      %gather3A_583 = arith.constant 0 : i32
      %gather3A_584 = arith.constant 0 : i32
      %gather3A_585 = tpu.memref_slice %arg11[%gather3A_582, %gather3A_583, %gather3A_584] : memref<2x48x128xf32, #tpu.memory_space<vmem>> -> memref<1x48x128xf32, #tpu.memory_space<vmem>>
      %gather3A_586 = tpu.memref_squeeze %gather3A_585 : memref<1x48x128xf32, #tpu.memory_space<vmem>> -> memref<48x128xf32, #tpu.memory_space<vmem>>
      %gather3A_587 = tpu.vector_load_idx %gather3A_586[%add3A_163, %broadcast_in_dim3A_575] : memref<48x128xf32, #tpu.memory_space<vmem>>[vector<16xi32>, vector<16xi32>], vector<16xf32>,
      %gather3A_588 = arith.constant 0 : i32
      %gather3A_589 = arith.constant 0 : i32
      %gather3A_590 = arith.constant 0 : i32
      %gather3A_591 = tpu.memref_slice %arg11[%gather3A_588, %gather3A_589, %gather3A_590] : memref<2x48x128xf32, #tpu.memory_space<vmem>> -> memref<1x48x128xf32, #tpu.memory_space<vmem>>
      %gather3A_592 = tpu.memref_squeeze %gather3A_591 : memref<1x48x128xf32, #tpu.memory_space<vmem>> -> memref<48x128xf32, #tpu.memory_space<vmem>>
      %gather3A_593 = tpu.vector_load_idx %gather3A_592[%add3A_166, %broadcast_in_dim3A_575] : memref<48x128xf32, #tpu.memory_space<vmem>>[vector<16xi32>, vector<16xi32>], vector<16xf32>,
      %add3A_594 = arith.addf %gather3A_581, %gather3A_593 : vector<16xf32>
      %sub3A_595 = arith.subf %add3A_594, %gather3A_587 : vector<16xf32>
      %mul3A_596 = arith.mulf %sub3A_595, %sub3A_595 : vector<16xf32>
      %add3A_597 = arith.addf %add3A_573, %mul3A_596 : vector<16xf32>
      %broadcast_in_dim3A_598 = arith.constant 18 : i32
      %broadcast_in_dim3A_599 = vector.broadcast %broadcast_in_dim3A_598 : i32 to vector<16xi32>
      %gather3A_600 = arith.constant 0 : i32
      %gather3A_601 = arith.constant 0 : i32
      %gather3A_602 = arith.constant 0 : i32
      %gather3A_603 = tpu.memref_slice %arg11[%gather3A_600, %gather3A_601, %gather3A_602] : memref<2x48x128xf32, #tpu.memory_space<vmem>> -> memref<1x48x128xf32, #tpu.memory_space<vmem>>
      %gather3A_604 = tpu.memref_squeeze %gather3A_603 : memref<1x48x128xf32, #tpu.memory_space<vmem>> -> memref<48x128xf32, #tpu.memory_space<vmem>>
      %gather3A_605 = tpu.vector_load_idx %gather3A_604[%iota3A, %broadcast_in_dim3A_599] : memref<48x128xf32, #tpu.memory_space<vmem>>[vector<16xi32>, vector<16xi32>], vector<16xf32>,
      %gather3A_606 = arith.constant 0 : i32
      %gather3A_607 = arith.constant 0 : i32
      %gather3A_608 = arith.constant 0 : i32
      %gather3A_609 = tpu.memref_slice %arg11[%gather3A_606, %gather3A_607, %gather3A_608] : memref<2x48x128xf32, #tpu.memory_space<vmem>> -> memref<1x48x128xf32, #tpu.memory_space<vmem>>
      %gather3A_610 = tpu.memref_squeeze %gather3A_609 : memref<1x48x128xf32, #tpu.memory_space<vmem>> -> memref<48x128xf32, #tpu.memory_space<vmem>>
      %gather3A_611 = tpu.vector_load_idx %gather3A_610[%add3A_163, %broadcast_in_dim3A_599] : memref<48x128xf32, #tpu.memory_space<vmem>>[vector<16xi32>, vector<16xi32>], vector<16xf32>,
      %gather3A_612 = arith.constant 0 : i32
      %gather3A_613 = arith.constant 0 : i32
      %gather3A_614 = arith.constant 0 : i32
      %gather3A_615 = tpu.memref_slice %arg11[%gather3A_612, %gather3A_613, %gather3A_614] : memref<2x48x128xf32, #tpu.memory_space<vmem>> -> memref<1x48x128xf32, #tpu.memory_space<vmem>>
      %gather3A_616 = tpu.memref_squeeze %gather3A_615 : memref<1x48x128xf32, #tpu.memory_space<vmem>> -> memref<48x128xf32, #tpu.memory_space<vmem>>
      %gather3A_617 = tpu.vector_load_idx %gather3A_616[%add3A_166, %broadcast_in_dim3A_599] : memref<48x128xf32, #tpu.memory_space<vmem>>[vector<16xi32>, vector<16xi32>], vector<16xf32>,
      %add3A_618 = arith.addf %gather3A_605, %gather3A_617 : vector<16xf32>
      %sub3A_619 = arith.subf %add3A_618, %gather3A_611 : vector<16xf32>
      %mul3A_620 = arith.mulf %sub3A_619, %sub3A_619 : vector<16xf32>
      %add3A_621 = arith.addf %add3A_597, %mul3A_620 : vector<16xf32>
      %broadcast_in_dim3A_622 = arith.constant 19 : i32
      %broadcast_in_dim3A_623 = vector.broadcast %broadcast_in_dim3A_622 : i32 to vector<16xi32>
      %gather3A_624 = arith.constant 0 : i32
      %gather3A_625 = arith.constant 0 : i32
      %gather3A_626 = arith.constant 0 : i32
      %gather3A_627 = tpu.memref_slice %arg11[%gather3A_624, %gather3A_625, %gather3A_626] : memref<2x48x128xf32, #tpu.memory_space<vmem>> -> memref<1x48x128xf32, #tpu.memory_space<vmem>>
      %gather3A_628 = tpu.memref_squeeze %gather3A_627 : memref<1x48x128xf32, #tpu.memory_space<vmem>> -> memref<48x128xf32, #tpu.memory_space<vmem>>
      %gather3A_629 = tpu.vector_load_idx %gather3A_628[%iota3A, %broadcast_in_dim3A_623] : memref<48x128xf32, #tpu.memory_space<vmem>>[vector<16xi32>, vector<16xi32>], vector<16xf32>,
      %gather3A_630 = arith.constant 0 : i32
      %gather3A_631 = arith.constant 0 : i32
      %gather3A_632 = arith.constant 0 : i32
      %gather3A_633 = tpu.memref_slice %arg11[%gather3A_630, %gather3A_631, %gather3A_632] : memref<2x48x128xf32, #tpu.memory_space<vmem>> -> memref<1x48x128xf32, #tpu.memory_space<vmem>>
      %gather3A_634 = tpu.memref_squeeze %gather3A_633 : memref<1x48x128xf32, #tpu.memory_space<vmem>> -> memref<48x128xf32, #tpu.memory_space<vmem>>
      %gather3A_635 = tpu.vector_load_idx %gather3A_634[%add3A_163, %broadcast_in_dim3A_623] : memref<48x128xf32, #tpu.memory_space<vmem>>[vector<16xi32>, vector<16xi32>], vector<16xf32>,
      %gather3A_636 = arith.constant 0 : i32
      %gather3A_637 = arith.constant 0 : i32
      %gather3A_638 = arith.constant 0 : i32
      %gather3A_639 = tpu.memref_slice %arg11[%gather3A_636, %gather3A_637, %gather3A_638] : memref<2x48x128xf32, #tpu.memory_space<vmem>> -> memref<1x48x128xf32, #tpu.memory_space<vmem>>
      %gather3A_640 = tpu.memref_squeeze %gather3A_639 : memref<1x48x128xf32, #tpu.memory_space<vmem>> -> memref<48x128xf32, #tpu.memory_space<vmem>>
      %gather3A_641 = tpu.vector_load_idx %gather3A_640[%add3A_166, %broadcast_in_dim3A_623] : memref<48x128xf32, #tpu.memory_space<vmem>>[vector<16xi32>, vector<16xi32>], vector<16xf32>,
      %add3A_642 = arith.addf %gather3A_629, %gather3A_641 : vector<16xf32>
      %sub3A_643 = arith.subf %add3A_642, %gather3A_635 : vector<16xf32>
      %mul3A_644 = arith.mulf %sub3A_643, %sub3A_643 : vector<16xf32>
      %add3A_645 = arith.addf %add3A_621, %mul3A_644 : vector<16xf32>
      %broadcast_in_dim3A_646 = arith.constant 20 : i32
      %broadcast_in_dim3A_647 = vector.broadcast %broadcast_in_dim3A_646 : i32 to vector<16xi32>
      %gather3A_648 = arith.constant 0 : i32
      %gather3A_649 = arith.constant 0 : i32
      %gather3A_650 = arith.constant 0 : i32
      %gather3A_651 = tpu.memref_slice %arg11[%gather3A_648, %gather3A_649, %gather3A_650] : memref<2x48x128xf32, #tpu.memory_space<vmem>> -> memref<1x48x128xf32, #tpu.memory_space<vmem>>
      %gather3A_652 = tpu.memref_squeeze %gather3A_651 : memref<1x48x128xf32, #tpu.memory_space<vmem>> -> memref<48x128xf32, #tpu.memory_space<vmem>>
      %gather3A_653 = tpu.vector_load_idx %gather3A_652[%iota3A, %broadcast_in_dim3A_647] : memref<48x128xf32, #tpu.memory_space<vmem>>[vector<16xi32>, vector<16xi32>], vector<16xf32>,
      %gather3A_654 = arith.constant 0 : i32
      %gather3A_655 = arith.constant 0 : i32
      %gather3A_656 = arith.constant 0 : i32
      %gather3A_657 = tpu.memref_slice %arg11[%gather3A_654, %gather3A_655, %gather3A_656] : memref<2x48x128xf32, #tpu.memory_space<vmem>> -> memref<1x48x128xf32, #tpu.memory_space<vmem>>
      %gather3A_658 = tpu.memref_squeeze %gather3A_657 : memref<1x48x128xf32, #tpu.memory_space<vmem>> -> memref<48x128xf32, #tpu.memory_space<vmem>>
      %gather3A_659 = tpu.vector_load_idx %gather3A_658[%add3A_163, %broadcast_in_dim3A_647] : memref<48x128xf32, #tpu.memory_space<vmem>>[vector<16xi32>, vector<16xi32>], vector<16xf32>,
      %gather3A_660 = arith.constant 0 : i32
      %gather3A_661 = arith.constant 0 : i32
      %gather3A_662 = arith.constant 0 : i32
      %gather3A_663 = tpu.memref_slice %arg11[%gather3A_660, %gather3A_661, %gather3A_662] : memref<2x48x128xf32, #tpu.memory_space<vmem>> -> memref<1x48x128xf32, #tpu.memory_space<vmem>>
      %gather3A_664 = tpu.memref_squeeze %gather3A_663 : memref<1x48x128xf32, #tpu.memory_space<vmem>> -> memref<48x128xf32, #tpu.memory_space<vmem>>
      %gather3A_665 = tpu.vector_load_idx %gather3A_664[%add3A_166, %broadcast_in_dim3A_647] : memref<48x128xf32, #tpu.memory_space<vmem>>[vector<16xi32>, vector<16xi32>], vector<16xf32>,
      %add3A_666 = arith.addf %gather3A_653, %gather3A_665 : vector<16xf32>
      %sub3A_667 = arith.subf %add3A_666, %gather3A_659 : vector<16xf32>
      %mul3A_668 = arith.mulf %sub3A_667, %sub3A_667 : vector<16xf32>
      %add3A_669 = arith.addf %add3A_645, %mul3A_668 : vector<16xf32>
      %broadcast_in_dim3A_670 = arith.constant 21 : i32
      %broadcast_in_dim3A_671 = vector.broadcast %broadcast_in_dim3A_670 : i32 to vector<16xi32>
      %gather3A_672 = arith.constant 0 : i32
      %gather3A_673 = arith.constant 0 : i32
      %gather3A_674 = arith.constant 0 : i32
      %gather3A_675 = tpu.memref_slice %arg11[%gather3A_672, %gather3A_673, %gather3A_674] : memref<2x48x128xf32, #tpu.memory_space<vmem>> -> memref<1x48x128xf32, #tpu.memory_space<vmem>>
      %gather3A_676 = tpu.memref_squeeze %gather3A_675 : memref<1x48x128xf32, #tpu.memory_space<vmem>> -> memref<48x128xf32, #tpu.memory_space<vmem>>
      %gather3A_677 = tpu.vector_load_idx %gather3A_676[%iota3A, %broadcast_in_dim3A_671] : memref<48x128xf32, #tpu.memory_space<vmem>>[vector<16xi32>, vector<16xi32>], vector<16xf32>,
      %gather3A_678 = arith.constant 0 : i32
      %gather3A_679 = arith.constant 0 : i32
      %gather3A_680 = arith.constant 0 : i32
      %gather3A_681 = tpu.memref_slice %arg11[%gather3A_678, %gather3A_679, %gather3A_680] : memref<2x48x128xf32, #tpu.memory_space<vmem>> -> memref<1x48x128xf32, #tpu.memory_space<vmem>>
      %gather3A_682 = tpu.memref_squeeze %gather3A_681 : memref<1x48x128xf32, #tpu.memory_space<vmem>> -> memref<48x128xf32, #tpu.memory_space<vmem>>
      %gather3A_683 = tpu.vector_load_idx %gather3A_682[%add3A_163, %broadcast_in_dim3A_671] : memref<48x128xf32, #tpu.memory_space<vmem>>[vector<16xi32>, vector<16xi32>], vector<16xf32>,
      %gather3A_684 = arith.constant 0 : i32
      %gather3A_685 = arith.constant 0 : i32
      %gather3A_686 = arith.constant 0 : i32
      %gather3A_687 = tpu.memref_slice %arg11[%gather3A_684, %gather3A_685, %gather3A_686] : memref<2x48x128xf32, #tpu.memory_space<vmem>> -> memref<1x48x128xf32, #tpu.memory_space<vmem>>
      %gather3A_688 = tpu.memref_squeeze %gather3A_687 : memref<1x48x128xf32, #tpu.memory_space<vmem>> -> memref<48x128xf32, #tpu.memory_space<vmem>>
      %gather3A_689 = tpu.vector_load_idx %gather3A_688[%add3A_166, %broadcast_in_dim3A_671] : memref<48x128xf32, #tpu.memory_space<vmem>>[vector<16xi32>, vector<16xi32>], vector<16xf32>,
      %add3A_690 = arith.addf %gather3A_677, %gather3A_689 : vector<16xf32>
      %sub3A_691 = arith.subf %add3A_690, %gather3A_683 : vector<16xf32>
      %mul3A_692 = arith.mulf %sub3A_691, %sub3A_691 : vector<16xf32>
      %add3A_693 = arith.addf %add3A_669, %mul3A_692 : vector<16xf32>
      %broadcast_in_dim3A_694 = arith.constant 22 : i32
      %broadcast_in_dim3A_695 = vector.broadcast %broadcast_in_dim3A_694 : i32 to vector<16xi32>
      %gather3A_696 = arith.constant 0 : i32
      %gather3A_697 = arith.constant 0 : i32
      %gather3A_698 = arith.constant 0 : i32
      %gather3A_699 = tpu.memref_slice %arg11[%gather3A_696, %gather3A_697, %gather3A_698] : memref<2x48x128xf32, #tpu.memory_space<vmem>> -> memref<1x48x128xf32, #tpu.memory_space<vmem>>
      %gather3A_700 = tpu.memref_squeeze %gather3A_699 : memref<1x48x128xf32, #tpu.memory_space<vmem>> -> memref<48x128xf32, #tpu.memory_space<vmem>>
      %gather3A_701 = tpu.vector_load_idx %gather3A_700[%iota3A, %broadcast_in_dim3A_695] : memref<48x128xf32, #tpu.memory_space<vmem>>[vector<16xi32>, vector<16xi32>], vector<16xf32>,
      %gather3A_702 = arith.constant 0 : i32
      %gather3A_703 = arith.constant 0 : i32
      %gather3A_704 = arith.constant 0 : i32
      %gather3A_705 = tpu.memref_slice %arg11[%gather3A_702, %gather3A_703, %gather3A_704] : memref<2x48x128xf32, #tpu.memory_space<vmem>> -> memref<1x48x128xf32, #tpu.memory_space<vmem>>
      %gather3A_706 = tpu.memref_squeeze %gather3A_705 : memref<1x48x128xf32, #tpu.memory_space<vmem>> -> memref<48x128xf32, #tpu.memory_space<vmem>>
      %gather3A_707 = tpu.vector_load_idx %gather3A_706[%add3A_163, %broadcast_in_dim3A_695] : memref<48x128xf32, #tpu.memory_space<vmem>>[vector<16xi32>, vector<16xi32>], vector<16xf32>,
      %gather3A_708 = arith.constant 0 : i32
      %gather3A_709 = arith.constant 0 : i32
      %gather3A_710 = arith.constant 0 : i32
      %gather3A_711 = tpu.memref_slice %arg11[%gather3A_708, %gather3A_709, %gather3A_710] : memref<2x48x128xf32, #tpu.memory_space<vmem>> -> memref<1x48x128xf32, #tpu.memory_space<vmem>>
      %gather3A_712 = tpu.memref_squeeze %gather3A_711 : memref<1x48x128xf32, #tpu.memory_space<vmem>> -> memref<48x128xf32, #tpu.memory_space<vmem>>
      %gather3A_713 = tpu.vector_load_idx %gather3A_712[%add3A_166, %broadcast_in_dim3A_695] : memref<48x128xf32, #tpu.memory_space<vmem>>[vector<16xi32>, vector<16xi32>], vector<16xf32>,
      %add3A_714 = arith.addf %gather3A_701, %gather3A_713 : vector<16xf32>
      %sub3A_715 = arith.subf %add3A_714, %gather3A_707 : vector<16xf32>
      %mul3A_716 = arith.mulf %sub3A_715, %sub3A_715 : vector<16xf32>
      %add3A_717 = arith.addf %add3A_693, %mul3A_716 : vector<16xf32>
      %broadcast_in_dim3A_718 = arith.constant 23 : i32
      %broadcast_in_dim3A_719 = vector.broadcast %broadcast_in_dim3A_718 : i32 to vector<16xi32>
      %gather3A_720 = arith.constant 0 : i32
      %gather3A_721 = arith.constant 0 : i32
      %gather3A_722 = arith.constant 0 : i32
      %gather3A_723 = tpu.memref_slice %arg11[%gather3A_720, %gather3A_721, %gather3A_722] : memref<2x48x128xf32, #tpu.memory_space<vmem>> -> memref<1x48x128xf32, #tpu.memory_space<vmem>>
      %gather3A_724 = tpu.memref_squeeze %gather3A_723 : memref<1x48x128xf32, #tpu.memory_space<vmem>> -> memref<48x128xf32, #tpu.memory_space<vmem>>
      %gather3A_725 = tpu.vector_load_idx %gather3A_724[%iota3A, %broadcast_in_dim3A_719] : memref<48x128xf32, #tpu.memory_space<vmem>>[vector<16xi32>, vector<16xi32>], vector<16xf32>,
      %gather3A_726 = arith.constant 0 : i32
      %gather3A_727 = arith.constant 0 : i32
      %gather3A_728 = arith.constant 0 : i32
      %gather3A_729 = tpu.memref_slice %arg11[%gather3A_726, %gather3A_727, %gather3A_728] : memref<2x48x128xf32, #tpu.memory_space<vmem>> -> memref<1x48x128xf32, #tpu.memory_space<vmem>>
      %gather3A_730 = tpu.memref_squeeze %gather3A_729 : memref<1x48x128xf32, #tpu.memory_space<vmem>> -> memref<48x128xf32, #tpu.memory_space<vmem>>
      %gather3A_731 = tpu.vector_load_idx %gather3A_730[%add3A_163, %broadcast_in_dim3A_719] : memref<48x128xf32, #tpu.memory_space<vmem>>[vector<16xi32>, vector<16xi32>], vector<16xf32>,
      %gather3A_732 = arith.constant 0 : i32
      %gather3A_733 = arith.constant 0 : i32
      %gather3A_734 = arith.constant 0 : i32
      %gather3A_735 = tpu.memref_slice %arg11[%gather3A_732, %gather3A_733, %gather3A_734] : memref<2x48x128xf32, #tpu.memory_space<vmem>> -> memref<1x48x128xf32, #tpu.memory_space<vmem>>
      %gather3A_736 = tpu.memref_squeeze %gather3A_735 : memref<1x48x128xf32, #tpu.memory_space<vmem>> -> memref<48x128xf32, #tpu.memory_space<vmem>>
      %gather3A_737 = tpu.vector_load_idx %gather3A_736[%add3A_166, %broadcast_in_dim3A_719] : memref<48x128xf32, #tpu.memory_space<vmem>>[vector<16xi32>, vector<16xi32>], vector<16xf32>,
      %add3A_738 = arith.addf %gather3A_725, %gather3A_737 : vector<16xf32>
      %sub3A_739 = arith.subf %add3A_738, %gather3A_731 : vector<16xf32>
      %mul3A_740 = arith.mulf %sub3A_739, %sub3A_739 : vector<16xf32>
      %add3A_741 = arith.addf %add3A_717, %mul3A_740 : vector<16xf32>
      %broadcast_in_dim3A_742 = arith.constant 24 : i32
      %broadcast_in_dim3A_743 = vector.broadcast %broadcast_in_dim3A_742 : i32 to vector<16xi32>
      %gather3A_744 = arith.constant 0 : i32
      %gather3A_745 = arith.constant 0 : i32
      %gather3A_746 = arith.constant 0 : i32
      %gather3A_747 = tpu.memref_slice %arg11[%gather3A_744, %gather3A_745, %gather3A_746] : memref<2x48x128xf32, #tpu.memory_space<vmem>> -> memref<1x48x128xf32, #tpu.memory_space<vmem>>
      %gather3A_748 = tpu.memref_squeeze %gather3A_747 : memref<1x48x128xf32, #tpu.memory_space<vmem>> -> memref<48x128xf32, #tpu.memory_space<vmem>>
      %gather3A_749 = tpu.vector_load_idx %gather3A_748[%iota3A, %broadcast_in_dim3A_743] : memref<48x128xf32, #tpu.memory_space<vmem>>[vector<16xi32>, vector<16xi32>], vector<16xf32>,
      %gather3A_750 = arith.constant 0 : i32
      %gather3A_751 = arith.constant 0 : i32
      %gather3A_752 = arith.constant 0 : i32
      %gather3A_753 = tpu.memref_slice %arg11[%gather3A_750, %gather3A_751, %gather3A_752] : memref<2x48x128xf32, #tpu.memory_space<vmem>> -> memref<1x48x128xf32, #tpu.memory_space<vmem>>
      %gather3A_754 = tpu.memref_squeeze %gather3A_753 : memref<1x48x128xf32, #tpu.memory_space<vmem>> -> memref<48x128xf32, #tpu.memory_space<vmem>>
      %gather3A_755 = tpu.vector_load_idx %gather3A_754[%add3A_163, %broadcast_in_dim3A_743] : memref<48x128xf32, #tpu.memory_space<vmem>>[vector<16xi32>, vector<16xi32>], vector<16xf32>,
      %gather3A_756 = arith.constant 0 : i32
      %gather3A_757 = arith.constant 0 : i32
      %gather3A_758 = arith.constant 0 : i32
      %gather3A_759 = tpu.memref_slice %arg11[%gather3A_756, %gather3A_757, %gather3A_758] : memref<2x48x128xf32, #tpu.memory_space<vmem>> -> memref<1x48x128xf32, #tpu.memory_space<vmem>>
      %gather3A_760 = tpu.memref_squeeze %gather3A_759 : memref<1x48x128xf32, #tpu.memory_space<vmem>> -> memref<48x128xf32, #tpu.memory_space<vmem>>
      %gather3A_761 = tpu.vector_load_idx %gather3A_760[%add3A_166, %broadcast_in_dim3A_743] : memref<48x128xf32, #tpu.memory_space<vmem>>[vector<16xi32>, vector<16xi32>], vector<16xf32>,
      %add3A_762 = arith.addf %gather3A_749, %gather3A_761 : vector<16xf32>
      %sub3A_763 = arith.subf %add3A_762, %gather3A_755 : vector<16xf32>
      %mul3A_764 = arith.mulf %sub3A_763, %sub3A_763 : vector<16xf32>
      %add3A_765 = arith.addf %add3A_741, %mul3A_764 : vector<16xf32>
      %broadcast_in_dim3A_766 = arith.constant 25 : i32
      %broadcast_in_dim3A_767 = vector.broadcast %broadcast_in_dim3A_766 : i32 to vector<16xi32>
      %gather3A_768 = arith.constant 0 : i32
      %gather3A_769 = arith.constant 0 : i32
      %gather3A_770 = arith.constant 0 : i32
      %gather3A_771 = tpu.memref_slice %arg11[%gather3A_768, %gather3A_769, %gather3A_770] : memref<2x48x128xf32, #tpu.memory_space<vmem>> -> memref<1x48x128xf32, #tpu.memory_space<vmem>>
      %gather3A_772 = tpu.memref_squeeze %gather3A_771 : memref<1x48x128xf32, #tpu.memory_space<vmem>> -> memref<48x128xf32, #tpu.memory_space<vmem>>
      %gather3A_773 = tpu.vector_load_idx %gather3A_772[%iota3A, %broadcast_in_dim3A_767] : memref<48x128xf32, #tpu.memory_space<vmem>>[vector<16xi32>, vector<16xi32>], vector<16xf32>,
      %gather3A_774 = arith.constant 0 : i32
      %gather3A_775 = arith.constant 0 : i32
      %gather3A_776 = arith.constant 0 : i32
      %gather3A_777 = tpu.memref_slice %arg11[%gather3A_774, %gather3A_775, %gather3A_776] : memref<2x48x128xf32, #tpu.memory_space<vmem>> -> memref<1x48x128xf32, #tpu.memory_space<vmem>>
      %gather3A_778 = tpu.memref_squeeze %gather3A_777 : memref<1x48x128xf32, #tpu.memory_space<vmem>> -> memref<48x128xf32, #tpu.memory_space<vmem>>
      %gather3A_779 = tpu.vector_load_idx %gather3A_778[%add3A_163, %broadcast_in_dim3A_767] : memref<48x128xf32, #tpu.memory_space<vmem>>[vector<16xi32>, vector<16xi32>], vector<16xf32>,
      %gather3A_780 = arith.constant 0 : i32
      %gather3A_781 = arith.constant 0 : i32
      %gather3A_782 = arith.constant 0 : i32
      %gather3A_783 = tpu.memref_slice %arg11[%gather3A_780, %gather3A_781, %gather3A_782] : memref<2x48x128xf32, #tpu.memory_space<vmem>> -> memref<1x48x128xf32, #tpu.memory_space<vmem>>
      %gather3A_784 = tpu.memref_squeeze %gather3A_783 : memref<1x48x128xf32, #tpu.memory_space<vmem>> -> memref<48x128xf32, #tpu.memory_space<vmem>>
      %gather3A_785 = tpu.vector_load_idx %gather3A_784[%add3A_166, %broadcast_in_dim3A_767] : memref<48x128xf32, #tpu.memory_space<vmem>>[vector<16xi32>, vector<16xi32>], vector<16xf32>,
      %add3A_786 = arith.addf %gather3A_773, %gather3A_785 : vector<16xf32>
      %sub3A_787 = arith.subf %add3A_786, %gather3A_779 : vector<16xf32>
      %mul3A_788 = arith.mulf %sub3A_787, %sub3A_787 : vector<16xf32>
      %add3A_789 = arith.addf %add3A_765, %mul3A_788 : vector<16xf32>
      %broadcast_in_dim3A_790 = arith.constant 26 : i32
      %broadcast_in_dim3A_791 = vector.broadcast %broadcast_in_dim3A_790 : i32 to vector<16xi32>
      %gather3A_792 = arith.constant 0 : i32
      %gather3A_793 = arith.constant 0 : i32
      %gather3A_794 = arith.constant 0 : i32
      %gather3A_795 = tpu.memref_slice %arg11[%gather3A_792, %gather3A_793, %gather3A_794] : memref<2x48x128xf32, #tpu.memory_space<vmem>> -> memref<1x48x128xf32, #tpu.memory_space<vmem>>
      %gather3A_796 = tpu.memref_squeeze %gather3A_795 : memref<1x48x128xf32, #tpu.memory_space<vmem>> -> memref<48x128xf32, #tpu.memory_space<vmem>>
      %gather3A_797 = tpu.vector_load_idx %gather3A_796[%iota3A, %broadcast_in_dim3A_791] : memref<48x128xf32, #tpu.memory_space<vmem>>[vector<16xi32>, vector<16xi32>], vector<16xf32>,
      %gather3A_798 = arith.constant 0 : i32
      %gather3A_799 = arith.constant 0 : i32
      %gather3A_800 = arith.constant 0 : i32
      %gather3A_801 = tpu.memref_slice %arg11[%gather3A_798, %gather3A_799, %gather3A_800] : memref<2x48x128xf32, #tpu.memory_space<vmem>> -> memref<1x48x128xf32, #tpu.memory_space<vmem>>
      %gather3A_802 = tpu.memref_squeeze %gather3A_801 : memref<1x48x128xf32, #tpu.memory_space<vmem>> -> memref<48x128xf32, #tpu.memory_space<vmem>>
      %gather3A_803 = tpu.vector_load_idx %gather3A_802[%add3A_163, %broadcast_in_dim3A_791] : memref<48x128xf32, #tpu.memory_space<vmem>>[vector<16xi32>, vector<16xi32>], vector<16xf32>,
      %gather3A_804 = arith.constant 0 : i32
      %gather3A_805 = arith.constant 0 : i32
      %gather3A_806 = arith.constant 0 : i32
      %gather3A_807 = tpu.memref_slice %arg11[%gather3A_804, %gather3A_805, %gather3A_806] : memref<2x48x128xf32, #tpu.memory_space<vmem>> -> memref<1x48x128xf32, #tpu.memory_space<vmem>>
      %gather3A_808 = tpu.memref_squeeze %gather3A_807 : memref<1x48x128xf32, #tpu.memory_space<vmem>> -> memref<48x128xf32, #tpu.memory_space<vmem>>
      %gather3A_809 = tpu.vector_load_idx %gather3A_808[%add3A_166, %broadcast_in_dim3A_791] : memref<48x128xf32, #tpu.memory_space<vmem>>[vector<16xi32>, vector<16xi32>], vector<16xf32>,
      %add3A_810 = arith.addf %gather3A_797, %gather3A_809 : vector<16xf32>
      %sub3A_811 = arith.subf %add3A_810, %gather3A_803 : vector<16xf32>
      %mul3A_812 = arith.mulf %sub3A_811, %sub3A_811 : vector<16xf32>
      %add3A_813 = arith.addf %add3A_789, %mul3A_812 : vector<16xf32>
      %broadcast_in_dim3A_814 = arith.constant 27 : i32
      %broadcast_in_dim3A_815 = vector.broadcast %broadcast_in_dim3A_814 : i32 to vector<16xi32>
      %gather3A_816 = arith.constant 0 : i32
      %gather3A_817 = arith.constant 0 : i32
      %gather3A_818 = arith.constant 0 : i32
      %gather3A_819 = tpu.memref_slice %arg11[%gather3A_816, %gather3A_817, %gather3A_818] : memref<2x48x128xf32, #tpu.memory_space<vmem>> -> memref<1x48x128xf32, #tpu.memory_space<vmem>>
      %gather3A_820 = tpu.memref_squeeze %gather3A_819 : memref<1x48x128xf32, #tpu.memory_space<vmem>> -> memref<48x128xf32, #tpu.memory_space<vmem>>
      %gather3A_821 = tpu.vector_load_idx %gather3A_820[%iota3A, %broadcast_in_dim3A_815] : memref<48x128xf32, #tpu.memory_space<vmem>>[vector<16xi32>, vector<16xi32>], vector<16xf32>,
      %gather3A_822 = arith.constant 0 : i32
      %gather3A_823 = arith.constant 0 : i32
      %gather3A_824 = arith.constant 0 : i32
      %gather3A_825 = tpu.memref_slice %arg11[%gather3A_822, %gather3A_823, %gather3A_824] : memref<2x48x128xf32, #tpu.memory_space<vmem>> -> memref<1x48x128xf32, #tpu.memory_space<vmem>>
      %gather3A_826 = tpu.memref_squeeze %gather3A_825 : memref<1x48x128xf32, #tpu.memory_space<vmem>> -> memref<48x128xf32, #tpu.memory_space<vmem>>
      %gather3A_827 = tpu.vector_load_idx %gather3A_826[%add3A_163, %broadcast_in_dim3A_815] : memref<48x128xf32, #tpu.memory_space<vmem>>[vector<16xi32>, vector<16xi32>], vector<16xf32>,
      %gather3A_828 = arith.constant 0 : i32
      %gather3A_829 = arith.constant 0 : i32
      %gather3A_830 = arith.constant 0 : i32
      %gather3A_831 = tpu.memref_slice %arg11[%gather3A_828, %gather3A_829, %gather3A_830] : memref<2x48x128xf32, #tpu.memory_space<vmem>> -> memref<1x48x128xf32, #tpu.memory_space<vmem>>
      %gather3A_832 = tpu.memref_squeeze %gather3A_831 : memref<1x48x128xf32, #tpu.memory_space<vmem>> -> memref<48x128xf32, #tpu.memory_space<vmem>>
      %gather3A_833 = tpu.vector_load_idx %gather3A_832[%add3A_166, %broadcast_in_dim3A_815] : memref<48x128xf32, #tpu.memory_space<vmem>>[vector<16xi32>, vector<16xi32>], vector<16xf32>,
      %add3A_834 = arith.addf %gather3A_821, %gather3A_833 : vector<16xf32>
      %sub3A_835 = arith.subf %add3A_834, %gather3A_827 : vector<16xf32>
      %mul3A_836 = arith.mulf %sub3A_835, %sub3A_835 : vector<16xf32>
      %add3A_837 = arith.addf %add3A_813, %mul3A_836 : vector<16xf32>
      %broadcast_in_dim3A_838 = arith.constant 28 : i32
      %broadcast_in_dim3A_839 = vector.broadcast %broadcast_in_dim3A_838 : i32 to vector<16xi32>
      %gather3A_840 = arith.constant 0 : i32
      %gather3A_841 = arith.constant 0 : i32
      %gather3A_842 = arith.constant 0 : i32
      %gather3A_843 = tpu.memref_slice %arg11[%gather3A_840, %gather3A_841, %gather3A_842] : memref<2x48x128xf32, #tpu.memory_space<vmem>> -> memref<1x48x128xf32, #tpu.memory_space<vmem>>
      %gather3A_844 = tpu.memref_squeeze %gather3A_843 : memref<1x48x128xf32, #tpu.memory_space<vmem>> -> memref<48x128xf32, #tpu.memory_space<vmem>>
      %gather3A_845 = tpu.vector_load_idx %gather3A_844[%iota3A, %broadcast_in_dim3A_839] : memref<48x128xf32, #tpu.memory_space<vmem>>[vector<16xi32>, vector<16xi32>], vector<16xf32>,
      %gather3A_846 = arith.constant 0 : i32
      %gather3A_847 = arith.constant 0 : i32
      %gather3A_848 = arith.constant 0 : i32
      %gather3A_849 = tpu.memref_slice %arg11[%gather3A_846, %gather3A_847, %gather3A_848] : memref<2x48x128xf32, #tpu.memory_space<vmem>> -> memref<1x48x128xf32, #tpu.memory_space<vmem>>
      %gather3A_850 = tpu.memref_squeeze %gather3A_849 : memref<1x48x128xf32, #tpu.memory_space<vmem>> -> memref<48x128xf32, #tpu.memory_space<vmem>>
      %gather3A_851 = tpu.vector_load_idx %gather3A_850[%add3A_163, %broadcast_in_dim3A_839] : memref<48x128xf32, #tpu.memory_space<vmem>>[vector<16xi32>, vector<16xi32>], vector<16xf32>,
      %gather3A_852 = arith.constant 0 : i32
      %gather3A_853 = arith.constant 0 : i32
      %gather3A_854 = arith.constant 0 : i32
      %gather3A_855 = tpu.memref_slice %arg11[%gather3A_852, %gather3A_853, %gather3A_854] : memref<2x48x128xf32, #tpu.memory_space<vmem>> -> memref<1x48x128xf32, #tpu.memory_space<vmem>>
      %gather3A_856 = tpu.memref_squeeze %gather3A_855 : memref<1x48x128xf32, #tpu.memory_space<vmem>> -> memref<48x128xf32, #tpu.memory_space<vmem>>
      %gather3A_857 = tpu.vector_load_idx %gather3A_856[%add3A_166, %broadcast_in_dim3A_839] : memref<48x128xf32, #tpu.memory_space<vmem>>[vector<16xi32>, vector<16xi32>], vector<16xf32>,
      %add3A_858 = arith.addf %gather3A_845, %gather3A_857 : vector<16xf32>
      %sub3A_859 = arith.subf %add3A_858, %gather3A_851 : vector<16xf32>
      %mul3A_860 = arith.mulf %sub3A_859, %sub3A_859 : vector<16xf32>
      %add3A_861 = arith.addf %add3A_837, %mul3A_860 : vector<16xf32>
      %broadcast_in_dim3A_862 = arith.constant 29 : i32
      %broadcast_in_dim3A_863 = vector.broadcast %broadcast_in_dim3A_862 : i32 to vector<16xi32>
      %gather3A_864 = arith.constant 0 : i32
      %gather3A_865 = arith.constant 0 : i32
      %gather3A_866 = arith.constant 0 : i32
      %gather3A_867 = tpu.memref_slice %arg11[%gather3A_864, %gather3A_865, %gather3A_866] : memref<2x48x128xf32, #tpu.memory_space<vmem>> -> memref<1x48x128xf32, #tpu.memory_space<vmem>>
      %gather3A_868 = tpu.memref_squeeze %gather3A_867 : memref<1x48x128xf32, #tpu.memory_space<vmem>> -> memref<48x128xf32, #tpu.memory_space<vmem>>
      %gather3A_869 = tpu.vector_load_idx %gather3A_868[%iota3A, %broadcast_in_dim3A_863] : memref<48x128xf32, #tpu.memory_space<vmem>>[vector<16xi32>, vector<16xi32>], vector<16xf32>,
      %gather3A_870 = arith.constant 0 : i32
      %gather3A_871 = arith.constant 0 : i32
      %gather3A_872 = arith.constant 0 : i32
      %gather3A_873 = tpu.memref_slice %arg11[%gather3A_870, %gather3A_871, %gather3A_872] : memref<2x48x128xf32, #tpu.memory_space<vmem>> -> memref<1x48x128xf32, #tpu.memory_space<vmem>>
      %gather3A_874 = tpu.memref_squeeze %gather3A_873 : memref<1x48x128xf32, #tpu.memory_space<vmem>> -> memref<48x128xf32, #tpu.memory_space<vmem>>
      %gather3A_875 = tpu.vector_load_idx %gather3A_874[%add3A_163, %broadcast_in_dim3A_863] : memref<48x128xf32, #tpu.memory_space<vmem>>[vector<16xi32>, vector<16xi32>], vector<16xf32>,
      %gather3A_876 = arith.constant 0 : i32
      %gather3A_877 = arith.constant 0 : i32
      %gather3A_878 = arith.constant 0 : i32
      %gather3A_879 = tpu.memref_slice %arg11[%gather3A_876, %gather3A_877, %gather3A_878] : memref<2x48x128xf32, #tpu.memory_space<vmem>> -> memref<1x48x128xf32, #tpu.memory_space<vmem>>
      %gather3A_880 = tpu.memref_squeeze %gather3A_879 : memref<1x48x128xf32, #tpu.memory_space<vmem>> -> memref<48x128xf32, #tpu.memory_space<vmem>>
      %gather3A_881 = tpu.vector_load_idx %gather3A_880[%add3A_166, %broadcast_in_dim3A_863] : memref<48x128xf32, #tpu.memory_space<vmem>>[vector<16xi32>, vector<16xi32>], vector<16xf32>,
      %add3A_882 = arith.addf %gather3A_869, %gather3A_881 : vector<16xf32>
      %sub3A_883 = arith.subf %add3A_882, %gather3A_875 : vector<16xf32>
      %mul3A_884 = arith.mulf %sub3A_883, %sub3A_883 : vector<16xf32>
      %add3A_885 = arith.addf %add3A_861, %mul3A_884 : vector<16xf32>
      %broadcast_in_dim3A_886 = arith.constant 30 : i32
      %broadcast_in_dim3A_887 = vector.broadcast %broadcast_in_dim3A_886 : i32 to vector<16xi32>
      %gather3A_888 = arith.constant 0 : i32
      %gather3A_889 = arith.constant 0 : i32
      %gather3A_890 = arith.constant 0 : i32
      %gather3A_891 = tpu.memref_slice %arg11[%gather3A_888, %gather3A_889, %gather3A_890] : memref<2x48x128xf32, #tpu.memory_space<vmem>> -> memref<1x48x128xf32, #tpu.memory_space<vmem>>
      %gather3A_892 = tpu.memref_squeeze %gather3A_891 : memref<1x48x128xf32, #tpu.memory_space<vmem>> -> memref<48x128xf32, #tpu.memory_space<vmem>>
      %gather3A_893 = tpu.vector_load_idx %gather3A_892[%iota3A, %broadcast_in_dim3A_887] : memref<48x128xf32, #tpu.memory_space<vmem>>[vector<16xi32>, vector<16xi32>], vector<16xf32>,
      %gather3A_894 = arith.constant 0 : i32
      %gather3A_895 = arith.constant 0 : i32
      %gather3A_896 = arith.constant 0 : i32
      %gather3A_897 = tpu.memref_slice %arg11[%gather3A_894, %gather3A_895, %gather3A_896] : memref<2x48x128xf32, #tpu.memory_space<vmem>> -> memref<1x48x128xf32, #tpu.memory_space<vmem>>
      %gather3A_898 = tpu.memref_squeeze %gather3A_897 : memref<1x48x128xf32, #tpu.memory_space<vmem>> -> memref<48x128xf32, #tpu.memory_space<vmem>>
      %gather3A_899 = tpu.vector_load_idx %gather3A_898[%add3A_163, %broadcast_in_dim3A_887] : memref<48x128xf32, #tpu.memory_space<vmem>>[vector<16xi32>, vector<16xi32>], vector<16xf32>,
      %gather3A_900 = arith.constant 0 : i32
      %gather3A_901 = arith.constant 0 : i32
      %gather3A_902 = arith.constant 0 : i32
      %gather3A_903 = tpu.memref_slice %arg11[%gather3A_900, %gather3A_901, %gather3A_902] : memref<2x48x128xf32, #tpu.memory_space<vmem>> -> memref<1x48x128xf32, #tpu.memory_space<vmem>>
      %gather3A_904 = tpu.memref_squeeze %gather3A_903 : memref<1x48x128xf32, #tpu.memory_space<vmem>> -> memref<48x128xf32, #tpu.memory_space<vmem>>
      %gather3A_905 = tpu.vector_load_idx %gather3A_904[%add3A_166, %broadcast_in_dim3A_887] : memref<48x128xf32, #tpu.memory_space<vmem>>[vector<16xi32>, vector<16xi32>], vector<16xf32>,
      %add3A_906 = arith.addf %gather3A_893, %gather3A_905 : vector<16xf32>
      %sub3A_907 = arith.subf %add3A_906, %gather3A_899 : vector<16xf32>
      %mul3A_908 = arith.mulf %sub3A_907, %sub3A_907 : vector<16xf32>
      %add3A_909 = arith.addf %add3A_885, %mul3A_908 : vector<16xf32>
      %broadcast_in_dim3A_910 = arith.constant 31 : i32
      %broadcast_in_dim3A_911 = vector.broadcast %broadcast_in_dim3A_910 : i32 to vector<16xi32>
      %gather3A_912 = arith.constant 0 : i32
      %gather3A_913 = arith.constant 0 : i32
      %gather3A_914 = arith.constant 0 : i32
      %gather3A_915 = tpu.memref_slice %arg11[%gather3A_912, %gather3A_913, %gather3A_914] : memref<2x48x128xf32, #tpu.memory_space<vmem>> -> memref<1x48x128xf32, #tpu.memory_space<vmem>>
      %gather3A_916 = tpu.memref_squeeze %gather3A_915 : memref<1x48x128xf32, #tpu.memory_space<vmem>> -> memref<48x128xf32, #tpu.memory_space<vmem>>
      %gather3A_917 = tpu.vector_load_idx %gather3A_916[%iota3A, %broadcast_in_dim3A_911] : memref<48x128xf32, #tpu.memory_space<vmem>>[vector<16xi32>, vector<16xi32>], vector<16xf32>,
      %gather3A_918 = arith.constant 0 : i32
      %gather3A_919 = arith.constant 0 : i32
      %gather3A_920 = arith.constant 0 : i32
      %gather3A_921 = tpu.memref_slice %arg11[%gather3A_918, %gather3A_919, %gather3A_920] : memref<2x48x128xf32, #tpu.memory_space<vmem>> -> memref<1x48x128xf32, #tpu.memory_space<vmem>>
      %gather3A_922 = tpu.memref_squeeze %gather3A_921 : memref<1x48x128xf32, #tpu.memory_space<vmem>> -> memref<48x128xf32, #tpu.memory_space<vmem>>
      %gather3A_923 = tpu.vector_load_idx %gather3A_922[%add3A_163, %broadcast_in_dim3A_911] : memref<48x128xf32, #tpu.memory_space<vmem>>[vector<16xi32>, vector<16xi32>], vector<16xf32>,
      %gather3A_924 = arith.constant 0 : i32
      %gather3A_925 = arith.constant 0 : i32
      %gather3A_926 = arith.constant 0 : i32
      %gather3A_927 = tpu.memref_slice %arg11[%gather3A_924, %gather3A_925, %gather3A_926] : memref<2x48x128xf32, #tpu.memory_space<vmem>> -> memref<1x48x128xf32, #tpu.memory_space<vmem>>
      %gather3A_928 = tpu.memref_squeeze %gather3A_927 : memref<1x48x128xf32, #tpu.memory_space<vmem>> -> memref<48x128xf32, #tpu.memory_space<vmem>>
      %gather3A_929 = tpu.vector_load_idx %gather3A_928[%add3A_166, %broadcast_in_dim3A_911] : memref<48x128xf32, #tpu.memory_space<vmem>>[vector<16xi32>, vector<16xi32>], vector<16xf32>,
      %add3A_930 = arith.addf %gather3A_917, %gather3A_929 : vector<16xf32>
      %sub3A_931 = arith.subf %add3A_930, %gather3A_923 : vector<16xf32>
      %mul3A_932 = arith.mulf %sub3A_931, %sub3A_931 : vector<16xf32>
      %add3A_933 = arith.addf %add3A_909, %mul3A_932 : vector<16xf32>
      %broadcast_in_dim3A_934 = arith.constant 32 : i32
      %broadcast_in_dim3A_935 = vector.broadcast %broadcast_in_dim3A_934 : i32 to vector<16xi32>
      %gather3A_936 = arith.constant 0 : i32
      %gather3A_937 = arith.constant 0 : i32
      %gather3A_938 = arith.constant 0 : i32
      %gather3A_939 = tpu.memref_slice %arg11[%gather3A_936, %gather3A_937, %gather3A_938] : memref<2x48x128xf32, #tpu.memory_space<vmem>> -> memref<1x48x128xf32, #tpu.memory_space<vmem>>
      %gather3A_940 = tpu.memref_squeeze %gather3A_939 : memref<1x48x128xf32, #tpu.memory_space<vmem>> -> memref<48x128xf32, #tpu.memory_space<vmem>>
      %gather3A_941 = tpu.vector_load_idx %gather3A_940[%iota3A, %broadcast_in_dim3A_935] : memref<48x128xf32, #tpu.memory_space<vmem>>[vector<16xi32>, vector<16xi32>], vector<16xf32>,
      %gather3A_942 = arith.constant 0 : i32
      %gather3A_943 = arith.constant 0 : i32
      %gather3A_944 = arith.constant 0 : i32
      %gather3A_945 = tpu.memref_slice %arg11[%gather3A_942, %gather3A_943, %gather3A_944] : memref<2x48x128xf32, #tpu.memory_space<vmem>> -> memref<1x48x128xf32, #tpu.memory_space<vmem>>
      %gather3A_946 = tpu.memref_squeeze %gather3A_945 : memref<1x48x128xf32, #tpu.memory_space<vmem>> -> memref<48x128xf32, #tpu.memory_space<vmem>>
      %gather3A_947 = tpu.vector_load_idx %gather3A_946[%add3A_163, %broadcast_in_dim3A_935] : memref<48x128xf32, #tpu.memory_space<vmem>>[vector<16xi32>, vector<16xi32>], vector<16xf32>,
      %gather3A_948 = arith.constant 0 : i32
      %gather3A_949 = arith.constant 0 : i32
      %gather3A_950 = arith.constant 0 : i32
      %gather3A_951 = tpu.memref_slice %arg11[%gather3A_948, %gather3A_949, %gather3A_950] : memref<2x48x128xf32, #tpu.memory_space<vmem>> -> memref<1x48x128xf32, #tpu.memory_space<vmem>>
      %gather3A_952 = tpu.memref_squeeze %gather3A_951 : memref<1x48x128xf32, #tpu.memory_space<vmem>> -> memref<48x128xf32, #tpu.memory_space<vmem>>
      %gather3A_953 = tpu.vector_load_idx %gather3A_952[%add3A_166, %broadcast_in_dim3A_935] : memref<48x128xf32, #tpu.memory_space<vmem>>[vector<16xi32>, vector<16xi32>], vector<16xf32>,
      %add3A_954 = arith.addf %gather3A_941, %gather3A_953 : vector<16xf32>
      %sub3A_955 = arith.subf %add3A_954, %gather3A_947 : vector<16xf32>
      %mul3A_956 = arith.mulf %sub3A_955, %sub3A_955 : vector<16xf32>
      %add3A_957 = arith.addf %add3A_933, %mul3A_956 : vector<16xf32>
      %broadcast_in_dim3A_958 = arith.constant 33 : i32
      %broadcast_in_dim3A_959 = vector.broadcast %broadcast_in_dim3A_958 : i32 to vector<16xi32>
      %gather3A_960 = arith.constant 0 : i32
      %gather3A_961 = arith.constant 0 : i32
      %gather3A_962 = arith.constant 0 : i32
      %gather3A_963 = tpu.memref_slice %arg11[%gather3A_960, %gather3A_961, %gather3A_962] : memref<2x48x128xf32, #tpu.memory_space<vmem>> -> memref<1x48x128xf32, #tpu.memory_space<vmem>>
      %gather3A_964 = tpu.memref_squeeze %gather3A_963 : memref<1x48x128xf32, #tpu.memory_space<vmem>> -> memref<48x128xf32, #tpu.memory_space<vmem>>
      %gather3A_965 = tpu.vector_load_idx %gather3A_964[%iota3A, %broadcast_in_dim3A_959] : memref<48x128xf32, #tpu.memory_space<vmem>>[vector<16xi32>, vector<16xi32>], vector<16xf32>,
      %gather3A_966 = arith.constant 0 : i32
      %gather3A_967 = arith.constant 0 : i32
      %gather3A_968 = arith.constant 0 : i32
      %gather3A_969 = tpu.memref_slice %arg11[%gather3A_966, %gather3A_967, %gather3A_968] : memref<2x48x128xf32, #tpu.memory_space<vmem>> -> memref<1x48x128xf32, #tpu.memory_space<vmem>>
      %gather3A_970 = tpu.memref_squeeze %gather3A_969 : memref<1x48x128xf32, #tpu.memory_space<vmem>> -> memref<48x128xf32, #tpu.memory_space<vmem>>
      %gather3A_971 = tpu.vector_load_idx %gather3A_970[%add3A_163, %broadcast_in_dim3A_959] : memref<48x128xf32, #tpu.memory_space<vmem>>[vector<16xi32>, vector<16xi32>], vector<16xf32>,
      %gather3A_972 = arith.constant 0 : i32
      %gather3A_973 = arith.constant 0 : i32
      %gather3A_974 = arith.constant 0 : i32
      %gather3A_975 = tpu.memref_slice %arg11[%gather3A_972, %gather3A_973, %gather3A_974] : memref<2x48x128xf32, #tpu.memory_space<vmem>> -> memref<1x48x128xf32, #tpu.memory_space<vmem>>
      %gather3A_976 = tpu.memref_squeeze %gather3A_975 : memref<1x48x128xf32, #tpu.memory_space<vmem>> -> memref<48x128xf32, #tpu.memory_space<vmem>>
      %gather3A_977 = tpu.vector_load_idx %gather3A_976[%add3A_166, %broadcast_in_dim3A_959] : memref<48x128xf32, #tpu.memory_space<vmem>>[vector<16xi32>, vector<16xi32>], vector<16xf32>,
      %add3A_978 = arith.addf %gather3A_965, %gather3A_977 : vector<16xf32>
      %sub3A_979 = arith.subf %add3A_978, %gather3A_971 : vector<16xf32>
      %mul3A_980 = arith.mulf %sub3A_979, %sub3A_979 : vector<16xf32>
      %add3A_981 = arith.addf %add3A_957, %mul3A_980 : vector<16xf32>
      %broadcast_in_dim3A_982 = arith.constant 34 : i32
      %broadcast_in_dim3A_983 = vector.broadcast %broadcast_in_dim3A_982 : i32 to vector<16xi32>
      %gather3A_984 = arith.constant 0 : i32
      %gather3A_985 = arith.constant 0 : i32
      %gather3A_986 = arith.constant 0 : i32
      %gather3A_987 = tpu.memref_slice %arg11[%gather3A_984, %gather3A_985, %gather3A_986] : memref<2x48x128xf32, #tpu.memory_space<vmem>> -> memref<1x48x128xf32, #tpu.memory_space<vmem>>
      %gather3A_988 = tpu.memref_squeeze %gather3A_987 : memref<1x48x128xf32, #tpu.memory_space<vmem>> -> memref<48x128xf32, #tpu.memory_space<vmem>>
      %gather3A_989 = tpu.vector_load_idx %gather3A_988[%iota3A, %broadcast_in_dim3A_983] : memref<48x128xf32, #tpu.memory_space<vmem>>[vector<16xi32>, vector<16xi32>], vector<16xf32>,
      %gather3A_990 = arith.constant 0 : i32
      %gather3A_991 = arith.constant 0 : i32
      %gather3A_992 = arith.constant 0 : i32
      %gather3A_993 = tpu.memref_slice %arg11[%gather3A_990, %gather3A_991, %gather3A_992] : memref<2x48x128xf32, #tpu.memory_space<vmem>> -> memref<1x48x128xf32, #tpu.memory_space<vmem>>
      %gather3A_994 = tpu.memref_squeeze %gather3A_993 : memref<1x48x128xf32, #tpu.memory_space<vmem>> -> memref<48x128xf32, #tpu.memory_space<vmem>>
      %gather3A_995 = tpu.vector_load_idx %gather3A_994[%add3A_163, %broadcast_in_dim3A_983] : memref<48x128xf32, #tpu.memory_space<vmem>>[vector<16xi32>, vector<16xi32>], vector<16xf32>,
      %gather3A_996 = arith.constant 0 : i32
      %gather3A_997 = arith.constant 0 : i32
      %gather3A_998 = arith.constant 0 : i32
      %gather3A_999 = tpu.memref_slice %arg11[%gather3A_996, %gather3A_997, %gather3A_998] : memref<2x48x128xf32, #tpu.memory_space<vmem>> -> memref<1x48x128xf32, #tpu.memory_space<vmem>>
      %gather3A_1000 = tpu.memref_squeeze %gather3A_999 : memref<1x48x128xf32, #tpu.memory_space<vmem>> -> memref<48x128xf32, #tpu.memory_space<vmem>>
      %gather3A_1001 = tpu.vector_load_idx %gather3A_1000[%add3A_166, %broadcast_in_dim3A_983] : memref<48x128xf32, #tpu.memory_space<vmem>>[vector<16xi32>, vector<16xi32>], vector<16xf32>,
      %add3A_1002 = arith.addf %gather3A_989, %gather3A_1001 : vector<16xf32>
      %sub3A_1003 = arith.subf %add3A_1002, %gather3A_995 : vector<16xf32>
      %mul3A_1004 = arith.mulf %sub3A_1003, %sub3A_1003 : vector<16xf32>
      %add3A_1005 = arith.addf %add3A_981, %mul3A_1004 : vector<16xf32>
      %broadcast_in_dim3A_1006 = arith.constant 35 : i32
      %broadcast_in_dim3A_1007 = vector.broadcast %broadcast_in_dim3A_1006 : i32 to vector<16xi32>
      %gather3A_1008 = arith.constant 0 : i32
      %gather3A_1009 = arith.constant 0 : i32
      %gather3A_1010 = arith.constant 0 : i32
      %gather3A_1011 = tpu.memref_slice %arg11[%gather3A_1008, %gather3A_1009, %gather3A_1010] : memref<2x48x128xf32, #tpu.memory_space<vmem>> -> memref<1x48x128xf32, #tpu.memory_space<vmem>>
      %gather3A_1012 = tpu.memref_squeeze %gather3A_1011 : memref<1x48x128xf32, #tpu.memory_space<vmem>> -> memref<48x128xf32, #tpu.memory_space<vmem>>
      %gather3A_1013 = tpu.vector_load_idx %gather3A_1012[%iota3A, %broadcast_in_dim3A_1007] : memref<48x128xf32, #tpu.memory_space<vmem>>[vector<16xi32>, vector<16xi32>], vector<16xf32>,
      %gather3A_1014 = arith.constant 0 : i32
      %gather3A_1015 = arith.constant 0 : i32
      %gather3A_1016 = arith.constant 0 : i32
      %gather3A_1017 = tpu.memref_slice %arg11[%gather3A_1014, %gather3A_1015, %gather3A_1016] : memref<2x48x128xf32, #tpu.memory_space<vmem>> -> memref<1x48x128xf32, #tpu.memory_space<vmem>>
      %gather3A_1018 = tpu.memref_squeeze %gather3A_1017 : memref<1x48x128xf32, #tpu.memory_space<vmem>> -> memref<48x128xf32, #tpu.memory_space<vmem>>
      %gather3A_1019 = tpu.vector_load_idx %gather3A_1018[%add3A_163, %broadcast_in_dim3A_1007] : memref<48x128xf32, #tpu.memory_space<vmem>>[vector<16xi32>, vector<16xi32>], vector<16xf32>,
      %gather3A_1020 = arith.constant 0 : i32
      %gather3A_1021 = arith.constant 0 : i32
      %gather3A_1022 = arith.constant 0 : i32
      %gather3A_1023 = tpu.memref_slice %arg11[%gather3A_1020, %gather3A_1021, %gather3A_1022] : memref<2x48x128xf32, #tpu.memory_space<vmem>> -> memref<1x48x128xf32, #tpu.memory_space<vmem>>
      %gather3A_1024 = tpu.memref_squeeze %gather3A_1023 : memref<1x48x128xf32, #tpu.memory_space<vmem>> -> memref<48x128xf32, #tpu.memory_space<vmem>>
      %gather3A_1025 = tpu.vector_load_idx %gather3A_1024[%add3A_166, %broadcast_in_dim3A_1007] : memref<48x128xf32, #tpu.memory_space<vmem>>[vector<16xi32>, vector<16xi32>], vector<16xf32>,
      %add3A_1026 = arith.addf %gather3A_1013, %gather3A_1025 : vector<16xf32>
      %sub3A_1027 = arith.subf %add3A_1026, %gather3A_1019 : vector<16xf32>
      %mul3A_1028 = arith.mulf %sub3A_1027, %sub3A_1027 : vector<16xf32>
      %add3A_1029 = arith.addf %add3A_1005, %mul3A_1028 : vector<16xf32>
      %broadcast_in_dim3A_1030 = arith.constant 36 : i32
      %broadcast_in_dim3A_1031 = vector.broadcast %broadcast_in_dim3A_1030 : i32 to vector<16xi32>
      %gather3A_1032 = arith.constant 0 : i32
      %gather3A_1033 = arith.constant 0 : i32
      %gather3A_1034 = arith.constant 0 : i32
      %gather3A_1035 = tpu.memref_slice %arg11[%gather3A_1032, %gather3A_1033, %gather3A_1034] : memref<2x48x128xf32, #tpu.memory_space<vmem>> -> memref<1x48x128xf32, #tpu.memory_space<vmem>>
      %gather3A_1036 = tpu.memref_squeeze %gather3A_1035 : memref<1x48x128xf32, #tpu.memory_space<vmem>> -> memref<48x128xf32, #tpu.memory_space<vmem>>
      %gather3A_1037 = tpu.vector_load_idx %gather3A_1036[%iota3A, %broadcast_in_dim3A_1031] : memref<48x128xf32, #tpu.memory_space<vmem>>[vector<16xi32>, vector<16xi32>], vector<16xf32>,
      %gather3A_1038 = arith.constant 0 : i32
      %gather3A_1039 = arith.constant 0 : i32
      %gather3A_1040 = arith.constant 0 : i32
      %gather3A_1041 = tpu.memref_slice %arg11[%gather3A_1038, %gather3A_1039, %gather3A_1040] : memref<2x48x128xf32, #tpu.memory_space<vmem>> -> memref<1x48x128xf32, #tpu.memory_space<vmem>>
      %gather3A_1042 = tpu.memref_squeeze %gather3A_1041 : memref<1x48x128xf32, #tpu.memory_space<vmem>> -> memref<48x128xf32, #tpu.memory_space<vmem>>
      %gather3A_1043 = tpu.vector_load_idx %gather3A_1042[%add3A_163, %broadcast_in_dim3A_1031] : memref<48x128xf32, #tpu.memory_space<vmem>>[vector<16xi32>, vector<16xi32>], vector<16xf32>,
      %gather3A_1044 = arith.constant 0 : i32
      %gather3A_1045 = arith.constant 0 : i32
      %gather3A_1046 = arith.constant 0 : i32
      %gather3A_1047 = tpu.memref_slice %arg11[%gather3A_1044, %gather3A_1045, %gather3A_1046] : memref<2x48x128xf32, #tpu.memory_space<vmem>> -> memref<1x48x128xf32, #tpu.memory_space<vmem>>
      %gather3A_1048 = tpu.memref_squeeze %gather3A_1047 : memref<1x48x128xf32, #tpu.memory_space<vmem>> -> memref<48x128xf32, #tpu.memory_space<vmem>>
      %gather3A_1049 = tpu.vector_load_idx %gather3A_1048[%add3A_166, %broadcast_in_dim3A_1031] : memref<48x128xf32, #tpu.memory_space<vmem>>[vector<16xi32>, vector<16xi32>], vector<16xf32>,
      %add3A_1050 = arith.addf %gather3A_1037, %gather3A_1049 : vector<16xf32>
      %sub3A_1051 = arith.subf %add3A_1050, %gather3A_1043 : vector<16xf32>
      %mul3A_1052 = arith.mulf %sub3A_1051, %sub3A_1051 : vector<16xf32>
      %add3A_1053 = arith.addf %add3A_1029, %mul3A_1052 : vector<16xf32>
      %broadcast_in_dim3A_1054 = arith.constant 37 : i32
      %broadcast_in_dim3A_1055 = vector.broadcast %broadcast_in_dim3A_1054 : i32 to vector<16xi32>
      %gather3A_1056 = arith.constant 0 : i32
      %gather3A_1057 = arith.constant 0 : i32
      %gather3A_1058 = arith.constant 0 : i32
      %gather3A_1059 = tpu.memref_slice %arg11[%gather3A_1056, %gather3A_1057, %gather3A_1058] : memref<2x48x128xf32, #tpu.memory_space<vmem>> -> memref<1x48x128xf32, #tpu.memory_space<vmem>>
      %gather3A_1060 = tpu.memref_squeeze %gather3A_1059 : memref<1x48x128xf32, #tpu.memory_space<vmem>> -> memref<48x128xf32, #tpu.memory_space<vmem>>
      %gather3A_1061 = tpu.vector_load_idx %gather3A_1060[%iota3A, %broadcast_in_dim3A_1055] : memref<48x128xf32, #tpu.memory_space<vmem>>[vector<16xi32>, vector<16xi32>], vector<16xf32>,
      %gather3A_1062 = arith.constant 0 : i32
      %gather3A_1063 = arith.constant 0 : i32
      %gather3A_1064 = arith.constant 0 : i32
      %gather3A_1065 = tpu.memref_slice %arg11[%gather3A_1062, %gather3A_1063, %gather3A_1064] : memref<2x48x128xf32, #tpu.memory_space<vmem>> -> memref<1x48x128xf32, #tpu.memory_space<vmem>>
      %gather3A_1066 = tpu.memref_squeeze %gather3A_1065 : memref<1x48x128xf32, #tpu.memory_space<vmem>> -> memref<48x128xf32, #tpu.memory_space<vmem>>
      %gather3A_1067 = tpu.vector_load_idx %gather3A_1066[%add3A_163, %broadcast_in_dim3A_1055] : memref<48x128xf32, #tpu.memory_space<vmem>>[vector<16xi32>, vector<16xi32>], vector<16xf32>,
      %gather3A_1068 = arith.constant 0 : i32
      %gather3A_1069 = arith.constant 0 : i32
      %gather3A_1070 = arith.constant 0 : i32
      %gather3A_1071 = tpu.memref_slice %arg11[%gather3A_1068, %gather3A_1069, %gather3A_1070] : memref<2x48x128xf32, #tpu.memory_space<vmem>> -> memref<1x48x128xf32, #tpu.memory_space<vmem>>
      %gather3A_1072 = tpu.memref_squeeze %gather3A_1071 : memref<1x48x128xf32, #tpu.memory_space<vmem>> -> memref<48x128xf32, #tpu.memory_space<vmem>>
      %gather3A_1073 = tpu.vector_load_idx %gather3A_1072[%add3A_166, %broadcast_in_dim3A_1055] : memref<48x128xf32, #tpu.memory_space<vmem>>[vector<16xi32>, vector<16xi32>], vector<16xf32>,
      %add3A_1074 = arith.addf %gather3A_1061, %gather3A_1073 : vector<16xf32>
      %sub3A_1075 = arith.subf %add3A_1074, %gather3A_1067 : vector<16xf32>
      %mul3A_1076 = arith.mulf %sub3A_1075, %sub3A_1075 : vector<16xf32>
      %add3A_1077 = arith.addf %add3A_1053, %mul3A_1076 : vector<16xf32>
      %broadcast_in_dim3A_1078 = arith.constant 38 : i32
      %broadcast_in_dim3A_1079 = vector.broadcast %broadcast_in_dim3A_1078 : i32 to vector<16xi32>
      %gather3A_1080 = arith.constant 0 : i32
      %gather3A_1081 = arith.constant 0 : i32
      %gather3A_1082 = arith.constant 0 : i32
      %gather3A_1083 = tpu.memref_slice %arg11[%gather3A_1080, %gather3A_1081, %gather3A_1082] : memref<2x48x128xf32, #tpu.memory_space<vmem>> -> memref<1x48x128xf32, #tpu.memory_space<vmem>>
      %gather3A_1084 = tpu.memref_squeeze %gather3A_1083 : memref<1x48x128xf32, #tpu.memory_space<vmem>> -> memref<48x128xf32, #tpu.memory_space<vmem>>
      %gather3A_1085 = tpu.vector_load_idx %gather3A_1084[%iota3A, %broadcast_in_dim3A_1079] : memref<48x128xf32, #tpu.memory_space<vmem>>[vector<16xi32>, vector<16xi32>], vector<16xf32>,
      %gather3A_1086 = arith.constant 0 : i32
      %gather3A_1087 = arith.constant 0 : i32
      %gather3A_1088 = arith.constant 0 : i32
      %gather3A_1089 = tpu.memref_slice %arg11[%gather3A_1086, %gather3A_1087, %gather3A_1088] : memref<2x48x128xf32, #tpu.memory_space<vmem>> -> memref<1x48x128xf32, #tpu.memory_space<vmem>>
      %gather3A_1090 = tpu.memref_squeeze %gather3A_1089 : memref<1x48x128xf32, #tpu.memory_space<vmem>> -> memref<48x128xf32, #tpu.memory_space<vmem>>
      %gather3A_1091 = tpu.vector_load_idx %gather3A_1090[%add3A_163, %broadcast_in_dim3A_1079] : memref<48x128xf32, #tpu.memory_space<vmem>>[vector<16xi32>, vector<16xi32>], vector<16xf32>,
      %gather3A_1092 = arith.constant 0 : i32
      %gather3A_1093 = arith.constant 0 : i32
      %gather3A_1094 = arith.constant 0 : i32
      %gather3A_1095 = tpu.memref_slice %arg11[%gather3A_1092, %gather3A_1093, %gather3A_1094] : memref<2x48x128xf32, #tpu.memory_space<vmem>> -> memref<1x48x128xf32, #tpu.memory_space<vmem>>
      %gather3A_1096 = tpu.memref_squeeze %gather3A_1095 : memref<1x48x128xf32, #tpu.memory_space<vmem>> -> memref<48x128xf32, #tpu.memory_space<vmem>>
      %gather3A_1097 = tpu.vector_load_idx %gather3A_1096[%add3A_166, %broadcast_in_dim3A_1079] : memref<48x128xf32, #tpu.memory_space<vmem>>[vector<16xi32>, vector<16xi32>], vector<16xf32>,
      %add3A_1098 = arith.addf %gather3A_1085, %gather3A_1097 : vector<16xf32>
      %sub3A_1099 = arith.subf %add3A_1098, %gather3A_1091 : vector<16xf32>
      %mul3A_1100 = arith.mulf %sub3A_1099, %sub3A_1099 : vector<16xf32>
      %add3A_1101 = arith.addf %add3A_1077, %mul3A_1100 : vector<16xf32>
      %broadcast_in_dim3A_1102 = arith.constant 39 : i32
      %broadcast_in_dim3A_1103 = vector.broadcast %broadcast_in_dim3A_1102 : i32 to vector<16xi32>
      %gather3A_1104 = arith.constant 0 : i32
      %gather3A_1105 = arith.constant 0 : i32
      %gather3A_1106 = arith.constant 0 : i32
      %gather3A_1107 = tpu.memref_slice %arg11[%gather3A_1104, %gather3A_1105, %gather3A_1106] : memref<2x48x128xf32, #tpu.memory_space<vmem>> -> memref<1x48x128xf32, #tpu.memory_space<vmem>>
      %gather3A_1108 = tpu.memref_squeeze %gather3A_1107 : memref<1x48x128xf32, #tpu.memory_space<vmem>> -> memref<48x128xf32, #tpu.memory_space<vmem>>
      %gather3A_1109 = tpu.vector_load_idx %gather3A_1108[%iota3A, %broadcast_in_dim3A_1103] : memref<48x128xf32, #tpu.memory_space<vmem>>[vector<16xi32>, vector<16xi32>], vector<16xf32>,
      %gather3A_1110 = arith.constant 0 : i32
      %gather3A_1111 = arith.constant 0 : i32
      %gather3A_1112 = arith.constant 0 : i32
      %gather3A_1113 = tpu.memref_slice %arg11[%gather3A_1110, %gather3A_1111, %gather3A_1112] : memref<2x48x128xf32, #tpu.memory_space<vmem>> -> memref<1x48x128xf32, #tpu.memory_space<vmem>>
      %gather3A_1114 = tpu.memref_squeeze %gather3A_1113 : memref<1x48x128xf32, #tpu.memory_space<vmem>> -> memref<48x128xf32, #tpu.memory_space<vmem>>
      %gather3A_1115 = tpu.vector_load_idx %gather3A_1114[%add3A_163, %broadcast_in_dim3A_1103] : memref<48x128xf32, #tpu.memory_space<vmem>>[vector<16xi32>, vector<16xi32>], vector<16xf32>,
      %gather3A_1116 = arith.constant 0 : i32
      %gather3A_1117 = arith.constant 0 : i32
      %gather3A_1118 = arith.constant 0 : i32
      %gather3A_1119 = tpu.memref_slice %arg11[%gather3A_1116, %gather3A_1117, %gather3A_1118] : memref<2x48x128xf32, #tpu.memory_space<vmem>> -> memref<1x48x128xf32, #tpu.memory_space<vmem>>
      %gather3A_1120 = tpu.memref_squeeze %gather3A_1119 : memref<1x48x128xf32, #tpu.memory_space<vmem>> -> memref<48x128xf32, #tpu.memory_space<vmem>>
      %gather3A_1121 = tpu.vector_load_idx %gather3A_1120[%add3A_166, %broadcast_in_dim3A_1103] : memref<48x128xf32, #tpu.memory_space<vmem>>[vector<16xi32>, vector<16xi32>], vector<16xf32>,
      %add3A_1122 = arith.addf %gather3A_1109, %gather3A_1121 : vector<16xf32>
      %sub3A_1123 = arith.subf %add3A_1122, %gather3A_1115 : vector<16xf32>
      %mul3A_1124 = arith.mulf %sub3A_1123, %sub3A_1123 : vector<16xf32>
      %add3A_1125 = arith.addf %add3A_1101, %mul3A_1124 : vector<16xf32>
      %broadcast_in_dim3A_1126 = arith.constant 40 : i32
      %broadcast_in_dim3A_1127 = vector.broadcast %broadcast_in_dim3A_1126 : i32 to vector<16xi32>
      %gather3A_1128 = arith.constant 0 : i32
      %gather3A_1129 = arith.constant 0 : i32
      %gather3A_1130 = arith.constant 0 : i32
      %gather3A_1131 = tpu.memref_slice %arg11[%gather3A_1128, %gather3A_1129, %gather3A_1130] : memref<2x48x128xf32, #tpu.memory_space<vmem>> -> memref<1x48x128xf32, #tpu.memory_space<vmem>>
      %gather3A_1132 = tpu.memref_squeeze %gather3A_1131 : memref<1x48x128xf32, #tpu.memory_space<vmem>> -> memref<48x128xf32, #tpu.memory_space<vmem>>
      %gather3A_1133 = tpu.vector_load_idx %gather3A_1132[%iota3A, %broadcast_in_dim3A_1127] : memref<48x128xf32, #tpu.memory_space<vmem>>[vector<16xi32>, vector<16xi32>], vector<16xf32>,
      %gather3A_1134 = arith.constant 0 : i32
      %gather3A_1135 = arith.constant 0 : i32
      %gather3A_1136 = arith.constant 0 : i32
      %gather3A_1137 = tpu.memref_slice %arg11[%gather3A_1134, %gather3A_1135, %gather3A_1136] : memref<2x48x128xf32, #tpu.memory_space<vmem>> -> memref<1x48x128xf32, #tpu.memory_space<vmem>>
      %gather3A_1138 = tpu.memref_squeeze %gather3A_1137 : memref<1x48x128xf32, #tpu.memory_space<vmem>> -> memref<48x128xf32, #tpu.memory_space<vmem>>
      %gather3A_1139 = tpu.vector_load_idx %gather3A_1138[%add3A_163, %broadcast_in_dim3A_1127] : memref<48x128xf32, #tpu.memory_space<vmem>>[vector<16xi32>, vector<16xi32>], vector<16xf32>,
      %gather3A_1140 = arith.constant 0 : i32
      %gather3A_1141 = arith.constant 0 : i32
      %gather3A_1142 = arith.constant 0 : i32
      %gather3A_1143 = tpu.memref_slice %arg11[%gather3A_1140, %gather3A_1141, %gather3A_1142] : memref<2x48x128xf32, #tpu.memory_space<vmem>> -> memref<1x48x128xf32, #tpu.memory_space<vmem>>
      %gather3A_1144 = tpu.memref_squeeze %gather3A_1143 : memref<1x48x128xf32, #tpu.memory_space<vmem>> -> memref<48x128xf32, #tpu.memory_space<vmem>>
      %gather3A_1145 = tpu.vector_load_idx %gather3A_1144[%add3A_166, %broadcast_in_dim3A_1127] : memref<48x128xf32, #tpu.memory_space<vmem>>[vector<16xi32>, vector<16xi32>], vector<16xf32>,
      %add3A_1146 = arith.addf %gather3A_1133, %gather3A_1145 : vector<16xf32>
      %sub3A_1147 = arith.subf %add3A_1146, %gather3A_1139 : vector<16xf32>
      %mul3A_1148 = arith.mulf %sub3A_1147, %sub3A_1147 : vector<16xf32>
      %add3A_1149 = arith.addf %add3A_1125, %mul3A_1148 : vector<16xf32>
      %broadcast_in_dim3A_1150 = arith.constant 41 : i32
      %broadcast_in_dim3A_1151 = vector.broadcast %broadcast_in_dim3A_1150 : i32 to vector<16xi32>
      %gather3A_1152 = arith.constant 0 : i32
      %gather3A_1153 = arith.constant 0 : i32
      %gather3A_1154 = arith.constant 0 : i32
      %gather3A_1155 = tpu.memref_slice %arg11[%gather3A_1152, %gather3A_1153, %gather3A_1154] : memref<2x48x128xf32, #tpu.memory_space<vmem>> -> memref<1x48x128xf32, #tpu.memory_space<vmem>>
      %gather3A_1156 = tpu.memref_squeeze %gather3A_1155 : memref<1x48x128xf32, #tpu.memory_space<vmem>> -> memref<48x128xf32, #tpu.memory_space<vmem>>
      %gather3A_1157 = tpu.vector_load_idx %gather3A_1156[%iota3A, %broadcast_in_dim3A_1151] : memref<48x128xf32, #tpu.memory_space<vmem>>[vector<16xi32>, vector<16xi32>], vector<16xf32>,
      %gather3A_1158 = arith.constant 0 : i32
      %gather3A_1159 = arith.constant 0 : i32
      %gather3A_1160 = arith.constant 0 : i32
      %gather3A_1161 = tpu.memref_slice %arg11[%gather3A_1158, %gather3A_1159, %gather3A_1160] : memref<2x48x128xf32, #tpu.memory_space<vmem>> -> memref<1x48x128xf32, #tpu.memory_space<vmem>>
      %gather3A_1162 = tpu.memref_squeeze %gather3A_1161 : memref<1x48x128xf32, #tpu.memory_space<vmem>> -> memref<48x128xf32, #tpu.memory_space<vmem>>
      %gather3A_1163 = tpu.vector_load_idx %gather3A_1162[%add3A_163, %broadcast_in_dim3A_1151] : memref<48x128xf32, #tpu.memory_space<vmem>>[vector<16xi32>, vector<16xi32>], vector<16xf32>,
      %gather3A_1164 = arith.constant 0 : i32
      %gather3A_1165 = arith.constant 0 : i32
      %gather3A_1166 = arith.constant 0 : i32
      %gather3A_1167 = tpu.memref_slice %arg11[%gather3A_1164, %gather3A_1165, %gather3A_1166] : memref<2x48x128xf32, #tpu.memory_space<vmem>> -> memref<1x48x128xf32, #tpu.memory_space<vmem>>
      %gather3A_1168 = tpu.memref_squeeze %gather3A_1167 : memref<1x48x128xf32, #tpu.memory_space<vmem>> -> memref<48x128xf32, #tpu.memory_space<vmem>>
      %gather3A_1169 = tpu.vector_load_idx %gather3A_1168[%add3A_166, %broadcast_in_dim3A_1151] : memref<48x128xf32, #tpu.memory_space<vmem>>[vector<16xi32>, vector<16xi32>], vector<16xf32>,
      %add3A_1170 = arith.addf %gather3A_1157, %gather3A_1169 : vector<16xf32>
      %sub3A_1171 = arith.subf %add3A_1170, %gather3A_1163 : vector<16xf32>
      %mul3A_1172 = arith.mulf %sub3A_1171, %sub3A_1171 : vector<16xf32>
      %add3A_1173 = arith.addf %add3A_1149, %mul3A_1172 : vector<16xf32>
      %broadcast_in_dim3A_1174 = arith.constant 42 : i32
      %broadcast_in_dim3A_1175 = vector.broadcast %broadcast_in_dim3A_1174 : i32 to vector<16xi32>
      %gather3A_1176 = arith.constant 0 : i32
      %gather3A_1177 = arith.constant 0 : i32
      %gather3A_1178 = arith.constant 0 : i32
      %gather3A_1179 = tpu.memref_slice %arg11[%gather3A_1176, %gather3A_1177, %gather3A_1178] : memref<2x48x128xf32, #tpu.memory_space<vmem>> -> memref<1x48x128xf32, #tpu.memory_space<vmem>>
      %gather3A_1180 = tpu.memref_squeeze %gather3A_1179 : memref<1x48x128xf32, #tpu.memory_space<vmem>> -> memref<48x128xf32, #tpu.memory_space<vmem>>
      %gather3A_1181 = tpu.vector_load_idx %gather3A_1180[%iota3A, %broadcast_in_dim3A_1175] : memref<48x128xf32, #tpu.memory_space<vmem>>[vector<16xi32>, vector<16xi32>], vector<16xf32>,
      %gather3A_1182 = arith.constant 0 : i32
      %gather3A_1183 = arith.constant 0 : i32
      %gather3A_1184 = arith.constant 0 : i32
      %gather3A_1185 = tpu.memref_slice %arg11[%gather3A_1182, %gather3A_1183, %gather3A_1184] : memref<2x48x128xf32, #tpu.memory_space<vmem>> -> memref<1x48x128xf32, #tpu.memory_space<vmem>>
      %gather3A_1186 = tpu.memref_squeeze %gather3A_1185 : memref<1x48x128xf32, #tpu.memory_space<vmem>> -> memref<48x128xf32, #tpu.memory_space<vmem>>
      %gather3A_1187 = tpu.vector_load_idx %gather3A_1186[%add3A_163, %broadcast_in_dim3A_1175] : memref<48x128xf32, #tpu.memory_space<vmem>>[vector<16xi32>, vector<16xi32>], vector<16xf32>,
      %gather3A_1188 = arith.constant 0 : i32
      %gather3A_1189 = arith.constant 0 : i32
      %gather3A_1190 = arith.constant 0 : i32
      %gather3A_1191 = tpu.memref_slice %arg11[%gather3A_1188, %gather3A_1189, %gather3A_1190] : memref<2x48x128xf32, #tpu.memory_space<vmem>> -> memref<1x48x128xf32, #tpu.memory_space<vmem>>
      %gather3A_1192 = tpu.memref_squeeze %gather3A_1191 : memref<1x48x128xf32, #tpu.memory_space<vmem>> -> memref<48x128xf32, #tpu.memory_space<vmem>>
      %gather3A_1193 = tpu.vector_load_idx %gather3A_1192[%add3A_166, %broadcast_in_dim3A_1175] : memref<48x128xf32, #tpu.memory_space<vmem>>[vector<16xi32>, vector<16xi32>], vector<16xf32>,
      %add3A_1194 = arith.addf %gather3A_1181, %gather3A_1193 : vector<16xf32>
      %sub3A_1195 = arith.subf %add3A_1194, %gather3A_1187 : vector<16xf32>
      %mul3A_1196 = arith.mulf %sub3A_1195, %sub3A_1195 : vector<16xf32>
      %add3A_1197 = arith.addf %add3A_1173, %mul3A_1196 : vector<16xf32>
      %broadcast_in_dim3A_1198 = arith.constant 43 : i32
      %broadcast_in_dim3A_1199 = vector.broadcast %broadcast_in_dim3A_1198 : i32 to vector<16xi32>
      %gather3A_1200 = arith.constant 0 : i32
      %gather3A_1201 = arith.constant 0 : i32
      %gather3A_1202 = arith.constant 0 : i32
      %gather3A_1203 = tpu.memref_slice %arg11[%gather3A_1200, %gather3A_1201, %gather3A_1202] : memref<2x48x128xf32, #tpu.memory_space<vmem>> -> memref<1x48x128xf32, #tpu.memory_space<vmem>>
      %gather3A_1204 = tpu.memref_squeeze %gather3A_1203 : memref<1x48x128xf32, #tpu.memory_space<vmem>> -> memref<48x128xf32, #tpu.memory_space<vmem>>
      %gather3A_1205 = tpu.vector_load_idx %gather3A_1204[%iota3A, %broadcast_in_dim3A_1199] : memref<48x128xf32, #tpu.memory_space<vmem>>[vector<16xi32>, vector<16xi32>], vector<16xf32>,
      %gather3A_1206 = arith.constant 0 : i32
      %gather3A_1207 = arith.constant 0 : i32
      %gather3A_1208 = arith.constant 0 : i32
      %gather3A_1209 = tpu.memref_slice %arg11[%gather3A_1206, %gather3A_1207, %gather3A_1208] : memref<2x48x128xf32, #tpu.memory_space<vmem>> -> memref<1x48x128xf32, #tpu.memory_space<vmem>>
      %gather3A_1210 = tpu.memref_squeeze %gather3A_1209 : memref<1x48x128xf32, #tpu.memory_space<vmem>> -> memref<48x128xf32, #tpu.memory_space<vmem>>
      %gather3A_1211 = tpu.vector_load_idx %gather3A_1210[%add3A_163, %broadcast_in_dim3A_1199] : memref<48x128xf32, #tpu.memory_space<vmem>>[vector<16xi32>, vector<16xi32>], vector<16xf32>,
      %gather3A_1212 = arith.constant 0 : i32
      %gather3A_1213 = arith.constant 0 : i32
      %gather3A_1214 = arith.constant 0 : i32
      %gather3A_1215 = tpu.memref_slice %arg11[%gather3A_1212, %gather3A_1213, %gather3A_1214] : memref<2x48x128xf32, #tpu.memory_space<vmem>> -> memref<1x48x128xf32, #tpu.memory_space<vmem>>
      %gather3A_1216 = tpu.memref_squeeze %gather3A_1215 : memref<1x48x128xf32, #tpu.memory_space<vmem>> -> memref<48x128xf32, #tpu.memory_space<vmem>>
      %gather3A_1217 = tpu.vector_load_idx %gather3A_1216[%add3A_166, %broadcast_in_dim3A_1199] : memref<48x128xf32, #tpu.memory_space<vmem>>[vector<16xi32>, vector<16xi32>], vector<16xf32>,
      %add3A_1218 = arith.addf %gather3A_1205, %gather3A_1217 : vector<16xf32>
      %sub3A_1219 = arith.subf %add3A_1218, %gather3A_1211 : vector<16xf32>
      %mul3A_1220 = arith.mulf %sub3A_1219, %sub3A_1219 : vector<16xf32>
      %add3A_1221 = arith.addf %add3A_1197, %mul3A_1220 : vector<16xf32>
      %broadcast_in_dim3A_1222 = arith.constant 44 : i32
      %broadcast_in_dim3A_1223 = vector.broadcast %broadcast_in_dim3A_1222 : i32 to vector<16xi32>
      %gather3A_1224 = arith.constant 0 : i32
      %gather3A_1225 = arith.constant 0 : i32
      %gather3A_1226 = arith.constant 0 : i32
      %gather3A_1227 = tpu.memref_slice %arg11[%gather3A_1224, %gather3A_1225, %gather3A_1226] : memref<2x48x128xf32, #tpu.memory_space<vmem>> -> memref<1x48x128xf32, #tpu.memory_space<vmem>>
      %gather3A_1228 = tpu.memref_squeeze %gather3A_1227 : memref<1x48x128xf32, #tpu.memory_space<vmem>> -> memref<48x128xf32, #tpu.memory_space<vmem>>
      %gather3A_1229 = tpu.vector_load_idx %gather3A_1228[%iota3A, %broadcast_in_dim3A_1223] : memref<48x128xf32, #tpu.memory_space<vmem>>[vector<16xi32>, vector<16xi32>], vector<16xf32>,
      %gather3A_1230 = arith.constant 0 : i32
      %gather3A_1231 = arith.constant 0 : i32
      %gather3A_1232 = arith.constant 0 : i32
      %gather3A_1233 = tpu.memref_slice %arg11[%gather3A_1230, %gather3A_1231, %gather3A_1232] : memref<2x48x128xf32, #tpu.memory_space<vmem>> -> memref<1x48x128xf32, #tpu.memory_space<vmem>>
      %gather3A_1234 = tpu.memref_squeeze %gather3A_1233 : memref<1x48x128xf32, #tpu.memory_space<vmem>> -> memref<48x128xf32, #tpu.memory_space<vmem>>
      %gather3A_1235 = tpu.vector_load_idx %gather3A_1234[%add3A_163, %broadcast_in_dim3A_1223] : memref<48x128xf32, #tpu.memory_space<vmem>>[vector<16xi32>, vector<16xi32>], vector<16xf32>,
      %gather3A_1236 = arith.constant 0 : i32
      %gather3A_1237 = arith.constant 0 : i32
      %gather3A_1238 = arith.constant 0 : i32
      %gather3A_1239 = tpu.memref_slice %arg11[%gather3A_1236, %gather3A_1237, %gather3A_1238] : memref<2x48x128xf32, #tpu.memory_space<vmem>> -> memref<1x48x128xf32, #tpu.memory_space<vmem>>
      %gather3A_1240 = tpu.memref_squeeze %gather3A_1239 : memref<1x48x128xf32, #tpu.memory_space<vmem>> -> memref<48x128xf32, #tpu.memory_space<vmem>>
      %gather3A_1241 = tpu.vector_load_idx %gather3A_1240[%add3A_166, %broadcast_in_dim3A_1223] : memref<48x128xf32, #tpu.memory_space<vmem>>[vector<16xi32>, vector<16xi32>], vector<16xf32>,
      %add3A_1242 = arith.addf %gather3A_1229, %gather3A_1241 : vector<16xf32>
      %sub3A_1243 = arith.subf %add3A_1242, %gather3A_1235 : vector<16xf32>
      %mul3A_1244 = arith.mulf %sub3A_1243, %sub3A_1243 : vector<16xf32>
      %add3A_1245 = arith.addf %add3A_1221, %mul3A_1244 : vector<16xf32>
      %broadcast_in_dim3A_1246 = arith.constant 45 : i32
      %broadcast_in_dim3A_1247 = vector.broadcast %broadcast_in_dim3A_1246 : i32 to vector<16xi32>
      %gather3A_1248 = arith.constant 0 : i32
      %gather3A_1249 = arith.constant 0 : i32
      %gather3A_1250 = arith.constant 0 : i32
      %gather3A_1251 = tpu.memref_slice %arg11[%gather3A_1248, %gather3A_1249, %gather3A_1250] : memref<2x48x128xf32, #tpu.memory_space<vmem>> -> memref<1x48x128xf32, #tpu.memory_space<vmem>>
      %gather3A_1252 = tpu.memref_squeeze %gather3A_1251 : memref<1x48x128xf32, #tpu.memory_space<vmem>> -> memref<48x128xf32, #tpu.memory_space<vmem>>
      %gather3A_1253 = tpu.vector_load_idx %gather3A_1252[%iota3A, %broadcast_in_dim3A_1247] : memref<48x128xf32, #tpu.memory_space<vmem>>[vector<16xi32>, vector<16xi32>], vector<16xf32>,
      %gather3A_1254 = arith.constant 0 : i32
      %gather3A_1255 = arith.constant 0 : i32
      %gather3A_1256 = arith.constant 0 : i32
      %gather3A_1257 = tpu.memref_slice %arg11[%gather3A_1254, %gather3A_1255, %gather3A_1256] : memref<2x48x128xf32, #tpu.memory_space<vmem>> -> memref<1x48x128xf32, #tpu.memory_space<vmem>>
      %gather3A_1258 = tpu.memref_squeeze %gather3A_1257 : memref<1x48x128xf32, #tpu.memory_space<vmem>> -> memref<48x128xf32, #tpu.memory_space<vmem>>
      %gather3A_1259 = tpu.vector_load_idx %gather3A_1258[%add3A_163, %broadcast_in_dim3A_1247] : memref<48x128xf32, #tpu.memory_space<vmem>>[vector<16xi32>, vector<16xi32>], vector<16xf32>,
      %gather3A_1260 = arith.constant 0 : i32
      %gather3A_1261 = arith.constant 0 : i32
      %gather3A_1262 = arith.constant 0 : i32
      %gather3A_1263 = tpu.memref_slice %arg11[%gather3A_1260, %gather3A_1261, %gather3A_1262] : memref<2x48x128xf32, #tpu.memory_space<vmem>> -> memref<1x48x128xf32, #tpu.memory_space<vmem>>
      %gather3A_1264 = tpu.memref_squeeze %gather3A_1263 : memref<1x48x128xf32, #tpu.memory_space<vmem>> -> memref<48x128xf32, #tpu.memory_space<vmem>>
      %gather3A_1265 = tpu.vector_load_idx %gather3A_1264[%add3A_166, %broadcast_in_dim3A_1247] : memref<48x128xf32, #tpu.memory_space<vmem>>[vector<16xi32>, vector<16xi32>], vector<16xf32>,
      %add3A_1266 = arith.addf %gather3A_1253, %gather3A_1265 : vector<16xf32>
      %sub3A_1267 = arith.subf %add3A_1266, %gather3A_1259 : vector<16xf32>
      %mul3A_1268 = arith.mulf %sub3A_1267, %sub3A_1267 : vector<16xf32>
      %add3A_1269 = arith.addf %add3A_1245, %mul3A_1268 : vector<16xf32>
      %broadcast_in_dim3A_1270 = arith.constant 46 : i32
      %broadcast_in_dim3A_1271 = vector.broadcast %broadcast_in_dim3A_1270 : i32 to vector<16xi32>
      %gather3A_1272 = arith.constant 0 : i32
      %gather3A_1273 = arith.constant 0 : i32
      %gather3A_1274 = arith.constant 0 : i32
      %gather3A_1275 = tpu.memref_slice %arg11[%gather3A_1272, %gather3A_1273, %gather3A_1274] : memref<2x48x128xf32, #tpu.memory_space<vmem>> -> memref<1x48x128xf32, #tpu.memory_space<vmem>>
      %gather3A_1276 = tpu.memref_squeeze %gather3A_1275 : memref<1x48x128xf32, #tpu.memory_space<vmem>> -> memref<48x128xf32, #tpu.memory_space<vmem>>
      %gather3A_1277 = tpu.vector_load_idx %gather3A_1276[%iota3A, %broadcast_in_dim3A_1271] : memref<48x128xf32, #tpu.memory_space<vmem>>[vector<16xi32>, vector<16xi32>], vector<16xf32>,
      %gather3A_1278 = arith.constant 0 : i32
      %gather3A_1279 = arith.constant 0 : i32
      %gather3A_1280 = arith.constant 0 : i32
      %gather3A_1281 = tpu.memref_slice %arg11[%gather3A_1278, %gather3A_1279, %gather3A_1280] : memref<2x48x128xf32, #tpu.memory_space<vmem>> -> memref<1x48x128xf32, #tpu.memory_space<vmem>>
      %gather3A_1282 = tpu.memref_squeeze %gather3A_1281 : memref<1x48x128xf32, #tpu.memory_space<vmem>> -> memref<48x128xf32, #tpu.memory_space<vmem>>
      %gather3A_1283 = tpu.vector_load_idx %gather3A_1282[%add3A_163, %broadcast_in_dim3A_1271] : memref<48x128xf32, #tpu.memory_space<vmem>>[vector<16xi32>, vector<16xi32>], vector<16xf32>,
      %gather3A_1284 = arith.constant 0 : i32
      %gather3A_1285 = arith.constant 0 : i32
      %gather3A_1286 = arith.constant 0 : i32
      %gather3A_1287 = tpu.memref_slice %arg11[%gather3A_1284, %gather3A_1285, %gather3A_1286] : memref<2x48x128xf32, #tpu.memory_space<vmem>> -> memref<1x48x128xf32, #tpu.memory_space<vmem>>
      %gather3A_1288 = tpu.memref_squeeze %gather3A_1287 : memref<1x48x128xf32, #tpu.memory_space<vmem>> -> memref<48x128xf32, #tpu.memory_space<vmem>>
      %gather3A_1289 = tpu.vector_load_idx %gather3A_1288[%add3A_166, %broadcast_in_dim3A_1271] : memref<48x128xf32, #tpu.memory_space<vmem>>[vector<16xi32>, vector<16xi32>], vector<16xf32>,
      %add3A_1290 = arith.addf %gather3A_1277, %gather3A_1289 : vector<16xf32>
      %sub3A_1291 = arith.subf %add3A_1290, %gather3A_1283 : vector<16xf32>
      %mul3A_1292 = arith.mulf %sub3A_1291, %sub3A_1291 : vector<16xf32>
      %add3A_1293 = arith.addf %add3A_1269, %mul3A_1292 : vector<16xf32>
      %broadcast_in_dim3A_1294 = arith.constant 47 : i32
      %broadcast_in_dim3A_1295 = vector.broadcast %broadcast_in_dim3A_1294 : i32 to vector<16xi32>
      %gather3A_1296 = arith.constant 0 : i32
      %gather3A_1297 = arith.constant 0 : i32
      %gather3A_1298 = arith.constant 0 : i32
      %gather3A_1299 = tpu.memref_slice %arg11[%gather3A_1296, %gather3A_1297, %gather3A_1298] : memref<2x48x128xf32, #tpu.memory_space<vmem>> -> memref<1x48x128xf32, #tpu.memory_space<vmem>>
      %gather3A_1300 = tpu.memref_squeeze %gather3A_1299 : memref<1x48x128xf32, #tpu.memory_space<vmem>> -> memref<48x128xf32, #tpu.memory_space<vmem>>
      %gather3A_1301 = tpu.vector_load_idx %gather3A_1300[%iota3A, %broadcast_in_dim3A_1295] : memref<48x128xf32, #tpu.memory_space<vmem>>[vector<16xi32>, vector<16xi32>], vector<16xf32>,
      %gather3A_1302 = arith.constant 0 : i32
      %gather3A_1303 = arith.constant 0 : i32
      %gather3A_1304 = arith.constant 0 : i32
      %gather3A_1305 = tpu.memref_slice %arg11[%gather3A_1302, %gather3A_1303, %gather3A_1304] : memref<2x48x128xf32, #tpu.memory_space<vmem>> -> memref<1x48x128xf32, #tpu.memory_space<vmem>>
      %gather3A_1306 = tpu.memref_squeeze %gather3A_1305 : memref<1x48x128xf32, #tpu.memory_space<vmem>> -> memref<48x128xf32, #tpu.memory_space<vmem>>
      %gather3A_1307 = tpu.vector_load_idx %gather3A_1306[%add3A_163, %broadcast_in_dim3A_1295] : memref<48x128xf32, #tpu.memory_space<vmem>>[vector<16xi32>, vector<16xi32>], vector<16xf32>,
      %gather3A_1308 = arith.constant 0 : i32
      %gather3A_1309 = arith.constant 0 : i32
      %gather3A_1310 = arith.constant 0 : i32
      %gather3A_1311 = tpu.memref_slice %arg11[%gather3A_1308, %gather3A_1309, %gather3A_1310] : memref<2x48x128xf32, #tpu.memory_space<vmem>> -> memref<1x48x128xf32, #tpu.memory_space<vmem>>
      %gather3A_1312 = tpu.memref_squeeze %gather3A_1311 : memref<1x48x128xf32, #tpu.memory_space<vmem>> -> memref<48x128xf32, #tpu.memory_space<vmem>>
      %gather3A_1313 = tpu.vector_load_idx %gather3A_1312[%add3A_166, %broadcast_in_dim3A_1295] : memref<48x128xf32, #tpu.memory_space<vmem>>[vector<16xi32>, vector<16xi32>], vector<16xf32>,
      %add3A_1314 = arith.addf %gather3A_1301, %gather3A_1313 : vector<16xf32>
      %sub3A_1315 = arith.subf %add3A_1314, %gather3A_1307 : vector<16xf32>
      %mul3A_1316 = arith.mulf %sub3A_1315, %sub3A_1315 : vector<16xf32>
      %add3A_1317 = arith.addf %add3A_1293, %mul3A_1316 : vector<16xf32>
      %broadcast_in_dim3A_1318 = arith.constant 48 : i32
      %broadcast_in_dim3A_1319 = vector.broadcast %broadcast_in_dim3A_1318 : i32 to vector<16xi32>
      %gather3A_1320 = arith.constant 0 : i32
      %gather3A_1321 = arith.constant 0 : i32
      %gather3A_1322 = arith.constant 0 : i32
      %gather3A_1323 = tpu.memref_slice %arg11[%gather3A_1320, %gather3A_1321, %gather3A_1322] : memref<2x48x128xf32, #tpu.memory_space<vmem>> -> memref<1x48x128xf32, #tpu.memory_space<vmem>>
      %gather3A_1324 = tpu.memref_squeeze %gather3A_1323 : memref<1x48x128xf32, #tpu.memory_space<vmem>> -> memref<48x128xf32, #tpu.memory_space<vmem>>
      %gather3A_1325 = tpu.vector_load_idx %gather3A_1324[%iota3A, %broadcast_in_dim3A_1319] : memref<48x128xf32, #tpu.memory_space<vmem>>[vector<16xi32>, vector<16xi32>], vector<16xf32>,
      %gather3A_1326 = arith.constant 0 : i32
      %gather3A_1327 = arith.constant 0 : i32
      %gather3A_1328 = arith.constant 0 : i32
      %gather3A_1329 = tpu.memref_slice %arg11[%gather3A_1326, %gather3A_1327, %gather3A_1328] : memref<2x48x128xf32, #tpu.memory_space<vmem>> -> memref<1x48x128xf32, #tpu.memory_space<vmem>>
      %gather3A_1330 = tpu.memref_squeeze %gather3A_1329 : memref<1x48x128xf32, #tpu.memory_space<vmem>> -> memref<48x128xf32, #tpu.memory_space<vmem>>
      %gather3A_1331 = tpu.vector_load_idx %gather3A_1330[%add3A_163, %broadcast_in_dim3A_1319] : memref<48x128xf32, #tpu.memory_space<vmem>>[vector<16xi32>, vector<16xi32>], vector<16xf32>,
      %gather3A_1332 = arith.constant 0 : i32
      %gather3A_1333 = arith.constant 0 : i32
      %gather3A_1334 = arith.constant 0 : i32
      %gather3A_1335 = tpu.memref_slice %arg11[%gather3A_1332, %gather3A_1333, %gather3A_1334] : memref<2x48x128xf32, #tpu.memory_space<vmem>> -> memref<1x48x128xf32, #tpu.memory_space<vmem>>
      %gather3A_1336 = tpu.memref_squeeze %gather3A_1335 : memref<1x48x128xf32, #tpu.memory_space<vmem>> -> memref<48x128xf32, #tpu.memory_space<vmem>>
      %gather3A_1337 = tpu.vector_load_idx %gather3A_1336[%add3A_166, %broadcast_in_dim3A_1319] : memref<48x128xf32, #tpu.memory_space<vmem>>[vector<16xi32>, vector<16xi32>], vector<16xf32>,
      %add3A_1338 = arith.addf %gather3A_1325, %gather3A_1337 : vector<16xf32>
      %sub3A_1339 = arith.subf %add3A_1338, %gather3A_1331 : vector<16xf32>
      %mul3A_1340 = arith.mulf %sub3A_1339, %sub3A_1339 : vector<16xf32>
      %add3A_1341 = arith.addf %add3A_1317, %mul3A_1340 : vector<16xf32>
      %broadcast_in_dim3A_1342 = arith.constant 49 : i32
      %broadcast_in_dim3A_1343 = vector.broadcast %broadcast_in_dim3A_1342 : i32 to vector<16xi32>
      %gather3A_1344 = arith.constant 0 : i32
      %gather3A_1345 = arith.constant 0 : i32
      %gather3A_1346 = arith.constant 0 : i32
      %gather3A_1347 = tpu.memref_slice %arg11[%gather3A_1344, %gather3A_1345, %gather3A_1346] : memref<2x48x128xf32, #tpu.memory_space<vmem>> -> memref<1x48x128xf32, #tpu.memory_space<vmem>>
      %gather3A_1348 = tpu.memref_squeeze %gather3A_1347 : memref<1x48x128xf32, #tpu.memory_space<vmem>> -> memref<48x128xf32, #tpu.memory_space<vmem>>
      %gather3A_1349 = tpu.vector_load_idx %gather3A_1348[%iota3A, %broadcast_in_dim3A_1343] : memref<48x128xf32, #tpu.memory_space<vmem>>[vector<16xi32>, vector<16xi32>], vector<16xf32>,
      %gather3A_1350 = arith.constant 0 : i32
      %gather3A_1351 = arith.constant 0 : i32
      %gather3A_1352 = arith.constant 0 : i32
      %gather3A_1353 = tpu.memref_slice %arg11[%gather3A_1350, %gather3A_1351, %gather3A_1352] : memref<2x48x128xf32, #tpu.memory_space<vmem>> -> memref<1x48x128xf32, #tpu.memory_space<vmem>>
      %gather3A_1354 = tpu.memref_squeeze %gather3A_1353 : memref<1x48x128xf32, #tpu.memory_space<vmem>> -> memref<48x128xf32, #tpu.memory_space<vmem>>
      %gather3A_1355 = tpu.vector_load_idx %gather3A_1354[%add3A_163, %broadcast_in_dim3A_1343] : memref<48x128xf32, #tpu.memory_space<vmem>>[vector<16xi32>, vector<16xi32>], vector<16xf32>,
      %gather3A_1356 = arith.constant 0 : i32
      %gather3A_1357 = arith.constant 0 : i32
      %gather3A_1358 = arith.constant 0 : i32
      %gather3A_1359 = tpu.memref_slice %arg11[%gather3A_1356, %gather3A_1357, %gather3A_1358] : memref<2x48x128xf32, #tpu.memory_space<vmem>> -> memref<1x48x128xf32, #tpu.memory_space<vmem>>
      %gather3A_1360 = tpu.memref_squeeze %gather3A_1359 : memref<1x48x128xf32, #tpu.memory_space<vmem>> -> memref<48x128xf32, #tpu.memory_space<vmem>>
      %gather3A_1361 = tpu.vector_load_idx %gather3A_1360[%add3A_166, %broadcast_in_dim3A_1343] : memref<48x128xf32, #tpu.memory_space<vmem>>[vector<16xi32>, vector<16xi32>], vector<16xf32>,
      %add3A_1362 = arith.addf %gather3A_1349, %gather3A_1361 : vector<16xf32>
      %sub3A_1363 = arith.subf %add3A_1362, %gather3A_1355 : vector<16xf32>
      %mul3A_1364 = arith.mulf %sub3A_1363, %sub3A_1363 : vector<16xf32>
      %add3A_1365 = arith.addf %add3A_1341, %mul3A_1364 : vector<16xf32>
      %broadcast_in_dim3A_1366 = arith.constant 50 : i32
      %broadcast_in_dim3A_1367 = vector.broadcast %broadcast_in_dim3A_1366 : i32 to vector<16xi32>
      %gather3A_1368 = arith.constant 0 : i32
      %gather3A_1369 = arith.constant 0 : i32
      %gather3A_1370 = arith.constant 0 : i32
      %gather3A_1371 = tpu.memref_slice %arg11[%gather3A_1368, %gather3A_1369, %gather3A_1370] : memref<2x48x128xf32, #tpu.memory_space<vmem>> -> memref<1x48x128xf32, #tpu.memory_space<vmem>>
      %gather3A_1372 = tpu.memref_squeeze %gather3A_1371 : memref<1x48x128xf32, #tpu.memory_space<vmem>> -> memref<48x128xf32, #tpu.memory_space<vmem>>
      %gather3A_1373 = tpu.vector_load_idx %gather3A_1372[%iota3A, %broadcast_in_dim3A_1367] : memref<48x128xf32, #tpu.memory_space<vmem>>[vector<16xi32>, vector<16xi32>], vector<16xf32>,
      %gather3A_1374 = arith.constant 0 : i32
      %gather3A_1375 = arith.constant 0 : i32
      %gather3A_1376 = arith.constant 0 : i32
      %gather3A_1377 = tpu.memref_slice %arg11[%gather3A_1374, %gather3A_1375, %gather3A_1376] : memref<2x48x128xf32, #tpu.memory_space<vmem>> -> memref<1x48x128xf32, #tpu.memory_space<vmem>>
      %gather3A_1378 = tpu.memref_squeeze %gather3A_1377 : memref<1x48x128xf32, #tpu.memory_space<vmem>> -> memref<48x128xf32, #tpu.memory_space<vmem>>
      %gather3A_1379 = tpu.vector_load_idx %gather3A_1378[%add3A_163, %broadcast_in_dim3A_1367] : memref<48x128xf32, #tpu.memory_space<vmem>>[vector<16xi32>, vector<16xi32>], vector<16xf32>,
      %gather3A_1380 = arith.constant 0 : i32
      %gather3A_1381 = arith.constant 0 : i32
      %gather3A_1382 = arith.constant 0 : i32
      %gather3A_1383 = tpu.memref_slice %arg11[%gather3A_1380, %gather3A_1381, %gather3A_1382] : memref<2x48x128xf32, #tpu.memory_space<vmem>> -> memref<1x48x128xf32, #tpu.memory_space<vmem>>
      %gather3A_1384 = tpu.memref_squeeze %gather3A_1383 : memref<1x48x128xf32, #tpu.memory_space<vmem>> -> memref<48x128xf32, #tpu.memory_space<vmem>>
      %gather3A_1385 = tpu.vector_load_idx %gather3A_1384[%add3A_166, %broadcast_in_dim3A_1367] : memref<48x128xf32, #tpu.memory_space<vmem>>[vector<16xi32>, vector<16xi32>], vector<16xf32>,
      %add3A_1386 = arith.addf %gather3A_1373, %gather3A_1385 : vector<16xf32>
      %sub3A_1387 = arith.subf %add3A_1386, %gather3A_1379 : vector<16xf32>
      %mul3A_1388 = arith.mulf %sub3A_1387, %sub3A_1387 : vector<16xf32>
      %add3A_1389 = arith.addf %add3A_1365, %mul3A_1388 : vector<16xf32>
      %broadcast_in_dim3A_1390 = arith.constant 51 : i32
      %broadcast_in_dim3A_1391 = vector.broadcast %broadcast_in_dim3A_1390 : i32 to vector<16xi32>
      %gather3A_1392 = arith.constant 0 : i32
      %gather3A_1393 = arith.constant 0 : i32
      %gather3A_1394 = arith.constant 0 : i32
      %gather3A_1395 = tpu.memref_slice %arg11[%gather3A_1392, %gather3A_1393, %gather3A_1394] : memref<2x48x128xf32, #tpu.memory_space<vmem>> -> memref<1x48x128xf32, #tpu.memory_space<vmem>>
      %gather3A_1396 = tpu.memref_squeeze %gather3A_1395 : memref<1x48x128xf32, #tpu.memory_space<vmem>> -> memref<48x128xf32, #tpu.memory_space<vmem>>
      %gather3A_1397 = tpu.vector_load_idx %gather3A_1396[%iota3A, %broadcast_in_dim3A_1391] : memref<48x128xf32, #tpu.memory_space<vmem>>[vector<16xi32>, vector<16xi32>], vector<16xf32>,
      %gather3A_1398 = arith.constant 0 : i32
      %gather3A_1399 = arith.constant 0 : i32
      %gather3A_1400 = arith.constant 0 : i32
      %gather3A_1401 = tpu.memref_slice %arg11[%gather3A_1398, %gather3A_1399, %gather3A_1400] : memref<2x48x128xf32, #tpu.memory_space<vmem>> -> memref<1x48x128xf32, #tpu.memory_space<vmem>>
      %gather3A_1402 = tpu.memref_squeeze %gather3A_1401 : memref<1x48x128xf32, #tpu.memory_space<vmem>> -> memref<48x128xf32, #tpu.memory_space<vmem>>
      %gather3A_1403 = tpu.vector_load_idx %gather3A_1402[%add3A_163, %broadcast_in_dim3A_1391] : memref<48x128xf32, #tpu.memory_space<vmem>>[vector<16xi32>, vector<16xi32>], vector<16xf32>,
      %gather3A_1404 = arith.constant 0 : i32
      %gather3A_1405 = arith.constant 0 : i32
      %gather3A_1406 = arith.constant 0 : i32
      %gather3A_1407 = tpu.memref_slice %arg11[%gather3A_1404, %gather3A_1405, %gather3A_1406] : memref<2x48x128xf32, #tpu.memory_space<vmem>> -> memref<1x48x128xf32, #tpu.memory_space<vmem>>
      %gather3A_1408 = tpu.memref_squeeze %gather3A_1407 : memref<1x48x128xf32, #tpu.memory_space<vmem>> -> memref<48x128xf32, #tpu.memory_space<vmem>>
      %gather3A_1409 = tpu.vector_load_idx %gather3A_1408[%add3A_166, %broadcast_in_dim3A_1391] : memref<48x128xf32, #tpu.memory_space<vmem>>[vector<16xi32>, vector<16xi32>], vector<16xf32>,
      %add3A_1410 = arith.addf %gather3A_1397, %gather3A_1409 : vector<16xf32>
      %sub3A_1411 = arith.subf %add3A_1410, %gather3A_1403 : vector<16xf32>
      %mul3A_1412 = arith.mulf %sub3A_1411, %sub3A_1411 : vector<16xf32>
      %add3A_1413 = arith.addf %add3A_1389, %mul3A_1412 : vector<16xf32>
      %broadcast_in_dim3A_1414 = arith.constant 52 : i32
      %broadcast_in_dim3A_1415 = vector.broadcast %broadcast_in_dim3A_1414 : i32 to vector<16xi32>
      %gather3A_1416 = arith.constant 0 : i32
      %gather3A_1417 = arith.constant 0 : i32
      %gather3A_1418 = arith.constant 0 : i32
      %gather3A_1419 = tpu.memref_slice %arg11[%gather3A_1416, %gather3A_1417, %gather3A_1418] : memref<2x48x128xf32, #tpu.memory_space<vmem>> -> memref<1x48x128xf32, #tpu.memory_space<vmem>>
      %gather3A_1420 = tpu.memref_squeeze %gather3A_1419 : memref<1x48x128xf32, #tpu.memory_space<vmem>> -> memref<48x128xf32, #tpu.memory_space<vmem>>
      %gather3A_1421 = tpu.vector_load_idx %gather3A_1420[%iota3A, %broadcast_in_dim3A_1415] : memref<48x128xf32, #tpu.memory_space<vmem>>[vector<16xi32>, vector<16xi32>], vector<16xf32>,
      %gather3A_1422 = arith.constant 0 : i32
      %gather3A_1423 = arith.constant 0 : i32
      %gather3A_1424 = arith.constant 0 : i32
      %gather3A_1425 = tpu.memref_slice %arg11[%gather3A_1422, %gather3A_1423, %gather3A_1424] : memref<2x48x128xf32, #tpu.memory_space<vmem>> -> memref<1x48x128xf32, #tpu.memory_space<vmem>>
      %gather3A_1426 = tpu.memref_squeeze %gather3A_1425 : memref<1x48x128xf32, #tpu.memory_space<vmem>> -> memref<48x128xf32, #tpu.memory_space<vmem>>
      %gather3A_1427 = tpu.vector_load_idx %gather3A_1426[%add3A_163, %broadcast_in_dim3A_1415] : memref<48x128xf32, #tpu.memory_space<vmem>>[vector<16xi32>, vector<16xi32>], vector<16xf32>,
      %gather3A_1428 = arith.constant 0 : i32
      %gather3A_1429 = arith.constant 0 : i32
      %gather3A_1430 = arith.constant 0 : i32
      %gather3A_1431 = tpu.memref_slice %arg11[%gather3A_1428, %gather3A_1429, %gather3A_1430] : memref<2x48x128xf32, #tpu.memory_space<vmem>> -> memref<1x48x128xf32, #tpu.memory_space<vmem>>
      %gather3A_1432 = tpu.memref_squeeze %gather3A_1431 : memref<1x48x128xf32, #tpu.memory_space<vmem>> -> memref<48x128xf32, #tpu.memory_space<vmem>>
      %gather3A_1433 = tpu.vector_load_idx %gather3A_1432[%add3A_166, %broadcast_in_dim3A_1415] : memref<48x128xf32, #tpu.memory_space<vmem>>[vector<16xi32>, vector<16xi32>], vector<16xf32>,
      %add3A_1434 = arith.addf %gather3A_1421, %gather3A_1433 : vector<16xf32>
      %sub3A_1435 = arith.subf %add3A_1434, %gather3A_1427 : vector<16xf32>
      %mul3A_1436 = arith.mulf %sub3A_1435, %sub3A_1435 : vector<16xf32>
      %add3A_1437 = arith.addf %add3A_1413, %mul3A_1436 : vector<16xf32>
      %broadcast_in_dim3A_1438 = arith.constant 53 : i32
      %broadcast_in_dim3A_1439 = vector.broadcast %broadcast_in_dim3A_1438 : i32 to vector<16xi32>
      %gather3A_1440 = arith.constant 0 : i32
      %gather3A_1441 = arith.constant 0 : i32
      %gather3A_1442 = arith.constant 0 : i32
      %gather3A_1443 = tpu.memref_slice %arg11[%gather3A_1440, %gather3A_1441, %gather3A_1442] : memref<2x48x128xf32, #tpu.memory_space<vmem>> -> memref<1x48x128xf32, #tpu.memory_space<vmem>>
      %gather3A_1444 = tpu.memref_squeeze %gather3A_1443 : memref<1x48x128xf32, #tpu.memory_space<vmem>> -> memref<48x128xf32, #tpu.memory_space<vmem>>
      %gather3A_1445 = tpu.vector_load_idx %gather3A_1444[%iota3A, %broadcast_in_dim3A_1439] : memref<48x128xf32, #tpu.memory_space<vmem>>[vector<16xi32>, vector<16xi32>], vector<16xf32>,
      %gather3A_1446 = arith.constant 0 : i32
      %gather3A_1447 = arith.constant 0 : i32
      %gather3A_1448 = arith.constant 0 : i32
      %gather3A_1449 = tpu.memref_slice %arg11[%gather3A_1446, %gather3A_1447, %gather3A_1448] : memref<2x48x128xf32, #tpu.memory_space<vmem>> -> memref<1x48x128xf32, #tpu.memory_space<vmem>>
      %gather3A_1450 = tpu.memref_squeeze %gather3A_1449 : memref<1x48x128xf32, #tpu.memory_space<vmem>> -> memref<48x128xf32, #tpu.memory_space<vmem>>
      %gather3A_1451 = tpu.vector_load_idx %gather3A_1450[%add3A_163, %broadcast_in_dim3A_1439] : memref<48x128xf32, #tpu.memory_space<vmem>>[vector<16xi32>, vector<16xi32>], vector<16xf32>,
      %gather3A_1452 = arith.constant 0 : i32
      %gather3A_1453 = arith.constant 0 : i32
      %gather3A_1454 = arith.constant 0 : i32
      %gather3A_1455 = tpu.memref_slice %arg11[%gather3A_1452, %gather3A_1453, %gather3A_1454] : memref<2x48x128xf32, #tpu.memory_space<vmem>> -> memref<1x48x128xf32, #tpu.memory_space<vmem>>
      %gather3A_1456 = tpu.memref_squeeze %gather3A_1455 : memref<1x48x128xf32, #tpu.memory_space<vmem>> -> memref<48x128xf32, #tpu.memory_space<vmem>>
      %gather3A_1457 = tpu.vector_load_idx %gather3A_1456[%add3A_166, %broadcast_in_dim3A_1439] : memref<48x128xf32, #tpu.memory_space<vmem>>[vector<16xi32>, vector<16xi32>], vector<16xf32>,
      %add3A_1458 = arith.addf %gather3A_1445, %gather3A_1457 : vector<16xf32>
      %sub3A_1459 = arith.subf %add3A_1458, %gather3A_1451 : vector<16xf32>
      %mul3A_1460 = arith.mulf %sub3A_1459, %sub3A_1459 : vector<16xf32>
      %add3A_1461 = arith.addf %add3A_1437, %mul3A_1460 : vector<16xf32>
      %broadcast_in_dim3A_1462 = arith.constant 54 : i32
      %broadcast_in_dim3A_1463 = vector.broadcast %broadcast_in_dim3A_1462 : i32 to vector<16xi32>
      %gather3A_1464 = arith.constant 0 : i32
      %gather3A_1465 = arith.constant 0 : i32
      %gather3A_1466 = arith.constant 0 : i32
      %gather3A_1467 = tpu.memref_slice %arg11[%gather3A_1464, %gather3A_1465, %gather3A_1466] : memref<2x48x128xf32, #tpu.memory_space<vmem>> -> memref<1x48x128xf32, #tpu.memory_space<vmem>>
      %gather3A_1468 = tpu.memref_squeeze %gather3A_1467 : memref<1x48x128xf32, #tpu.memory_space<vmem>> -> memref<48x128xf32, #tpu.memory_space<vmem>>
      %gather3A_1469 = tpu.vector_load_idx %gather3A_1468[%iota3A, %broadcast_in_dim3A_1463] : memref<48x128xf32, #tpu.memory_space<vmem>>[vector<16xi32>, vector<16xi32>], vector<16xf32>,
      %gather3A_1470 = arith.constant 0 : i32
      %gather3A_1471 = arith.constant 0 : i32
      %gather3A_1472 = arith.constant 0 : i32
      %gather3A_1473 = tpu.memref_slice %arg11[%gather3A_1470, %gather3A_1471, %gather3A_1472] : memref<2x48x128xf32, #tpu.memory_space<vmem>> -> memref<1x48x128xf32, #tpu.memory_space<vmem>>
      %gather3A_1474 = tpu.memref_squeeze %gather3A_1473 : memref<1x48x128xf32, #tpu.memory_space<vmem>> -> memref<48x128xf32, #tpu.memory_space<vmem>>
      %gather3A_1475 = tpu.vector_load_idx %gather3A_1474[%add3A_163, %broadcast_in_dim3A_1463] : memref<48x128xf32, #tpu.memory_space<vmem>>[vector<16xi32>, vector<16xi32>], vector<16xf32>,
      %gather3A_1476 = arith.constant 0 : i32
      %gather3A_1477 = arith.constant 0 : i32
      %gather3A_1478 = arith.constant 0 : i32
      %gather3A_1479 = tpu.memref_slice %arg11[%gather3A_1476, %gather3A_1477, %gather3A_1478] : memref<2x48x128xf32, #tpu.memory_space<vmem>> -> memref<1x48x128xf32, #tpu.memory_space<vmem>>
      %gather3A_1480 = tpu.memref_squeeze %gather3A_1479 : memref<1x48x128xf32, #tpu.memory_space<vmem>> -> memref<48x128xf32, #tpu.memory_space<vmem>>
      %gather3A_1481 = tpu.vector_load_idx %gather3A_1480[%add3A_166, %broadcast_in_dim3A_1463] : memref<48x128xf32, #tpu.memory_space<vmem>>[vector<16xi32>, vector<16xi32>], vector<16xf32>,
      %add3A_1482 = arith.addf %gather3A_1469, %gather3A_1481 : vector<16xf32>
      %sub3A_1483 = arith.subf %add3A_1482, %gather3A_1475 : vector<16xf32>
      %mul3A_1484 = arith.mulf %sub3A_1483, %sub3A_1483 : vector<16xf32>
      %add3A_1485 = arith.addf %add3A_1461, %mul3A_1484 : vector<16xf32>
      %broadcast_in_dim3A_1486 = arith.constant 55 : i32
      %broadcast_in_dim3A_1487 = vector.broadcast %broadcast_in_dim3A_1486 : i32 to vector<16xi32>
      %gather3A_1488 = arith.constant 0 : i32
      %gather3A_1489 = arith.constant 0 : i32
      %gather3A_1490 = arith.constant 0 : i32
      %gather3A_1491 = tpu.memref_slice %arg11[%gather3A_1488, %gather3A_1489, %gather3A_1490] : memref<2x48x128xf32, #tpu.memory_space<vmem>> -> memref<1x48x128xf32, #tpu.memory_space<vmem>>
      %gather3A_1492 = tpu.memref_squeeze %gather3A_1491 : memref<1x48x128xf32, #tpu.memory_space<vmem>> -> memref<48x128xf32, #tpu.memory_space<vmem>>
      %gather3A_1493 = tpu.vector_load_idx %gather3A_1492[%iota3A, %broadcast_in_dim3A_1487] : memref<48x128xf32, #tpu.memory_space<vmem>>[vector<16xi32>, vector<16xi32>], vector<16xf32>,
      %gather3A_1494 = arith.constant 0 : i32
      %gather3A_1495 = arith.constant 0 : i32
      %gather3A_1496 = arith.constant 0 : i32
      %gather3A_1497 = tpu.memref_slice %arg11[%gather3A_1494, %gather3A_1495, %gather3A_1496] : memref<2x48x128xf32, #tpu.memory_space<vmem>> -> memref<1x48x128xf32, #tpu.memory_space<vmem>>
      %gather3A_1498 = tpu.memref_squeeze %gather3A_1497 : memref<1x48x128xf32, #tpu.memory_space<vmem>> -> memref<48x128xf32, #tpu.memory_space<vmem>>
      %gather3A_1499 = tpu.vector_load_idx %gather3A_1498[%add3A_163, %broadcast_in_dim3A_1487] : memref<48x128xf32, #tpu.memory_space<vmem>>[vector<16xi32>, vector<16xi32>], vector<16xf32>,
      %gather3A_1500 = arith.constant 0 : i32
      %gather3A_1501 = arith.constant 0 : i32
      %gather3A_1502 = arith.constant 0 : i32
      %gather3A_1503 = tpu.memref_slice %arg11[%gather3A_1500, %gather3A_1501, %gather3A_1502] : memref<2x48x128xf32, #tpu.memory_space<vmem>> -> memref<1x48x128xf32, #tpu.memory_space<vmem>>
      %gather3A_1504 = tpu.memref_squeeze %gather3A_1503 : memref<1x48x128xf32, #tpu.memory_space<vmem>> -> memref<48x128xf32, #tpu.memory_space<vmem>>
      %gather3A_1505 = tpu.vector_load_idx %gather3A_1504[%add3A_166, %broadcast_in_dim3A_1487] : memref<48x128xf32, #tpu.memory_space<vmem>>[vector<16xi32>, vector<16xi32>], vector<16xf32>,
      %add3A_1506 = arith.addf %gather3A_1493, %gather3A_1505 : vector<16xf32>
      %sub3A_1507 = arith.subf %add3A_1506, %gather3A_1499 : vector<16xf32>
      %mul3A_1508 = arith.mulf %sub3A_1507, %sub3A_1507 : vector<16xf32>
      %add3A_1509 = arith.addf %add3A_1485, %mul3A_1508 : vector<16xf32>
      %broadcast_in_dim3A_1510 = arith.constant 56 : i32
      %broadcast_in_dim3A_1511 = vector.broadcast %broadcast_in_dim3A_1510 : i32 to vector<16xi32>
      %gather3A_1512 = arith.constant 0 : i32
      %gather3A_1513 = arith.constant 0 : i32
      %gather3A_1514 = arith.constant 0 : i32
      %gather3A_1515 = tpu.memref_slice %arg11[%gather3A_1512, %gather3A_1513, %gather3A_1514] : memref<2x48x128xf32, #tpu.memory_space<vmem>> -> memref<1x48x128xf32, #tpu.memory_space<vmem>>
      %gather3A_1516 = tpu.memref_squeeze %gather3A_1515 : memref<1x48x128xf32, #tpu.memory_space<vmem>> -> memref<48x128xf32, #tpu.memory_space<vmem>>
      %gather3A_1517 = tpu.vector_load_idx %gather3A_1516[%iota3A, %broadcast_in_dim3A_1511] : memref<48x128xf32, #tpu.memory_space<vmem>>[vector<16xi32>, vector<16xi32>], vector<16xf32>,
      %gather3A_1518 = arith.constant 0 : i32
      %gather3A_1519 = arith.constant 0 : i32
      %gather3A_1520 = arith.constant 0 : i32
      %gather3A_1521 = tpu.memref_slice %arg11[%gather3A_1518, %gather3A_1519, %gather3A_1520] : memref<2x48x128xf32, #tpu.memory_space<vmem>> -> memref<1x48x128xf32, #tpu.memory_space<vmem>>
      %gather3A_1522 = tpu.memref_squeeze %gather3A_1521 : memref<1x48x128xf32, #tpu.memory_space<vmem>> -> memref<48x128xf32, #tpu.memory_space<vmem>>
      %gather3A_1523 = tpu.vector_load_idx %gather3A_1522[%add3A_163, %broadcast_in_dim3A_1511] : memref<48x128xf32, #tpu.memory_space<vmem>>[vector<16xi32>, vector<16xi32>], vector<16xf32>,
      %gather3A_1524 = arith.constant 0 : i32
      %gather3A_1525 = arith.constant 0 : i32
      %gather3A_1526 = arith.constant 0 : i32
      %gather3A_1527 = tpu.memref_slice %arg11[%gather3A_1524, %gather3A_1525, %gather3A_1526] : memref<2x48x128xf32, #tpu.memory_space<vmem>> -> memref<1x48x128xf32, #tpu.memory_space<vmem>>
      %gather3A_1528 = tpu.memref_squeeze %gather3A_1527 : memref<1x48x128xf32, #tpu.memory_space<vmem>> -> memref<48x128xf32, #tpu.memory_space<vmem>>
      %gather3A_1529 = tpu.vector_load_idx %gather3A_1528[%add3A_166, %broadcast_in_dim3A_1511] : memref<48x128xf32, #tpu.memory_space<vmem>>[vector<16xi32>, vector<16xi32>], vector<16xf32>,
      %add3A_1530 = arith.addf %gather3A_1517, %gather3A_1529 : vector<16xf32>
      %sub3A_1531 = arith.subf %add3A_1530, %gather3A_1523 : vector<16xf32>
      %mul3A_1532 = arith.mulf %sub3A_1531, %sub3A_1531 : vector<16xf32>
      %add3A_1533 = arith.addf %add3A_1509, %mul3A_1532 : vector<16xf32>
      %broadcast_in_dim3A_1534 = arith.constant 57 : i32
      %broadcast_in_dim3A_1535 = vector.broadcast %broadcast_in_dim3A_1534 : i32 to vector<16xi32>
      %gather3A_1536 = arith.constant 0 : i32
      %gather3A_1537 = arith.constant 0 : i32
      %gather3A_1538 = arith.constant 0 : i32
      %gather3A_1539 = tpu.memref_slice %arg11[%gather3A_1536, %gather3A_1537, %gather3A_1538] : memref<2x48x128xf32, #tpu.memory_space<vmem>> -> memref<1x48x128xf32, #tpu.memory_space<vmem>>
      %gather3A_1540 = tpu.memref_squeeze %gather3A_1539 : memref<1x48x128xf32, #tpu.memory_space<vmem>> -> memref<48x128xf32, #tpu.memory_space<vmem>>
      %gather3A_1541 = tpu.vector_load_idx %gather3A_1540[%iota3A, %broadcast_in_dim3A_1535] : memref<48x128xf32, #tpu.memory_space<vmem>>[vector<16xi32>, vector<16xi32>], vector<16xf32>,
      %gather3A_1542 = arith.constant 0 : i32
      %gather3A_1543 = arith.constant 0 : i32
      %gather3A_1544 = arith.constant 0 : i32
      %gather3A_1545 = tpu.memref_slice %arg11[%gather3A_1542, %gather3A_1543, %gather3A_1544] : memref<2x48x128xf32, #tpu.memory_space<vmem>> -> memref<1x48x128xf32, #tpu.memory_space<vmem>>
      %gather3A_1546 = tpu.memref_squeeze %gather3A_1545 : memref<1x48x128xf32, #tpu.memory_space<vmem>> -> memref<48x128xf32, #tpu.memory_space<vmem>>
      %gather3A_1547 = tpu.vector_load_idx %gather3A_1546[%add3A_163, %broadcast_in_dim3A_1535] : memref<48x128xf32, #tpu.memory_space<vmem>>[vector<16xi32>, vector<16xi32>], vector<16xf32>,
      %gather3A_1548 = arith.constant 0 : i32
      %gather3A_1549 = arith.constant 0 : i32
      %gather3A_1550 = arith.constant 0 : i32
      %gather3A_1551 = tpu.memref_slice %arg11[%gather3A_1548, %gather3A_1549, %gather3A_1550] : memref<2x48x128xf32, #tpu.memory_space<vmem>> -> memref<1x48x128xf32, #tpu.memory_space<vmem>>
      %gather3A_1552 = tpu.memref_squeeze %gather3A_1551 : memref<1x48x128xf32, #tpu.memory_space<vmem>> -> memref<48x128xf32, #tpu.memory_space<vmem>>
      %gather3A_1553 = tpu.vector_load_idx %gather3A_1552[%add3A_166, %broadcast_in_dim3A_1535] : memref<48x128xf32, #tpu.memory_space<vmem>>[vector<16xi32>, vector<16xi32>], vector<16xf32>,
      %add3A_1554 = arith.addf %gather3A_1541, %gather3A_1553 : vector<16xf32>
      %sub3A_1555 = arith.subf %add3A_1554, %gather3A_1547 : vector<16xf32>
      %mul3A_1556 = arith.mulf %sub3A_1555, %sub3A_1555 : vector<16xf32>
      %add3A_1557 = arith.addf %add3A_1533, %mul3A_1556 : vector<16xf32>
      %broadcast_in_dim3A_1558 = arith.constant 58 : i32
      %broadcast_in_dim3A_1559 = vector.broadcast %broadcast_in_dim3A_1558 : i32 to vector<16xi32>
      %gather3A_1560 = arith.constant 0 : i32
      %gather3A_1561 = arith.constant 0 : i32
      %gather3A_1562 = arith.constant 0 : i32
      %gather3A_1563 = tpu.memref_slice %arg11[%gather3A_1560, %gather3A_1561, %gather3A_1562] : memref<2x48x128xf32, #tpu.memory_space<vmem>> -> memref<1x48x128xf32, #tpu.memory_space<vmem>>
      %gather3A_1564 = tpu.memref_squeeze %gather3A_1563 : memref<1x48x128xf32, #tpu.memory_space<vmem>> -> memref<48x128xf32, #tpu.memory_space<vmem>>
      %gather3A_1565 = tpu.vector_load_idx %gather3A_1564[%iota3A, %broadcast_in_dim3A_1559] : memref<48x128xf32, #tpu.memory_space<vmem>>[vector<16xi32>, vector<16xi32>], vector<16xf32>,
      %gather3A_1566 = arith.constant 0 : i32
      %gather3A_1567 = arith.constant 0 : i32
      %gather3A_1568 = arith.constant 0 : i32
      %gather3A_1569 = tpu.memref_slice %arg11[%gather3A_1566, %gather3A_1567, %gather3A_1568] : memref<2x48x128xf32, #tpu.memory_space<vmem>> -> memref<1x48x128xf32, #tpu.memory_space<vmem>>
      %gather3A_1570 = tpu.memref_squeeze %gather3A_1569 : memref<1x48x128xf32, #tpu.memory_space<vmem>> -> memref<48x128xf32, #tpu.memory_space<vmem>>
      %gather3A_1571 = tpu.vector_load_idx %gather3A_1570[%add3A_163, %broadcast_in_dim3A_1559] : memref<48x128xf32, #tpu.memory_space<vmem>>[vector<16xi32>, vector<16xi32>], vector<16xf32>,
      %gather3A_1572 = arith.constant 0 : i32
      %gather3A_1573 = arith.constant 0 : i32
      %gather3A_1574 = arith.constant 0 : i32
      %gather3A_1575 = tpu.memref_slice %arg11[%gather3A_1572, %gather3A_1573, %gather3A_1574] : memref<2x48x128xf32, #tpu.memory_space<vmem>> -> memref<1x48x128xf32, #tpu.memory_space<vmem>>
      %gather3A_1576 = tpu.memref_squeeze %gather3A_1575 : memref<1x48x128xf32, #tpu.memory_space<vmem>> -> memref<48x128xf32, #tpu.memory_space<vmem>>
      %gather3A_1577 = tpu.vector_load_idx %gather3A_1576[%add3A_166, %broadcast_in_dim3A_1559] : memref<48x128xf32, #tpu.memory_space<vmem>>[vector<16xi32>, vector<16xi32>], vector<16xf32>,
      %add3A_1578 = arith.addf %gather3A_1565, %gather3A_1577 : vector<16xf32>
      %sub3A_1579 = arith.subf %add3A_1578, %gather3A_1571 : vector<16xf32>
      %mul3A_1580 = arith.mulf %sub3A_1579, %sub3A_1579 : vector<16xf32>
      %add3A_1581 = arith.addf %add3A_1557, %mul3A_1580 : vector<16xf32>
      %broadcast_in_dim3A_1582 = arith.constant 59 : i32
      %broadcast_in_dim3A_1583 = vector.broadcast %broadcast_in_dim3A_1582 : i32 to vector<16xi32>
      %gather3A_1584 = arith.constant 0 : i32
      %gather3A_1585 = arith.constant 0 : i32
      %gather3A_1586 = arith.constant 0 : i32
      %gather3A_1587 = tpu.memref_slice %arg11[%gather3A_1584, %gather3A_1585, %gather3A_1586] : memref<2x48x128xf32, #tpu.memory_space<vmem>> -> memref<1x48x128xf32, #tpu.memory_space<vmem>>
      %gather3A_1588 = tpu.memref_squeeze %gather3A_1587 : memref<1x48x128xf32, #tpu.memory_space<vmem>> -> memref<48x128xf32, #tpu.memory_space<vmem>>
      %gather3A_1589 = tpu.vector_load_idx %gather3A_1588[%iota3A, %broadcast_in_dim3A_1583] : memref<48x128xf32, #tpu.memory_space<vmem>>[vector<16xi32>, vector<16xi32>], vector<16xf32>,
      %gather3A_1590 = arith.constant 0 : i32
      %gather3A_1591 = arith.constant 0 : i32
      %gather3A_1592 = arith.constant 0 : i32
      %gather3A_1593 = tpu.memref_slice %arg11[%gather3A_1590, %gather3A_1591, %gather3A_1592] : memref<2x48x128xf32, #tpu.memory_space<vmem>> -> memref<1x48x128xf32, #tpu.memory_space<vmem>>
      %gather3A_1594 = tpu.memref_squeeze %gather3A_1593 : memref<1x48x128xf32, #tpu.memory_space<vmem>> -> memref<48x128xf32, #tpu.memory_space<vmem>>
      %gather3A_1595 = tpu.vector_load_idx %gather3A_1594[%add3A_163, %broadcast_in_dim3A_1583] : memref<48x128xf32, #tpu.memory_space<vmem>>[vector<16xi32>, vector<16xi32>], vector<16xf32>,
      %gather3A_1596 = arith.constant 0 : i32
      %gather3A_1597 = arith.constant 0 : i32
      %gather3A_1598 = arith.constant 0 : i32
      %gather3A_1599 = tpu.memref_slice %arg11[%gather3A_1596, %gather3A_1597, %gather3A_1598] : memref<2x48x128xf32, #tpu.memory_space<vmem>> -> memref<1x48x128xf32, #tpu.memory_space<vmem>>
      %gather3A_1600 = tpu.memref_squeeze %gather3A_1599 : memref<1x48x128xf32, #tpu.memory_space<vmem>> -> memref<48x128xf32, #tpu.memory_space<vmem>>
      %gather3A_1601 = tpu.vector_load_idx %gather3A_1600[%add3A_166, %broadcast_in_dim3A_1583] : memref<48x128xf32, #tpu.memory_space<vmem>>[vector<16xi32>, vector<16xi32>], vector<16xf32>,
      %add3A_1602 = arith.addf %gather3A_1589, %gather3A_1601 : vector<16xf32>
      %sub3A_1603 = arith.subf %add3A_1602, %gather3A_1595 : vector<16xf32>
      %mul3A_1604 = arith.mulf %sub3A_1603, %sub3A_1603 : vector<16xf32>
      %add3A_1605 = arith.addf %add3A_1581, %mul3A_1604 : vector<16xf32>
      %broadcast_in_dim3A_1606 = arith.constant 60 : i32
      %broadcast_in_dim3A_1607 = vector.broadcast %broadcast_in_dim3A_1606 : i32 to vector<16xi32>
      %gather3A_1608 = arith.constant 0 : i32
      %gather3A_1609 = arith.constant 0 : i32
      %gather3A_1610 = arith.constant 0 : i32
      %gather3A_1611 = tpu.memref_slice %arg11[%gather3A_1608, %gather3A_1609, %gather3A_1610] : memref<2x48x128xf32, #tpu.memory_space<vmem>> -> memref<1x48x128xf32, #tpu.memory_space<vmem>>
      %gather3A_1612 = tpu.memref_squeeze %gather3A_1611 : memref<1x48x128xf32, #tpu.memory_space<vmem>> -> memref<48x128xf32, #tpu.memory_space<vmem>>
      %gather3A_1613 = tpu.vector_load_idx %gather3A_1612[%iota3A, %broadcast_in_dim3A_1607] : memref<48x128xf32, #tpu.memory_space<vmem>>[vector<16xi32>, vector<16xi32>], vector<16xf32>,
      %gather3A_1614 = arith.constant 0 : i32
      %gather3A_1615 = arith.constant 0 : i32
      %gather3A_1616 = arith.constant 0 : i32
      %gather3A_1617 = tpu.memref_slice %arg11[%gather3A_1614, %gather3A_1615, %gather3A_1616] : memref<2x48x128xf32, #tpu.memory_space<vmem>> -> memref<1x48x128xf32, #tpu.memory_space<vmem>>
      %gather3A_1618 = tpu.memref_squeeze %gather3A_1617 : memref<1x48x128xf32, #tpu.memory_space<vmem>> -> memref<48x128xf32, #tpu.memory_space<vmem>>
      %gather3A_1619 = tpu.vector_load_idx %gather3A_1618[%add3A_163, %broadcast_in_dim3A_1607] : memref<48x128xf32, #tpu.memory_space<vmem>>[vector<16xi32>, vector<16xi32>], vector<16xf32>,
      %gather3A_1620 = arith.constant 0 : i32
      %gather3A_1621 = arith.constant 0 : i32
      %gather3A_1622 = arith.constant 0 : i32
      %gather3A_1623 = tpu.memref_slice %arg11[%gather3A_1620, %gather3A_1621, %gather3A_1622] : memref<2x48x128xf32, #tpu.memory_space<vmem>> -> memref<1x48x128xf32, #tpu.memory_space<vmem>>
      %gather3A_1624 = tpu.memref_squeeze %gather3A_1623 : memref<1x48x128xf32, #tpu.memory_space<vmem>> -> memref<48x128xf32, #tpu.memory_space<vmem>>
      %gather3A_1625 = tpu.vector_load_idx %gather3A_1624[%add3A_166, %broadcast_in_dim3A_1607] : memref<48x128xf32, #tpu.memory_space<vmem>>[vector<16xi32>, vector<16xi32>], vector<16xf32>,
      %add3A_1626 = arith.addf %gather3A_1613, %gather3A_1625 : vector<16xf32>
      %sub3A_1627 = arith.subf %add3A_1626, %gather3A_1619 : vector<16xf32>
      %mul3A_1628 = arith.mulf %sub3A_1627, %sub3A_1627 : vector<16xf32>
      %add3A_1629 = arith.addf %add3A_1605, %mul3A_1628 : vector<16xf32>
      %broadcast_in_dim3A_1630 = arith.constant 61 : i32
      %broadcast_in_dim3A_1631 = vector.broadcast %broadcast_in_dim3A_1630 : i32 to vector<16xi32>
      %gather3A_1632 = arith.constant 0 : i32
      %gather3A_1633 = arith.constant 0 : i32
      %gather3A_1634 = arith.constant 0 : i32
      %gather3A_1635 = tpu.memref_slice %arg11[%gather3A_1632, %gather3A_1633, %gather3A_1634] : memref<2x48x128xf32, #tpu.memory_space<vmem>> -> memref<1x48x128xf32, #tpu.memory_space<vmem>>
      %gather3A_1636 = tpu.memref_squeeze %gather3A_1635 : memref<1x48x128xf32, #tpu.memory_space<vmem>> -> memref<48x128xf32, #tpu.memory_space<vmem>>
      %gather3A_1637 = tpu.vector_load_idx %gather3A_1636[%iota3A, %broadcast_in_dim3A_1631] : memref<48x128xf32, #tpu.memory_space<vmem>>[vector<16xi32>, vector<16xi32>], vector<16xf32>,
      %gather3A_1638 = arith.constant 0 : i32
      %gather3A_1639 = arith.constant 0 : i32
      %gather3A_1640 = arith.constant 0 : i32
      %gather3A_1641 = tpu.memref_slice %arg11[%gather3A_1638, %gather3A_1639, %gather3A_1640] : memref<2x48x128xf32, #tpu.memory_space<vmem>> -> memref<1x48x128xf32, #tpu.memory_space<vmem>>
      %gather3A_1642 = tpu.memref_squeeze %gather3A_1641 : memref<1x48x128xf32, #tpu.memory_space<vmem>> -> memref<48x128xf32, #tpu.memory_space<vmem>>
      %gather3A_1643 = tpu.vector_load_idx %gather3A_1642[%add3A_163, %broadcast_in_dim3A_1631] : memref<48x128xf32, #tpu.memory_space<vmem>>[vector<16xi32>, vector<16xi32>], vector<16xf32>,
      %gather3A_1644 = arith.constant 0 : i32
      %gather3A_1645 = arith.constant 0 : i32
      %gather3A_1646 = arith.constant 0 : i32
      %gather3A_1647 = tpu.memref_slice %arg11[%gather3A_1644, %gather3A_1645, %gather3A_1646] : memref<2x48x128xf32, #tpu.memory_space<vmem>> -> memref<1x48x128xf32, #tpu.memory_space<vmem>>
      %gather3A_1648 = tpu.memref_squeeze %gather3A_1647 : memref<1x48x128xf32, #tpu.memory_space<vmem>> -> memref<48x128xf32, #tpu.memory_space<vmem>>
      %gather3A_1649 = tpu.vector_load_idx %gather3A_1648[%add3A_166, %broadcast_in_dim3A_1631] : memref<48x128xf32, #tpu.memory_space<vmem>>[vector<16xi32>, vector<16xi32>], vector<16xf32>,
      %add3A_1650 = arith.addf %gather3A_1637, %gather3A_1649 : vector<16xf32>
      %sub3A_1651 = arith.subf %add3A_1650, %gather3A_1643 : vector<16xf32>
      %mul3A_1652 = arith.mulf %sub3A_1651, %sub3A_1651 : vector<16xf32>
      %add3A_1653 = arith.addf %add3A_1629, %mul3A_1652 : vector<16xf32>
      %broadcast_in_dim3A_1654 = arith.constant 62 : i32
      %broadcast_in_dim3A_1655 = vector.broadcast %broadcast_in_dim3A_1654 : i32 to vector<16xi32>
      %gather3A_1656 = arith.constant 0 : i32
      %gather3A_1657 = arith.constant 0 : i32
      %gather3A_1658 = arith.constant 0 : i32
      %gather3A_1659 = tpu.memref_slice %arg11[%gather3A_1656, %gather3A_1657, %gather3A_1658] : memref<2x48x128xf32, #tpu.memory_space<vmem>> -> memref<1x48x128xf32, #tpu.memory_space<vmem>>
      %gather3A_1660 = tpu.memref_squeeze %gather3A_1659 : memref<1x48x128xf32, #tpu.memory_space<vmem>> -> memref<48x128xf32, #tpu.memory_space<vmem>>
      %gather3A_1661 = tpu.vector_load_idx %gather3A_1660[%iota3A, %broadcast_in_dim3A_1655] : memref<48x128xf32, #tpu.memory_space<vmem>>[vector<16xi32>, vector<16xi32>], vector<16xf32>,
      %gather3A_1662 = arith.constant 0 : i32
      %gather3A_1663 = arith.constant 0 : i32
      %gather3A_1664 = arith.constant 0 : i32
      %gather3A_1665 = tpu.memref_slice %arg11[%gather3A_1662, %gather3A_1663, %gather3A_1664] : memref<2x48x128xf32, #tpu.memory_space<vmem>> -> memref<1x48x128xf32, #tpu.memory_space<vmem>>
      %gather3A_1666 = tpu.memref_squeeze %gather3A_1665 : memref<1x48x128xf32, #tpu.memory_space<vmem>> -> memref<48x128xf32, #tpu.memory_space<vmem>>
      %gather3A_1667 = tpu.vector_load_idx %gather3A_1666[%add3A_163, %broadcast_in_dim3A_1655] : memref<48x128xf32, #tpu.memory_space<vmem>>[vector<16xi32>, vector<16xi32>], vector<16xf32>,
      %gather3A_1668 = arith.constant 0 : i32
      %gather3A_1669 = arith.constant 0 : i32
      %gather3A_1670 = arith.constant 0 : i32
      %gather3A_1671 = tpu.memref_slice %arg11[%gather3A_1668, %gather3A_1669, %gather3A_1670] : memref<2x48x128xf32, #tpu.memory_space<vmem>> -> memref<1x48x128xf32, #tpu.memory_space<vmem>>
      %gather3A_1672 = tpu.memref_squeeze %gather3A_1671 : memref<1x48x128xf32, #tpu.memory_space<vmem>> -> memref<48x128xf32, #tpu.memory_space<vmem>>
      %gather3A_1673 = tpu.vector_load_idx %gather3A_1672[%add3A_166, %broadcast_in_dim3A_1655] : memref<48x128xf32, #tpu.memory_space<vmem>>[vector<16xi32>, vector<16xi32>], vector<16xf32>,
      %add3A_1674 = arith.addf %gather3A_1661, %gather3A_1673 : vector<16xf32>
      %sub3A_1675 = arith.subf %add3A_1674, %gather3A_1667 : vector<16xf32>
      %mul3A_1676 = arith.mulf %sub3A_1675, %sub3A_1675 : vector<16xf32>
      %add3A_1677 = arith.addf %add3A_1653, %mul3A_1676 : vector<16xf32>
      %broadcast_in_dim3A_1678 = arith.constant 63 : i32
      %broadcast_in_dim3A_1679 = vector.broadcast %broadcast_in_dim3A_1678 : i32 to vector<16xi32>
      %gather3A_1680 = arith.constant 0 : i32
      %gather3A_1681 = arith.constant 0 : i32
      %gather3A_1682 = arith.constant 0 : i32
      %gather3A_1683 = tpu.memref_slice %arg11[%gather3A_1680, %gather3A_1681, %gather3A_1682] : memref<2x48x128xf32, #tpu.memory_space<vmem>> -> memref<1x48x128xf32, #tpu.memory_space<vmem>>
      %gather3A_1684 = tpu.memref_squeeze %gather3A_1683 : memref<1x48x128xf32, #tpu.memory_space<vmem>> -> memref<48x128xf32, #tpu.memory_space<vmem>>
      %gather3A_1685 = tpu.vector_load_idx %gather3A_1684[%iota3A, %broadcast_in_dim3A_1679] : memref<48x128xf32, #tpu.memory_space<vmem>>[vector<16xi32>, vector<16xi32>], vector<16xf32>,
      %gather3A_1686 = arith.constant 0 : i32
      %gather3A_1687 = arith.constant 0 : i32
      %gather3A_1688 = arith.constant 0 : i32
      %gather3A_1689 = tpu.memref_slice %arg11[%gather3A_1686, %gather3A_1687, %gather3A_1688] : memref<2x48x128xf32, #tpu.memory_space<vmem>> -> memref<1x48x128xf32, #tpu.memory_space<vmem>>
      %gather3A_1690 = tpu.memref_squeeze %gather3A_1689 : memref<1x48x128xf32, #tpu.memory_space<vmem>> -> memref<48x128xf32, #tpu.memory_space<vmem>>
      %gather3A_1691 = tpu.vector_load_idx %gather3A_1690[%add3A_163, %broadcast_in_dim3A_1679] : memref<48x128xf32, #tpu.memory_space<vmem>>[vector<16xi32>, vector<16xi32>], vector<16xf32>,
      %gather3A_1692 = arith.constant 0 : i32
      %gather3A_1693 = arith.constant 0 : i32
      %gather3A_1694 = arith.constant 0 : i32
      %gather3A_1695 = tpu.memref_slice %arg11[%gather3A_1692, %gather3A_1693, %gather3A_1694] : memref<2x48x128xf32, #tpu.memory_space<vmem>> -> memref<1x48x128xf32, #tpu.memory_space<vmem>>
      %gather3A_1696 = tpu.memref_squeeze %gather3A_1695 : memref<1x48x128xf32, #tpu.memory_space<vmem>> -> memref<48x128xf32, #tpu.memory_space<vmem>>
      %gather3A_1697 = tpu.vector_load_idx %gather3A_1696[%add3A_166, %broadcast_in_dim3A_1679] : memref<48x128xf32, #tpu.memory_space<vmem>>[vector<16xi32>, vector<16xi32>], vector<16xf32>,
      %add3A_1698 = arith.addf %gather3A_1685, %gather3A_1697 : vector<16xf32>
      %sub3A_1699 = arith.subf %add3A_1698, %gather3A_1691 : vector<16xf32>
      %mul3A_1700 = arith.mulf %sub3A_1699, %sub3A_1699 : vector<16xf32>
      %add3A_1701 = arith.addf %add3A_1677, %mul3A_1700 : vector<16xf32>
      %neg3A = arith.constant 0.000000e+00 : f32
      %neg3A_1702 = vector.broadcast %neg3A : f32 to vector<16xf32>
      %neg3A_1703 = arith.subf %neg3A_1702, %add3A_1701 : vector<16xf32>
      %mul3A_1704 = arith.constant 16 : i32
      %mul3A_1705 = arith.muli %mul3A_63, %mul3A_1704 : i32
      %swap3A_1706 = arith.index_cast %mul3A_1705 : i32 to index
      %swap3A_1707 = tpu.vector_load %arg13[%swap3A_1706] {strides = array<i32>} : memref<512xf32, #tpu.memory_space<vmem>>, vector<16xf32>,
      tpu.vector_store %arg13[%swap3A_1706], %neg3A_1703 {strides = array<i32>} : memref<512xf32, #tpu.memory_space<vmem>>, vector<16xf32>,
      %lt3A = arith.constant 15 : i32
      %lt3A_1708 = arith.cmpi slt, %scan3A_60, %lt3A : i32
      %convert_element_type3A = arith.extui %lt3A_1708 : i1 to i32
      %cond3A = arith.constant 0 : i32
      %cond3A_1709 = arith.cmpi ne, %convert_element_type3A, %cond3A : i32
      scf.if %cond3A_1709 {
        %add3A_3300 = arith.constant 2 : i32
        %add3A_3301 = arith.addi %mul3A_63, %add3A_3300 : i32
        %mul3A_3302 = arith.constant 16 : i32
        %mul3A_3303 = arith.muli %add3A_3301, %mul3A_3302 : i32
        %get3A_3304 = arith.index_cast %mul3A_3303 : i32 to index
        %get3A_3305 = tpu.vector_load %arg8[%get3A_3304] {strides = array<i32>} : memref<512xi32, #tpu.memory_space<vmem>>, vector<16xi32>,
        %swap3A_3306 = arith.constant 0 : i32
        %swap3A_3307 = arith.index_cast %swap3A_3306 : i32 to index
        %swap3A_3308 = arith.constant 0 : index
        %swap3A_3309 = tpu.vector_load %arg12[%swap3A_3307, %swap3A_3308] {strides = array<i32>} : memref<6x16xi32, #tpu.memory_space<vmem>>, vector<16xi32>,
        tpu.vector_store %arg12[%swap3A_3307, %swap3A_3308], %get3A_3305 {strides = array<i32>} : memref<6x16xi32, #tpu.memory_space<vmem>>, vector<16xi32>,
        %mul3A_3310 = arith.constant 16 : i32
        %mul3A_3311 = arith.muli %add3A_3301, %mul3A_3310 : i32
        %get3A_3312 = arith.index_cast %mul3A_3311 : i32 to index
        %get3A_3313 = tpu.vector_load %arg10[%get3A_3312] {strides = array<i32>} : memref<512xi32, #tpu.memory_space<vmem>>, vector<16xi32>,
        %swap3A_3314 = arith.constant 1 : i32
        %swap3A_3315 = arith.index_cast %swap3A_3314 : i32 to index
        %swap3A_3316 = arith.constant 0 : index
        %swap3A_3317 = tpu.vector_load %arg12[%swap3A_3315, %swap3A_3316] {strides = array<i32>} : memref<6x16xi32, #tpu.memory_space<vmem>>, vector<16xi32>,
        tpu.vector_store %arg12[%swap3A_3315, %swap3A_3316], %get3A_3313 {strides = array<i32>} : memref<6x16xi32, #tpu.memory_space<vmem>>, vector<16xi32>,
        %mul3A_3318 = arith.constant 16 : i32
        %mul3A_3319 = arith.muli %add3A_3301, %mul3A_3318 : i32
        %get3A_3320 = arith.index_cast %mul3A_3319 : i32 to index
        %get3A_3321 = tpu.vector_load %arg9[%get3A_3320] {strides = array<i32>} : memref<512xi32, #tpu.memory_space<vmem>>, vector<16xi32>,
        %swap3A_3322 = arith.constant 2 : i32
        %swap3A_3323 = arith.index_cast %swap3A_3322 : i32 to index
        %swap3A_3324 = arith.constant 0 : index
        %swap3A_3325 = tpu.vector_load %arg12[%swap3A_3323, %swap3A_3324] {strides = array<i32>} : memref<6x16xi32, #tpu.memory_space<vmem>>, vector<16xi32>,
        tpu.vector_store %arg12[%swap3A_3323, %swap3A_3324], %get3A_3321 {strides = array<i32>} : memref<6x16xi32, #tpu.memory_space<vmem>>, vector<16xi32>,
        %dma_start3A_3326 = arith.constant 0 : i32
        %dma_start3A_3327 = arith.constant 0 : i32
        %dma_start3A_3328 = arith.constant 0 : i32
        %dma_start3A_3329 = arith.constant 0 : i32
        %dma_start3A_3330 = tpu.memref_slice %arg11[%dma_start3A_3327, %dma_start3A_3328, %dma_start3A_3329] : memref<2x48x128xf32, #tpu.memory_space<vmem>> -> memref<1x16x128xf32, #tpu.memory_space<vmem>>
        %dma_start3A_3331 = tpu.memref_squeeze %dma_start3A_3330 : memref<1x16x128xf32, #tpu.memory_space<vmem>> -> memref<16x128xf32, #tpu.memory_space<vmem>>
        %dma_start3A_3332 = arith.constant 0 : i32
        %dma_start3A_3333 = tpu.memref_slice %arg12[%dma_start3A_3326, %dma_start3A_3332] : memref<6x16xi32, #tpu.memory_space<vmem>> -> memref<1x16xi32, #tpu.memory_space<vmem>>
        %dma_start3A_3334 = tpu.memref_squeeze %dma_start3A_3333 : memref<1x16xi32, #tpu.memory_space<vmem>> -> memref<16xi32, #tpu.memory_space<vmem>>
        %dma_start3A_3335 = arith.constant 0 : i32
        %dma_start3A_3336 = arith.constant 0 : i32
        %dma_start3A_3337 = tpu.memref_slice %arg5[%dma_start3A_3335, %dma_start3A_3336] : memref<1007616x128xf32, #tpu.memory_space<hbm>> -> memref<1007616x128xf32, #tpu.memory_space<hbm>>
        tpu.enqueue_indirect_dma source(%dma_start3A_3337 : memref<1007616x128xf32, #tpu.memory_space<hbm>>) target(%dma_start3A_3331 : memref<16x128xf32, #tpu.memory_space<vmem>>) offsets(%dma_start3A_3334 : memref<16xi32, #tpu.memory_space<vmem>>) semaphore(%arg14 : memref<!tpu.dma_semaphore, #tpu.memory_space<semaphore_mem>>)
        %dma_start3A_3338 = arith.constant 1 : i32
        %dma_start3A_3339 = arith.constant 0 : i32
        %dma_start3A_3340 = arith.constant 16 : i32
        %dma_start3A_3341 = arith.constant 0 : i32
        %dma_start3A_3342 = tpu.memref_slice %arg11[%dma_start3A_3339, %dma_start3A_3340, %dma_start3A_3341] : memref<2x48x128xf32, #tpu.memory_space<vmem>> -> memref<1x16x128xf32, #tpu.memory_space<vmem>>
        %dma_start3A_3343 = tpu.memref_squeeze %dma_start3A_3342 : memref<1x16x128xf32, #tpu.memory_space<vmem>> -> memref<16x128xf32, #tpu.memory_space<vmem>>
        %dma_start3A_3344 = arith.constant 0 : i32
        %dma_start3A_3345 = tpu.memref_slice %arg12[%dma_start3A_3338, %dma_start3A_3344] : memref<6x16xi32, #tpu.memory_space<vmem>> -> memref<1x16xi32, #tpu.memory_space<vmem>>
        %dma_start3A_3346 = tpu.memref_squeeze %dma_start3A_3345 : memref<1x16xi32, #tpu.memory_space<vmem>> -> memref<16xi32, #tpu.memory_space<vmem>>
        %dma_start3A_3347 = arith.constant 0 : i32
        %dma_start3A_3348 = arith.constant 0 : i32
        %dma_start3A_3349 = tpu.memref_slice %arg5[%dma_start3A_3347, %dma_start3A_3348] : memref<1007616x128xf32, #tpu.memory_space<hbm>> -> memref<1007616x128xf32, #tpu.memory_space<hbm>>
        tpu.enqueue_indirect_dma source(%dma_start3A_3349 : memref<1007616x128xf32, #tpu.memory_space<hbm>>) target(%dma_start3A_3343 : memref<16x128xf32, #tpu.memory_space<vmem>>) offsets(%dma_start3A_3346 : memref<16xi32, #tpu.memory_space<vmem>>) semaphore(%arg14 : memref<!tpu.dma_semaphore, #tpu.memory_space<semaphore_mem>>)
        %dma_start3A_3350 = arith.constant 2 : i32
        %dma_start3A_3351 = arith.constant 0 : i32
        %dma_start3A_3352 = arith.constant 32 : i32
        %dma_start3A_3353 = arith.constant 0 : i32
        %dma_start3A_3354 = tpu.memref_slice %arg11[%dma_start3A_3351, %dma_start3A_3352, %dma_start3A_3353] : memref<2x48x128xf32, #tpu.memory_space<vmem>> -> memref<1x16x128xf32, #tpu.memory_space<vmem>>
        %dma_start3A_3355 = tpu.memref_squeeze %dma_start3A_3354 : memref<1x16x128xf32, #tpu.memory_space<vmem>> -> memref<16x128xf32, #tpu.memory_space<vmem>>
        %dma_start3A_3356 = arith.constant 0 : i32
        %dma_start3A_3357 = tpu.memref_slice %arg12[%dma_start3A_3350, %dma_start3A_3356] : memref<6x16xi32, #tpu.memory_space<vmem>> -> memref<1x16xi32, #tpu.memory_space<vmem>>
        %dma_start3A_3358 = tpu.memref_squeeze %dma_start3A_3357 : memref<1x16xi32, #tpu.memory_space<vmem>> -> memref<16xi32, #tpu.memory_space<vmem>>
        %dma_start3A_3359 = arith.constant 0 : i32
        %dma_start3A_3360 = arith.constant 0 : i32
        %dma_start3A_3361 = tpu.memref_slice %arg6[%dma_start3A_3359, %dma_start3A_3360] : memref<8192x128xf32, #tpu.memory_space<hbm>> -> memref<8192x128xf32, #tpu.memory_space<hbm>>
        tpu.enqueue_indirect_dma source(%dma_start3A_3361 : memref<8192x128xf32, #tpu.memory_space<hbm>>) target(%dma_start3A_3355 : memref<16x128xf32, #tpu.memory_space<vmem>>) offsets(%dma_start3A_3358 : memref<16xi32, #tpu.memory_space<vmem>>) semaphore(%arg14 : memref<!tpu.dma_semaphore, #tpu.memory_space<semaphore_mem>>)
      } else {
      }
      %dma_wait3A_1710 = arith.constant 3 : i32
      %dma_wait3A_1711 = arith.constant 1 : i32
      %dma_wait3A_1712 = arith.constant 0 : i32
      %dma_wait3A_1713 = arith.constant 0 : i32
      %dma_wait3A_1714 = tpu.memref_slice %arg11[%dma_wait3A_1711, %dma_wait3A_1712, %dma_wait3A_1713] : memref<2x48x128xf32, #tpu.memory_space<vmem>> -> memref<1x16x128xf32, #tpu.memory_space<vmem>>
      %dma_wait3A_1715 = tpu.memref_squeeze %dma_wait3A_1714 : memref<1x16x128xf32, #tpu.memory_space<vmem>> -> memref<16x128xf32, #tpu.memory_space<vmem>>
      %dma_wait3A_1716 = arith.constant 0 : i32
      %dma_wait3A_1717 = tpu.memref_slice %arg12[%dma_wait3A_1710, %dma_wait3A_1716] : memref<6x16xi32, #tpu.memory_space<vmem>> -> memref<1x16xi32, #tpu.memory_space<vmem>>
      %dma_wait3A_1718 = tpu.memref_squeeze %dma_wait3A_1717 : memref<1x16xi32, #tpu.memory_space<vmem>> -> memref<16xi32, #tpu.memory_space<vmem>>
      %dma_wait3A_1719 = arith.constant 0 : i32
      %dma_wait3A_1720 = arith.constant 0 : i32
      %dma_wait3A_1721 = tpu.memref_slice %arg5[%dma_wait3A_1719, %dma_wait3A_1720] : memref<1007616x128xf32, #tpu.memory_space<hbm>> -> memref<1007616x128xf32, #tpu.memory_space<hbm>>
      tpu.wait_indirect_dma semaphore(%arg15 : memref<!tpu.dma_semaphore, #tpu.memory_space<semaphore_mem>>) src(%dma_wait3A_1721 : memref<1007616x128xf32, #tpu.memory_space<hbm>>) dst(%dma_wait3A_1715 : memref<16x128xf32, #tpu.memory_space<vmem>>)
      %dma_wait3A_1722 = arith.constant 4 : i32
      %dma_wait3A_1723 = arith.constant 1 : i32
      %dma_wait3A_1724 = arith.constant 16 : i32
      %dma_wait3A_1725 = arith.constant 0 : i32
      %dma_wait3A_1726 = tpu.memref_slice %arg11[%dma_wait3A_1723, %dma_wait3A_1724, %dma_wait3A_1725] : memref<2x48x128xf32, #tpu.memory_space<vmem>> -> memref<1x16x128xf32, #tpu.memory_space<vmem>>
      %dma_wait3A_1727 = tpu.memref_squeeze %dma_wait3A_1726 : memref<1x16x128xf32, #tpu.memory_space<vmem>> -> memref<16x128xf32, #tpu.memory_space<vmem>>
      %dma_wait3A_1728 = arith.constant 0 : i32
      %dma_wait3A_1729 = tpu.memref_slice %arg12[%dma_wait3A_1722, %dma_wait3A_1728] : memref<6x16xi32, #tpu.memory_space<vmem>> -> memref<1x16xi32, #tpu.memory_space<vmem>>
      %dma_wait3A_1730 = tpu.memref_squeeze %dma_wait3A_1729 : memref<1x16xi32, #tpu.memory_space<vmem>> -> memref<16xi32, #tpu.memory_space<vmem>>
      %dma_wait3A_1731 = arith.constant 0 : i32
      %dma_wait3A_1732 = arith.constant 0 : i32
      %dma_wait3A_1733 = tpu.memref_slice %arg5[%dma_wait3A_1731, %dma_wait3A_1732] : memref<1007616x128xf32, #tpu.memory_space<hbm>> -> memref<1007616x128xf32, #tpu.memory_space<hbm>>
      tpu.wait_indirect_dma semaphore(%arg15 : memref<!tpu.dma_semaphore, #tpu.memory_space<semaphore_mem>>) src(%dma_wait3A_1733 : memref<1007616x128xf32, #tpu.memory_space<hbm>>) dst(%dma_wait3A_1727 : memref<16x128xf32, #tpu.memory_space<vmem>>)
      %dma_wait3A_1734 = arith.constant 5 : i32
      %dma_wait3A_1735 = arith.constant 1 : i32
      %dma_wait3A_1736 = arith.constant 32 : i32
      %dma_wait3A_1737 = arith.constant 0 : i32
      %dma_wait3A_1738 = tpu.memref_slice %arg11[%dma_wait3A_1735, %dma_wait3A_1736, %dma_wait3A_1737] : memref<2x48x128xf32, #tpu.memory_space<vmem>> -> memref<1x16x128xf32, #tpu.memory_space<vmem>>
      %dma_wait3A_1739 = tpu.memref_squeeze %dma_wait3A_1738 : memref<1x16x128xf32, #tpu.memory_space<vmem>> -> memref<16x128xf32, #tpu.memory_space<vmem>>
      %dma_wait3A_1740 = arith.constant 0 : i32
      %dma_wait3A_1741 = tpu.memref_slice %arg12[%dma_wait3A_1734, %dma_wait3A_1740] : memref<6x16xi32, #tpu.memory_space<vmem>> -> memref<1x16xi32, #tpu.memory_space<vmem>>
      %dma_wait3A_1742 = tpu.memref_squeeze %dma_wait3A_1741 : memref<1x16xi32, #tpu.memory_space<vmem>> -> memref<16xi32, #tpu.memory_space<vmem>>
      %dma_wait3A_1743 = arith.constant 0 : i32
      %dma_wait3A_1744 = arith.constant 0 : i32
      %dma_wait3A_1745 = tpu.memref_slice %arg6[%dma_wait3A_1743, %dma_wait3A_1744] : memref<8192x128xf32, #tpu.memory_space<hbm>> -> memref<8192x128xf32, #tpu.memory_space<hbm>>
      tpu.wait_indirect_dma semaphore(%arg15 : memref<!tpu.dma_semaphore, #tpu.memory_space<semaphore_mem>>) src(%dma_wait3A_1745 : memref<8192x128xf32, #tpu.memory_space<hbm>>) dst(%dma_wait3A_1739 : memref<16x128xf32, #tpu.memory_space<vmem>>)
      %add3A_1746 = arith.constant 1 : i32
      %add3A_1747 = arith.addi %mul3A_63, %add3A_1746 : i32
      %add3A_1748 = arith.constant 16 : i32
      %add3A_1749 = vector.broadcast %add3A_1748 : i32 to vector<16xi32>
      %add3A_1750 = arith.addi %iota3A, %add3A_1749 : vector<16xi32>
      %add3A_1751 = arith.constant 32 : i32
      %add3A_1752 = vector.broadcast %add3A_1751 : i32 to vector<16xi32>
      %add3A_1753 = arith.addi %iota3A, %add3A_1752 : vector<16xi32>
      %broadcast_in_dim3A_1754 = arith.constant 0.000000e+00 : f32
      %broadcast_in_dim3A_1755 = vector.broadcast %broadcast_in_dim3A_1754 : f32 to vector<16xf32>
      %broadcast_in_dim3A_1756 = arith.constant 0 : i32
      %broadcast_in_dim3A_1757 = vector.broadcast %broadcast_in_dim3A_1756 : i32 to vector<16xi32>
      %gather3A_1758 = arith.constant 1 : i32
      %gather3A_1759 = arith.constant 0 : i32
      %gather3A_1760 = arith.constant 0 : i32
      %gather3A_1761 = tpu.memref_slice %arg11[%gather3A_1758, %gather3A_1759, %gather3A_1760] : memref<2x48x128xf32, #tpu.memory_space<vmem>> -> memref<1x48x128xf32, #tpu.memory_space<vmem>>
      %gather3A_1762 = tpu.memref_squeeze %gather3A_1761 : memref<1x48x128xf32, #tpu.memory_space<vmem>> -> memref<48x128xf32, #tpu.memory_space<vmem>>
      %gather3A_1763 = tpu.vector_load_idx %gather3A_1762[%iota3A, %broadcast_in_dim3A_1757] : memref<48x128xf32, #tpu.memory_space<vmem>>[vector<16xi32>, vector<16xi32>], vector<16xf32>,
      %gather3A_1764 = arith.constant 1 : i32
      %gather3A_1765 = arith.constant 0 : i32
      %gather3A_1766 = arith.constant 0 : i32
      %gather3A_1767 = tpu.memref_slice %arg11[%gather3A_1764, %gather3A_1765, %gather3A_1766] : memref<2x48x128xf32, #tpu.memory_space<vmem>> -> memref<1x48x128xf32, #tpu.memory_space<vmem>>
      %gather3A_1768 = tpu.memref_squeeze %gather3A_1767 : memref<1x48x128xf32, #tpu.memory_space<vmem>> -> memref<48x128xf32, #tpu.memory_space<vmem>>
      %gather3A_1769 = tpu.vector_load_idx %gather3A_1768[%add3A_1750, %broadcast_in_dim3A_1757] : memref<48x128xf32, #tpu.memory_space<vmem>>[vector<16xi32>, vector<16xi32>], vector<16xf32>,
      %gather3A_1770 = arith.constant 1 : i32
      %gather3A_1771 = arith.constant 0 : i32
      %gather3A_1772 = arith.constant 0 : i32
      %gather3A_1773 = tpu.memref_slice %arg11[%gather3A_1770, %gather3A_1771, %gather3A_1772] : memref<2x48x128xf32, #tpu.memory_space<vmem>> -> memref<1x48x128xf32, #tpu.memory_space<vmem>>
      %gather3A_1774 = tpu.memref_squeeze %gather3A_1773 : memref<1x48x128xf32, #tpu.memory_space<vmem>> -> memref<48x128xf32, #tpu.memory_space<vmem>>
      %gather3A_1775 = tpu.vector_load_idx %gather3A_1774[%add3A_1753, %broadcast_in_dim3A_1757] : memref<48x128xf32, #tpu.memory_space<vmem>>[vector<16xi32>, vector<16xi32>], vector<16xf32>,
      %add3A_1776 = arith.addf %gather3A_1763, %gather3A_1775 : vector<16xf32>
      %sub3A_1777 = arith.subf %add3A_1776, %gather3A_1769 : vector<16xf32>
      %mul3A_1778 = arith.mulf %sub3A_1777, %sub3A_1777 : vector<16xf32>
      %add3A_1779 = arith.addf %broadcast_in_dim3A_1755, %mul3A_1778 : vector<16xf32>
      %broadcast_in_dim3A_1780 = arith.constant 1 : i32
      %broadcast_in_dim3A_1781 = vector.broadcast %broadcast_in_dim3A_1780 : i32 to vector<16xi32>
      %gather3A_1782 = arith.constant 1 : i32
      %gather3A_1783 = arith.constant 0 : i32
      %gather3A_1784 = arith.constant 0 : i32
      %gather3A_1785 = tpu.memref_slice %arg11[%gather3A_1782, %gather3A_1783, %gather3A_1784] : memref<2x48x128xf32, #tpu.memory_space<vmem>> -> memref<1x48x128xf32, #tpu.memory_space<vmem>>
      %gather3A_1786 = tpu.memref_squeeze %gather3A_1785 : memref<1x48x128xf32, #tpu.memory_space<vmem>> -> memref<48x128xf32, #tpu.memory_space<vmem>>
      %gather3A_1787 = tpu.vector_load_idx %gather3A_1786[%iota3A, %broadcast_in_dim3A_1781] : memref<48x128xf32, #tpu.memory_space<vmem>>[vector<16xi32>, vector<16xi32>], vector<16xf32>,
      %gather3A_1788 = arith.constant 1 : i32
      %gather3A_1789 = arith.constant 0 : i32
      %gather3A_1790 = arith.constant 0 : i32
      %gather3A_1791 = tpu.memref_slice %arg11[%gather3A_1788, %gather3A_1789, %gather3A_1790] : memref<2x48x128xf32, #tpu.memory_space<vmem>> -> memref<1x48x128xf32, #tpu.memory_space<vmem>>
      %gather3A_1792 = tpu.memref_squeeze %gather3A_1791 : memref<1x48x128xf32, #tpu.memory_space<vmem>> -> memref<48x128xf32, #tpu.memory_space<vmem>>
      %gather3A_1793 = tpu.vector_load_idx %gather3A_1792[%add3A_1750, %broadcast_in_dim3A_1781] : memref<48x128xf32, #tpu.memory_space<vmem>>[vector<16xi32>, vector<16xi32>], vector<16xf32>,
      %gather3A_1794 = arith.constant 1 : i32
      %gather3A_1795 = arith.constant 0 : i32
      %gather3A_1796 = arith.constant 0 : i32
      %gather3A_1797 = tpu.memref_slice %arg11[%gather3A_1794, %gather3A_1795, %gather3A_1796] : memref<2x48x128xf32, #tpu.memory_space<vmem>> -> memref<1x48x128xf32, #tpu.memory_space<vmem>>
      %gather3A_1798 = tpu.memref_squeeze %gather3A_1797 : memref<1x48x128xf32, #tpu.memory_space<vmem>> -> memref<48x128xf32, #tpu.memory_space<vmem>>
      %gather3A_1799 = tpu.vector_load_idx %gather3A_1798[%add3A_1753, %broadcast_in_dim3A_1781] : memref<48x128xf32, #tpu.memory_space<vmem>>[vector<16xi32>, vector<16xi32>], vector<16xf32>,
      %add3A_1800 = arith.addf %gather3A_1787, %gather3A_1799 : vector<16xf32>
      %sub3A_1801 = arith.subf %add3A_1800, %gather3A_1793 : vector<16xf32>
      %mul3A_1802 = arith.mulf %sub3A_1801, %sub3A_1801 : vector<16xf32>
      %add3A_1803 = arith.addf %add3A_1779, %mul3A_1802 : vector<16xf32>
      %broadcast_in_dim3A_1804 = arith.constant 2 : i32
      %broadcast_in_dim3A_1805 = vector.broadcast %broadcast_in_dim3A_1804 : i32 to vector<16xi32>
      %gather3A_1806 = arith.constant 1 : i32
      %gather3A_1807 = arith.constant 0 : i32
      %gather3A_1808 = arith.constant 0 : i32
      %gather3A_1809 = tpu.memref_slice %arg11[%gather3A_1806, %gather3A_1807, %gather3A_1808] : memref<2x48x128xf32, #tpu.memory_space<vmem>> -> memref<1x48x128xf32, #tpu.memory_space<vmem>>
      %gather3A_1810 = tpu.memref_squeeze %gather3A_1809 : memref<1x48x128xf32, #tpu.memory_space<vmem>> -> memref<48x128xf32, #tpu.memory_space<vmem>>
      %gather3A_1811 = tpu.vector_load_idx %gather3A_1810[%iota3A, %broadcast_in_dim3A_1805] : memref<48x128xf32, #tpu.memory_space<vmem>>[vector<16xi32>, vector<16xi32>], vector<16xf32>,
      %gather3A_1812 = arith.constant 1 : i32
      %gather3A_1813 = arith.constant 0 : i32
      %gather3A_1814 = arith.constant 0 : i32
      %gather3A_1815 = tpu.memref_slice %arg11[%gather3A_1812, %gather3A_1813, %gather3A_1814] : memref<2x48x128xf32, #tpu.memory_space<vmem>> -> memref<1x48x128xf32, #tpu.memory_space<vmem>>
      %gather3A_1816 = tpu.memref_squeeze %gather3A_1815 : memref<1x48x128xf32, #tpu.memory_space<vmem>> -> memref<48x128xf32, #tpu.memory_space<vmem>>
      %gather3A_1817 = tpu.vector_load_idx %gather3A_1816[%add3A_1750, %broadcast_in_dim3A_1805] : memref<48x128xf32, #tpu.memory_space<vmem>>[vector<16xi32>, vector<16xi32>], vector<16xf32>,
      %gather3A_1818 = arith.constant 1 : i32
      %gather3A_1819 = arith.constant 0 : i32
      %gather3A_1820 = arith.constant 0 : i32
      %gather3A_1821 = tpu.memref_slice %arg11[%gather3A_1818, %gather3A_1819, %gather3A_1820] : memref<2x48x128xf32, #tpu.memory_space<vmem>> -> memref<1x48x128xf32, #tpu.memory_space<vmem>>
      %gather3A_1822 = tpu.memref_squeeze %gather3A_1821 : memref<1x48x128xf32, #tpu.memory_space<vmem>> -> memref<48x128xf32, #tpu.memory_space<vmem>>
      %gather3A_1823 = tpu.vector_load_idx %gather3A_1822[%add3A_1753, %broadcast_in_dim3A_1805] : memref<48x128xf32, #tpu.memory_space<vmem>>[vector<16xi32>, vector<16xi32>], vector<16xf32>,
      %add3A_1824 = arith.addf %gather3A_1811, %gather3A_1823 : vector<16xf32>
      %sub3A_1825 = arith.subf %add3A_1824, %gather3A_1817 : vector<16xf32>
      %mul3A_1826 = arith.mulf %sub3A_1825, %sub3A_1825 : vector<16xf32>
      %add3A_1827 = arith.addf %add3A_1803, %mul3A_1826 : vector<16xf32>
      %broadcast_in_dim3A_1828 = arith.constant 3 : i32
      %broadcast_in_dim3A_1829 = vector.broadcast %broadcast_in_dim3A_1828 : i32 to vector<16xi32>
      %gather3A_1830 = arith.constant 1 : i32
      %gather3A_1831 = arith.constant 0 : i32
      %gather3A_1832 = arith.constant 0 : i32
      %gather3A_1833 = tpu.memref_slice %arg11[%gather3A_1830, %gather3A_1831, %gather3A_1832] : memref<2x48x128xf32, #tpu.memory_space<vmem>> -> memref<1x48x128xf32, #tpu.memory_space<vmem>>
      %gather3A_1834 = tpu.memref_squeeze %gather3A_1833 : memref<1x48x128xf32, #tpu.memory_space<vmem>> -> memref<48x128xf32, #tpu.memory_space<vmem>>
      %gather3A_1835 = tpu.vector_load_idx %gather3A_1834[%iota3A, %broadcast_in_dim3A_1829] : memref<48x128xf32, #tpu.memory_space<vmem>>[vector<16xi32>, vector<16xi32>], vector<16xf32>,
      %gather3A_1836 = arith.constant 1 : i32
      %gather3A_1837 = arith.constant 0 : i32
      %gather3A_1838 = arith.constant 0 : i32
      %gather3A_1839 = tpu.memref_slice %arg11[%gather3A_1836, %gather3A_1837, %gather3A_1838] : memref<2x48x128xf32, #tpu.memory_space<vmem>> -> memref<1x48x128xf32, #tpu.memory_space<vmem>>
      %gather3A_1840 = tpu.memref_squeeze %gather3A_1839 : memref<1x48x128xf32, #tpu.memory_space<vmem>> -> memref<48x128xf32, #tpu.memory_space<vmem>>
      %gather3A_1841 = tpu.vector_load_idx %gather3A_1840[%add3A_1750, %broadcast_in_dim3A_1829] : memref<48x128xf32, #tpu.memory_space<vmem>>[vector<16xi32>, vector<16xi32>], vector<16xf32>,
      %gather3A_1842 = arith.constant 1 : i32
      %gather3A_1843 = arith.constant 0 : i32
      %gather3A_1844 = arith.constant 0 : i32
      %gather3A_1845 = tpu.memref_slice %arg11[%gather3A_1842, %gather3A_1843, %gather3A_1844] : memref<2x48x128xf32, #tpu.memory_space<vmem>> -> memref<1x48x128xf32, #tpu.memory_space<vmem>>
      %gather3A_1846 = tpu.memref_squeeze %gather3A_1845 : memref<1x48x128xf32, #tpu.memory_space<vmem>> -> memref<48x128xf32, #tpu.memory_space<vmem>>
      %gather3A_1847 = tpu.vector_load_idx %gather3A_1846[%add3A_1753, %broadcast_in_dim3A_1829] : memref<48x128xf32, #tpu.memory_space<vmem>>[vector<16xi32>, vector<16xi32>], vector<16xf32>,
      %add3A_1848 = arith.addf %gather3A_1835, %gather3A_1847 : vector<16xf32>
      %sub3A_1849 = arith.subf %add3A_1848, %gather3A_1841 : vector<16xf32>
      %mul3A_1850 = arith.mulf %sub3A_1849, %sub3A_1849 : vector<16xf32>
      %add3A_1851 = arith.addf %add3A_1827, %mul3A_1850 : vector<16xf32>
      %broadcast_in_dim3A_1852 = arith.constant 4 : i32
      %broadcast_in_dim3A_1853 = vector.broadcast %broadcast_in_dim3A_1852 : i32 to vector<16xi32>
      %gather3A_1854 = arith.constant 1 : i32
      %gather3A_1855 = arith.constant 0 : i32
      %gather3A_1856 = arith.constant 0 : i32
      %gather3A_1857 = tpu.memref_slice %arg11[%gather3A_1854, %gather3A_1855, %gather3A_1856] : memref<2x48x128xf32, #tpu.memory_space<vmem>> -> memref<1x48x128xf32, #tpu.memory_space<vmem>>
      %gather3A_1858 = tpu.memref_squeeze %gather3A_1857 : memref<1x48x128xf32, #tpu.memory_space<vmem>> -> memref<48x128xf32, #tpu.memory_space<vmem>>
      %gather3A_1859 = tpu.vector_load_idx %gather3A_1858[%iota3A, %broadcast_in_dim3A_1853] : memref<48x128xf32, #tpu.memory_space<vmem>>[vector<16xi32>, vector<16xi32>], vector<16xf32>,
      %gather3A_1860 = arith.constant 1 : i32
      %gather3A_1861 = arith.constant 0 : i32
      %gather3A_1862 = arith.constant 0 : i32
      %gather3A_1863 = tpu.memref_slice %arg11[%gather3A_1860, %gather3A_1861, %gather3A_1862] : memref<2x48x128xf32, #tpu.memory_space<vmem>> -> memref<1x48x128xf32, #tpu.memory_space<vmem>>
      %gather3A_1864 = tpu.memref_squeeze %gather3A_1863 : memref<1x48x128xf32, #tpu.memory_space<vmem>> -> memref<48x128xf32, #tpu.memory_space<vmem>>
      %gather3A_1865 = tpu.vector_load_idx %gather3A_1864[%add3A_1750, %broadcast_in_dim3A_1853] : memref<48x128xf32, #tpu.memory_space<vmem>>[vector<16xi32>, vector<16xi32>], vector<16xf32>,
      %gather3A_1866 = arith.constant 1 : i32
      %gather3A_1867 = arith.constant 0 : i32
      %gather3A_1868 = arith.constant 0 : i32
      %gather3A_1869 = tpu.memref_slice %arg11[%gather3A_1866, %gather3A_1867, %gather3A_1868] : memref<2x48x128xf32, #tpu.memory_space<vmem>> -> memref<1x48x128xf32, #tpu.memory_space<vmem>>
      %gather3A_1870 = tpu.memref_squeeze %gather3A_1869 : memref<1x48x128xf32, #tpu.memory_space<vmem>> -> memref<48x128xf32, #tpu.memory_space<vmem>>
      %gather3A_1871 = tpu.vector_load_idx %gather3A_1870[%add3A_1753, %broadcast_in_dim3A_1853] : memref<48x128xf32, #tpu.memory_space<vmem>>[vector<16xi32>, vector<16xi32>], vector<16xf32>,
      %add3A_1872 = arith.addf %gather3A_1859, %gather3A_1871 : vector<16xf32>
      %sub3A_1873 = arith.subf %add3A_1872, %gather3A_1865 : vector<16xf32>
      %mul3A_1874 = arith.mulf %sub3A_1873, %sub3A_1873 : vector<16xf32>
      %add3A_1875 = arith.addf %add3A_1851, %mul3A_1874 : vector<16xf32>
      %broadcast_in_dim3A_1876 = arith.constant 5 : i32
      %broadcast_in_dim3A_1877 = vector.broadcast %broadcast_in_dim3A_1876 : i32 to vector<16xi32>
      %gather3A_1878 = arith.constant 1 : i32
      %gather3A_1879 = arith.constant 0 : i32
      %gather3A_1880 = arith.constant 0 : i32
      %gather3A_1881 = tpu.memref_slice %arg11[%gather3A_1878, %gather3A_1879, %gather3A_1880] : memref<2x48x128xf32, #tpu.memory_space<vmem>> -> memref<1x48x128xf32, #tpu.memory_space<vmem>>
      %gather3A_1882 = tpu.memref_squeeze %gather3A_1881 : memref<1x48x128xf32, #tpu.memory_space<vmem>> -> memref<48x128xf32, #tpu.memory_space<vmem>>
      %gather3A_1883 = tpu.vector_load_idx %gather3A_1882[%iota3A, %broadcast_in_dim3A_1877] : memref<48x128xf32, #tpu.memory_space<vmem>>[vector<16xi32>, vector<16xi32>], vector<16xf32>,
      %gather3A_1884 = arith.constant 1 : i32
      %gather3A_1885 = arith.constant 0 : i32
      %gather3A_1886 = arith.constant 0 : i32
      %gather3A_1887 = tpu.memref_slice %arg11[%gather3A_1884, %gather3A_1885, %gather3A_1886] : memref<2x48x128xf32, #tpu.memory_space<vmem>> -> memref<1x48x128xf32, #tpu.memory_space<vmem>>
      %gather3A_1888 = tpu.memref_squeeze %gather3A_1887 : memref<1x48x128xf32, #tpu.memory_space<vmem>> -> memref<48x128xf32, #tpu.memory_space<vmem>>
      %gather3A_1889 = tpu.vector_load_idx %gather3A_1888[%add3A_1750, %broadcast_in_dim3A_1877] : memref<48x128xf32, #tpu.memory_space<vmem>>[vector<16xi32>, vector<16xi32>], vector<16xf32>,
      %gather3A_1890 = arith.constant 1 : i32
      %gather3A_1891 = arith.constant 0 : i32
      %gather3A_1892 = arith.constant 0 : i32
      %gather3A_1893 = tpu.memref_slice %arg11[%gather3A_1890, %gather3A_1891, %gather3A_1892] : memref<2x48x128xf32, #tpu.memory_space<vmem>> -> memref<1x48x128xf32, #tpu.memory_space<vmem>>
      %gather3A_1894 = tpu.memref_squeeze %gather3A_1893 : memref<1x48x128xf32, #tpu.memory_space<vmem>> -> memref<48x128xf32, #tpu.memory_space<vmem>>
      %gather3A_1895 = tpu.vector_load_idx %gather3A_1894[%add3A_1753, %broadcast_in_dim3A_1877] : memref<48x128xf32, #tpu.memory_space<vmem>>[vector<16xi32>, vector<16xi32>], vector<16xf32>,
      %add3A_1896 = arith.addf %gather3A_1883, %gather3A_1895 : vector<16xf32>
      %sub3A_1897 = arith.subf %add3A_1896, %gather3A_1889 : vector<16xf32>
      %mul3A_1898 = arith.mulf %sub3A_1897, %sub3A_1897 : vector<16xf32>
      %add3A_1899 = arith.addf %add3A_1875, %mul3A_1898 : vector<16xf32>
      %broadcast_in_dim3A_1900 = arith.constant 6 : i32
      %broadcast_in_dim3A_1901 = vector.broadcast %broadcast_in_dim3A_1900 : i32 to vector<16xi32>
      %gather3A_1902 = arith.constant 1 : i32
      %gather3A_1903 = arith.constant 0 : i32
      %gather3A_1904 = arith.constant 0 : i32
      %gather3A_1905 = tpu.memref_slice %arg11[%gather3A_1902, %gather3A_1903, %gather3A_1904] : memref<2x48x128xf32, #tpu.memory_space<vmem>> -> memref<1x48x128xf32, #tpu.memory_space<vmem>>
      %gather3A_1906 = tpu.memref_squeeze %gather3A_1905 : memref<1x48x128xf32, #tpu.memory_space<vmem>> -> memref<48x128xf32, #tpu.memory_space<vmem>>
      %gather3A_1907 = tpu.vector_load_idx %gather3A_1906[%iota3A, %broadcast_in_dim3A_1901] : memref<48x128xf32, #tpu.memory_space<vmem>>[vector<16xi32>, vector<16xi32>], vector<16xf32>,
      %gather3A_1908 = arith.constant 1 : i32
      %gather3A_1909 = arith.constant 0 : i32
      %gather3A_1910 = arith.constant 0 : i32
      %gather3A_1911 = tpu.memref_slice %arg11[%gather3A_1908, %gather3A_1909, %gather3A_1910] : memref<2x48x128xf32, #tpu.memory_space<vmem>> -> memref<1x48x128xf32, #tpu.memory_space<vmem>>
      %gather3A_1912 = tpu.memref_squeeze %gather3A_1911 : memref<1x48x128xf32, #tpu.memory_space<vmem>> -> memref<48x128xf32, #tpu.memory_space<vmem>>
      %gather3A_1913 = tpu.vector_load_idx %gather3A_1912[%add3A_1750, %broadcast_in_dim3A_1901] : memref<48x128xf32, #tpu.memory_space<vmem>>[vector<16xi32>, vector<16xi32>], vector<16xf32>,
      %gather3A_1914 = arith.constant 1 : i32
      %gather3A_1915 = arith.constant 0 : i32
      %gather3A_1916 = arith.constant 0 : i32
      %gather3A_1917 = tpu.memref_slice %arg11[%gather3A_1914, %gather3A_1915, %gather3A_1916] : memref<2x48x128xf32, #tpu.memory_space<vmem>> -> memref<1x48x128xf32, #tpu.memory_space<vmem>>
      %gather3A_1918 = tpu.memref_squeeze %gather3A_1917 : memref<1x48x128xf32, #tpu.memory_space<vmem>> -> memref<48x128xf32, #tpu.memory_space<vmem>>
      %gather3A_1919 = tpu.vector_load_idx %gather3A_1918[%add3A_1753, %broadcast_in_dim3A_1901] : memref<48x128xf32, #tpu.memory_space<vmem>>[vector<16xi32>, vector<16xi32>], vector<16xf32>,
      %add3A_1920 = arith.addf %gather3A_1907, %gather3A_1919 : vector<16xf32>
      %sub3A_1921 = arith.subf %add3A_1920, %gather3A_1913 : vector<16xf32>
      %mul3A_1922 = arith.mulf %sub3A_1921, %sub3A_1921 : vector<16xf32>
      %add3A_1923 = arith.addf %add3A_1899, %mul3A_1922 : vector<16xf32>
      %broadcast_in_dim3A_1924 = arith.constant 7 : i32
      %broadcast_in_dim3A_1925 = vector.broadcast %broadcast_in_dim3A_1924 : i32 to vector<16xi32>
      %gather3A_1926 = arith.constant 1 : i32
      %gather3A_1927 = arith.constant 0 : i32
      %gather3A_1928 = arith.constant 0 : i32
      %gather3A_1929 = tpu.memref_slice %arg11[%gather3A_1926, %gather3A_1927, %gather3A_1928] : memref<2x48x128xf32, #tpu.memory_space<vmem>> -> memref<1x48x128xf32, #tpu.memory_space<vmem>>
      %gather3A_1930 = tpu.memref_squeeze %gather3A_1929 : memref<1x48x128xf32, #tpu.memory_space<vmem>> -> memref<48x128xf32, #tpu.memory_space<vmem>>
      %gather3A_1931 = tpu.vector_load_idx %gather3A_1930[%iota3A, %broadcast_in_dim3A_1925] : memref<48x128xf32, #tpu.memory_space<vmem>>[vector<16xi32>, vector<16xi32>], vector<16xf32>,
      %gather3A_1932 = arith.constant 1 : i32
      %gather3A_1933 = arith.constant 0 : i32
      %gather3A_1934 = arith.constant 0 : i32
      %gather3A_1935 = tpu.memref_slice %arg11[%gather3A_1932, %gather3A_1933, %gather3A_1934] : memref<2x48x128xf32, #tpu.memory_space<vmem>> -> memref<1x48x128xf32, #tpu.memory_space<vmem>>
      %gather3A_1936 = tpu.memref_squeeze %gather3A_1935 : memref<1x48x128xf32, #tpu.memory_space<vmem>> -> memref<48x128xf32, #tpu.memory_space<vmem>>
      %gather3A_1937 = tpu.vector_load_idx %gather3A_1936[%add3A_1750, %broadcast_in_dim3A_1925] : memref<48x128xf32, #tpu.memory_space<vmem>>[vector<16xi32>, vector<16xi32>], vector<16xf32>,
      %gather3A_1938 = arith.constant 1 : i32
      %gather3A_1939 = arith.constant 0 : i32
      %gather3A_1940 = arith.constant 0 : i32
      %gather3A_1941 = tpu.memref_slice %arg11[%gather3A_1938, %gather3A_1939, %gather3A_1940] : memref<2x48x128xf32, #tpu.memory_space<vmem>> -> memref<1x48x128xf32, #tpu.memory_space<vmem>>
      %gather3A_1942 = tpu.memref_squeeze %gather3A_1941 : memref<1x48x128xf32, #tpu.memory_space<vmem>> -> memref<48x128xf32, #tpu.memory_space<vmem>>
      %gather3A_1943 = tpu.vector_load_idx %gather3A_1942[%add3A_1753, %broadcast_in_dim3A_1925] : memref<48x128xf32, #tpu.memory_space<vmem>>[vector<16xi32>, vector<16xi32>], vector<16xf32>,
      %add3A_1944 = arith.addf %gather3A_1931, %gather3A_1943 : vector<16xf32>
      %sub3A_1945 = arith.subf %add3A_1944, %gather3A_1937 : vector<16xf32>
      %mul3A_1946 = arith.mulf %sub3A_1945, %sub3A_1945 : vector<16xf32>
      %add3A_1947 = arith.addf %add3A_1923, %mul3A_1946 : vector<16xf32>
      %broadcast_in_dim3A_1948 = arith.constant 8 : i32
      %broadcast_in_dim3A_1949 = vector.broadcast %broadcast_in_dim3A_1948 : i32 to vector<16xi32>
      %gather3A_1950 = arith.constant 1 : i32
      %gather3A_1951 = arith.constant 0 : i32
      %gather3A_1952 = arith.constant 0 : i32
      %gather3A_1953 = tpu.memref_slice %arg11[%gather3A_1950, %gather3A_1951, %gather3A_1952] : memref<2x48x128xf32, #tpu.memory_space<vmem>> -> memref<1x48x128xf32, #tpu.memory_space<vmem>>
      %gather3A_1954 = tpu.memref_squeeze %gather3A_1953 : memref<1x48x128xf32, #tpu.memory_space<vmem>> -> memref<48x128xf32, #tpu.memory_space<vmem>>
      %gather3A_1955 = tpu.vector_load_idx %gather3A_1954[%iota3A, %broadcast_in_dim3A_1949] : memref<48x128xf32, #tpu.memory_space<vmem>>[vector<16xi32>, vector<16xi32>], vector<16xf32>,
      %gather3A_1956 = arith.constant 1 : i32
      %gather3A_1957 = arith.constant 0 : i32
      %gather3A_1958 = arith.constant 0 : i32
      %gather3A_1959 = tpu.memref_slice %arg11[%gather3A_1956, %gather3A_1957, %gather3A_1958] : memref<2x48x128xf32, #tpu.memory_space<vmem>> -> memref<1x48x128xf32, #tpu.memory_space<vmem>>
      %gather3A_1960 = tpu.memref_squeeze %gather3A_1959 : memref<1x48x128xf32, #tpu.memory_space<vmem>> -> memref<48x128xf32, #tpu.memory_space<vmem>>
      %gather3A_1961 = tpu.vector_load_idx %gather3A_1960[%add3A_1750, %broadcast_in_dim3A_1949] : memref<48x128xf32, #tpu.memory_space<vmem>>[vector<16xi32>, vector<16xi32>], vector<16xf32>,
      %gather3A_1962 = arith.constant 1 : i32
      %gather3A_1963 = arith.constant 0 : i32
      %gather3A_1964 = arith.constant 0 : i32
      %gather3A_1965 = tpu.memref_slice %arg11[%gather3A_1962, %gather3A_1963, %gather3A_1964] : memref<2x48x128xf32, #tpu.memory_space<vmem>> -> memref<1x48x128xf32, #tpu.memory_space<vmem>>
      %gather3A_1966 = tpu.memref_squeeze %gather3A_1965 : memref<1x48x128xf32, #tpu.memory_space<vmem>> -> memref<48x128xf32, #tpu.memory_space<vmem>>
      %gather3A_1967 = tpu.vector_load_idx %gather3A_1966[%add3A_1753, %broadcast_in_dim3A_1949] : memref<48x128xf32, #tpu.memory_space<vmem>>[vector<16xi32>, vector<16xi32>], vector<16xf32>,
      %add3A_1968 = arith.addf %gather3A_1955, %gather3A_1967 : vector<16xf32>
      %sub3A_1969 = arith.subf %add3A_1968, %gather3A_1961 : vector<16xf32>
      %mul3A_1970 = arith.mulf %sub3A_1969, %sub3A_1969 : vector<16xf32>
      %add3A_1971 = arith.addf %add3A_1947, %mul3A_1970 : vector<16xf32>
      %broadcast_in_dim3A_1972 = arith.constant 9 : i32
      %broadcast_in_dim3A_1973 = vector.broadcast %broadcast_in_dim3A_1972 : i32 to vector<16xi32>
      %gather3A_1974 = arith.constant 1 : i32
      %gather3A_1975 = arith.constant 0 : i32
      %gather3A_1976 = arith.constant 0 : i32
      %gather3A_1977 = tpu.memref_slice %arg11[%gather3A_1974, %gather3A_1975, %gather3A_1976] : memref<2x48x128xf32, #tpu.memory_space<vmem>> -> memref<1x48x128xf32, #tpu.memory_space<vmem>>
      %gather3A_1978 = tpu.memref_squeeze %gather3A_1977 : memref<1x48x128xf32, #tpu.memory_space<vmem>> -> memref<48x128xf32, #tpu.memory_space<vmem>>
      %gather3A_1979 = tpu.vector_load_idx %gather3A_1978[%iota3A, %broadcast_in_dim3A_1973] : memref<48x128xf32, #tpu.memory_space<vmem>>[vector<16xi32>, vector<16xi32>], vector<16xf32>,
      %gather3A_1980 = arith.constant 1 : i32
      %gather3A_1981 = arith.constant 0 : i32
      %gather3A_1982 = arith.constant 0 : i32
      %gather3A_1983 = tpu.memref_slice %arg11[%gather3A_1980, %gather3A_1981, %gather3A_1982] : memref<2x48x128xf32, #tpu.memory_space<vmem>> -> memref<1x48x128xf32, #tpu.memory_space<vmem>>
      %gather3A_1984 = tpu.memref_squeeze %gather3A_1983 : memref<1x48x128xf32, #tpu.memory_space<vmem>> -> memref<48x128xf32, #tpu.memory_space<vmem>>
      %gather3A_1985 = tpu.vector_load_idx %gather3A_1984[%add3A_1750, %broadcast_in_dim3A_1973] : memref<48x128xf32, #tpu.memory_space<vmem>>[vector<16xi32>, vector<16xi32>], vector<16xf32>,
      %gather3A_1986 = arith.constant 1 : i32
      %gather3A_1987 = arith.constant 0 : i32
      %gather3A_1988 = arith.constant 0 : i32
      %gather3A_1989 = tpu.memref_slice %arg11[%gather3A_1986, %gather3A_1987, %gather3A_1988] : memref<2x48x128xf32, #tpu.memory_space<vmem>> -> memref<1x48x128xf32, #tpu.memory_space<vmem>>
      %gather3A_1990 = tpu.memref_squeeze %gather3A_1989 : memref<1x48x128xf32, #tpu.memory_space<vmem>> -> memref<48x128xf32, #tpu.memory_space<vmem>>
      %gather3A_1991 = tpu.vector_load_idx %gather3A_1990[%add3A_1753, %broadcast_in_dim3A_1973] : memref<48x128xf32, #tpu.memory_space<vmem>>[vector<16xi32>, vector<16xi32>], vector<16xf32>,
      %add3A_1992 = arith.addf %gather3A_1979, %gather3A_1991 : vector<16xf32>
      %sub3A_1993 = arith.subf %add3A_1992, %gather3A_1985 : vector<16xf32>
      %mul3A_1994 = arith.mulf %sub3A_1993, %sub3A_1993 : vector<16xf32>
      %add3A_1995 = arith.addf %add3A_1971, %mul3A_1994 : vector<16xf32>
      %broadcast_in_dim3A_1996 = arith.constant 10 : i32
      %broadcast_in_dim3A_1997 = vector.broadcast %broadcast_in_dim3A_1996 : i32 to vector<16xi32>
      %gather3A_1998 = arith.constant 1 : i32
      %gather3A_1999 = arith.constant 0 : i32
      %gather3A_2000 = arith.constant 0 : i32
      %gather3A_2001 = tpu.memref_slice %arg11[%gather3A_1998, %gather3A_1999, %gather3A_2000] : memref<2x48x128xf32, #tpu.memory_space<vmem>> -> memref<1x48x128xf32, #tpu.memory_space<vmem>>
      %gather3A_2002 = tpu.memref_squeeze %gather3A_2001 : memref<1x48x128xf32, #tpu.memory_space<vmem>> -> memref<48x128xf32, #tpu.memory_space<vmem>>
      %gather3A_2003 = tpu.vector_load_idx %gather3A_2002[%iota3A, %broadcast_in_dim3A_1997] : memref<48x128xf32, #tpu.memory_space<vmem>>[vector<16xi32>, vector<16xi32>], vector<16xf32>,
      %gather3A_2004 = arith.constant 1 : i32
      %gather3A_2005 = arith.constant 0 : i32
      %gather3A_2006 = arith.constant 0 : i32
      %gather3A_2007 = tpu.memref_slice %arg11[%gather3A_2004, %gather3A_2005, %gather3A_2006] : memref<2x48x128xf32, #tpu.memory_space<vmem>> -> memref<1x48x128xf32, #tpu.memory_space<vmem>>
      %gather3A_2008 = tpu.memref_squeeze %gather3A_2007 : memref<1x48x128xf32, #tpu.memory_space<vmem>> -> memref<48x128xf32, #tpu.memory_space<vmem>>
      %gather3A_2009 = tpu.vector_load_idx %gather3A_2008[%add3A_1750, %broadcast_in_dim3A_1997] : memref<48x128xf32, #tpu.memory_space<vmem>>[vector<16xi32>, vector<16xi32>], vector<16xf32>,
      %gather3A_2010 = arith.constant 1 : i32
      %gather3A_2011 = arith.constant 0 : i32
      %gather3A_2012 = arith.constant 0 : i32
      %gather3A_2013 = tpu.memref_slice %arg11[%gather3A_2010, %gather3A_2011, %gather3A_2012] : memref<2x48x128xf32, #tpu.memory_space<vmem>> -> memref<1x48x128xf32, #tpu.memory_space<vmem>>
      %gather3A_2014 = tpu.memref_squeeze %gather3A_2013 : memref<1x48x128xf32, #tpu.memory_space<vmem>> -> memref<48x128xf32, #tpu.memory_space<vmem>>
      %gather3A_2015 = tpu.vector_load_idx %gather3A_2014[%add3A_1753, %broadcast_in_dim3A_1997] : memref<48x128xf32, #tpu.memory_space<vmem>>[vector<16xi32>, vector<16xi32>], vector<16xf32>,
      %add3A_2016 = arith.addf %gather3A_2003, %gather3A_2015 : vector<16xf32>
      %sub3A_2017 = arith.subf %add3A_2016, %gather3A_2009 : vector<16xf32>
      %mul3A_2018 = arith.mulf %sub3A_2017, %sub3A_2017 : vector<16xf32>
      %add3A_2019 = arith.addf %add3A_1995, %mul3A_2018 : vector<16xf32>
      %broadcast_in_dim3A_2020 = arith.constant 11 : i32
      %broadcast_in_dim3A_2021 = vector.broadcast %broadcast_in_dim3A_2020 : i32 to vector<16xi32>
      %gather3A_2022 = arith.constant 1 : i32
      %gather3A_2023 = arith.constant 0 : i32
      %gather3A_2024 = arith.constant 0 : i32
      %gather3A_2025 = tpu.memref_slice %arg11[%gather3A_2022, %gather3A_2023, %gather3A_2024] : memref<2x48x128xf32, #tpu.memory_space<vmem>> -> memref<1x48x128xf32, #tpu.memory_space<vmem>>
      %gather3A_2026 = tpu.memref_squeeze %gather3A_2025 : memref<1x48x128xf32, #tpu.memory_space<vmem>> -> memref<48x128xf32, #tpu.memory_space<vmem>>
      %gather3A_2027 = tpu.vector_load_idx %gather3A_2026[%iota3A, %broadcast_in_dim3A_2021] : memref<48x128xf32, #tpu.memory_space<vmem>>[vector<16xi32>, vector<16xi32>], vector<16xf32>,
      %gather3A_2028 = arith.constant 1 : i32
      %gather3A_2029 = arith.constant 0 : i32
      %gather3A_2030 = arith.constant 0 : i32
      %gather3A_2031 = tpu.memref_slice %arg11[%gather3A_2028, %gather3A_2029, %gather3A_2030] : memref<2x48x128xf32, #tpu.memory_space<vmem>> -> memref<1x48x128xf32, #tpu.memory_space<vmem>>
      %gather3A_2032 = tpu.memref_squeeze %gather3A_2031 : memref<1x48x128xf32, #tpu.memory_space<vmem>> -> memref<48x128xf32, #tpu.memory_space<vmem>>
      %gather3A_2033 = tpu.vector_load_idx %gather3A_2032[%add3A_1750, %broadcast_in_dim3A_2021] : memref<48x128xf32, #tpu.memory_space<vmem>>[vector<16xi32>, vector<16xi32>], vector<16xf32>,
      %gather3A_2034 = arith.constant 1 : i32
      %gather3A_2035 = arith.constant 0 : i32
      %gather3A_2036 = arith.constant 0 : i32
      %gather3A_2037 = tpu.memref_slice %arg11[%gather3A_2034, %gather3A_2035, %gather3A_2036] : memref<2x48x128xf32, #tpu.memory_space<vmem>> -> memref<1x48x128xf32, #tpu.memory_space<vmem>>
      %gather3A_2038 = tpu.memref_squeeze %gather3A_2037 : memref<1x48x128xf32, #tpu.memory_space<vmem>> -> memref<48x128xf32, #tpu.memory_space<vmem>>
      %gather3A_2039 = tpu.vector_load_idx %gather3A_2038[%add3A_1753, %broadcast_in_dim3A_2021] : memref<48x128xf32, #tpu.memory_space<vmem>>[vector<16xi32>, vector<16xi32>], vector<16xf32>,
      %add3A_2040 = arith.addf %gather3A_2027, %gather3A_2039 : vector<16xf32>
      %sub3A_2041 = arith.subf %add3A_2040, %gather3A_2033 : vector<16xf32>
      %mul3A_2042 = arith.mulf %sub3A_2041, %sub3A_2041 : vector<16xf32>
      %add3A_2043 = arith.addf %add3A_2019, %mul3A_2042 : vector<16xf32>
      %broadcast_in_dim3A_2044 = arith.constant 12 : i32
      %broadcast_in_dim3A_2045 = vector.broadcast %broadcast_in_dim3A_2044 : i32 to vector<16xi32>
      %gather3A_2046 = arith.constant 1 : i32
      %gather3A_2047 = arith.constant 0 : i32
      %gather3A_2048 = arith.constant 0 : i32
      %gather3A_2049 = tpu.memref_slice %arg11[%gather3A_2046, %gather3A_2047, %gather3A_2048] : memref<2x48x128xf32, #tpu.memory_space<vmem>> -> memref<1x48x128xf32, #tpu.memory_space<vmem>>
      %gather3A_2050 = tpu.memref_squeeze %gather3A_2049 : memref<1x48x128xf32, #tpu.memory_space<vmem>> -> memref<48x128xf32, #tpu.memory_space<vmem>>
      %gather3A_2051 = tpu.vector_load_idx %gather3A_2050[%iota3A, %broadcast_in_dim3A_2045] : memref<48x128xf32, #tpu.memory_space<vmem>>[vector<16xi32>, vector<16xi32>], vector<16xf32>,
      %gather3A_2052 = arith.constant 1 : i32
      %gather3A_2053 = arith.constant 0 : i32
      %gather3A_2054 = arith.constant 0 : i32
      %gather3A_2055 = tpu.memref_slice %arg11[%gather3A_2052, %gather3A_2053, %gather3A_2054] : memref<2x48x128xf32, #tpu.memory_space<vmem>> -> memref<1x48x128xf32, #tpu.memory_space<vmem>>
      %gather3A_2056 = tpu.memref_squeeze %gather3A_2055 : memref<1x48x128xf32, #tpu.memory_space<vmem>> -> memref<48x128xf32, #tpu.memory_space<vmem>>
      %gather3A_2057 = tpu.vector_load_idx %gather3A_2056[%add3A_1750, %broadcast_in_dim3A_2045] : memref<48x128xf32, #tpu.memory_space<vmem>>[vector<16xi32>, vector<16xi32>], vector<16xf32>,
      %gather3A_2058 = arith.constant 1 : i32
      %gather3A_2059 = arith.constant 0 : i32
      %gather3A_2060 = arith.constant 0 : i32
      %gather3A_2061 = tpu.memref_slice %arg11[%gather3A_2058, %gather3A_2059, %gather3A_2060] : memref<2x48x128xf32, #tpu.memory_space<vmem>> -> memref<1x48x128xf32, #tpu.memory_space<vmem>>
      %gather3A_2062 = tpu.memref_squeeze %gather3A_2061 : memref<1x48x128xf32, #tpu.memory_space<vmem>> -> memref<48x128xf32, #tpu.memory_space<vmem>>
      %gather3A_2063 = tpu.vector_load_idx %gather3A_2062[%add3A_1753, %broadcast_in_dim3A_2045] : memref<48x128xf32, #tpu.memory_space<vmem>>[vector<16xi32>, vector<16xi32>], vector<16xf32>,
      %add3A_2064 = arith.addf %gather3A_2051, %gather3A_2063 : vector<16xf32>
      %sub3A_2065 = arith.subf %add3A_2064, %gather3A_2057 : vector<16xf32>
      %mul3A_2066 = arith.mulf %sub3A_2065, %sub3A_2065 : vector<16xf32>
      %add3A_2067 = arith.addf %add3A_2043, %mul3A_2066 : vector<16xf32>
      %broadcast_in_dim3A_2068 = arith.constant 13 : i32
      %broadcast_in_dim3A_2069 = vector.broadcast %broadcast_in_dim3A_2068 : i32 to vector<16xi32>
      %gather3A_2070 = arith.constant 1 : i32
      %gather3A_2071 = arith.constant 0 : i32
      %gather3A_2072 = arith.constant 0 : i32
      %gather3A_2073 = tpu.memref_slice %arg11[%gather3A_2070, %gather3A_2071, %gather3A_2072] : memref<2x48x128xf32, #tpu.memory_space<vmem>> -> memref<1x48x128xf32, #tpu.memory_space<vmem>>
      %gather3A_2074 = tpu.memref_squeeze %gather3A_2073 : memref<1x48x128xf32, #tpu.memory_space<vmem>> -> memref<48x128xf32, #tpu.memory_space<vmem>>
      %gather3A_2075 = tpu.vector_load_idx %gather3A_2074[%iota3A, %broadcast_in_dim3A_2069] : memref<48x128xf32, #tpu.memory_space<vmem>>[vector<16xi32>, vector<16xi32>], vector<16xf32>,
      %gather3A_2076 = arith.constant 1 : i32
      %gather3A_2077 = arith.constant 0 : i32
      %gather3A_2078 = arith.constant 0 : i32
      %gather3A_2079 = tpu.memref_slice %arg11[%gather3A_2076, %gather3A_2077, %gather3A_2078] : memref<2x48x128xf32, #tpu.memory_space<vmem>> -> memref<1x48x128xf32, #tpu.memory_space<vmem>>
      %gather3A_2080 = tpu.memref_squeeze %gather3A_2079 : memref<1x48x128xf32, #tpu.memory_space<vmem>> -> memref<48x128xf32, #tpu.memory_space<vmem>>
      %gather3A_2081 = tpu.vector_load_idx %gather3A_2080[%add3A_1750, %broadcast_in_dim3A_2069] : memref<48x128xf32, #tpu.memory_space<vmem>>[vector<16xi32>, vector<16xi32>], vector<16xf32>,
      %gather3A_2082 = arith.constant 1 : i32
      %gather3A_2083 = arith.constant 0 : i32
      %gather3A_2084 = arith.constant 0 : i32
      %gather3A_2085 = tpu.memref_slice %arg11[%gather3A_2082, %gather3A_2083, %gather3A_2084] : memref<2x48x128xf32, #tpu.memory_space<vmem>> -> memref<1x48x128xf32, #tpu.memory_space<vmem>>
      %gather3A_2086 = tpu.memref_squeeze %gather3A_2085 : memref<1x48x128xf32, #tpu.memory_space<vmem>> -> memref<48x128xf32, #tpu.memory_space<vmem>>
      %gather3A_2087 = tpu.vector_load_idx %gather3A_2086[%add3A_1753, %broadcast_in_dim3A_2069] : memref<48x128xf32, #tpu.memory_space<vmem>>[vector<16xi32>, vector<16xi32>], vector<16xf32>,
      %add3A_2088 = arith.addf %gather3A_2075, %gather3A_2087 : vector<16xf32>
      %sub3A_2089 = arith.subf %add3A_2088, %gather3A_2081 : vector<16xf32>
      %mul3A_2090 = arith.mulf %sub3A_2089, %sub3A_2089 : vector<16xf32>
      %add3A_2091 = arith.addf %add3A_2067, %mul3A_2090 : vector<16xf32>
      %broadcast_in_dim3A_2092 = arith.constant 14 : i32
      %broadcast_in_dim3A_2093 = vector.broadcast %broadcast_in_dim3A_2092 : i32 to vector<16xi32>
      %gather3A_2094 = arith.constant 1 : i32
      %gather3A_2095 = arith.constant 0 : i32
      %gather3A_2096 = arith.constant 0 : i32
      %gather3A_2097 = tpu.memref_slice %arg11[%gather3A_2094, %gather3A_2095, %gather3A_2096] : memref<2x48x128xf32, #tpu.memory_space<vmem>> -> memref<1x48x128xf32, #tpu.memory_space<vmem>>
      %gather3A_2098 = tpu.memref_squeeze %gather3A_2097 : memref<1x48x128xf32, #tpu.memory_space<vmem>> -> memref<48x128xf32, #tpu.memory_space<vmem>>
      %gather3A_2099 = tpu.vector_load_idx %gather3A_2098[%iota3A, %broadcast_in_dim3A_2093] : memref<48x128xf32, #tpu.memory_space<vmem>>[vector<16xi32>, vector<16xi32>], vector<16xf32>,
      %gather3A_2100 = arith.constant 1 : i32
      %gather3A_2101 = arith.constant 0 : i32
      %gather3A_2102 = arith.constant 0 : i32
      %gather3A_2103 = tpu.memref_slice %arg11[%gather3A_2100, %gather3A_2101, %gather3A_2102] : memref<2x48x128xf32, #tpu.memory_space<vmem>> -> memref<1x48x128xf32, #tpu.memory_space<vmem>>
      %gather3A_2104 = tpu.memref_squeeze %gather3A_2103 : memref<1x48x128xf32, #tpu.memory_space<vmem>> -> memref<48x128xf32, #tpu.memory_space<vmem>>
      %gather3A_2105 = tpu.vector_load_idx %gather3A_2104[%add3A_1750, %broadcast_in_dim3A_2093] : memref<48x128xf32, #tpu.memory_space<vmem>>[vector<16xi32>, vector<16xi32>], vector<16xf32>,
      %gather3A_2106 = arith.constant 1 : i32
      %gather3A_2107 = arith.constant 0 : i32
      %gather3A_2108 = arith.constant 0 : i32
      %gather3A_2109 = tpu.memref_slice %arg11[%gather3A_2106, %gather3A_2107, %gather3A_2108] : memref<2x48x128xf32, #tpu.memory_space<vmem>> -> memref<1x48x128xf32, #tpu.memory_space<vmem>>
      %gather3A_2110 = tpu.memref_squeeze %gather3A_2109 : memref<1x48x128xf32, #tpu.memory_space<vmem>> -> memref<48x128xf32, #tpu.memory_space<vmem>>
      %gather3A_2111 = tpu.vector_load_idx %gather3A_2110[%add3A_1753, %broadcast_in_dim3A_2093] : memref<48x128xf32, #tpu.memory_space<vmem>>[vector<16xi32>, vector<16xi32>], vector<16xf32>,
      %add3A_2112 = arith.addf %gather3A_2099, %gather3A_2111 : vector<16xf32>
      %sub3A_2113 = arith.subf %add3A_2112, %gather3A_2105 : vector<16xf32>
      %mul3A_2114 = arith.mulf %sub3A_2113, %sub3A_2113 : vector<16xf32>
      %add3A_2115 = arith.addf %add3A_2091, %mul3A_2114 : vector<16xf32>
      %broadcast_in_dim3A_2116 = arith.constant 15 : i32
      %broadcast_in_dim3A_2117 = vector.broadcast %broadcast_in_dim3A_2116 : i32 to vector<16xi32>
      %gather3A_2118 = arith.constant 1 : i32
      %gather3A_2119 = arith.constant 0 : i32
      %gather3A_2120 = arith.constant 0 : i32
      %gather3A_2121 = tpu.memref_slice %arg11[%gather3A_2118, %gather3A_2119, %gather3A_2120] : memref<2x48x128xf32, #tpu.memory_space<vmem>> -> memref<1x48x128xf32, #tpu.memory_space<vmem>>
      %gather3A_2122 = tpu.memref_squeeze %gather3A_2121 : memref<1x48x128xf32, #tpu.memory_space<vmem>> -> memref<48x128xf32, #tpu.memory_space<vmem>>
      %gather3A_2123 = tpu.vector_load_idx %gather3A_2122[%iota3A, %broadcast_in_dim3A_2117] : memref<48x128xf32, #tpu.memory_space<vmem>>[vector<16xi32>, vector<16xi32>], vector<16xf32>,
      %gather3A_2124 = arith.constant 1 : i32
      %gather3A_2125 = arith.constant 0 : i32
      %gather3A_2126 = arith.constant 0 : i32
      %gather3A_2127 = tpu.memref_slice %arg11[%gather3A_2124, %gather3A_2125, %gather3A_2126] : memref<2x48x128xf32, #tpu.memory_space<vmem>> -> memref<1x48x128xf32, #tpu.memory_space<vmem>>
      %gather3A_2128 = tpu.memref_squeeze %gather3A_2127 : memref<1x48x128xf32, #tpu.memory_space<vmem>> -> memref<48x128xf32, #tpu.memory_space<vmem>>
      %gather3A_2129 = tpu.vector_load_idx %gather3A_2128[%add3A_1750, %broadcast_in_dim3A_2117] : memref<48x128xf32, #tpu.memory_space<vmem>>[vector<16xi32>, vector<16xi32>], vector<16xf32>,
      %gather3A_2130 = arith.constant 1 : i32
      %gather3A_2131 = arith.constant 0 : i32
      %gather3A_2132 = arith.constant 0 : i32
      %gather3A_2133 = tpu.memref_slice %arg11[%gather3A_2130, %gather3A_2131, %gather3A_2132] : memref<2x48x128xf32, #tpu.memory_space<vmem>> -> memref<1x48x128xf32, #tpu.memory_space<vmem>>
      %gather3A_2134 = tpu.memref_squeeze %gather3A_2133 : memref<1x48x128xf32, #tpu.memory_space<vmem>> -> memref<48x128xf32, #tpu.memory_space<vmem>>
      %gather3A_2135 = tpu.vector_load_idx %gather3A_2134[%add3A_1753, %broadcast_in_dim3A_2117] : memref<48x128xf32, #tpu.memory_space<vmem>>[vector<16xi32>, vector<16xi32>], vector<16xf32>,
      %add3A_2136 = arith.addf %gather3A_2123, %gather3A_2135 : vector<16xf32>
      %sub3A_2137 = arith.subf %add3A_2136, %gather3A_2129 : vector<16xf32>
      %mul3A_2138 = arith.mulf %sub3A_2137, %sub3A_2137 : vector<16xf32>
      %add3A_2139 = arith.addf %add3A_2115, %mul3A_2138 : vector<16xf32>
      %broadcast_in_dim3A_2140 = arith.constant 16 : i32
      %broadcast_in_dim3A_2141 = vector.broadcast %broadcast_in_dim3A_2140 : i32 to vector<16xi32>
      %gather3A_2142 = arith.constant 1 : i32
      %gather3A_2143 = arith.constant 0 : i32
      %gather3A_2144 = arith.constant 0 : i32
      %gather3A_2145 = tpu.memref_slice %arg11[%gather3A_2142, %gather3A_2143, %gather3A_2144] : memref<2x48x128xf32, #tpu.memory_space<vmem>> -> memref<1x48x128xf32, #tpu.memory_space<vmem>>
      %gather3A_2146 = tpu.memref_squeeze %gather3A_2145 : memref<1x48x128xf32, #tpu.memory_space<vmem>> -> memref<48x128xf32, #tpu.memory_space<vmem>>
      %gather3A_2147 = tpu.vector_load_idx %gather3A_2146[%iota3A, %broadcast_in_dim3A_2141] : memref<48x128xf32, #tpu.memory_space<vmem>>[vector<16xi32>, vector<16xi32>], vector<16xf32>,
      %gather3A_2148 = arith.constant 1 : i32
      %gather3A_2149 = arith.constant 0 : i32
      %gather3A_2150 = arith.constant 0 : i32
      %gather3A_2151 = tpu.memref_slice %arg11[%gather3A_2148, %gather3A_2149, %gather3A_2150] : memref<2x48x128xf32, #tpu.memory_space<vmem>> -> memref<1x48x128xf32, #tpu.memory_space<vmem>>
      %gather3A_2152 = tpu.memref_squeeze %gather3A_2151 : memref<1x48x128xf32, #tpu.memory_space<vmem>> -> memref<48x128xf32, #tpu.memory_space<vmem>>
      %gather3A_2153 = tpu.vector_load_idx %gather3A_2152[%add3A_1750, %broadcast_in_dim3A_2141] : memref<48x128xf32, #tpu.memory_space<vmem>>[vector<16xi32>, vector<16xi32>], vector<16xf32>,
      %gather3A_2154 = arith.constant 1 : i32
      %gather3A_2155 = arith.constant 0 : i32
      %gather3A_2156 = arith.constant 0 : i32
      %gather3A_2157 = tpu.memref_slice %arg11[%gather3A_2154, %gather3A_2155, %gather3A_2156] : memref<2x48x128xf32, #tpu.memory_space<vmem>> -> memref<1x48x128xf32, #tpu.memory_space<vmem>>
      %gather3A_2158 = tpu.memref_squeeze %gather3A_2157 : memref<1x48x128xf32, #tpu.memory_space<vmem>> -> memref<48x128xf32, #tpu.memory_space<vmem>>
      %gather3A_2159 = tpu.vector_load_idx %gather3A_2158[%add3A_1753, %broadcast_in_dim3A_2141] : memref<48x128xf32, #tpu.memory_space<vmem>>[vector<16xi32>, vector<16xi32>], vector<16xf32>,
      %add3A_2160 = arith.addf %gather3A_2147, %gather3A_2159 : vector<16xf32>
      %sub3A_2161 = arith.subf %add3A_2160, %gather3A_2153 : vector<16xf32>
      %mul3A_2162 = arith.mulf %sub3A_2161, %sub3A_2161 : vector<16xf32>
      %add3A_2163 = arith.addf %add3A_2139, %mul3A_2162 : vector<16xf32>
      %broadcast_in_dim3A_2164 = arith.constant 17 : i32
      %broadcast_in_dim3A_2165 = vector.broadcast %broadcast_in_dim3A_2164 : i32 to vector<16xi32>
      %gather3A_2166 = arith.constant 1 : i32
      %gather3A_2167 = arith.constant 0 : i32
      %gather3A_2168 = arith.constant 0 : i32
      %gather3A_2169 = tpu.memref_slice %arg11[%gather3A_2166, %gather3A_2167, %gather3A_2168] : memref<2x48x128xf32, #tpu.memory_space<vmem>> -> memref<1x48x128xf32, #tpu.memory_space<vmem>>
      %gather3A_2170 = tpu.memref_squeeze %gather3A_2169 : memref<1x48x128xf32, #tpu.memory_space<vmem>> -> memref<48x128xf32, #tpu.memory_space<vmem>>
      %gather3A_2171 = tpu.vector_load_idx %gather3A_2170[%iota3A, %broadcast_in_dim3A_2165] : memref<48x128xf32, #tpu.memory_space<vmem>>[vector<16xi32>, vector<16xi32>], vector<16xf32>,
      %gather3A_2172 = arith.constant 1 : i32
      %gather3A_2173 = arith.constant 0 : i32
      %gather3A_2174 = arith.constant 0 : i32
      %gather3A_2175 = tpu.memref_slice %arg11[%gather3A_2172, %gather3A_2173, %gather3A_2174] : memref<2x48x128xf32, #tpu.memory_space<vmem>> -> memref<1x48x128xf32, #tpu.memory_space<vmem>>
      %gather3A_2176 = tpu.memref_squeeze %gather3A_2175 : memref<1x48x128xf32, #tpu.memory_space<vmem>> -> memref<48x128xf32, #tpu.memory_space<vmem>>
      %gather3A_2177 = tpu.vector_load_idx %gather3A_2176[%add3A_1750, %broadcast_in_dim3A_2165] : memref<48x128xf32, #tpu.memory_space<vmem>>[vector<16xi32>, vector<16xi32>], vector<16xf32>,
      %gather3A_2178 = arith.constant 1 : i32
      %gather3A_2179 = arith.constant 0 : i32
      %gather3A_2180 = arith.constant 0 : i32
      %gather3A_2181 = tpu.memref_slice %arg11[%gather3A_2178, %gather3A_2179, %gather3A_2180] : memref<2x48x128xf32, #tpu.memory_space<vmem>> -> memref<1x48x128xf32, #tpu.memory_space<vmem>>
      %gather3A_2182 = tpu.memref_squeeze %gather3A_2181 : memref<1x48x128xf32, #tpu.memory_space<vmem>> -> memref<48x128xf32, #tpu.memory_space<vmem>>
      %gather3A_2183 = tpu.vector_load_idx %gather3A_2182[%add3A_1753, %broadcast_in_dim3A_2165] : memref<48x128xf32, #tpu.memory_space<vmem>>[vector<16xi32>, vector<16xi32>], vector<16xf32>,
      %add3A_2184 = arith.addf %gather3A_2171, %gather3A_2183 : vector<16xf32>
      %sub3A_2185 = arith.subf %add3A_2184, %gather3A_2177 : vector<16xf32>
      %mul3A_2186 = arith.mulf %sub3A_2185, %sub3A_2185 : vector<16xf32>
      %add3A_2187 = arith.addf %add3A_2163, %mul3A_2186 : vector<16xf32>
      %broadcast_in_dim3A_2188 = arith.constant 18 : i32
      %broadcast_in_dim3A_2189 = vector.broadcast %broadcast_in_dim3A_2188 : i32 to vector<16xi32>
      %gather3A_2190 = arith.constant 1 : i32
      %gather3A_2191 = arith.constant 0 : i32
      %gather3A_2192 = arith.constant 0 : i32
      %gather3A_2193 = tpu.memref_slice %arg11[%gather3A_2190, %gather3A_2191, %gather3A_2192] : memref<2x48x128xf32, #tpu.memory_space<vmem>> -> memref<1x48x128xf32, #tpu.memory_space<vmem>>
      %gather3A_2194 = tpu.memref_squeeze %gather3A_2193 : memref<1x48x128xf32, #tpu.memory_space<vmem>> -> memref<48x128xf32, #tpu.memory_space<vmem>>
      %gather3A_2195 = tpu.vector_load_idx %gather3A_2194[%iota3A, %broadcast_in_dim3A_2189] : memref<48x128xf32, #tpu.memory_space<vmem>>[vector<16xi32>, vector<16xi32>], vector<16xf32>,
      %gather3A_2196 = arith.constant 1 : i32
      %gather3A_2197 = arith.constant 0 : i32
      %gather3A_2198 = arith.constant 0 : i32
      %gather3A_2199 = tpu.memref_slice %arg11[%gather3A_2196, %gather3A_2197, %gather3A_2198] : memref<2x48x128xf32, #tpu.memory_space<vmem>> -> memref<1x48x128xf32, #tpu.memory_space<vmem>>
      %gather3A_2200 = tpu.memref_squeeze %gather3A_2199 : memref<1x48x128xf32, #tpu.memory_space<vmem>> -> memref<48x128xf32, #tpu.memory_space<vmem>>
      %gather3A_2201 = tpu.vector_load_idx %gather3A_2200[%add3A_1750, %broadcast_in_dim3A_2189] : memref<48x128xf32, #tpu.memory_space<vmem>>[vector<16xi32>, vector<16xi32>], vector<16xf32>,
      %gather3A_2202 = arith.constant 1 : i32
      %gather3A_2203 = arith.constant 0 : i32
      %gather3A_2204 = arith.constant 0 : i32
      %gather3A_2205 = tpu.memref_slice %arg11[%gather3A_2202, %gather3A_2203, %gather3A_2204] : memref<2x48x128xf32, #tpu.memory_space<vmem>> -> memref<1x48x128xf32, #tpu.memory_space<vmem>>
      %gather3A_2206 = tpu.memref_squeeze %gather3A_2205 : memref<1x48x128xf32, #tpu.memory_space<vmem>> -> memref<48x128xf32, #tpu.memory_space<vmem>>
      %gather3A_2207 = tpu.vector_load_idx %gather3A_2206[%add3A_1753, %broadcast_in_dim3A_2189] : memref<48x128xf32, #tpu.memory_space<vmem>>[vector<16xi32>, vector<16xi32>], vector<16xf32>,
      %add3A_2208 = arith.addf %gather3A_2195, %gather3A_2207 : vector<16xf32>
      %sub3A_2209 = arith.subf %add3A_2208, %gather3A_2201 : vector<16xf32>
      %mul3A_2210 = arith.mulf %sub3A_2209, %sub3A_2209 : vector<16xf32>
      %add3A_2211 = arith.addf %add3A_2187, %mul3A_2210 : vector<16xf32>
      %broadcast_in_dim3A_2212 = arith.constant 19 : i32
      %broadcast_in_dim3A_2213 = vector.broadcast %broadcast_in_dim3A_2212 : i32 to vector<16xi32>
      %gather3A_2214 = arith.constant 1 : i32
      %gather3A_2215 = arith.constant 0 : i32
      %gather3A_2216 = arith.constant 0 : i32
      %gather3A_2217 = tpu.memref_slice %arg11[%gather3A_2214, %gather3A_2215, %gather3A_2216] : memref<2x48x128xf32, #tpu.memory_space<vmem>> -> memref<1x48x128xf32, #tpu.memory_space<vmem>>
      %gather3A_2218 = tpu.memref_squeeze %gather3A_2217 : memref<1x48x128xf32, #tpu.memory_space<vmem>> -> memref<48x128xf32, #tpu.memory_space<vmem>>
      %gather3A_2219 = tpu.vector_load_idx %gather3A_2218[%iota3A, %broadcast_in_dim3A_2213] : memref<48x128xf32, #tpu.memory_space<vmem>>[vector<16xi32>, vector<16xi32>], vector<16xf32>,
      %gather3A_2220 = arith.constant 1 : i32
      %gather3A_2221 = arith.constant 0 : i32
      %gather3A_2222 = arith.constant 0 : i32
      %gather3A_2223 = tpu.memref_slice %arg11[%gather3A_2220, %gather3A_2221, %gather3A_2222] : memref<2x48x128xf32, #tpu.memory_space<vmem>> -> memref<1x48x128xf32, #tpu.memory_space<vmem>>
      %gather3A_2224 = tpu.memref_squeeze %gather3A_2223 : memref<1x48x128xf32, #tpu.memory_space<vmem>> -> memref<48x128xf32, #tpu.memory_space<vmem>>
      %gather3A_2225 = tpu.vector_load_idx %gather3A_2224[%add3A_1750, %broadcast_in_dim3A_2213] : memref<48x128xf32, #tpu.memory_space<vmem>>[vector<16xi32>, vector<16xi32>], vector<16xf32>,
      %gather3A_2226 = arith.constant 1 : i32
      %gather3A_2227 = arith.constant 0 : i32
      %gather3A_2228 = arith.constant 0 : i32
      %gather3A_2229 = tpu.memref_slice %arg11[%gather3A_2226, %gather3A_2227, %gather3A_2228] : memref<2x48x128xf32, #tpu.memory_space<vmem>> -> memref<1x48x128xf32, #tpu.memory_space<vmem>>
      %gather3A_2230 = tpu.memref_squeeze %gather3A_2229 : memref<1x48x128xf32, #tpu.memory_space<vmem>> -> memref<48x128xf32, #tpu.memory_space<vmem>>
      %gather3A_2231 = tpu.vector_load_idx %gather3A_2230[%add3A_1753, %broadcast_in_dim3A_2213] : memref<48x128xf32, #tpu.memory_space<vmem>>[vector<16xi32>, vector<16xi32>], vector<16xf32>,
      %add3A_2232 = arith.addf %gather3A_2219, %gather3A_2231 : vector<16xf32>
      %sub3A_2233 = arith.subf %add3A_2232, %gather3A_2225 : vector<16xf32>
      %mul3A_2234 = arith.mulf %sub3A_2233, %sub3A_2233 : vector<16xf32>
      %add3A_2235 = arith.addf %add3A_2211, %mul3A_2234 : vector<16xf32>
      %broadcast_in_dim3A_2236 = arith.constant 20 : i32
      %broadcast_in_dim3A_2237 = vector.broadcast %broadcast_in_dim3A_2236 : i32 to vector<16xi32>
      %gather3A_2238 = arith.constant 1 : i32
      %gather3A_2239 = arith.constant 0 : i32
      %gather3A_2240 = arith.constant 0 : i32
      %gather3A_2241 = tpu.memref_slice %arg11[%gather3A_2238, %gather3A_2239, %gather3A_2240] : memref<2x48x128xf32, #tpu.memory_space<vmem>> -> memref<1x48x128xf32, #tpu.memory_space<vmem>>
      %gather3A_2242 = tpu.memref_squeeze %gather3A_2241 : memref<1x48x128xf32, #tpu.memory_space<vmem>> -> memref<48x128xf32, #tpu.memory_space<vmem>>
      %gather3A_2243 = tpu.vector_load_idx %gather3A_2242[%iota3A, %broadcast_in_dim3A_2237] : memref<48x128xf32, #tpu.memory_space<vmem>>[vector<16xi32>, vector<16xi32>], vector<16xf32>,
      %gather3A_2244 = arith.constant 1 : i32
      %gather3A_2245 = arith.constant 0 : i32
      %gather3A_2246 = arith.constant 0 : i32
      %gather3A_2247 = tpu.memref_slice %arg11[%gather3A_2244, %gather3A_2245, %gather3A_2246] : memref<2x48x128xf32, #tpu.memory_space<vmem>> -> memref<1x48x128xf32, #tpu.memory_space<vmem>>
      %gather3A_2248 = tpu.memref_squeeze %gather3A_2247 : memref<1x48x128xf32, #tpu.memory_space<vmem>> -> memref<48x128xf32, #tpu.memory_space<vmem>>
      %gather3A_2249 = tpu.vector_load_idx %gather3A_2248[%add3A_1750, %broadcast_in_dim3A_2237] : memref<48x128xf32, #tpu.memory_space<vmem>>[vector<16xi32>, vector<16xi32>], vector<16xf32>,
      %gather3A_2250 = arith.constant 1 : i32
      %gather3A_2251 = arith.constant 0 : i32
      %gather3A_2252 = arith.constant 0 : i32
      %gather3A_2253 = tpu.memref_slice %arg11[%gather3A_2250, %gather3A_2251, %gather3A_2252] : memref<2x48x128xf32, #tpu.memory_space<vmem>> -> memref<1x48x128xf32, #tpu.memory_space<vmem>>
      %gather3A_2254 = tpu.memref_squeeze %gather3A_2253 : memref<1x48x128xf32, #tpu.memory_space<vmem>> -> memref<48x128xf32, #tpu.memory_space<vmem>>
      %gather3A_2255 = tpu.vector_load_idx %gather3A_2254[%add3A_1753, %broadcast_in_dim3A_2237] : memref<48x128xf32, #tpu.memory_space<vmem>>[vector<16xi32>, vector<16xi32>], vector<16xf32>,
      %add3A_2256 = arith.addf %gather3A_2243, %gather3A_2255 : vector<16xf32>
      %sub3A_2257 = arith.subf %add3A_2256, %gather3A_2249 : vector<16xf32>
      %mul3A_2258 = arith.mulf %sub3A_2257, %sub3A_2257 : vector<16xf32>
      %add3A_2259 = arith.addf %add3A_2235, %mul3A_2258 : vector<16xf32>
      %broadcast_in_dim3A_2260 = arith.constant 21 : i32
      %broadcast_in_dim3A_2261 = vector.broadcast %broadcast_in_dim3A_2260 : i32 to vector<16xi32>
      %gather3A_2262 = arith.constant 1 : i32
      %gather3A_2263 = arith.constant 0 : i32
      %gather3A_2264 = arith.constant 0 : i32
      %gather3A_2265 = tpu.memref_slice %arg11[%gather3A_2262, %gather3A_2263, %gather3A_2264] : memref<2x48x128xf32, #tpu.memory_space<vmem>> -> memref<1x48x128xf32, #tpu.memory_space<vmem>>
      %gather3A_2266 = tpu.memref_squeeze %gather3A_2265 : memref<1x48x128xf32, #tpu.memory_space<vmem>> -> memref<48x128xf32, #tpu.memory_space<vmem>>
      %gather3A_2267 = tpu.vector_load_idx %gather3A_2266[%iota3A, %broadcast_in_dim3A_2261] : memref<48x128xf32, #tpu.memory_space<vmem>>[vector<16xi32>, vector<16xi32>], vector<16xf32>,
      %gather3A_2268 = arith.constant 1 : i32
      %gather3A_2269 = arith.constant 0 : i32
      %gather3A_2270 = arith.constant 0 : i32
      %gather3A_2271 = tpu.memref_slice %arg11[%gather3A_2268, %gather3A_2269, %gather3A_2270] : memref<2x48x128xf32, #tpu.memory_space<vmem>> -> memref<1x48x128xf32, #tpu.memory_space<vmem>>
      %gather3A_2272 = tpu.memref_squeeze %gather3A_2271 : memref<1x48x128xf32, #tpu.memory_space<vmem>> -> memref<48x128xf32, #tpu.memory_space<vmem>>
      %gather3A_2273 = tpu.vector_load_idx %gather3A_2272[%add3A_1750, %broadcast_in_dim3A_2261] : memref<48x128xf32, #tpu.memory_space<vmem>>[vector<16xi32>, vector<16xi32>], vector<16xf32>,
      %gather3A_2274 = arith.constant 1 : i32
      %gather3A_2275 = arith.constant 0 : i32
      %gather3A_2276 = arith.constant 0 : i32
      %gather3A_2277 = tpu.memref_slice %arg11[%gather3A_2274, %gather3A_2275, %gather3A_2276] : memref<2x48x128xf32, #tpu.memory_space<vmem>> -> memref<1x48x128xf32, #tpu.memory_space<vmem>>
      %gather3A_2278 = tpu.memref_squeeze %gather3A_2277 : memref<1x48x128xf32, #tpu.memory_space<vmem>> -> memref<48x128xf32, #tpu.memory_space<vmem>>
      %gather3A_2279 = tpu.vector_load_idx %gather3A_2278[%add3A_1753, %broadcast_in_dim3A_2261] : memref<48x128xf32, #tpu.memory_space<vmem>>[vector<16xi32>, vector<16xi32>], vector<16xf32>,
      %add3A_2280 = arith.addf %gather3A_2267, %gather3A_2279 : vector<16xf32>
      %sub3A_2281 = arith.subf %add3A_2280, %gather3A_2273 : vector<16xf32>
      %mul3A_2282 = arith.mulf %sub3A_2281, %sub3A_2281 : vector<16xf32>
      %add3A_2283 = arith.addf %add3A_2259, %mul3A_2282 : vector<16xf32>
      %broadcast_in_dim3A_2284 = arith.constant 22 : i32
      %broadcast_in_dim3A_2285 = vector.broadcast %broadcast_in_dim3A_2284 : i32 to vector<16xi32>
      %gather3A_2286 = arith.constant 1 : i32
      %gather3A_2287 = arith.constant 0 : i32
      %gather3A_2288 = arith.constant 0 : i32
      %gather3A_2289 = tpu.memref_slice %arg11[%gather3A_2286, %gather3A_2287, %gather3A_2288] : memref<2x48x128xf32, #tpu.memory_space<vmem>> -> memref<1x48x128xf32, #tpu.memory_space<vmem>>
      %gather3A_2290 = tpu.memref_squeeze %gather3A_2289 : memref<1x48x128xf32, #tpu.memory_space<vmem>> -> memref<48x128xf32, #tpu.memory_space<vmem>>
      %gather3A_2291 = tpu.vector_load_idx %gather3A_2290[%iota3A, %broadcast_in_dim3A_2285] : memref<48x128xf32, #tpu.memory_space<vmem>>[vector<16xi32>, vector<16xi32>], vector<16xf32>,
      %gather3A_2292 = arith.constant 1 : i32
      %gather3A_2293 = arith.constant 0 : i32
      %gather3A_2294 = arith.constant 0 : i32
      %gather3A_2295 = tpu.memref_slice %arg11[%gather3A_2292, %gather3A_2293, %gather3A_2294] : memref<2x48x128xf32, #tpu.memory_space<vmem>> -> memref<1x48x128xf32, #tpu.memory_space<vmem>>
      %gather3A_2296 = tpu.memref_squeeze %gather3A_2295 : memref<1x48x128xf32, #tpu.memory_space<vmem>> -> memref<48x128xf32, #tpu.memory_space<vmem>>
      %gather3A_2297 = tpu.vector_load_idx %gather3A_2296[%add3A_1750, %broadcast_in_dim3A_2285] : memref<48x128xf32, #tpu.memory_space<vmem>>[vector<16xi32>, vector<16xi32>], vector<16xf32>,
      %gather3A_2298 = arith.constant 1 : i32
      %gather3A_2299 = arith.constant 0 : i32
      %gather3A_2300 = arith.constant 0 : i32
      %gather3A_2301 = tpu.memref_slice %arg11[%gather3A_2298, %gather3A_2299, %gather3A_2300] : memref<2x48x128xf32, #tpu.memory_space<vmem>> -> memref<1x48x128xf32, #tpu.memory_space<vmem>>
      %gather3A_2302 = tpu.memref_squeeze %gather3A_2301 : memref<1x48x128xf32, #tpu.memory_space<vmem>> -> memref<48x128xf32, #tpu.memory_space<vmem>>
      %gather3A_2303 = tpu.vector_load_idx %gather3A_2302[%add3A_1753, %broadcast_in_dim3A_2285] : memref<48x128xf32, #tpu.memory_space<vmem>>[vector<16xi32>, vector<16xi32>], vector<16xf32>,
      %add3A_2304 = arith.addf %gather3A_2291, %gather3A_2303 : vector<16xf32>
      %sub3A_2305 = arith.subf %add3A_2304, %gather3A_2297 : vector<16xf32>
      %mul3A_2306 = arith.mulf %sub3A_2305, %sub3A_2305 : vector<16xf32>
      %add3A_2307 = arith.addf %add3A_2283, %mul3A_2306 : vector<16xf32>
      %broadcast_in_dim3A_2308 = arith.constant 23 : i32
      %broadcast_in_dim3A_2309 = vector.broadcast %broadcast_in_dim3A_2308 : i32 to vector<16xi32>
      %gather3A_2310 = arith.constant 1 : i32
      %gather3A_2311 = arith.constant 0 : i32
      %gather3A_2312 = arith.constant 0 : i32
      %gather3A_2313 = tpu.memref_slice %arg11[%gather3A_2310, %gather3A_2311, %gather3A_2312] : memref<2x48x128xf32, #tpu.memory_space<vmem>> -> memref<1x48x128xf32, #tpu.memory_space<vmem>>
      %gather3A_2314 = tpu.memref_squeeze %gather3A_2313 : memref<1x48x128xf32, #tpu.memory_space<vmem>> -> memref<48x128xf32, #tpu.memory_space<vmem>>
      %gather3A_2315 = tpu.vector_load_idx %gather3A_2314[%iota3A, %broadcast_in_dim3A_2309] : memref<48x128xf32, #tpu.memory_space<vmem>>[vector<16xi32>, vector<16xi32>], vector<16xf32>,
      %gather3A_2316 = arith.constant 1 : i32
      %gather3A_2317 = arith.constant 0 : i32
      %gather3A_2318 = arith.constant 0 : i32
      %gather3A_2319 = tpu.memref_slice %arg11[%gather3A_2316, %gather3A_2317, %gather3A_2318] : memref<2x48x128xf32, #tpu.memory_space<vmem>> -> memref<1x48x128xf32, #tpu.memory_space<vmem>>
      %gather3A_2320 = tpu.memref_squeeze %gather3A_2319 : memref<1x48x128xf32, #tpu.memory_space<vmem>> -> memref<48x128xf32, #tpu.memory_space<vmem>>
      %gather3A_2321 = tpu.vector_load_idx %gather3A_2320[%add3A_1750, %broadcast_in_dim3A_2309] : memref<48x128xf32, #tpu.memory_space<vmem>>[vector<16xi32>, vector<16xi32>], vector<16xf32>,
      %gather3A_2322 = arith.constant 1 : i32
      %gather3A_2323 = arith.constant 0 : i32
      %gather3A_2324 = arith.constant 0 : i32
      %gather3A_2325 = tpu.memref_slice %arg11[%gather3A_2322, %gather3A_2323, %gather3A_2324] : memref<2x48x128xf32, #tpu.memory_space<vmem>> -> memref<1x48x128xf32, #tpu.memory_space<vmem>>
      %gather3A_2326 = tpu.memref_squeeze %gather3A_2325 : memref<1x48x128xf32, #tpu.memory_space<vmem>> -> memref<48x128xf32, #tpu.memory_space<vmem>>
      %gather3A_2327 = tpu.vector_load_idx %gather3A_2326[%add3A_1753, %broadcast_in_dim3A_2309] : memref<48x128xf32, #tpu.memory_space<vmem>>[vector<16xi32>, vector<16xi32>], vector<16xf32>,
      %add3A_2328 = arith.addf %gather3A_2315, %gather3A_2327 : vector<16xf32>
      %sub3A_2329 = arith.subf %add3A_2328, %gather3A_2321 : vector<16xf32>
      %mul3A_2330 = arith.mulf %sub3A_2329, %sub3A_2329 : vector<16xf32>
      %add3A_2331 = arith.addf %add3A_2307, %mul3A_2330 : vector<16xf32>
      %broadcast_in_dim3A_2332 = arith.constant 24 : i32
      %broadcast_in_dim3A_2333 = vector.broadcast %broadcast_in_dim3A_2332 : i32 to vector<16xi32>
      %gather3A_2334 = arith.constant 1 : i32
      %gather3A_2335 = arith.constant 0 : i32
      %gather3A_2336 = arith.constant 0 : i32
      %gather3A_2337 = tpu.memref_slice %arg11[%gather3A_2334, %gather3A_2335, %gather3A_2336] : memref<2x48x128xf32, #tpu.memory_space<vmem>> -> memref<1x48x128xf32, #tpu.memory_space<vmem>>
      %gather3A_2338 = tpu.memref_squeeze %gather3A_2337 : memref<1x48x128xf32, #tpu.memory_space<vmem>> -> memref<48x128xf32, #tpu.memory_space<vmem>>
      %gather3A_2339 = tpu.vector_load_idx %gather3A_2338[%iota3A, %broadcast_in_dim3A_2333] : memref<48x128xf32, #tpu.memory_space<vmem>>[vector<16xi32>, vector<16xi32>], vector<16xf32>,
      %gather3A_2340 = arith.constant 1 : i32
      %gather3A_2341 = arith.constant 0 : i32
      %gather3A_2342 = arith.constant 0 : i32
      %gather3A_2343 = tpu.memref_slice %arg11[%gather3A_2340, %gather3A_2341, %gather3A_2342] : memref<2x48x128xf32, #tpu.memory_space<vmem>> -> memref<1x48x128xf32, #tpu.memory_space<vmem>>
      %gather3A_2344 = tpu.memref_squeeze %gather3A_2343 : memref<1x48x128xf32, #tpu.memory_space<vmem>> -> memref<48x128xf32, #tpu.memory_space<vmem>>
      %gather3A_2345 = tpu.vector_load_idx %gather3A_2344[%add3A_1750, %broadcast_in_dim3A_2333] : memref<48x128xf32, #tpu.memory_space<vmem>>[vector<16xi32>, vector<16xi32>], vector<16xf32>,
      %gather3A_2346 = arith.constant 1 : i32
      %gather3A_2347 = arith.constant 0 : i32
      %gather3A_2348 = arith.constant 0 : i32
      %gather3A_2349 = tpu.memref_slice %arg11[%gather3A_2346, %gather3A_2347, %gather3A_2348] : memref<2x48x128xf32, #tpu.memory_space<vmem>> -> memref<1x48x128xf32, #tpu.memory_space<vmem>>
      %gather3A_2350 = tpu.memref_squeeze %gather3A_2349 : memref<1x48x128xf32, #tpu.memory_space<vmem>> -> memref<48x128xf32, #tpu.memory_space<vmem>>
      %gather3A_2351 = tpu.vector_load_idx %gather3A_2350[%add3A_1753, %broadcast_in_dim3A_2333] : memref<48x128xf32, #tpu.memory_space<vmem>>[vector<16xi32>, vector<16xi32>], vector<16xf32>,
      %add3A_2352 = arith.addf %gather3A_2339, %gather3A_2351 : vector<16xf32>
      %sub3A_2353 = arith.subf %add3A_2352, %gather3A_2345 : vector<16xf32>
      %mul3A_2354 = arith.mulf %sub3A_2353, %sub3A_2353 : vector<16xf32>
      %add3A_2355 = arith.addf %add3A_2331, %mul3A_2354 : vector<16xf32>
      %broadcast_in_dim3A_2356 = arith.constant 25 : i32
      %broadcast_in_dim3A_2357 = vector.broadcast %broadcast_in_dim3A_2356 : i32 to vector<16xi32>
      %gather3A_2358 = arith.constant 1 : i32
      %gather3A_2359 = arith.constant 0 : i32
      %gather3A_2360 = arith.constant 0 : i32
      %gather3A_2361 = tpu.memref_slice %arg11[%gather3A_2358, %gather3A_2359, %gather3A_2360] : memref<2x48x128xf32, #tpu.memory_space<vmem>> -> memref<1x48x128xf32, #tpu.memory_space<vmem>>
      %gather3A_2362 = tpu.memref_squeeze %gather3A_2361 : memref<1x48x128xf32, #tpu.memory_space<vmem>> -> memref<48x128xf32, #tpu.memory_space<vmem>>
      %gather3A_2363 = tpu.vector_load_idx %gather3A_2362[%iota3A, %broadcast_in_dim3A_2357] : memref<48x128xf32, #tpu.memory_space<vmem>>[vector<16xi32>, vector<16xi32>], vector<16xf32>,
      %gather3A_2364 = arith.constant 1 : i32
      %gather3A_2365 = arith.constant 0 : i32
      %gather3A_2366 = arith.constant 0 : i32
      %gather3A_2367 = tpu.memref_slice %arg11[%gather3A_2364, %gather3A_2365, %gather3A_2366] : memref<2x48x128xf32, #tpu.memory_space<vmem>> -> memref<1x48x128xf32, #tpu.memory_space<vmem>>
      %gather3A_2368 = tpu.memref_squeeze %gather3A_2367 : memref<1x48x128xf32, #tpu.memory_space<vmem>> -> memref<48x128xf32, #tpu.memory_space<vmem>>
      %gather3A_2369 = tpu.vector_load_idx %gather3A_2368[%add3A_1750, %broadcast_in_dim3A_2357] : memref<48x128xf32, #tpu.memory_space<vmem>>[vector<16xi32>, vector<16xi32>], vector<16xf32>,
      %gather3A_2370 = arith.constant 1 : i32
      %gather3A_2371 = arith.constant 0 : i32
      %gather3A_2372 = arith.constant 0 : i32
      %gather3A_2373 = tpu.memref_slice %arg11[%gather3A_2370, %gather3A_2371, %gather3A_2372] : memref<2x48x128xf32, #tpu.memory_space<vmem>> -> memref<1x48x128xf32, #tpu.memory_space<vmem>>
      %gather3A_2374 = tpu.memref_squeeze %gather3A_2373 : memref<1x48x128xf32, #tpu.memory_space<vmem>> -> memref<48x128xf32, #tpu.memory_space<vmem>>
      %gather3A_2375 = tpu.vector_load_idx %gather3A_2374[%add3A_1753, %broadcast_in_dim3A_2357] : memref<48x128xf32, #tpu.memory_space<vmem>>[vector<16xi32>, vector<16xi32>], vector<16xf32>,
      %add3A_2376 = arith.addf %gather3A_2363, %gather3A_2375 : vector<16xf32>
      %sub3A_2377 = arith.subf %add3A_2376, %gather3A_2369 : vector<16xf32>
      %mul3A_2378 = arith.mulf %sub3A_2377, %sub3A_2377 : vector<16xf32>
      %add3A_2379 = arith.addf %add3A_2355, %mul3A_2378 : vector<16xf32>
      %broadcast_in_dim3A_2380 = arith.constant 26 : i32
      %broadcast_in_dim3A_2381 = vector.broadcast %broadcast_in_dim3A_2380 : i32 to vector<16xi32>
      %gather3A_2382 = arith.constant 1 : i32
      %gather3A_2383 = arith.constant 0 : i32
      %gather3A_2384 = arith.constant 0 : i32
      %gather3A_2385 = tpu.memref_slice %arg11[%gather3A_2382, %gather3A_2383, %gather3A_2384] : memref<2x48x128xf32, #tpu.memory_space<vmem>> -> memref<1x48x128xf32, #tpu.memory_space<vmem>>
      %gather3A_2386 = tpu.memref_squeeze %gather3A_2385 : memref<1x48x128xf32, #tpu.memory_space<vmem>> -> memref<48x128xf32, #tpu.memory_space<vmem>>
      %gather3A_2387 = tpu.vector_load_idx %gather3A_2386[%iota3A, %broadcast_in_dim3A_2381] : memref<48x128xf32, #tpu.memory_space<vmem>>[vector<16xi32>, vector<16xi32>], vector<16xf32>,
      %gather3A_2388 = arith.constant 1 : i32
      %gather3A_2389 = arith.constant 0 : i32
      %gather3A_2390 = arith.constant 0 : i32
      %gather3A_2391 = tpu.memref_slice %arg11[%gather3A_2388, %gather3A_2389, %gather3A_2390] : memref<2x48x128xf32, #tpu.memory_space<vmem>> -> memref<1x48x128xf32, #tpu.memory_space<vmem>>
      %gather3A_2392 = tpu.memref_squeeze %gather3A_2391 : memref<1x48x128xf32, #tpu.memory_space<vmem>> -> memref<48x128xf32, #tpu.memory_space<vmem>>
      %gather3A_2393 = tpu.vector_load_idx %gather3A_2392[%add3A_1750, %broadcast_in_dim3A_2381] : memref<48x128xf32, #tpu.memory_space<vmem>>[vector<16xi32>, vector<16xi32>], vector<16xf32>,
      %gather3A_2394 = arith.constant 1 : i32
      %gather3A_2395 = arith.constant 0 : i32
      %gather3A_2396 = arith.constant 0 : i32
      %gather3A_2397 = tpu.memref_slice %arg11[%gather3A_2394, %gather3A_2395, %gather3A_2396] : memref<2x48x128xf32, #tpu.memory_space<vmem>> -> memref<1x48x128xf32, #tpu.memory_space<vmem>>
      %gather3A_2398 = tpu.memref_squeeze %gather3A_2397 : memref<1x48x128xf32, #tpu.memory_space<vmem>> -> memref<48x128xf32, #tpu.memory_space<vmem>>
      %gather3A_2399 = tpu.vector_load_idx %gather3A_2398[%add3A_1753, %broadcast_in_dim3A_2381] : memref<48x128xf32, #tpu.memory_space<vmem>>[vector<16xi32>, vector<16xi32>], vector<16xf32>,
      %add3A_2400 = arith.addf %gather3A_2387, %gather3A_2399 : vector<16xf32>
      %sub3A_2401 = arith.subf %add3A_2400, %gather3A_2393 : vector<16xf32>
      %mul3A_2402 = arith.mulf %sub3A_2401, %sub3A_2401 : vector<16xf32>
      %add3A_2403 = arith.addf %add3A_2379, %mul3A_2402 : vector<16xf32>
      %broadcast_in_dim3A_2404 = arith.constant 27 : i32
      %broadcast_in_dim3A_2405 = vector.broadcast %broadcast_in_dim3A_2404 : i32 to vector<16xi32>
      %gather3A_2406 = arith.constant 1 : i32
      %gather3A_2407 = arith.constant 0 : i32
      %gather3A_2408 = arith.constant 0 : i32
      %gather3A_2409 = tpu.memref_slice %arg11[%gather3A_2406, %gather3A_2407, %gather3A_2408] : memref<2x48x128xf32, #tpu.memory_space<vmem>> -> memref<1x48x128xf32, #tpu.memory_space<vmem>>
      %gather3A_2410 = tpu.memref_squeeze %gather3A_2409 : memref<1x48x128xf32, #tpu.memory_space<vmem>> -> memref<48x128xf32, #tpu.memory_space<vmem>>
      %gather3A_2411 = tpu.vector_load_idx %gather3A_2410[%iota3A, %broadcast_in_dim3A_2405] : memref<48x128xf32, #tpu.memory_space<vmem>>[vector<16xi32>, vector<16xi32>], vector<16xf32>,
      %gather3A_2412 = arith.constant 1 : i32
      %gather3A_2413 = arith.constant 0 : i32
      %gather3A_2414 = arith.constant 0 : i32
      %gather3A_2415 = tpu.memref_slice %arg11[%gather3A_2412, %gather3A_2413, %gather3A_2414] : memref<2x48x128xf32, #tpu.memory_space<vmem>> -> memref<1x48x128xf32, #tpu.memory_space<vmem>>
      %gather3A_2416 = tpu.memref_squeeze %gather3A_2415 : memref<1x48x128xf32, #tpu.memory_space<vmem>> -> memref<48x128xf32, #tpu.memory_space<vmem>>
      %gather3A_2417 = tpu.vector_load_idx %gather3A_2416[%add3A_1750, %broadcast_in_dim3A_2405] : memref<48x128xf32, #tpu.memory_space<vmem>>[vector<16xi32>, vector<16xi32>], vector<16xf32>,
      %gather3A_2418 = arith.constant 1 : i32
      %gather3A_2419 = arith.constant 0 : i32
      %gather3A_2420 = arith.constant 0 : i32
      %gather3A_2421 = tpu.memref_slice %arg11[%gather3A_2418, %gather3A_2419, %gather3A_2420] : memref<2x48x128xf32, #tpu.memory_space<vmem>> -> memref<1x48x128xf32, #tpu.memory_space<vmem>>
      %gather3A_2422 = tpu.memref_squeeze %gather3A_2421 : memref<1x48x128xf32, #tpu.memory_space<vmem>> -> memref<48x128xf32, #tpu.memory_space<vmem>>
      %gather3A_2423 = tpu.vector_load_idx %gather3A_2422[%add3A_1753, %broadcast_in_dim3A_2405] : memref<48x128xf32, #tpu.memory_space<vmem>>[vector<16xi32>, vector<16xi32>], vector<16xf32>,
      %add3A_2424 = arith.addf %gather3A_2411, %gather3A_2423 : vector<16xf32>
      %sub3A_2425 = arith.subf %add3A_2424, %gather3A_2417 : vector<16xf32>
      %mul3A_2426 = arith.mulf %sub3A_2425, %sub3A_2425 : vector<16xf32>
      %add3A_2427 = arith.addf %add3A_2403, %mul3A_2426 : vector<16xf32>
      %broadcast_in_dim3A_2428 = arith.constant 28 : i32
      %broadcast_in_dim3A_2429 = vector.broadcast %broadcast_in_dim3A_2428 : i32 to vector<16xi32>
      %gather3A_2430 = arith.constant 1 : i32
      %gather3A_2431 = arith.constant 0 : i32
      %gather3A_2432 = arith.constant 0 : i32
      %gather3A_2433 = tpu.memref_slice %arg11[%gather3A_2430, %gather3A_2431, %gather3A_2432] : memref<2x48x128xf32, #tpu.memory_space<vmem>> -> memref<1x48x128xf32, #tpu.memory_space<vmem>>
      %gather3A_2434 = tpu.memref_squeeze %gather3A_2433 : memref<1x48x128xf32, #tpu.memory_space<vmem>> -> memref<48x128xf32, #tpu.memory_space<vmem>>
      %gather3A_2435 = tpu.vector_load_idx %gather3A_2434[%iota3A, %broadcast_in_dim3A_2429] : memref<48x128xf32, #tpu.memory_space<vmem>>[vector<16xi32>, vector<16xi32>], vector<16xf32>,
      %gather3A_2436 = arith.constant 1 : i32
      %gather3A_2437 = arith.constant 0 : i32
      %gather3A_2438 = arith.constant 0 : i32
      %gather3A_2439 = tpu.memref_slice %arg11[%gather3A_2436, %gather3A_2437, %gather3A_2438] : memref<2x48x128xf32, #tpu.memory_space<vmem>> -> memref<1x48x128xf32, #tpu.memory_space<vmem>>
      %gather3A_2440 = tpu.memref_squeeze %gather3A_2439 : memref<1x48x128xf32, #tpu.memory_space<vmem>> -> memref<48x128xf32, #tpu.memory_space<vmem>>
      %gather3A_2441 = tpu.vector_load_idx %gather3A_2440[%add3A_1750, %broadcast_in_dim3A_2429] : memref<48x128xf32, #tpu.memory_space<vmem>>[vector<16xi32>, vector<16xi32>], vector<16xf32>,
      %gather3A_2442 = arith.constant 1 : i32
      %gather3A_2443 = arith.constant 0 : i32
      %gather3A_2444 = arith.constant 0 : i32
      %gather3A_2445 = tpu.memref_slice %arg11[%gather3A_2442, %gather3A_2443, %gather3A_2444] : memref<2x48x128xf32, #tpu.memory_space<vmem>> -> memref<1x48x128xf32, #tpu.memory_space<vmem>>
      %gather3A_2446 = tpu.memref_squeeze %gather3A_2445 : memref<1x48x128xf32, #tpu.memory_space<vmem>> -> memref<48x128xf32, #tpu.memory_space<vmem>>
      %gather3A_2447 = tpu.vector_load_idx %gather3A_2446[%add3A_1753, %broadcast_in_dim3A_2429] : memref<48x128xf32, #tpu.memory_space<vmem>>[vector<16xi32>, vector<16xi32>], vector<16xf32>,
      %add3A_2448 = arith.addf %gather3A_2435, %gather3A_2447 : vector<16xf32>
      %sub3A_2449 = arith.subf %add3A_2448, %gather3A_2441 : vector<16xf32>
      %mul3A_2450 = arith.mulf %sub3A_2449, %sub3A_2449 : vector<16xf32>
      %add3A_2451 = arith.addf %add3A_2427, %mul3A_2450 : vector<16xf32>
      %broadcast_in_dim3A_2452 = arith.constant 29 : i32
      %broadcast_in_dim3A_2453 = vector.broadcast %broadcast_in_dim3A_2452 : i32 to vector<16xi32>
      %gather3A_2454 = arith.constant 1 : i32
      %gather3A_2455 = arith.constant 0 : i32
      %gather3A_2456 = arith.constant 0 : i32
      %gather3A_2457 = tpu.memref_slice %arg11[%gather3A_2454, %gather3A_2455, %gather3A_2456] : memref<2x48x128xf32, #tpu.memory_space<vmem>> -> memref<1x48x128xf32, #tpu.memory_space<vmem>>
      %gather3A_2458 = tpu.memref_squeeze %gather3A_2457 : memref<1x48x128xf32, #tpu.memory_space<vmem>> -> memref<48x128xf32, #tpu.memory_space<vmem>>
      %gather3A_2459 = tpu.vector_load_idx %gather3A_2458[%iota3A, %broadcast_in_dim3A_2453] : memref<48x128xf32, #tpu.memory_space<vmem>>[vector<16xi32>, vector<16xi32>], vector<16xf32>,
      %gather3A_2460 = arith.constant 1 : i32
      %gather3A_2461 = arith.constant 0 : i32
      %gather3A_2462 = arith.constant 0 : i32
      %gather3A_2463 = tpu.memref_slice %arg11[%gather3A_2460, %gather3A_2461, %gather3A_2462] : memref<2x48x128xf32, #tpu.memory_space<vmem>> -> memref<1x48x128xf32, #tpu.memory_space<vmem>>
      %gather3A_2464 = tpu.memref_squeeze %gather3A_2463 : memref<1x48x128xf32, #tpu.memory_space<vmem>> -> memref<48x128xf32, #tpu.memory_space<vmem>>
      %gather3A_2465 = tpu.vector_load_idx %gather3A_2464[%add3A_1750, %broadcast_in_dim3A_2453] : memref<48x128xf32, #tpu.memory_space<vmem>>[vector<16xi32>, vector<16xi32>], vector<16xf32>,
      %gather3A_2466 = arith.constant 1 : i32
      %gather3A_2467 = arith.constant 0 : i32
      %gather3A_2468 = arith.constant 0 : i32
      %gather3A_2469 = tpu.memref_slice %arg11[%gather3A_2466, %gather3A_2467, %gather3A_2468] : memref<2x48x128xf32, #tpu.memory_space<vmem>> -> memref<1x48x128xf32, #tpu.memory_space<vmem>>
      %gather3A_2470 = tpu.memref_squeeze %gather3A_2469 : memref<1x48x128xf32, #tpu.memory_space<vmem>> -> memref<48x128xf32, #tpu.memory_space<vmem>>
      %gather3A_2471 = tpu.vector_load_idx %gather3A_2470[%add3A_1753, %broadcast_in_dim3A_2453] : memref<48x128xf32, #tpu.memory_space<vmem>>[vector<16xi32>, vector<16xi32>], vector<16xf32>,
      %add3A_2472 = arith.addf %gather3A_2459, %gather3A_2471 : vector<16xf32>
      %sub3A_2473 = arith.subf %add3A_2472, %gather3A_2465 : vector<16xf32>
      %mul3A_2474 = arith.mulf %sub3A_2473, %sub3A_2473 : vector<16xf32>
      %add3A_2475 = arith.addf %add3A_2451, %mul3A_2474 : vector<16xf32>
      %broadcast_in_dim3A_2476 = arith.constant 30 : i32
      %broadcast_in_dim3A_2477 = vector.broadcast %broadcast_in_dim3A_2476 : i32 to vector<16xi32>
      %gather3A_2478 = arith.constant 1 : i32
      %gather3A_2479 = arith.constant 0 : i32
      %gather3A_2480 = arith.constant 0 : i32
      %gather3A_2481 = tpu.memref_slice %arg11[%gather3A_2478, %gather3A_2479, %gather3A_2480] : memref<2x48x128xf32, #tpu.memory_space<vmem>> -> memref<1x48x128xf32, #tpu.memory_space<vmem>>
      %gather3A_2482 = tpu.memref_squeeze %gather3A_2481 : memref<1x48x128xf32, #tpu.memory_space<vmem>> -> memref<48x128xf32, #tpu.memory_space<vmem>>
      %gather3A_2483 = tpu.vector_load_idx %gather3A_2482[%iota3A, %broadcast_in_dim3A_2477] : memref<48x128xf32, #tpu.memory_space<vmem>>[vector<16xi32>, vector<16xi32>], vector<16xf32>,
      %gather3A_2484 = arith.constant 1 : i32
      %gather3A_2485 = arith.constant 0 : i32
      %gather3A_2486 = arith.constant 0 : i32
      %gather3A_2487 = tpu.memref_slice %arg11[%gather3A_2484, %gather3A_2485, %gather3A_2486] : memref<2x48x128xf32, #tpu.memory_space<vmem>> -> memref<1x48x128xf32, #tpu.memory_space<vmem>>
      %gather3A_2488 = tpu.memref_squeeze %gather3A_2487 : memref<1x48x128xf32, #tpu.memory_space<vmem>> -> memref<48x128xf32, #tpu.memory_space<vmem>>
      %gather3A_2489 = tpu.vector_load_idx %gather3A_2488[%add3A_1750, %broadcast_in_dim3A_2477] : memref<48x128xf32, #tpu.memory_space<vmem>>[vector<16xi32>, vector<16xi32>], vector<16xf32>,
      %gather3A_2490 = arith.constant 1 : i32
      %gather3A_2491 = arith.constant 0 : i32
      %gather3A_2492 = arith.constant 0 : i32
      %gather3A_2493 = tpu.memref_slice %arg11[%gather3A_2490, %gather3A_2491, %gather3A_2492] : memref<2x48x128xf32, #tpu.memory_space<vmem>> -> memref<1x48x128xf32, #tpu.memory_space<vmem>>
      %gather3A_2494 = tpu.memref_squeeze %gather3A_2493 : memref<1x48x128xf32, #tpu.memory_space<vmem>> -> memref<48x128xf32, #tpu.memory_space<vmem>>
      %gather3A_2495 = tpu.vector_load_idx %gather3A_2494[%add3A_1753, %broadcast_in_dim3A_2477] : memref<48x128xf32, #tpu.memory_space<vmem>>[vector<16xi32>, vector<16xi32>], vector<16xf32>,
      %add3A_2496 = arith.addf %gather3A_2483, %gather3A_2495 : vector<16xf32>
      %sub3A_2497 = arith.subf %add3A_2496, %gather3A_2489 : vector<16xf32>
      %mul3A_2498 = arith.mulf %sub3A_2497, %sub3A_2497 : vector<16xf32>
      %add3A_2499 = arith.addf %add3A_2475, %mul3A_2498 : vector<16xf32>
      %broadcast_in_dim3A_2500 = arith.constant 31 : i32
      %broadcast_in_dim3A_2501 = vector.broadcast %broadcast_in_dim3A_2500 : i32 to vector<16xi32>
      %gather3A_2502 = arith.constant 1 : i32
      %gather3A_2503 = arith.constant 0 : i32
      %gather3A_2504 = arith.constant 0 : i32
      %gather3A_2505 = tpu.memref_slice %arg11[%gather3A_2502, %gather3A_2503, %gather3A_2504] : memref<2x48x128xf32, #tpu.memory_space<vmem>> -> memref<1x48x128xf32, #tpu.memory_space<vmem>>
      %gather3A_2506 = tpu.memref_squeeze %gather3A_2505 : memref<1x48x128xf32, #tpu.memory_space<vmem>> -> memref<48x128xf32, #tpu.memory_space<vmem>>
      %gather3A_2507 = tpu.vector_load_idx %gather3A_2506[%iota3A, %broadcast_in_dim3A_2501] : memref<48x128xf32, #tpu.memory_space<vmem>>[vector<16xi32>, vector<16xi32>], vector<16xf32>,
      %gather3A_2508 = arith.constant 1 : i32
      %gather3A_2509 = arith.constant 0 : i32
      %gather3A_2510 = arith.constant 0 : i32
      %gather3A_2511 = tpu.memref_slice %arg11[%gather3A_2508, %gather3A_2509, %gather3A_2510] : memref<2x48x128xf32, #tpu.memory_space<vmem>> -> memref<1x48x128xf32, #tpu.memory_space<vmem>>
      %gather3A_2512 = tpu.memref_squeeze %gather3A_2511 : memref<1x48x128xf32, #tpu.memory_space<vmem>> -> memref<48x128xf32, #tpu.memory_space<vmem>>
      %gather3A_2513 = tpu.vector_load_idx %gather3A_2512[%add3A_1750, %broadcast_in_dim3A_2501] : memref<48x128xf32, #tpu.memory_space<vmem>>[vector<16xi32>, vector<16xi32>], vector<16xf32>,
      %gather3A_2514 = arith.constant 1 : i32
      %gather3A_2515 = arith.constant 0 : i32
      %gather3A_2516 = arith.constant 0 : i32
      %gather3A_2517 = tpu.memref_slice %arg11[%gather3A_2514, %gather3A_2515, %gather3A_2516] : memref<2x48x128xf32, #tpu.memory_space<vmem>> -> memref<1x48x128xf32, #tpu.memory_space<vmem>>
      %gather3A_2518 = tpu.memref_squeeze %gather3A_2517 : memref<1x48x128xf32, #tpu.memory_space<vmem>> -> memref<48x128xf32, #tpu.memory_space<vmem>>
      %gather3A_2519 = tpu.vector_load_idx %gather3A_2518[%add3A_1753, %broadcast_in_dim3A_2501] : memref<48x128xf32, #tpu.memory_space<vmem>>[vector<16xi32>, vector<16xi32>], vector<16xf32>,
      %add3A_2520 = arith.addf %gather3A_2507, %gather3A_2519 : vector<16xf32>
      %sub3A_2521 = arith.subf %add3A_2520, %gather3A_2513 : vector<16xf32>
      %mul3A_2522 = arith.mulf %sub3A_2521, %sub3A_2521 : vector<16xf32>
      %add3A_2523 = arith.addf %add3A_2499, %mul3A_2522 : vector<16xf32>
      %broadcast_in_dim3A_2524 = arith.constant 32 : i32
      %broadcast_in_dim3A_2525 = vector.broadcast %broadcast_in_dim3A_2524 : i32 to vector<16xi32>
      %gather3A_2526 = arith.constant 1 : i32
      %gather3A_2527 = arith.constant 0 : i32
      %gather3A_2528 = arith.constant 0 : i32
      %gather3A_2529 = tpu.memref_slice %arg11[%gather3A_2526, %gather3A_2527, %gather3A_2528] : memref<2x48x128xf32, #tpu.memory_space<vmem>> -> memref<1x48x128xf32, #tpu.memory_space<vmem>>
      %gather3A_2530 = tpu.memref_squeeze %gather3A_2529 : memref<1x48x128xf32, #tpu.memory_space<vmem>> -> memref<48x128xf32, #tpu.memory_space<vmem>>
      %gather3A_2531 = tpu.vector_load_idx %gather3A_2530[%iota3A, %broadcast_in_dim3A_2525] : memref<48x128xf32, #tpu.memory_space<vmem>>[vector<16xi32>, vector<16xi32>], vector<16xf32>,
      %gather3A_2532 = arith.constant 1 : i32
      %gather3A_2533 = arith.constant 0 : i32
      %gather3A_2534 = arith.constant 0 : i32
      %gather3A_2535 = tpu.memref_slice %arg11[%gather3A_2532, %gather3A_2533, %gather3A_2534] : memref<2x48x128xf32, #tpu.memory_space<vmem>> -> memref<1x48x128xf32, #tpu.memory_space<vmem>>
      %gather3A_2536 = tpu.memref_squeeze %gather3A_2535 : memref<1x48x128xf32, #tpu.memory_space<vmem>> -> memref<48x128xf32, #tpu.memory_space<vmem>>
      %gather3A_2537 = tpu.vector_load_idx %gather3A_2536[%add3A_1750, %broadcast_in_dim3A_2525] : memref<48x128xf32, #tpu.memory_space<vmem>>[vector<16xi32>, vector<16xi32>], vector<16xf32>,
      %gather3A_2538 = arith.constant 1 : i32
      %gather3A_2539 = arith.constant 0 : i32
      %gather3A_2540 = arith.constant 0 : i32
      %gather3A_2541 = tpu.memref_slice %arg11[%gather3A_2538, %gather3A_2539, %gather3A_2540] : memref<2x48x128xf32, #tpu.memory_space<vmem>> -> memref<1x48x128xf32, #tpu.memory_space<vmem>>
      %gather3A_2542 = tpu.memref_squeeze %gather3A_2541 : memref<1x48x128xf32, #tpu.memory_space<vmem>> -> memref<48x128xf32, #tpu.memory_space<vmem>>
      %gather3A_2543 = tpu.vector_load_idx %gather3A_2542[%add3A_1753, %broadcast_in_dim3A_2525] : memref<48x128xf32, #tpu.memory_space<vmem>>[vector<16xi32>, vector<16xi32>], vector<16xf32>,
      %add3A_2544 = arith.addf %gather3A_2531, %gather3A_2543 : vector<16xf32>
      %sub3A_2545 = arith.subf %add3A_2544, %gather3A_2537 : vector<16xf32>
      %mul3A_2546 = arith.mulf %sub3A_2545, %sub3A_2545 : vector<16xf32>
      %add3A_2547 = arith.addf %add3A_2523, %mul3A_2546 : vector<16xf32>
      %broadcast_in_dim3A_2548 = arith.constant 33 : i32
      %broadcast_in_dim3A_2549 = vector.broadcast %broadcast_in_dim3A_2548 : i32 to vector<16xi32>
      %gather3A_2550 = arith.constant 1 : i32
      %gather3A_2551 = arith.constant 0 : i32
      %gather3A_2552 = arith.constant 0 : i32
      %gather3A_2553 = tpu.memref_slice %arg11[%gather3A_2550, %gather3A_2551, %gather3A_2552] : memref<2x48x128xf32, #tpu.memory_space<vmem>> -> memref<1x48x128xf32, #tpu.memory_space<vmem>>
      %gather3A_2554 = tpu.memref_squeeze %gather3A_2553 : memref<1x48x128xf32, #tpu.memory_space<vmem>> -> memref<48x128xf32, #tpu.memory_space<vmem>>
      %gather3A_2555 = tpu.vector_load_idx %gather3A_2554[%iota3A, %broadcast_in_dim3A_2549] : memref<48x128xf32, #tpu.memory_space<vmem>>[vector<16xi32>, vector<16xi32>], vector<16xf32>,
      %gather3A_2556 = arith.constant 1 : i32
      %gather3A_2557 = arith.constant 0 : i32
      %gather3A_2558 = arith.constant 0 : i32
      %gather3A_2559 = tpu.memref_slice %arg11[%gather3A_2556, %gather3A_2557, %gather3A_2558] : memref<2x48x128xf32, #tpu.memory_space<vmem>> -> memref<1x48x128xf32, #tpu.memory_space<vmem>>
      %gather3A_2560 = tpu.memref_squeeze %gather3A_2559 : memref<1x48x128xf32, #tpu.memory_space<vmem>> -> memref<48x128xf32, #tpu.memory_space<vmem>>
      %gather3A_2561 = tpu.vector_load_idx %gather3A_2560[%add3A_1750, %broadcast_in_dim3A_2549] : memref<48x128xf32, #tpu.memory_space<vmem>>[vector<16xi32>, vector<16xi32>], vector<16xf32>,
      %gather3A_2562 = arith.constant 1 : i32
      %gather3A_2563 = arith.constant 0 : i32
      %gather3A_2564 = arith.constant 0 : i32
      %gather3A_2565 = tpu.memref_slice %arg11[%gather3A_2562, %gather3A_2563, %gather3A_2564] : memref<2x48x128xf32, #tpu.memory_space<vmem>> -> memref<1x48x128xf32, #tpu.memory_space<vmem>>
      %gather3A_2566 = tpu.memref_squeeze %gather3A_2565 : memref<1x48x128xf32, #tpu.memory_space<vmem>> -> memref<48x128xf32, #tpu.memory_space<vmem>>
      %gather3A_2567 = tpu.vector_load_idx %gather3A_2566[%add3A_1753, %broadcast_in_dim3A_2549] : memref<48x128xf32, #tpu.memory_space<vmem>>[vector<16xi32>, vector<16xi32>], vector<16xf32>,
      %add3A_2568 = arith.addf %gather3A_2555, %gather3A_2567 : vector<16xf32>
      %sub3A_2569 = arith.subf %add3A_2568, %gather3A_2561 : vector<16xf32>
      %mul3A_2570 = arith.mulf %sub3A_2569, %sub3A_2569 : vector<16xf32>
      %add3A_2571 = arith.addf %add3A_2547, %mul3A_2570 : vector<16xf32>
      %broadcast_in_dim3A_2572 = arith.constant 34 : i32
      %broadcast_in_dim3A_2573 = vector.broadcast %broadcast_in_dim3A_2572 : i32 to vector<16xi32>
      %gather3A_2574 = arith.constant 1 : i32
      %gather3A_2575 = arith.constant 0 : i32
      %gather3A_2576 = arith.constant 0 : i32
      %gather3A_2577 = tpu.memref_slice %arg11[%gather3A_2574, %gather3A_2575, %gather3A_2576] : memref<2x48x128xf32, #tpu.memory_space<vmem>> -> memref<1x48x128xf32, #tpu.memory_space<vmem>>
      %gather3A_2578 = tpu.memref_squeeze %gather3A_2577 : memref<1x48x128xf32, #tpu.memory_space<vmem>> -> memref<48x128xf32, #tpu.memory_space<vmem>>
      %gather3A_2579 = tpu.vector_load_idx %gather3A_2578[%iota3A, %broadcast_in_dim3A_2573] : memref<48x128xf32, #tpu.memory_space<vmem>>[vector<16xi32>, vector<16xi32>], vector<16xf32>,
      %gather3A_2580 = arith.constant 1 : i32
      %gather3A_2581 = arith.constant 0 : i32
      %gather3A_2582 = arith.constant 0 : i32
      %gather3A_2583 = tpu.memref_slice %arg11[%gather3A_2580, %gather3A_2581, %gather3A_2582] : memref<2x48x128xf32, #tpu.memory_space<vmem>> -> memref<1x48x128xf32, #tpu.memory_space<vmem>>
      %gather3A_2584 = tpu.memref_squeeze %gather3A_2583 : memref<1x48x128xf32, #tpu.memory_space<vmem>> -> memref<48x128xf32, #tpu.memory_space<vmem>>
      %gather3A_2585 = tpu.vector_load_idx %gather3A_2584[%add3A_1750, %broadcast_in_dim3A_2573] : memref<48x128xf32, #tpu.memory_space<vmem>>[vector<16xi32>, vector<16xi32>], vector<16xf32>,
      %gather3A_2586 = arith.constant 1 : i32
      %gather3A_2587 = arith.constant 0 : i32
      %gather3A_2588 = arith.constant 0 : i32
      %gather3A_2589 = tpu.memref_slice %arg11[%gather3A_2586, %gather3A_2587, %gather3A_2588] : memref<2x48x128xf32, #tpu.memory_space<vmem>> -> memref<1x48x128xf32, #tpu.memory_space<vmem>>
      %gather3A_2590 = tpu.memref_squeeze %gather3A_2589 : memref<1x48x128xf32, #tpu.memory_space<vmem>> -> memref<48x128xf32, #tpu.memory_space<vmem>>
      %gather3A_2591 = tpu.vector_load_idx %gather3A_2590[%add3A_1753, %broadcast_in_dim3A_2573] : memref<48x128xf32, #tpu.memory_space<vmem>>[vector<16xi32>, vector<16xi32>], vector<16xf32>,
      %add3A_2592 = arith.addf %gather3A_2579, %gather3A_2591 : vector<16xf32>
      %sub3A_2593 = arith.subf %add3A_2592, %gather3A_2585 : vector<16xf32>
      %mul3A_2594 = arith.mulf %sub3A_2593, %sub3A_2593 : vector<16xf32>
      %add3A_2595 = arith.addf %add3A_2571, %mul3A_2594 : vector<16xf32>
      %broadcast_in_dim3A_2596 = arith.constant 35 : i32
      %broadcast_in_dim3A_2597 = vector.broadcast %broadcast_in_dim3A_2596 : i32 to vector<16xi32>
      %gather3A_2598 = arith.constant 1 : i32
      %gather3A_2599 = arith.constant 0 : i32
      %gather3A_2600 = arith.constant 0 : i32
      %gather3A_2601 = tpu.memref_slice %arg11[%gather3A_2598, %gather3A_2599, %gather3A_2600] : memref<2x48x128xf32, #tpu.memory_space<vmem>> -> memref<1x48x128xf32, #tpu.memory_space<vmem>>
      %gather3A_2602 = tpu.memref_squeeze %gather3A_2601 : memref<1x48x128xf32, #tpu.memory_space<vmem>> -> memref<48x128xf32, #tpu.memory_space<vmem>>
      %gather3A_2603 = tpu.vector_load_idx %gather3A_2602[%iota3A, %broadcast_in_dim3A_2597] : memref<48x128xf32, #tpu.memory_space<vmem>>[vector<16xi32>, vector<16xi32>], vector<16xf32>,
      %gather3A_2604 = arith.constant 1 : i32
      %gather3A_2605 = arith.constant 0 : i32
      %gather3A_2606 = arith.constant 0 : i32
      %gather3A_2607 = tpu.memref_slice %arg11[%gather3A_2604, %gather3A_2605, %gather3A_2606] : memref<2x48x128xf32, #tpu.memory_space<vmem>> -> memref<1x48x128xf32, #tpu.memory_space<vmem>>
      %gather3A_2608 = tpu.memref_squeeze %gather3A_2607 : memref<1x48x128xf32, #tpu.memory_space<vmem>> -> memref<48x128xf32, #tpu.memory_space<vmem>>
      %gather3A_2609 = tpu.vector_load_idx %gather3A_2608[%add3A_1750, %broadcast_in_dim3A_2597] : memref<48x128xf32, #tpu.memory_space<vmem>>[vector<16xi32>, vector<16xi32>], vector<16xf32>,
      %gather3A_2610 = arith.constant 1 : i32
      %gather3A_2611 = arith.constant 0 : i32
      %gather3A_2612 = arith.constant 0 : i32
      %gather3A_2613 = tpu.memref_slice %arg11[%gather3A_2610, %gather3A_2611, %gather3A_2612] : memref<2x48x128xf32, #tpu.memory_space<vmem>> -> memref<1x48x128xf32, #tpu.memory_space<vmem>>
      %gather3A_2614 = tpu.memref_squeeze %gather3A_2613 : memref<1x48x128xf32, #tpu.memory_space<vmem>> -> memref<48x128xf32, #tpu.memory_space<vmem>>
      %gather3A_2615 = tpu.vector_load_idx %gather3A_2614[%add3A_1753, %broadcast_in_dim3A_2597] : memref<48x128xf32, #tpu.memory_space<vmem>>[vector<16xi32>, vector<16xi32>], vector<16xf32>,
      %add3A_2616 = arith.addf %gather3A_2603, %gather3A_2615 : vector<16xf32>
      %sub3A_2617 = arith.subf %add3A_2616, %gather3A_2609 : vector<16xf32>
      %mul3A_2618 = arith.mulf %sub3A_2617, %sub3A_2617 : vector<16xf32>
      %add3A_2619 = arith.addf %add3A_2595, %mul3A_2618 : vector<16xf32>
      %broadcast_in_dim3A_2620 = arith.constant 36 : i32
      %broadcast_in_dim3A_2621 = vector.broadcast %broadcast_in_dim3A_2620 : i32 to vector<16xi32>
      %gather3A_2622 = arith.constant 1 : i32
      %gather3A_2623 = arith.constant 0 : i32
      %gather3A_2624 = arith.constant 0 : i32
      %gather3A_2625 = tpu.memref_slice %arg11[%gather3A_2622, %gather3A_2623, %gather3A_2624] : memref<2x48x128xf32, #tpu.memory_space<vmem>> -> memref<1x48x128xf32, #tpu.memory_space<vmem>>
      %gather3A_2626 = tpu.memref_squeeze %gather3A_2625 : memref<1x48x128xf32, #tpu.memory_space<vmem>> -> memref<48x128xf32, #tpu.memory_space<vmem>>
      %gather3A_2627 = tpu.vector_load_idx %gather3A_2626[%iota3A, %broadcast_in_dim3A_2621] : memref<48x128xf32, #tpu.memory_space<vmem>>[vector<16xi32>, vector<16xi32>], vector<16xf32>,
      %gather3A_2628 = arith.constant 1 : i32
      %gather3A_2629 = arith.constant 0 : i32
      %gather3A_2630 = arith.constant 0 : i32
      %gather3A_2631 = tpu.memref_slice %arg11[%gather3A_2628, %gather3A_2629, %gather3A_2630] : memref<2x48x128xf32, #tpu.memory_space<vmem>> -> memref<1x48x128xf32, #tpu.memory_space<vmem>>
      %gather3A_2632 = tpu.memref_squeeze %gather3A_2631 : memref<1x48x128xf32, #tpu.memory_space<vmem>> -> memref<48x128xf32, #tpu.memory_space<vmem>>
      %gather3A_2633 = tpu.vector_load_idx %gather3A_2632[%add3A_1750, %broadcast_in_dim3A_2621] : memref<48x128xf32, #tpu.memory_space<vmem>>[vector<16xi32>, vector<16xi32>], vector<16xf32>,
      %gather3A_2634 = arith.constant 1 : i32
      %gather3A_2635 = arith.constant 0 : i32
      %gather3A_2636 = arith.constant 0 : i32
      %gather3A_2637 = tpu.memref_slice %arg11[%gather3A_2634, %gather3A_2635, %gather3A_2636] : memref<2x48x128xf32, #tpu.memory_space<vmem>> -> memref<1x48x128xf32, #tpu.memory_space<vmem>>
      %gather3A_2638 = tpu.memref_squeeze %gather3A_2637 : memref<1x48x128xf32, #tpu.memory_space<vmem>> -> memref<48x128xf32, #tpu.memory_space<vmem>>
      %gather3A_2639 = tpu.vector_load_idx %gather3A_2638[%add3A_1753, %broadcast_in_dim3A_2621] : memref<48x128xf32, #tpu.memory_space<vmem>>[vector<16xi32>, vector<16xi32>], vector<16xf32>,
      %add3A_2640 = arith.addf %gather3A_2627, %gather3A_2639 : vector<16xf32>
      %sub3A_2641 = arith.subf %add3A_2640, %gather3A_2633 : vector<16xf32>
      %mul3A_2642 = arith.mulf %sub3A_2641, %sub3A_2641 : vector<16xf32>
      %add3A_2643 = arith.addf %add3A_2619, %mul3A_2642 : vector<16xf32>
      %broadcast_in_dim3A_2644 = arith.constant 37 : i32
      %broadcast_in_dim3A_2645 = vector.broadcast %broadcast_in_dim3A_2644 : i32 to vector<16xi32>
      %gather3A_2646 = arith.constant 1 : i32
      %gather3A_2647 = arith.constant 0 : i32
      %gather3A_2648 = arith.constant 0 : i32
      %gather3A_2649 = tpu.memref_slice %arg11[%gather3A_2646, %gather3A_2647, %gather3A_2648] : memref<2x48x128xf32, #tpu.memory_space<vmem>> -> memref<1x48x128xf32, #tpu.memory_space<vmem>>
      %gather3A_2650 = tpu.memref_squeeze %gather3A_2649 : memref<1x48x128xf32, #tpu.memory_space<vmem>> -> memref<48x128xf32, #tpu.memory_space<vmem>>
      %gather3A_2651 = tpu.vector_load_idx %gather3A_2650[%iota3A, %broadcast_in_dim3A_2645] : memref<48x128xf32, #tpu.memory_space<vmem>>[vector<16xi32>, vector<16xi32>], vector<16xf32>,
      %gather3A_2652 = arith.constant 1 : i32
      %gather3A_2653 = arith.constant 0 : i32
      %gather3A_2654 = arith.constant 0 : i32
      %gather3A_2655 = tpu.memref_slice %arg11[%gather3A_2652, %gather3A_2653, %gather3A_2654] : memref<2x48x128xf32, #tpu.memory_space<vmem>> -> memref<1x48x128xf32, #tpu.memory_space<vmem>>
      %gather3A_2656 = tpu.memref_squeeze %gather3A_2655 : memref<1x48x128xf32, #tpu.memory_space<vmem>> -> memref<48x128xf32, #tpu.memory_space<vmem>>
      %gather3A_2657 = tpu.vector_load_idx %gather3A_2656[%add3A_1750, %broadcast_in_dim3A_2645] : memref<48x128xf32, #tpu.memory_space<vmem>>[vector<16xi32>, vector<16xi32>], vector<16xf32>,
      %gather3A_2658 = arith.constant 1 : i32
      %gather3A_2659 = arith.constant 0 : i32
      %gather3A_2660 = arith.constant 0 : i32
      %gather3A_2661 = tpu.memref_slice %arg11[%gather3A_2658, %gather3A_2659, %gather3A_2660] : memref<2x48x128xf32, #tpu.memory_space<vmem>> -> memref<1x48x128xf32, #tpu.memory_space<vmem>>
      %gather3A_2662 = tpu.memref_squeeze %gather3A_2661 : memref<1x48x128xf32, #tpu.memory_space<vmem>> -> memref<48x128xf32, #tpu.memory_space<vmem>>
      %gather3A_2663 = tpu.vector_load_idx %gather3A_2662[%add3A_1753, %broadcast_in_dim3A_2645] : memref<48x128xf32, #tpu.memory_space<vmem>>[vector<16xi32>, vector<16xi32>], vector<16xf32>,
      %add3A_2664 = arith.addf %gather3A_2651, %gather3A_2663 : vector<16xf32>
      %sub3A_2665 = arith.subf %add3A_2664, %gather3A_2657 : vector<16xf32>
      %mul3A_2666 = arith.mulf %sub3A_2665, %sub3A_2665 : vector<16xf32>
      %add3A_2667 = arith.addf %add3A_2643, %mul3A_2666 : vector<16xf32>
      %broadcast_in_dim3A_2668 = arith.constant 38 : i32
      %broadcast_in_dim3A_2669 = vector.broadcast %broadcast_in_dim3A_2668 : i32 to vector<16xi32>
      %gather3A_2670 = arith.constant 1 : i32
      %gather3A_2671 = arith.constant 0 : i32
      %gather3A_2672 = arith.constant 0 : i32
      %gather3A_2673 = tpu.memref_slice %arg11[%gather3A_2670, %gather3A_2671, %gather3A_2672] : memref<2x48x128xf32, #tpu.memory_space<vmem>> -> memref<1x48x128xf32, #tpu.memory_space<vmem>>
      %gather3A_2674 = tpu.memref_squeeze %gather3A_2673 : memref<1x48x128xf32, #tpu.memory_space<vmem>> -> memref<48x128xf32, #tpu.memory_space<vmem>>
      %gather3A_2675 = tpu.vector_load_idx %gather3A_2674[%iota3A, %broadcast_in_dim3A_2669] : memref<48x128xf32, #tpu.memory_space<vmem>>[vector<16xi32>, vector<16xi32>], vector<16xf32>,
      %gather3A_2676 = arith.constant 1 : i32
      %gather3A_2677 = arith.constant 0 : i32
      %gather3A_2678 = arith.constant 0 : i32
      %gather3A_2679 = tpu.memref_slice %arg11[%gather3A_2676, %gather3A_2677, %gather3A_2678] : memref<2x48x128xf32, #tpu.memory_space<vmem>> -> memref<1x48x128xf32, #tpu.memory_space<vmem>>
      %gather3A_2680 = tpu.memref_squeeze %gather3A_2679 : memref<1x48x128xf32, #tpu.memory_space<vmem>> -> memref<48x128xf32, #tpu.memory_space<vmem>>
      %gather3A_2681 = tpu.vector_load_idx %gather3A_2680[%add3A_1750, %broadcast_in_dim3A_2669] : memref<48x128xf32, #tpu.memory_space<vmem>>[vector<16xi32>, vector<16xi32>], vector<16xf32>,
      %gather3A_2682 = arith.constant 1 : i32
      %gather3A_2683 = arith.constant 0 : i32
      %gather3A_2684 = arith.constant 0 : i32
      %gather3A_2685 = tpu.memref_slice %arg11[%gather3A_2682, %gather3A_2683, %gather3A_2684] : memref<2x48x128xf32, #tpu.memory_space<vmem>> -> memref<1x48x128xf32, #tpu.memory_space<vmem>>
      %gather3A_2686 = tpu.memref_squeeze %gather3A_2685 : memref<1x48x128xf32, #tpu.memory_space<vmem>> -> memref<48x128xf32, #tpu.memory_space<vmem>>
      %gather3A_2687 = tpu.vector_load_idx %gather3A_2686[%add3A_1753, %broadcast_in_dim3A_2669] : memref<48x128xf32, #tpu.memory_space<vmem>>[vector<16xi32>, vector<16xi32>], vector<16xf32>,
      %add3A_2688 = arith.addf %gather3A_2675, %gather3A_2687 : vector<16xf32>
      %sub3A_2689 = arith.subf %add3A_2688, %gather3A_2681 : vector<16xf32>
      %mul3A_2690 = arith.mulf %sub3A_2689, %sub3A_2689 : vector<16xf32>
      %add3A_2691 = arith.addf %add3A_2667, %mul3A_2690 : vector<16xf32>
      %broadcast_in_dim3A_2692 = arith.constant 39 : i32
      %broadcast_in_dim3A_2693 = vector.broadcast %broadcast_in_dim3A_2692 : i32 to vector<16xi32>
      %gather3A_2694 = arith.constant 1 : i32
      %gather3A_2695 = arith.constant 0 : i32
      %gather3A_2696 = arith.constant 0 : i32
      %gather3A_2697 = tpu.memref_slice %arg11[%gather3A_2694, %gather3A_2695, %gather3A_2696] : memref<2x48x128xf32, #tpu.memory_space<vmem>> -> memref<1x48x128xf32, #tpu.memory_space<vmem>>
      %gather3A_2698 = tpu.memref_squeeze %gather3A_2697 : memref<1x48x128xf32, #tpu.memory_space<vmem>> -> memref<48x128xf32, #tpu.memory_space<vmem>>
      %gather3A_2699 = tpu.vector_load_idx %gather3A_2698[%iota3A, %broadcast_in_dim3A_2693] : memref<48x128xf32, #tpu.memory_space<vmem>>[vector<16xi32>, vector<16xi32>], vector<16xf32>,
      %gather3A_2700 = arith.constant 1 : i32
      %gather3A_2701 = arith.constant 0 : i32
      %gather3A_2702 = arith.constant 0 : i32
      %gather3A_2703 = tpu.memref_slice %arg11[%gather3A_2700, %gather3A_2701, %gather3A_2702] : memref<2x48x128xf32, #tpu.memory_space<vmem>> -> memref<1x48x128xf32, #tpu.memory_space<vmem>>
      %gather3A_2704 = tpu.memref_squeeze %gather3A_2703 : memref<1x48x128xf32, #tpu.memory_space<vmem>> -> memref<48x128xf32, #tpu.memory_space<vmem>>
      %gather3A_2705 = tpu.vector_load_idx %gather3A_2704[%add3A_1750, %broadcast_in_dim3A_2693] : memref<48x128xf32, #tpu.memory_space<vmem>>[vector<16xi32>, vector<16xi32>], vector<16xf32>,
      %gather3A_2706 = arith.constant 1 : i32
      %gather3A_2707 = arith.constant 0 : i32
      %gather3A_2708 = arith.constant 0 : i32
      %gather3A_2709 = tpu.memref_slice %arg11[%gather3A_2706, %gather3A_2707, %gather3A_2708] : memref<2x48x128xf32, #tpu.memory_space<vmem>> -> memref<1x48x128xf32, #tpu.memory_space<vmem>>
      %gather3A_2710 = tpu.memref_squeeze %gather3A_2709 : memref<1x48x128xf32, #tpu.memory_space<vmem>> -> memref<48x128xf32, #tpu.memory_space<vmem>>
      %gather3A_2711 = tpu.vector_load_idx %gather3A_2710[%add3A_1753, %broadcast_in_dim3A_2693] : memref<48x128xf32, #tpu.memory_space<vmem>>[vector<16xi32>, vector<16xi32>], vector<16xf32>,
      %add3A_2712 = arith.addf %gather3A_2699, %gather3A_2711 : vector<16xf32>
      %sub3A_2713 = arith.subf %add3A_2712, %gather3A_2705 : vector<16xf32>
      %mul3A_2714 = arith.mulf %sub3A_2713, %sub3A_2713 : vector<16xf32>
      %add3A_2715 = arith.addf %add3A_2691, %mul3A_2714 : vector<16xf32>
      %broadcast_in_dim3A_2716 = arith.constant 40 : i32
      %broadcast_in_dim3A_2717 = vector.broadcast %broadcast_in_dim3A_2716 : i32 to vector<16xi32>
      %gather3A_2718 = arith.constant 1 : i32
      %gather3A_2719 = arith.constant 0 : i32
      %gather3A_2720 = arith.constant 0 : i32
      %gather3A_2721 = tpu.memref_slice %arg11[%gather3A_2718, %gather3A_2719, %gather3A_2720] : memref<2x48x128xf32, #tpu.memory_space<vmem>> -> memref<1x48x128xf32, #tpu.memory_space<vmem>>
      %gather3A_2722 = tpu.memref_squeeze %gather3A_2721 : memref<1x48x128xf32, #tpu.memory_space<vmem>> -> memref<48x128xf32, #tpu.memory_space<vmem>>
      %gather3A_2723 = tpu.vector_load_idx %gather3A_2722[%iota3A, %broadcast_in_dim3A_2717] : memref<48x128xf32, #tpu.memory_space<vmem>>[vector<16xi32>, vector<16xi32>], vector<16xf32>,
      %gather3A_2724 = arith.constant 1 : i32
      %gather3A_2725 = arith.constant 0 : i32
      %gather3A_2726 = arith.constant 0 : i32
      %gather3A_2727 = tpu.memref_slice %arg11[%gather3A_2724, %gather3A_2725, %gather3A_2726] : memref<2x48x128xf32, #tpu.memory_space<vmem>> -> memref<1x48x128xf32, #tpu.memory_space<vmem>>
      %gather3A_2728 = tpu.memref_squeeze %gather3A_2727 : memref<1x48x128xf32, #tpu.memory_space<vmem>> -> memref<48x128xf32, #tpu.memory_space<vmem>>
      %gather3A_2729 = tpu.vector_load_idx %gather3A_2728[%add3A_1750, %broadcast_in_dim3A_2717] : memref<48x128xf32, #tpu.memory_space<vmem>>[vector<16xi32>, vector<16xi32>], vector<16xf32>,
      %gather3A_2730 = arith.constant 1 : i32
      %gather3A_2731 = arith.constant 0 : i32
      %gather3A_2732 = arith.constant 0 : i32
      %gather3A_2733 = tpu.memref_slice %arg11[%gather3A_2730, %gather3A_2731, %gather3A_2732] : memref<2x48x128xf32, #tpu.memory_space<vmem>> -> memref<1x48x128xf32, #tpu.memory_space<vmem>>
      %gather3A_2734 = tpu.memref_squeeze %gather3A_2733 : memref<1x48x128xf32, #tpu.memory_space<vmem>> -> memref<48x128xf32, #tpu.memory_space<vmem>>
      %gather3A_2735 = tpu.vector_load_idx %gather3A_2734[%add3A_1753, %broadcast_in_dim3A_2717] : memref<48x128xf32, #tpu.memory_space<vmem>>[vector<16xi32>, vector<16xi32>], vector<16xf32>,
      %add3A_2736 = arith.addf %gather3A_2723, %gather3A_2735 : vector<16xf32>
      %sub3A_2737 = arith.subf %add3A_2736, %gather3A_2729 : vector<16xf32>
      %mul3A_2738 = arith.mulf %sub3A_2737, %sub3A_2737 : vector<16xf32>
      %add3A_2739 = arith.addf %add3A_2715, %mul3A_2738 : vector<16xf32>
      %broadcast_in_dim3A_2740 = arith.constant 41 : i32
      %broadcast_in_dim3A_2741 = vector.broadcast %broadcast_in_dim3A_2740 : i32 to vector<16xi32>
      %gather3A_2742 = arith.constant 1 : i32
      %gather3A_2743 = arith.constant 0 : i32
      %gather3A_2744 = arith.constant 0 : i32
      %gather3A_2745 = tpu.memref_slice %arg11[%gather3A_2742, %gather3A_2743, %gather3A_2744] : memref<2x48x128xf32, #tpu.memory_space<vmem>> -> memref<1x48x128xf32, #tpu.memory_space<vmem>>
      %gather3A_2746 = tpu.memref_squeeze %gather3A_2745 : memref<1x48x128xf32, #tpu.memory_space<vmem>> -> memref<48x128xf32, #tpu.memory_space<vmem>>
      %gather3A_2747 = tpu.vector_load_idx %gather3A_2746[%iota3A, %broadcast_in_dim3A_2741] : memref<48x128xf32, #tpu.memory_space<vmem>>[vector<16xi32>, vector<16xi32>], vector<16xf32>,
      %gather3A_2748 = arith.constant 1 : i32
      %gather3A_2749 = arith.constant 0 : i32
      %gather3A_2750 = arith.constant 0 : i32
      %gather3A_2751 = tpu.memref_slice %arg11[%gather3A_2748, %gather3A_2749, %gather3A_2750] : memref<2x48x128xf32, #tpu.memory_space<vmem>> -> memref<1x48x128xf32, #tpu.memory_space<vmem>>
      %gather3A_2752 = tpu.memref_squeeze %gather3A_2751 : memref<1x48x128xf32, #tpu.memory_space<vmem>> -> memref<48x128xf32, #tpu.memory_space<vmem>>
      %gather3A_2753 = tpu.vector_load_idx %gather3A_2752[%add3A_1750, %broadcast_in_dim3A_2741] : memref<48x128xf32, #tpu.memory_space<vmem>>[vector<16xi32>, vector<16xi32>], vector<16xf32>,
      %gather3A_2754 = arith.constant 1 : i32
      %gather3A_2755 = arith.constant 0 : i32
      %gather3A_2756 = arith.constant 0 : i32
      %gather3A_2757 = tpu.memref_slice %arg11[%gather3A_2754, %gather3A_2755, %gather3A_2756] : memref<2x48x128xf32, #tpu.memory_space<vmem>> -> memref<1x48x128xf32, #tpu.memory_space<vmem>>
      %gather3A_2758 = tpu.memref_squeeze %gather3A_2757 : memref<1x48x128xf32, #tpu.memory_space<vmem>> -> memref<48x128xf32, #tpu.memory_space<vmem>>
      %gather3A_2759 = tpu.vector_load_idx %gather3A_2758[%add3A_1753, %broadcast_in_dim3A_2741] : memref<48x128xf32, #tpu.memory_space<vmem>>[vector<16xi32>, vector<16xi32>], vector<16xf32>,
      %add3A_2760 = arith.addf %gather3A_2747, %gather3A_2759 : vector<16xf32>
      %sub3A_2761 = arith.subf %add3A_2760, %gather3A_2753 : vector<16xf32>
      %mul3A_2762 = arith.mulf %sub3A_2761, %sub3A_2761 : vector<16xf32>
      %add3A_2763 = arith.addf %add3A_2739, %mul3A_2762 : vector<16xf32>
      %broadcast_in_dim3A_2764 = arith.constant 42 : i32
      %broadcast_in_dim3A_2765 = vector.broadcast %broadcast_in_dim3A_2764 : i32 to vector<16xi32>
      %gather3A_2766 = arith.constant 1 : i32
      %gather3A_2767 = arith.constant 0 : i32
      %gather3A_2768 = arith.constant 0 : i32
      %gather3A_2769 = tpu.memref_slice %arg11[%gather3A_2766, %gather3A_2767, %gather3A_2768] : memref<2x48x128xf32, #tpu.memory_space<vmem>> -> memref<1x48x128xf32, #tpu.memory_space<vmem>>
      %gather3A_2770 = tpu.memref_squeeze %gather3A_2769 : memref<1x48x128xf32, #tpu.memory_space<vmem>> -> memref<48x128xf32, #tpu.memory_space<vmem>>
      %gather3A_2771 = tpu.vector_load_idx %gather3A_2770[%iota3A, %broadcast_in_dim3A_2765] : memref<48x128xf32, #tpu.memory_space<vmem>>[vector<16xi32>, vector<16xi32>], vector<16xf32>,
      %gather3A_2772 = arith.constant 1 : i32
      %gather3A_2773 = arith.constant 0 : i32
      %gather3A_2774 = arith.constant 0 : i32
      %gather3A_2775 = tpu.memref_slice %arg11[%gather3A_2772, %gather3A_2773, %gather3A_2774] : memref<2x48x128xf32, #tpu.memory_space<vmem>> -> memref<1x48x128xf32, #tpu.memory_space<vmem>>
      %gather3A_2776 = tpu.memref_squeeze %gather3A_2775 : memref<1x48x128xf32, #tpu.memory_space<vmem>> -> memref<48x128xf32, #tpu.memory_space<vmem>>
      %gather3A_2777 = tpu.vector_load_idx %gather3A_2776[%add3A_1750, %broadcast_in_dim3A_2765] : memref<48x128xf32, #tpu.memory_space<vmem>>[vector<16xi32>, vector<16xi32>], vector<16xf32>,
      %gather3A_2778 = arith.constant 1 : i32
      %gather3A_2779 = arith.constant 0 : i32
      %gather3A_2780 = arith.constant 0 : i32
      %gather3A_2781 = tpu.memref_slice %arg11[%gather3A_2778, %gather3A_2779, %gather3A_2780] : memref<2x48x128xf32, #tpu.memory_space<vmem>> -> memref<1x48x128xf32, #tpu.memory_space<vmem>>
      %gather3A_2782 = tpu.memref_squeeze %gather3A_2781 : memref<1x48x128xf32, #tpu.memory_space<vmem>> -> memref<48x128xf32, #tpu.memory_space<vmem>>
      %gather3A_2783 = tpu.vector_load_idx %gather3A_2782[%add3A_1753, %broadcast_in_dim3A_2765] : memref<48x128xf32, #tpu.memory_space<vmem>>[vector<16xi32>, vector<16xi32>], vector<16xf32>,
      %add3A_2784 = arith.addf %gather3A_2771, %gather3A_2783 : vector<16xf32>
      %sub3A_2785 = arith.subf %add3A_2784, %gather3A_2777 : vector<16xf32>
      %mul3A_2786 = arith.mulf %sub3A_2785, %sub3A_2785 : vector<16xf32>
      %add3A_2787 = arith.addf %add3A_2763, %mul3A_2786 : vector<16xf32>
      %broadcast_in_dim3A_2788 = arith.constant 43 : i32
      %broadcast_in_dim3A_2789 = vector.broadcast %broadcast_in_dim3A_2788 : i32 to vector<16xi32>
      %gather3A_2790 = arith.constant 1 : i32
      %gather3A_2791 = arith.constant 0 : i32
      %gather3A_2792 = arith.constant 0 : i32
      %gather3A_2793 = tpu.memref_slice %arg11[%gather3A_2790, %gather3A_2791, %gather3A_2792] : memref<2x48x128xf32, #tpu.memory_space<vmem>> -> memref<1x48x128xf32, #tpu.memory_space<vmem>>
      %gather3A_2794 = tpu.memref_squeeze %gather3A_2793 : memref<1x48x128xf32, #tpu.memory_space<vmem>> -> memref<48x128xf32, #tpu.memory_space<vmem>>
      %gather3A_2795 = tpu.vector_load_idx %gather3A_2794[%iota3A, %broadcast_in_dim3A_2789] : memref<48x128xf32, #tpu.memory_space<vmem>>[vector<16xi32>, vector<16xi32>], vector<16xf32>,
      %gather3A_2796 = arith.constant 1 : i32
      %gather3A_2797 = arith.constant 0 : i32
      %gather3A_2798 = arith.constant 0 : i32
      %gather3A_2799 = tpu.memref_slice %arg11[%gather3A_2796, %gather3A_2797, %gather3A_2798] : memref<2x48x128xf32, #tpu.memory_space<vmem>> -> memref<1x48x128xf32, #tpu.memory_space<vmem>>
      %gather3A_2800 = tpu.memref_squeeze %gather3A_2799 : memref<1x48x128xf32, #tpu.memory_space<vmem>> -> memref<48x128xf32, #tpu.memory_space<vmem>>
      %gather3A_2801 = tpu.vector_load_idx %gather3A_2800[%add3A_1750, %broadcast_in_dim3A_2789] : memref<48x128xf32, #tpu.memory_space<vmem>>[vector<16xi32>, vector<16xi32>], vector<16xf32>,
      %gather3A_2802 = arith.constant 1 : i32
      %gather3A_2803 = arith.constant 0 : i32
      %gather3A_2804 = arith.constant 0 : i32
      %gather3A_2805 = tpu.memref_slice %arg11[%gather3A_2802, %gather3A_2803, %gather3A_2804] : memref<2x48x128xf32, #tpu.memory_space<vmem>> -> memref<1x48x128xf32, #tpu.memory_space<vmem>>
      %gather3A_2806 = tpu.memref_squeeze %gather3A_2805 : memref<1x48x128xf32, #tpu.memory_space<vmem>> -> memref<48x128xf32, #tpu.memory_space<vmem>>
      %gather3A_2807 = tpu.vector_load_idx %gather3A_2806[%add3A_1753, %broadcast_in_dim3A_2789] : memref<48x128xf32, #tpu.memory_space<vmem>>[vector<16xi32>, vector<16xi32>], vector<16xf32>,
      %add3A_2808 = arith.addf %gather3A_2795, %gather3A_2807 : vector<16xf32>
      %sub3A_2809 = arith.subf %add3A_2808, %gather3A_2801 : vector<16xf32>
      %mul3A_2810 = arith.mulf %sub3A_2809, %sub3A_2809 : vector<16xf32>
      %add3A_2811 = arith.addf %add3A_2787, %mul3A_2810 : vector<16xf32>
      %broadcast_in_dim3A_2812 = arith.constant 44 : i32
      %broadcast_in_dim3A_2813 = vector.broadcast %broadcast_in_dim3A_2812 : i32 to vector<16xi32>
      %gather3A_2814 = arith.constant 1 : i32
      %gather3A_2815 = arith.constant 0 : i32
      %gather3A_2816 = arith.constant 0 : i32
      %gather3A_2817 = tpu.memref_slice %arg11[%gather3A_2814, %gather3A_2815, %gather3A_2816] : memref<2x48x128xf32, #tpu.memory_space<vmem>> -> memref<1x48x128xf32, #tpu.memory_space<vmem>>
      %gather3A_2818 = tpu.memref_squeeze %gather3A_2817 : memref<1x48x128xf32, #tpu.memory_space<vmem>> -> memref<48x128xf32, #tpu.memory_space<vmem>>
      %gather3A_2819 = tpu.vector_load_idx %gather3A_2818[%iota3A, %broadcast_in_dim3A_2813] : memref<48x128xf32, #tpu.memory_space<vmem>>[vector<16xi32>, vector<16xi32>], vector<16xf32>,
      %gather3A_2820 = arith.constant 1 : i32
      %gather3A_2821 = arith.constant 0 : i32
      %gather3A_2822 = arith.constant 0 : i32
      %gather3A_2823 = tpu.memref_slice %arg11[%gather3A_2820, %gather3A_2821, %gather3A_2822] : memref<2x48x128xf32, #tpu.memory_space<vmem>> -> memref<1x48x128xf32, #tpu.memory_space<vmem>>
      %gather3A_2824 = tpu.memref_squeeze %gather3A_2823 : memref<1x48x128xf32, #tpu.memory_space<vmem>> -> memref<48x128xf32, #tpu.memory_space<vmem>>
      %gather3A_2825 = tpu.vector_load_idx %gather3A_2824[%add3A_1750, %broadcast_in_dim3A_2813] : memref<48x128xf32, #tpu.memory_space<vmem>>[vector<16xi32>, vector<16xi32>], vector<16xf32>,
      %gather3A_2826 = arith.constant 1 : i32
      %gather3A_2827 = arith.constant 0 : i32
      %gather3A_2828 = arith.constant 0 : i32
      %gather3A_2829 = tpu.memref_slice %arg11[%gather3A_2826, %gather3A_2827, %gather3A_2828] : memref<2x48x128xf32, #tpu.memory_space<vmem>> -> memref<1x48x128xf32, #tpu.memory_space<vmem>>
      %gather3A_2830 = tpu.memref_squeeze %gather3A_2829 : memref<1x48x128xf32, #tpu.memory_space<vmem>> -> memref<48x128xf32, #tpu.memory_space<vmem>>
      %gather3A_2831 = tpu.vector_load_idx %gather3A_2830[%add3A_1753, %broadcast_in_dim3A_2813] : memref<48x128xf32, #tpu.memory_space<vmem>>[vector<16xi32>, vector<16xi32>], vector<16xf32>,
      %add3A_2832 = arith.addf %gather3A_2819, %gather3A_2831 : vector<16xf32>
      %sub3A_2833 = arith.subf %add3A_2832, %gather3A_2825 : vector<16xf32>
      %mul3A_2834 = arith.mulf %sub3A_2833, %sub3A_2833 : vector<16xf32>
      %add3A_2835 = arith.addf %add3A_2811, %mul3A_2834 : vector<16xf32>
      %broadcast_in_dim3A_2836 = arith.constant 45 : i32
      %broadcast_in_dim3A_2837 = vector.broadcast %broadcast_in_dim3A_2836 : i32 to vector<16xi32>
      %gather3A_2838 = arith.constant 1 : i32
      %gather3A_2839 = arith.constant 0 : i32
      %gather3A_2840 = arith.constant 0 : i32
      %gather3A_2841 = tpu.memref_slice %arg11[%gather3A_2838, %gather3A_2839, %gather3A_2840] : memref<2x48x128xf32, #tpu.memory_space<vmem>> -> memref<1x48x128xf32, #tpu.memory_space<vmem>>
      %gather3A_2842 = tpu.memref_squeeze %gather3A_2841 : memref<1x48x128xf32, #tpu.memory_space<vmem>> -> memref<48x128xf32, #tpu.memory_space<vmem>>
      %gather3A_2843 = tpu.vector_load_idx %gather3A_2842[%iota3A, %broadcast_in_dim3A_2837] : memref<48x128xf32, #tpu.memory_space<vmem>>[vector<16xi32>, vector<16xi32>], vector<16xf32>,
      %gather3A_2844 = arith.constant 1 : i32
      %gather3A_2845 = arith.constant 0 : i32
      %gather3A_2846 = arith.constant 0 : i32
      %gather3A_2847 = tpu.memref_slice %arg11[%gather3A_2844, %gather3A_2845, %gather3A_2846] : memref<2x48x128xf32, #tpu.memory_space<vmem>> -> memref<1x48x128xf32, #tpu.memory_space<vmem>>
      %gather3A_2848 = tpu.memref_squeeze %gather3A_2847 : memref<1x48x128xf32, #tpu.memory_space<vmem>> -> memref<48x128xf32, #tpu.memory_space<vmem>>
      %gather3A_2849 = tpu.vector_load_idx %gather3A_2848[%add3A_1750, %broadcast_in_dim3A_2837] : memref<48x128xf32, #tpu.memory_space<vmem>>[vector<16xi32>, vector<16xi32>], vector<16xf32>,
      %gather3A_2850 = arith.constant 1 : i32
      %gather3A_2851 = arith.constant 0 : i32
      %gather3A_2852 = arith.constant 0 : i32
      %gather3A_2853 = tpu.memref_slice %arg11[%gather3A_2850, %gather3A_2851, %gather3A_2852] : memref<2x48x128xf32, #tpu.memory_space<vmem>> -> memref<1x48x128xf32, #tpu.memory_space<vmem>>
      %gather3A_2854 = tpu.memref_squeeze %gather3A_2853 : memref<1x48x128xf32, #tpu.memory_space<vmem>> -> memref<48x128xf32, #tpu.memory_space<vmem>>
      %gather3A_2855 = tpu.vector_load_idx %gather3A_2854[%add3A_1753, %broadcast_in_dim3A_2837] : memref<48x128xf32, #tpu.memory_space<vmem>>[vector<16xi32>, vector<16xi32>], vector<16xf32>,
      %add3A_2856 = arith.addf %gather3A_2843, %gather3A_2855 : vector<16xf32>
      %sub3A_2857 = arith.subf %add3A_2856, %gather3A_2849 : vector<16xf32>
      %mul3A_2858 = arith.mulf %sub3A_2857, %sub3A_2857 : vector<16xf32>
      %add3A_2859 = arith.addf %add3A_2835, %mul3A_2858 : vector<16xf32>
      %broadcast_in_dim3A_2860 = arith.constant 46 : i32
      %broadcast_in_dim3A_2861 = vector.broadcast %broadcast_in_dim3A_2860 : i32 to vector<16xi32>
      %gather3A_2862 = arith.constant 1 : i32
      %gather3A_2863 = arith.constant 0 : i32
      %gather3A_2864 = arith.constant 0 : i32
      %gather3A_2865 = tpu.memref_slice %arg11[%gather3A_2862, %gather3A_2863, %gather3A_2864] : memref<2x48x128xf32, #tpu.memory_space<vmem>> -> memref<1x48x128xf32, #tpu.memory_space<vmem>>
      %gather3A_2866 = tpu.memref_squeeze %gather3A_2865 : memref<1x48x128xf32, #tpu.memory_space<vmem>> -> memref<48x128xf32, #tpu.memory_space<vmem>>
      %gather3A_2867 = tpu.vector_load_idx %gather3A_2866[%iota3A, %broadcast_in_dim3A_2861] : memref<48x128xf32, #tpu.memory_space<vmem>>[vector<16xi32>, vector<16xi32>], vector<16xf32>,
      %gather3A_2868 = arith.constant 1 : i32
      %gather3A_2869 = arith.constant 0 : i32
      %gather3A_2870 = arith.constant 0 : i32
      %gather3A_2871 = tpu.memref_slice %arg11[%gather3A_2868, %gather3A_2869, %gather3A_2870] : memref<2x48x128xf32, #tpu.memory_space<vmem>> -> memref<1x48x128xf32, #tpu.memory_space<vmem>>
      %gather3A_2872 = tpu.memref_squeeze %gather3A_2871 : memref<1x48x128xf32, #tpu.memory_space<vmem>> -> memref<48x128xf32, #tpu.memory_space<vmem>>
      %gather3A_2873 = tpu.vector_load_idx %gather3A_2872[%add3A_1750, %broadcast_in_dim3A_2861] : memref<48x128xf32, #tpu.memory_space<vmem>>[vector<16xi32>, vector<16xi32>], vector<16xf32>,
      %gather3A_2874 = arith.constant 1 : i32
      %gather3A_2875 = arith.constant 0 : i32
      %gather3A_2876 = arith.constant 0 : i32
      %gather3A_2877 = tpu.memref_slice %arg11[%gather3A_2874, %gather3A_2875, %gather3A_2876] : memref<2x48x128xf32, #tpu.memory_space<vmem>> -> memref<1x48x128xf32, #tpu.memory_space<vmem>>
      %gather3A_2878 = tpu.memref_squeeze %gather3A_2877 : memref<1x48x128xf32, #tpu.memory_space<vmem>> -> memref<48x128xf32, #tpu.memory_space<vmem>>
      %gather3A_2879 = tpu.vector_load_idx %gather3A_2878[%add3A_1753, %broadcast_in_dim3A_2861] : memref<48x128xf32, #tpu.memory_space<vmem>>[vector<16xi32>, vector<16xi32>], vector<16xf32>,
      %add3A_2880 = arith.addf %gather3A_2867, %gather3A_2879 : vector<16xf32>
      %sub3A_2881 = arith.subf %add3A_2880, %gather3A_2873 : vector<16xf32>
      %mul3A_2882 = arith.mulf %sub3A_2881, %sub3A_2881 : vector<16xf32>
      %add3A_2883 = arith.addf %add3A_2859, %mul3A_2882 : vector<16xf32>
      %broadcast_in_dim3A_2884 = arith.constant 47 : i32
      %broadcast_in_dim3A_2885 = vector.broadcast %broadcast_in_dim3A_2884 : i32 to vector<16xi32>
      %gather3A_2886 = arith.constant 1 : i32
      %gather3A_2887 = arith.constant 0 : i32
      %gather3A_2888 = arith.constant 0 : i32
      %gather3A_2889 = tpu.memref_slice %arg11[%gather3A_2886, %gather3A_2887, %gather3A_2888] : memref<2x48x128xf32, #tpu.memory_space<vmem>> -> memref<1x48x128xf32, #tpu.memory_space<vmem>>
      %gather3A_2890 = tpu.memref_squeeze %gather3A_2889 : memref<1x48x128xf32, #tpu.memory_space<vmem>> -> memref<48x128xf32, #tpu.memory_space<vmem>>
      %gather3A_2891 = tpu.vector_load_idx %gather3A_2890[%iota3A, %broadcast_in_dim3A_2885] : memref<48x128xf32, #tpu.memory_space<vmem>>[vector<16xi32>, vector<16xi32>], vector<16xf32>,
      %gather3A_2892 = arith.constant 1 : i32
      %gather3A_2893 = arith.constant 0 : i32
      %gather3A_2894 = arith.constant 0 : i32
      %gather3A_2895 = tpu.memref_slice %arg11[%gather3A_2892, %gather3A_2893, %gather3A_2894] : memref<2x48x128xf32, #tpu.memory_space<vmem>> -> memref<1x48x128xf32, #tpu.memory_space<vmem>>
      %gather3A_2896 = tpu.memref_squeeze %gather3A_2895 : memref<1x48x128xf32, #tpu.memory_space<vmem>> -> memref<48x128xf32, #tpu.memory_space<vmem>>
      %gather3A_2897 = tpu.vector_load_idx %gather3A_2896[%add3A_1750, %broadcast_in_dim3A_2885] : memref<48x128xf32, #tpu.memory_space<vmem>>[vector<16xi32>, vector<16xi32>], vector<16xf32>,
      %gather3A_2898 = arith.constant 1 : i32
      %gather3A_2899 = arith.constant 0 : i32
      %gather3A_2900 = arith.constant 0 : i32
      %gather3A_2901 = tpu.memref_slice %arg11[%gather3A_2898, %gather3A_2899, %gather3A_2900] : memref<2x48x128xf32, #tpu.memory_space<vmem>> -> memref<1x48x128xf32, #tpu.memory_space<vmem>>
      %gather3A_2902 = tpu.memref_squeeze %gather3A_2901 : memref<1x48x128xf32, #tpu.memory_space<vmem>> -> memref<48x128xf32, #tpu.memory_space<vmem>>
      %gather3A_2903 = tpu.vector_load_idx %gather3A_2902[%add3A_1753, %broadcast_in_dim3A_2885] : memref<48x128xf32, #tpu.memory_space<vmem>>[vector<16xi32>, vector<16xi32>], vector<16xf32>,
      %add3A_2904 = arith.addf %gather3A_2891, %gather3A_2903 : vector<16xf32>
      %sub3A_2905 = arith.subf %add3A_2904, %gather3A_2897 : vector<16xf32>
      %mul3A_2906 = arith.mulf %sub3A_2905, %sub3A_2905 : vector<16xf32>
      %add3A_2907 = arith.addf %add3A_2883, %mul3A_2906 : vector<16xf32>
      %broadcast_in_dim3A_2908 = arith.constant 48 : i32
      %broadcast_in_dim3A_2909 = vector.broadcast %broadcast_in_dim3A_2908 : i32 to vector<16xi32>
      %gather3A_2910 = arith.constant 1 : i32
      %gather3A_2911 = arith.constant 0 : i32
      %gather3A_2912 = arith.constant 0 : i32
      %gather3A_2913 = tpu.memref_slice %arg11[%gather3A_2910, %gather3A_2911, %gather3A_2912] : memref<2x48x128xf32, #tpu.memory_space<vmem>> -> memref<1x48x128xf32, #tpu.memory_space<vmem>>
      %gather3A_2914 = tpu.memref_squeeze %gather3A_2913 : memref<1x48x128xf32, #tpu.memory_space<vmem>> -> memref<48x128xf32, #tpu.memory_space<vmem>>
      %gather3A_2915 = tpu.vector_load_idx %gather3A_2914[%iota3A, %broadcast_in_dim3A_2909] : memref<48x128xf32, #tpu.memory_space<vmem>>[vector<16xi32>, vector<16xi32>], vector<16xf32>,
      %gather3A_2916 = arith.constant 1 : i32
      %gather3A_2917 = arith.constant 0 : i32
      %gather3A_2918 = arith.constant 0 : i32
      %gather3A_2919 = tpu.memref_slice %arg11[%gather3A_2916, %gather3A_2917, %gather3A_2918] : memref<2x48x128xf32, #tpu.memory_space<vmem>> -> memref<1x48x128xf32, #tpu.memory_space<vmem>>
      %gather3A_2920 = tpu.memref_squeeze %gather3A_2919 : memref<1x48x128xf32, #tpu.memory_space<vmem>> -> memref<48x128xf32, #tpu.memory_space<vmem>>
      %gather3A_2921 = tpu.vector_load_idx %gather3A_2920[%add3A_1750, %broadcast_in_dim3A_2909] : memref<48x128xf32, #tpu.memory_space<vmem>>[vector<16xi32>, vector<16xi32>], vector<16xf32>,
      %gather3A_2922 = arith.constant 1 : i32
      %gather3A_2923 = arith.constant 0 : i32
      %gather3A_2924 = arith.constant 0 : i32
      %gather3A_2925 = tpu.memref_slice %arg11[%gather3A_2922, %gather3A_2923, %gather3A_2924] : memref<2x48x128xf32, #tpu.memory_space<vmem>> -> memref<1x48x128xf32, #tpu.memory_space<vmem>>
      %gather3A_2926 = tpu.memref_squeeze %gather3A_2925 : memref<1x48x128xf32, #tpu.memory_space<vmem>> -> memref<48x128xf32, #tpu.memory_space<vmem>>
      %gather3A_2927 = tpu.vector_load_idx %gather3A_2926[%add3A_1753, %broadcast_in_dim3A_2909] : memref<48x128xf32, #tpu.memory_space<vmem>>[vector<16xi32>, vector<16xi32>], vector<16xf32>,
      %add3A_2928 = arith.addf %gather3A_2915, %gather3A_2927 : vector<16xf32>
      %sub3A_2929 = arith.subf %add3A_2928, %gather3A_2921 : vector<16xf32>
      %mul3A_2930 = arith.mulf %sub3A_2929, %sub3A_2929 : vector<16xf32>
      %add3A_2931 = arith.addf %add3A_2907, %mul3A_2930 : vector<16xf32>
      %broadcast_in_dim3A_2932 = arith.constant 49 : i32
      %broadcast_in_dim3A_2933 = vector.broadcast %broadcast_in_dim3A_2932 : i32 to vector<16xi32>
      %gather3A_2934 = arith.constant 1 : i32
      %gather3A_2935 = arith.constant 0 : i32
      %gather3A_2936 = arith.constant 0 : i32
      %gather3A_2937 = tpu.memref_slice %arg11[%gather3A_2934, %gather3A_2935, %gather3A_2936] : memref<2x48x128xf32, #tpu.memory_space<vmem>> -> memref<1x48x128xf32, #tpu.memory_space<vmem>>
      %gather3A_2938 = tpu.memref_squeeze %gather3A_2937 : memref<1x48x128xf32, #tpu.memory_space<vmem>> -> memref<48x128xf32, #tpu.memory_space<vmem>>
      %gather3A_2939 = tpu.vector_load_idx %gather3A_2938[%iota3A, %broadcast_in_dim3A_2933] : memref<48x128xf32, #tpu.memory_space<vmem>>[vector<16xi32>, vector<16xi32>], vector<16xf32>,
      %gather3A_2940 = arith.constant 1 : i32
      %gather3A_2941 = arith.constant 0 : i32
      %gather3A_2942 = arith.constant 0 : i32
      %gather3A_2943 = tpu.memref_slice %arg11[%gather3A_2940, %gather3A_2941, %gather3A_2942] : memref<2x48x128xf32, #tpu.memory_space<vmem>> -> memref<1x48x128xf32, #tpu.memory_space<vmem>>
      %gather3A_2944 = tpu.memref_squeeze %gather3A_2943 : memref<1x48x128xf32, #tpu.memory_space<vmem>> -> memref<48x128xf32, #tpu.memory_space<vmem>>
      %gather3A_2945 = tpu.vector_load_idx %gather3A_2944[%add3A_1750, %broadcast_in_dim3A_2933] : memref<48x128xf32, #tpu.memory_space<vmem>>[vector<16xi32>, vector<16xi32>], vector<16xf32>,
      %gather3A_2946 = arith.constant 1 : i32
      %gather3A_2947 = arith.constant 0 : i32
      %gather3A_2948 = arith.constant 0 : i32
      %gather3A_2949 = tpu.memref_slice %arg11[%gather3A_2946, %gather3A_2947, %gather3A_2948] : memref<2x48x128xf32, #tpu.memory_space<vmem>> -> memref<1x48x128xf32, #tpu.memory_space<vmem>>
      %gather3A_2950 = tpu.memref_squeeze %gather3A_2949 : memref<1x48x128xf32, #tpu.memory_space<vmem>> -> memref<48x128xf32, #tpu.memory_space<vmem>>
      %gather3A_2951 = tpu.vector_load_idx %gather3A_2950[%add3A_1753, %broadcast_in_dim3A_2933] : memref<48x128xf32, #tpu.memory_space<vmem>>[vector<16xi32>, vector<16xi32>], vector<16xf32>,
      %add3A_2952 = arith.addf %gather3A_2939, %gather3A_2951 : vector<16xf32>
      %sub3A_2953 = arith.subf %add3A_2952, %gather3A_2945 : vector<16xf32>
      %mul3A_2954 = arith.mulf %sub3A_2953, %sub3A_2953 : vector<16xf32>
      %add3A_2955 = arith.addf %add3A_2931, %mul3A_2954 : vector<16xf32>
      %broadcast_in_dim3A_2956 = arith.constant 50 : i32
      %broadcast_in_dim3A_2957 = vector.broadcast %broadcast_in_dim3A_2956 : i32 to vector<16xi32>
      %gather3A_2958 = arith.constant 1 : i32
      %gather3A_2959 = arith.constant 0 : i32
      %gather3A_2960 = arith.constant 0 : i32
      %gather3A_2961 = tpu.memref_slice %arg11[%gather3A_2958, %gather3A_2959, %gather3A_2960] : memref<2x48x128xf32, #tpu.memory_space<vmem>> -> memref<1x48x128xf32, #tpu.memory_space<vmem>>
      %gather3A_2962 = tpu.memref_squeeze %gather3A_2961 : memref<1x48x128xf32, #tpu.memory_space<vmem>> -> memref<48x128xf32, #tpu.memory_space<vmem>>
      %gather3A_2963 = tpu.vector_load_idx %gather3A_2962[%iota3A, %broadcast_in_dim3A_2957] : memref<48x128xf32, #tpu.memory_space<vmem>>[vector<16xi32>, vector<16xi32>], vector<16xf32>,
      %gather3A_2964 = arith.constant 1 : i32
      %gather3A_2965 = arith.constant 0 : i32
      %gather3A_2966 = arith.constant 0 : i32
      %gather3A_2967 = tpu.memref_slice %arg11[%gather3A_2964, %gather3A_2965, %gather3A_2966] : memref<2x48x128xf32, #tpu.memory_space<vmem>> -> memref<1x48x128xf32, #tpu.memory_space<vmem>>
      %gather3A_2968 = tpu.memref_squeeze %gather3A_2967 : memref<1x48x128xf32, #tpu.memory_space<vmem>> -> memref<48x128xf32, #tpu.memory_space<vmem>>
      %gather3A_2969 = tpu.vector_load_idx %gather3A_2968[%add3A_1750, %broadcast_in_dim3A_2957] : memref<48x128xf32, #tpu.memory_space<vmem>>[vector<16xi32>, vector<16xi32>], vector<16xf32>,
      %gather3A_2970 = arith.constant 1 : i32
      %gather3A_2971 = arith.constant 0 : i32
      %gather3A_2972 = arith.constant 0 : i32
      %gather3A_2973 = tpu.memref_slice %arg11[%gather3A_2970, %gather3A_2971, %gather3A_2972] : memref<2x48x128xf32, #tpu.memory_space<vmem>> -> memref<1x48x128xf32, #tpu.memory_space<vmem>>
      %gather3A_2974 = tpu.memref_squeeze %gather3A_2973 : memref<1x48x128xf32, #tpu.memory_space<vmem>> -> memref<48x128xf32, #tpu.memory_space<vmem>>
      %gather3A_2975 = tpu.vector_load_idx %gather3A_2974[%add3A_1753, %broadcast_in_dim3A_2957] : memref<48x128xf32, #tpu.memory_space<vmem>>[vector<16xi32>, vector<16xi32>], vector<16xf32>,
      %add3A_2976 = arith.addf %gather3A_2963, %gather3A_2975 : vector<16xf32>
      %sub3A_2977 = arith.subf %add3A_2976, %gather3A_2969 : vector<16xf32>
      %mul3A_2978 = arith.mulf %sub3A_2977, %sub3A_2977 : vector<16xf32>
      %add3A_2979 = arith.addf %add3A_2955, %mul3A_2978 : vector<16xf32>
      %broadcast_in_dim3A_2980 = arith.constant 51 : i32
      %broadcast_in_dim3A_2981 = vector.broadcast %broadcast_in_dim3A_2980 : i32 to vector<16xi32>
      %gather3A_2982 = arith.constant 1 : i32
      %gather3A_2983 = arith.constant 0 : i32
      %gather3A_2984 = arith.constant 0 : i32
      %gather3A_2985 = tpu.memref_slice %arg11[%gather3A_2982, %gather3A_2983, %gather3A_2984] : memref<2x48x128xf32, #tpu.memory_space<vmem>> -> memref<1x48x128xf32, #tpu.memory_space<vmem>>
      %gather3A_2986 = tpu.memref_squeeze %gather3A_2985 : memref<1x48x128xf32, #tpu.memory_space<vmem>> -> memref<48x128xf32, #tpu.memory_space<vmem>>
      %gather3A_2987 = tpu.vector_load_idx %gather3A_2986[%iota3A, %broadcast_in_dim3A_2981] : memref<48x128xf32, #tpu.memory_space<vmem>>[vector<16xi32>, vector<16xi32>], vector<16xf32>,
      %gather3A_2988 = arith.constant 1 : i32
      %gather3A_2989 = arith.constant 0 : i32
      %gather3A_2990 = arith.constant 0 : i32
      %gather3A_2991 = tpu.memref_slice %arg11[%gather3A_2988, %gather3A_2989, %gather3A_2990] : memref<2x48x128xf32, #tpu.memory_space<vmem>> -> memref<1x48x128xf32, #tpu.memory_space<vmem>>
      %gather3A_2992 = tpu.memref_squeeze %gather3A_2991 : memref<1x48x128xf32, #tpu.memory_space<vmem>> -> memref<48x128xf32, #tpu.memory_space<vmem>>
      %gather3A_2993 = tpu.vector_load_idx %gather3A_2992[%add3A_1750, %broadcast_in_dim3A_2981] : memref<48x128xf32, #tpu.memory_space<vmem>>[vector<16xi32>, vector<16xi32>], vector<16xf32>,
      %gather3A_2994 = arith.constant 1 : i32
      %gather3A_2995 = arith.constant 0 : i32
      %gather3A_2996 = arith.constant 0 : i32
      %gather3A_2997 = tpu.memref_slice %arg11[%gather3A_2994, %gather3A_2995, %gather3A_2996] : memref<2x48x128xf32, #tpu.memory_space<vmem>> -> memref<1x48x128xf32, #tpu.memory_space<vmem>>
      %gather3A_2998 = tpu.memref_squeeze %gather3A_2997 : memref<1x48x128xf32, #tpu.memory_space<vmem>> -> memref<48x128xf32, #tpu.memory_space<vmem>>
      %gather3A_2999 = tpu.vector_load_idx %gather3A_2998[%add3A_1753, %broadcast_in_dim3A_2981] : memref<48x128xf32, #tpu.memory_space<vmem>>[vector<16xi32>, vector<16xi32>], vector<16xf32>,
      %add3A_3000 = arith.addf %gather3A_2987, %gather3A_2999 : vector<16xf32>
      %sub3A_3001 = arith.subf %add3A_3000, %gather3A_2993 : vector<16xf32>
      %mul3A_3002 = arith.mulf %sub3A_3001, %sub3A_3001 : vector<16xf32>
      %add3A_3003 = arith.addf %add3A_2979, %mul3A_3002 : vector<16xf32>
      %broadcast_in_dim3A_3004 = arith.constant 52 : i32
      %broadcast_in_dim3A_3005 = vector.broadcast %broadcast_in_dim3A_3004 : i32 to vector<16xi32>
      %gather3A_3006 = arith.constant 1 : i32
      %gather3A_3007 = arith.constant 0 : i32
      %gather3A_3008 = arith.constant 0 : i32
      %gather3A_3009 = tpu.memref_slice %arg11[%gather3A_3006, %gather3A_3007, %gather3A_3008] : memref<2x48x128xf32, #tpu.memory_space<vmem>> -> memref<1x48x128xf32, #tpu.memory_space<vmem>>
      %gather3A_3010 = tpu.memref_squeeze %gather3A_3009 : memref<1x48x128xf32, #tpu.memory_space<vmem>> -> memref<48x128xf32, #tpu.memory_space<vmem>>
      %gather3A_3011 = tpu.vector_load_idx %gather3A_3010[%iota3A, %broadcast_in_dim3A_3005] : memref<48x128xf32, #tpu.memory_space<vmem>>[vector<16xi32>, vector<16xi32>], vector<16xf32>,
      %gather3A_3012 = arith.constant 1 : i32
      %gather3A_3013 = arith.constant 0 : i32
      %gather3A_3014 = arith.constant 0 : i32
      %gather3A_3015 = tpu.memref_slice %arg11[%gather3A_3012, %gather3A_3013, %gather3A_3014] : memref<2x48x128xf32, #tpu.memory_space<vmem>> -> memref<1x48x128xf32, #tpu.memory_space<vmem>>
      %gather3A_3016 = tpu.memref_squeeze %gather3A_3015 : memref<1x48x128xf32, #tpu.memory_space<vmem>> -> memref<48x128xf32, #tpu.memory_space<vmem>>
      %gather3A_3017 = tpu.vector_load_idx %gather3A_3016[%add3A_1750, %broadcast_in_dim3A_3005] : memref<48x128xf32, #tpu.memory_space<vmem>>[vector<16xi32>, vector<16xi32>], vector<16xf32>,
      %gather3A_3018 = arith.constant 1 : i32
      %gather3A_3019 = arith.constant 0 : i32
      %gather3A_3020 = arith.constant 0 : i32
      %gather3A_3021 = tpu.memref_slice %arg11[%gather3A_3018, %gather3A_3019, %gather3A_3020] : memref<2x48x128xf32, #tpu.memory_space<vmem>> -> memref<1x48x128xf32, #tpu.memory_space<vmem>>
      %gather3A_3022 = tpu.memref_squeeze %gather3A_3021 : memref<1x48x128xf32, #tpu.memory_space<vmem>> -> memref<48x128xf32, #tpu.memory_space<vmem>>
      %gather3A_3023 = tpu.vector_load_idx %gather3A_3022[%add3A_1753, %broadcast_in_dim3A_3005] : memref<48x128xf32, #tpu.memory_space<vmem>>[vector<16xi32>, vector<16xi32>], vector<16xf32>,
      %add3A_3024 = arith.addf %gather3A_3011, %gather3A_3023 : vector<16xf32>
      %sub3A_3025 = arith.subf %add3A_3024, %gather3A_3017 : vector<16xf32>
      %mul3A_3026 = arith.mulf %sub3A_3025, %sub3A_3025 : vector<16xf32>
      %add3A_3027 = arith.addf %add3A_3003, %mul3A_3026 : vector<16xf32>
      %broadcast_in_dim3A_3028 = arith.constant 53 : i32
      %broadcast_in_dim3A_3029 = vector.broadcast %broadcast_in_dim3A_3028 : i32 to vector<16xi32>
      %gather3A_3030 = arith.constant 1 : i32
      %gather3A_3031 = arith.constant 0 : i32
      %gather3A_3032 = arith.constant 0 : i32
      %gather3A_3033 = tpu.memref_slice %arg11[%gather3A_3030, %gather3A_3031, %gather3A_3032] : memref<2x48x128xf32, #tpu.memory_space<vmem>> -> memref<1x48x128xf32, #tpu.memory_space<vmem>>
      %gather3A_3034 = tpu.memref_squeeze %gather3A_3033 : memref<1x48x128xf32, #tpu.memory_space<vmem>> -> memref<48x128xf32, #tpu.memory_space<vmem>>
      %gather3A_3035 = tpu.vector_load_idx %gather3A_3034[%iota3A, %broadcast_in_dim3A_3029] : memref<48x128xf32, #tpu.memory_space<vmem>>[vector<16xi32>, vector<16xi32>], vector<16xf32>,
      %gather3A_3036 = arith.constant 1 : i32
      %gather3A_3037 = arith.constant 0 : i32
      %gather3A_3038 = arith.constant 0 : i32
      %gather3A_3039 = tpu.memref_slice %arg11[%gather3A_3036, %gather3A_3037, %gather3A_3038] : memref<2x48x128xf32, #tpu.memory_space<vmem>> -> memref<1x48x128xf32, #tpu.memory_space<vmem>>
      %gather3A_3040 = tpu.memref_squeeze %gather3A_3039 : memref<1x48x128xf32, #tpu.memory_space<vmem>> -> memref<48x128xf32, #tpu.memory_space<vmem>>
      %gather3A_3041 = tpu.vector_load_idx %gather3A_3040[%add3A_1750, %broadcast_in_dim3A_3029] : memref<48x128xf32, #tpu.memory_space<vmem>>[vector<16xi32>, vector<16xi32>], vector<16xf32>,
      %gather3A_3042 = arith.constant 1 : i32
      %gather3A_3043 = arith.constant 0 : i32
      %gather3A_3044 = arith.constant 0 : i32
      %gather3A_3045 = tpu.memref_slice %arg11[%gather3A_3042, %gather3A_3043, %gather3A_3044] : memref<2x48x128xf32, #tpu.memory_space<vmem>> -> memref<1x48x128xf32, #tpu.memory_space<vmem>>
      %gather3A_3046 = tpu.memref_squeeze %gather3A_3045 : memref<1x48x128xf32, #tpu.memory_space<vmem>> -> memref<48x128xf32, #tpu.memory_space<vmem>>
      %gather3A_3047 = tpu.vector_load_idx %gather3A_3046[%add3A_1753, %broadcast_in_dim3A_3029] : memref<48x128xf32, #tpu.memory_space<vmem>>[vector<16xi32>, vector<16xi32>], vector<16xf32>,
      %add3A_3048 = arith.addf %gather3A_3035, %gather3A_3047 : vector<16xf32>
      %sub3A_3049 = arith.subf %add3A_3048, %gather3A_3041 : vector<16xf32>
      %mul3A_3050 = arith.mulf %sub3A_3049, %sub3A_3049 : vector<16xf32>
      %add3A_3051 = arith.addf %add3A_3027, %mul3A_3050 : vector<16xf32>
      %broadcast_in_dim3A_3052 = arith.constant 54 : i32
      %broadcast_in_dim3A_3053 = vector.broadcast %broadcast_in_dim3A_3052 : i32 to vector<16xi32>
      %gather3A_3054 = arith.constant 1 : i32
      %gather3A_3055 = arith.constant 0 : i32
      %gather3A_3056 = arith.constant 0 : i32
      %gather3A_3057 = tpu.memref_slice %arg11[%gather3A_3054, %gather3A_3055, %gather3A_3056] : memref<2x48x128xf32, #tpu.memory_space<vmem>> -> memref<1x48x128xf32, #tpu.memory_space<vmem>>
      %gather3A_3058 = tpu.memref_squeeze %gather3A_3057 : memref<1x48x128xf32, #tpu.memory_space<vmem>> -> memref<48x128xf32, #tpu.memory_space<vmem>>
      %gather3A_3059 = tpu.vector_load_idx %gather3A_3058[%iota3A, %broadcast_in_dim3A_3053] : memref<48x128xf32, #tpu.memory_space<vmem>>[vector<16xi32>, vector<16xi32>], vector<16xf32>,
      %gather3A_3060 = arith.constant 1 : i32
      %gather3A_3061 = arith.constant 0 : i32
      %gather3A_3062 = arith.constant 0 : i32
      %gather3A_3063 = tpu.memref_slice %arg11[%gather3A_3060, %gather3A_3061, %gather3A_3062] : memref<2x48x128xf32, #tpu.memory_space<vmem>> -> memref<1x48x128xf32, #tpu.memory_space<vmem>>
      %gather3A_3064 = tpu.memref_squeeze %gather3A_3063 : memref<1x48x128xf32, #tpu.memory_space<vmem>> -> memref<48x128xf32, #tpu.memory_space<vmem>>
      %gather3A_3065 = tpu.vector_load_idx %gather3A_3064[%add3A_1750, %broadcast_in_dim3A_3053] : memref<48x128xf32, #tpu.memory_space<vmem>>[vector<16xi32>, vector<16xi32>], vector<16xf32>,
      %gather3A_3066 = arith.constant 1 : i32
      %gather3A_3067 = arith.constant 0 : i32
      %gather3A_3068 = arith.constant 0 : i32
      %gather3A_3069 = tpu.memref_slice %arg11[%gather3A_3066, %gather3A_3067, %gather3A_3068] : memref<2x48x128xf32, #tpu.memory_space<vmem>> -> memref<1x48x128xf32, #tpu.memory_space<vmem>>
      %gather3A_3070 = tpu.memref_squeeze %gather3A_3069 : memref<1x48x128xf32, #tpu.memory_space<vmem>> -> memref<48x128xf32, #tpu.memory_space<vmem>>
      %gather3A_3071 = tpu.vector_load_idx %gather3A_3070[%add3A_1753, %broadcast_in_dim3A_3053] : memref<48x128xf32, #tpu.memory_space<vmem>>[vector<16xi32>, vector<16xi32>], vector<16xf32>,
      %add3A_3072 = arith.addf %gather3A_3059, %gather3A_3071 : vector<16xf32>
      %sub3A_3073 = arith.subf %add3A_3072, %gather3A_3065 : vector<16xf32>
      %mul3A_3074 = arith.mulf %sub3A_3073, %sub3A_3073 : vector<16xf32>
      %add3A_3075 = arith.addf %add3A_3051, %mul3A_3074 : vector<16xf32>
      %broadcast_in_dim3A_3076 = arith.constant 55 : i32
      %broadcast_in_dim3A_3077 = vector.broadcast %broadcast_in_dim3A_3076 : i32 to vector<16xi32>
      %gather3A_3078 = arith.constant 1 : i32
      %gather3A_3079 = arith.constant 0 : i32
      %gather3A_3080 = arith.constant 0 : i32
      %gather3A_3081 = tpu.memref_slice %arg11[%gather3A_3078, %gather3A_3079, %gather3A_3080] : memref<2x48x128xf32, #tpu.memory_space<vmem>> -> memref<1x48x128xf32, #tpu.memory_space<vmem>>
      %gather3A_3082 = tpu.memref_squeeze %gather3A_3081 : memref<1x48x128xf32, #tpu.memory_space<vmem>> -> memref<48x128xf32, #tpu.memory_space<vmem>>
      %gather3A_3083 = tpu.vector_load_idx %gather3A_3082[%iota3A, %broadcast_in_dim3A_3077] : memref<48x128xf32, #tpu.memory_space<vmem>>[vector<16xi32>, vector<16xi32>], vector<16xf32>,
      %gather3A_3084 = arith.constant 1 : i32
      %gather3A_3085 = arith.constant 0 : i32
      %gather3A_3086 = arith.constant 0 : i32
      %gather3A_3087 = tpu.memref_slice %arg11[%gather3A_3084, %gather3A_3085, %gather3A_3086] : memref<2x48x128xf32, #tpu.memory_space<vmem>> -> memref<1x48x128xf32, #tpu.memory_space<vmem>>
      %gather3A_3088 = tpu.memref_squeeze %gather3A_3087 : memref<1x48x128xf32, #tpu.memory_space<vmem>> -> memref<48x128xf32, #tpu.memory_space<vmem>>
      %gather3A_3089 = tpu.vector_load_idx %gather3A_3088[%add3A_1750, %broadcast_in_dim3A_3077] : memref<48x128xf32, #tpu.memory_space<vmem>>[vector<16xi32>, vector<16xi32>], vector<16xf32>,
      %gather3A_3090 = arith.constant 1 : i32
      %gather3A_3091 = arith.constant 0 : i32
      %gather3A_3092 = arith.constant 0 : i32
      %gather3A_3093 = tpu.memref_slice %arg11[%gather3A_3090, %gather3A_3091, %gather3A_3092] : memref<2x48x128xf32, #tpu.memory_space<vmem>> -> memref<1x48x128xf32, #tpu.memory_space<vmem>>
      %gather3A_3094 = tpu.memref_squeeze %gather3A_3093 : memref<1x48x128xf32, #tpu.memory_space<vmem>> -> memref<48x128xf32, #tpu.memory_space<vmem>>
      %gather3A_3095 = tpu.vector_load_idx %gather3A_3094[%add3A_1753, %broadcast_in_dim3A_3077] : memref<48x128xf32, #tpu.memory_space<vmem>>[vector<16xi32>, vector<16xi32>], vector<16xf32>,
      %add3A_3096 = arith.addf %gather3A_3083, %gather3A_3095 : vector<16xf32>
      %sub3A_3097 = arith.subf %add3A_3096, %gather3A_3089 : vector<16xf32>
      %mul3A_3098 = arith.mulf %sub3A_3097, %sub3A_3097 : vector<16xf32>
      %add3A_3099 = arith.addf %add3A_3075, %mul3A_3098 : vector<16xf32>
      %broadcast_in_dim3A_3100 = arith.constant 56 : i32
      %broadcast_in_dim3A_3101 = vector.broadcast %broadcast_in_dim3A_3100 : i32 to vector<16xi32>
      %gather3A_3102 = arith.constant 1 : i32
      %gather3A_3103 = arith.constant 0 : i32
      %gather3A_3104 = arith.constant 0 : i32
      %gather3A_3105 = tpu.memref_slice %arg11[%gather3A_3102, %gather3A_3103, %gather3A_3104] : memref<2x48x128xf32, #tpu.memory_space<vmem>> -> memref<1x48x128xf32, #tpu.memory_space<vmem>>
      %gather3A_3106 = tpu.memref_squeeze %gather3A_3105 : memref<1x48x128xf32, #tpu.memory_space<vmem>> -> memref<48x128xf32, #tpu.memory_space<vmem>>
      %gather3A_3107 = tpu.vector_load_idx %gather3A_3106[%iota3A, %broadcast_in_dim3A_3101] : memref<48x128xf32, #tpu.memory_space<vmem>>[vector<16xi32>, vector<16xi32>], vector<16xf32>,
      %gather3A_3108 = arith.constant 1 : i32
      %gather3A_3109 = arith.constant 0 : i32
      %gather3A_3110 = arith.constant 0 : i32
      %gather3A_3111 = tpu.memref_slice %arg11[%gather3A_3108, %gather3A_3109, %gather3A_3110] : memref<2x48x128xf32, #tpu.memory_space<vmem>> -> memref<1x48x128xf32, #tpu.memory_space<vmem>>
      %gather3A_3112 = tpu.memref_squeeze %gather3A_3111 : memref<1x48x128xf32, #tpu.memory_space<vmem>> -> memref<48x128xf32, #tpu.memory_space<vmem>>
      %gather3A_3113 = tpu.vector_load_idx %gather3A_3112[%add3A_1750, %broadcast_in_dim3A_3101] : memref<48x128xf32, #tpu.memory_space<vmem>>[vector<16xi32>, vector<16xi32>], vector<16xf32>,
      %gather3A_3114 = arith.constant 1 : i32
      %gather3A_3115 = arith.constant 0 : i32
      %gather3A_3116 = arith.constant 0 : i32
      %gather3A_3117 = tpu.memref_slice %arg11[%gather3A_3114, %gather3A_3115, %gather3A_3116] : memref<2x48x128xf32, #tpu.memory_space<vmem>> -> memref<1x48x128xf32, #tpu.memory_space<vmem>>
      %gather3A_3118 = tpu.memref_squeeze %gather3A_3117 : memref<1x48x128xf32, #tpu.memory_space<vmem>> -> memref<48x128xf32, #tpu.memory_space<vmem>>
      %gather3A_3119 = tpu.vector_load_idx %gather3A_3118[%add3A_1753, %broadcast_in_dim3A_3101] : memref<48x128xf32, #tpu.memory_space<vmem>>[vector<16xi32>, vector<16xi32>], vector<16xf32>,
      %add3A_3120 = arith.addf %gather3A_3107, %gather3A_3119 : vector<16xf32>
      %sub3A_3121 = arith.subf %add3A_3120, %gather3A_3113 : vector<16xf32>
      %mul3A_3122 = arith.mulf %sub3A_3121, %sub3A_3121 : vector<16xf32>
      %add3A_3123 = arith.addf %add3A_3099, %mul3A_3122 : vector<16xf32>
      %broadcast_in_dim3A_3124 = arith.constant 57 : i32
      %broadcast_in_dim3A_3125 = vector.broadcast %broadcast_in_dim3A_3124 : i32 to vector<16xi32>
      %gather3A_3126 = arith.constant 1 : i32
      %gather3A_3127 = arith.constant 0 : i32
      %gather3A_3128 = arith.constant 0 : i32
      %gather3A_3129 = tpu.memref_slice %arg11[%gather3A_3126, %gather3A_3127, %gather3A_3128] : memref<2x48x128xf32, #tpu.memory_space<vmem>> -> memref<1x48x128xf32, #tpu.memory_space<vmem>>
      %gather3A_3130 = tpu.memref_squeeze %gather3A_3129 : memref<1x48x128xf32, #tpu.memory_space<vmem>> -> memref<48x128xf32, #tpu.memory_space<vmem>>
      %gather3A_3131 = tpu.vector_load_idx %gather3A_3130[%iota3A, %broadcast_in_dim3A_3125] : memref<48x128xf32, #tpu.memory_space<vmem>>[vector<16xi32>, vector<16xi32>], vector<16xf32>,
      %gather3A_3132 = arith.constant 1 : i32
      %gather3A_3133 = arith.constant 0 : i32
      %gather3A_3134 = arith.constant 0 : i32
      %gather3A_3135 = tpu.memref_slice %arg11[%gather3A_3132, %gather3A_3133, %gather3A_3134] : memref<2x48x128xf32, #tpu.memory_space<vmem>> -> memref<1x48x128xf32, #tpu.memory_space<vmem>>
      %gather3A_3136 = tpu.memref_squeeze %gather3A_3135 : memref<1x48x128xf32, #tpu.memory_space<vmem>> -> memref<48x128xf32, #tpu.memory_space<vmem>>
      %gather3A_3137 = tpu.vector_load_idx %gather3A_3136[%add3A_1750, %broadcast_in_dim3A_3125] : memref<48x128xf32, #tpu.memory_space<vmem>>[vector<16xi32>, vector<16xi32>], vector<16xf32>,
      %gather3A_3138 = arith.constant 1 : i32
      %gather3A_3139 = arith.constant 0 : i32
      %gather3A_3140 = arith.constant 0 : i32
      %gather3A_3141 = tpu.memref_slice %arg11[%gather3A_3138, %gather3A_3139, %gather3A_3140] : memref<2x48x128xf32, #tpu.memory_space<vmem>> -> memref<1x48x128xf32, #tpu.memory_space<vmem>>
      %gather3A_3142 = tpu.memref_squeeze %gather3A_3141 : memref<1x48x128xf32, #tpu.memory_space<vmem>> -> memref<48x128xf32, #tpu.memory_space<vmem>>
      %gather3A_3143 = tpu.vector_load_idx %gather3A_3142[%add3A_1753, %broadcast_in_dim3A_3125] : memref<48x128xf32, #tpu.memory_space<vmem>>[vector<16xi32>, vector<16xi32>], vector<16xf32>,
      %add3A_3144 = arith.addf %gather3A_3131, %gather3A_3143 : vector<16xf32>
      %sub3A_3145 = arith.subf %add3A_3144, %gather3A_3137 : vector<16xf32>
      %mul3A_3146 = arith.mulf %sub3A_3145, %sub3A_3145 : vector<16xf32>
      %add3A_3147 = arith.addf %add3A_3123, %mul3A_3146 : vector<16xf32>
      %broadcast_in_dim3A_3148 = arith.constant 58 : i32
      %broadcast_in_dim3A_3149 = vector.broadcast %broadcast_in_dim3A_3148 : i32 to vector<16xi32>
      %gather3A_3150 = arith.constant 1 : i32
      %gather3A_3151 = arith.constant 0 : i32
      %gather3A_3152 = arith.constant 0 : i32
      %gather3A_3153 = tpu.memref_slice %arg11[%gather3A_3150, %gather3A_3151, %gather3A_3152] : memref<2x48x128xf32, #tpu.memory_space<vmem>> -> memref<1x48x128xf32, #tpu.memory_space<vmem>>
      %gather3A_3154 = tpu.memref_squeeze %gather3A_3153 : memref<1x48x128xf32, #tpu.memory_space<vmem>> -> memref<48x128xf32, #tpu.memory_space<vmem>>
      %gather3A_3155 = tpu.vector_load_idx %gather3A_3154[%iota3A, %broadcast_in_dim3A_3149] : memref<48x128xf32, #tpu.memory_space<vmem>>[vector<16xi32>, vector<16xi32>], vector<16xf32>,
      %gather3A_3156 = arith.constant 1 : i32
      %gather3A_3157 = arith.constant 0 : i32
      %gather3A_3158 = arith.constant 0 : i32
      %gather3A_3159 = tpu.memref_slice %arg11[%gather3A_3156, %gather3A_3157, %gather3A_3158] : memref<2x48x128xf32, #tpu.memory_space<vmem>> -> memref<1x48x128xf32, #tpu.memory_space<vmem>>
      %gather3A_3160 = tpu.memref_squeeze %gather3A_3159 : memref<1x48x128xf32, #tpu.memory_space<vmem>> -> memref<48x128xf32, #tpu.memory_space<vmem>>
      %gather3A_3161 = tpu.vector_load_idx %gather3A_3160[%add3A_1750, %broadcast_in_dim3A_3149] : memref<48x128xf32, #tpu.memory_space<vmem>>[vector<16xi32>, vector<16xi32>], vector<16xf32>,
      %gather3A_3162 = arith.constant 1 : i32
      %gather3A_3163 = arith.constant 0 : i32
      %gather3A_3164 = arith.constant 0 : i32
      %gather3A_3165 = tpu.memref_slice %arg11[%gather3A_3162, %gather3A_3163, %gather3A_3164] : memref<2x48x128xf32, #tpu.memory_space<vmem>> -> memref<1x48x128xf32, #tpu.memory_space<vmem>>
      %gather3A_3166 = tpu.memref_squeeze %gather3A_3165 : memref<1x48x128xf32, #tpu.memory_space<vmem>> -> memref<48x128xf32, #tpu.memory_space<vmem>>
      %gather3A_3167 = tpu.vector_load_idx %gather3A_3166[%add3A_1753, %broadcast_in_dim3A_3149] : memref<48x128xf32, #tpu.memory_space<vmem>>[vector<16xi32>, vector<16xi32>], vector<16xf32>,
      %add3A_3168 = arith.addf %gather3A_3155, %gather3A_3167 : vector<16xf32>
      %sub3A_3169 = arith.subf %add3A_3168, %gather3A_3161 : vector<16xf32>
      %mul3A_3170 = arith.mulf %sub3A_3169, %sub3A_3169 : vector<16xf32>
      %add3A_3171 = arith.addf %add3A_3147, %mul3A_3170 : vector<16xf32>
      %broadcast_in_dim3A_3172 = arith.constant 59 : i32
      %broadcast_in_dim3A_3173 = vector.broadcast %broadcast_in_dim3A_3172 : i32 to vector<16xi32>
      %gather3A_3174 = arith.constant 1 : i32
      %gather3A_3175 = arith.constant 0 : i32
      %gather3A_3176 = arith.constant 0 : i32
      %gather3A_3177 = tpu.memref_slice %arg11[%gather3A_3174, %gather3A_3175, %gather3A_3176] : memref<2x48x128xf32, #tpu.memory_space<vmem>> -> memref<1x48x128xf32, #tpu.memory_space<vmem>>
      %gather3A_3178 = tpu.memref_squeeze %gather3A_3177 : memref<1x48x128xf32, #tpu.memory_space<vmem>> -> memref<48x128xf32, #tpu.memory_space<vmem>>
      %gather3A_3179 = tpu.vector_load_idx %gather3A_3178[%iota3A, %broadcast_in_dim3A_3173] : memref<48x128xf32, #tpu.memory_space<vmem>>[vector<16xi32>, vector<16xi32>], vector<16xf32>,
      %gather3A_3180 = arith.constant 1 : i32
      %gather3A_3181 = arith.constant 0 : i32
      %gather3A_3182 = arith.constant 0 : i32
      %gather3A_3183 = tpu.memref_slice %arg11[%gather3A_3180, %gather3A_3181, %gather3A_3182] : memref<2x48x128xf32, #tpu.memory_space<vmem>> -> memref<1x48x128xf32, #tpu.memory_space<vmem>>
      %gather3A_3184 = tpu.memref_squeeze %gather3A_3183 : memref<1x48x128xf32, #tpu.memory_space<vmem>> -> memref<48x128xf32, #tpu.memory_space<vmem>>
      %gather3A_3185 = tpu.vector_load_idx %gather3A_3184[%add3A_1750, %broadcast_in_dim3A_3173] : memref<48x128xf32, #tpu.memory_space<vmem>>[vector<16xi32>, vector<16xi32>], vector<16xf32>,
      %gather3A_3186 = arith.constant 1 : i32
      %gather3A_3187 = arith.constant 0 : i32
      %gather3A_3188 = arith.constant 0 : i32
      %gather3A_3189 = tpu.memref_slice %arg11[%gather3A_3186, %gather3A_3187, %gather3A_3188] : memref<2x48x128xf32, #tpu.memory_space<vmem>> -> memref<1x48x128xf32, #tpu.memory_space<vmem>>
      %gather3A_3190 = tpu.memref_squeeze %gather3A_3189 : memref<1x48x128xf32, #tpu.memory_space<vmem>> -> memref<48x128xf32, #tpu.memory_space<vmem>>
      %gather3A_3191 = tpu.vector_load_idx %gather3A_3190[%add3A_1753, %broadcast_in_dim3A_3173] : memref<48x128xf32, #tpu.memory_space<vmem>>[vector<16xi32>, vector<16xi32>], vector<16xf32>,
      %add3A_3192 = arith.addf %gather3A_3179, %gather3A_3191 : vector<16xf32>
      %sub3A_3193 = arith.subf %add3A_3192, %gather3A_3185 : vector<16xf32>
      %mul3A_3194 = arith.mulf %sub3A_3193, %sub3A_3193 : vector<16xf32>
      %add3A_3195 = arith.addf %add3A_3171, %mul3A_3194 : vector<16xf32>
      %broadcast_in_dim3A_3196 = arith.constant 60 : i32
      %broadcast_in_dim3A_3197 = vector.broadcast %broadcast_in_dim3A_3196 : i32 to vector<16xi32>
      %gather3A_3198 = arith.constant 1 : i32
      %gather3A_3199 = arith.constant 0 : i32
      %gather3A_3200 = arith.constant 0 : i32
      %gather3A_3201 = tpu.memref_slice %arg11[%gather3A_3198, %gather3A_3199, %gather3A_3200] : memref<2x48x128xf32, #tpu.memory_space<vmem>> -> memref<1x48x128xf32, #tpu.memory_space<vmem>>
      %gather3A_3202 = tpu.memref_squeeze %gather3A_3201 : memref<1x48x128xf32, #tpu.memory_space<vmem>> -> memref<48x128xf32, #tpu.memory_space<vmem>>
      %gather3A_3203 = tpu.vector_load_idx %gather3A_3202[%iota3A, %broadcast_in_dim3A_3197] : memref<48x128xf32, #tpu.memory_space<vmem>>[vector<16xi32>, vector<16xi32>], vector<16xf32>,
      %gather3A_3204 = arith.constant 1 : i32
      %gather3A_3205 = arith.constant 0 : i32
      %gather3A_3206 = arith.constant 0 : i32
      %gather3A_3207 = tpu.memref_slice %arg11[%gather3A_3204, %gather3A_3205, %gather3A_3206] : memref<2x48x128xf32, #tpu.memory_space<vmem>> -> memref<1x48x128xf32, #tpu.memory_space<vmem>>
      %gather3A_3208 = tpu.memref_squeeze %gather3A_3207 : memref<1x48x128xf32, #tpu.memory_space<vmem>> -> memref<48x128xf32, #tpu.memory_space<vmem>>
      %gather3A_3209 = tpu.vector_load_idx %gather3A_3208[%add3A_1750, %broadcast_in_dim3A_3197] : memref<48x128xf32, #tpu.memory_space<vmem>>[vector<16xi32>, vector<16xi32>], vector<16xf32>,
      %gather3A_3210 = arith.constant 1 : i32
      %gather3A_3211 = arith.constant 0 : i32
      %gather3A_3212 = arith.constant 0 : i32
      %gather3A_3213 = tpu.memref_slice %arg11[%gather3A_3210, %gather3A_3211, %gather3A_3212] : memref<2x48x128xf32, #tpu.memory_space<vmem>> -> memref<1x48x128xf32, #tpu.memory_space<vmem>>
      %gather3A_3214 = tpu.memref_squeeze %gather3A_3213 : memref<1x48x128xf32, #tpu.memory_space<vmem>> -> memref<48x128xf32, #tpu.memory_space<vmem>>
      %gather3A_3215 = tpu.vector_load_idx %gather3A_3214[%add3A_1753, %broadcast_in_dim3A_3197] : memref<48x128xf32, #tpu.memory_space<vmem>>[vector<16xi32>, vector<16xi32>], vector<16xf32>,
      %add3A_3216 = arith.addf %gather3A_3203, %gather3A_3215 : vector<16xf32>
      %sub3A_3217 = arith.subf %add3A_3216, %gather3A_3209 : vector<16xf32>
      %mul3A_3218 = arith.mulf %sub3A_3217, %sub3A_3217 : vector<16xf32>
      %add3A_3219 = arith.addf %add3A_3195, %mul3A_3218 : vector<16xf32>
      %broadcast_in_dim3A_3220 = arith.constant 61 : i32
      %broadcast_in_dim3A_3221 = vector.broadcast %broadcast_in_dim3A_3220 : i32 to vector<16xi32>
      %gather3A_3222 = arith.constant 1 : i32
      %gather3A_3223 = arith.constant 0 : i32
      %gather3A_3224 = arith.constant 0 : i32
      %gather3A_3225 = tpu.memref_slice %arg11[%gather3A_3222, %gather3A_3223, %gather3A_3224] : memref<2x48x128xf32, #tpu.memory_space<vmem>> -> memref<1x48x128xf32, #tpu.memory_space<vmem>>
      %gather3A_3226 = tpu.memref_squeeze %gather3A_3225 : memref<1x48x128xf32, #tpu.memory_space<vmem>> -> memref<48x128xf32, #tpu.memory_space<vmem>>
      %gather3A_3227 = tpu.vector_load_idx %gather3A_3226[%iota3A, %broadcast_in_dim3A_3221] : memref<48x128xf32, #tpu.memory_space<vmem>>[vector<16xi32>, vector<16xi32>], vector<16xf32>,
      %gather3A_3228 = arith.constant 1 : i32
      %gather3A_3229 = arith.constant 0 : i32
      %gather3A_3230 = arith.constant 0 : i32
      %gather3A_3231 = tpu.memref_slice %arg11[%gather3A_3228, %gather3A_3229, %gather3A_3230] : memref<2x48x128xf32, #tpu.memory_space<vmem>> -> memref<1x48x128xf32, #tpu.memory_space<vmem>>
      %gather3A_3232 = tpu.memref_squeeze %gather3A_3231 : memref<1x48x128xf32, #tpu.memory_space<vmem>> -> memref<48x128xf32, #tpu.memory_space<vmem>>
      %gather3A_3233 = tpu.vector_load_idx %gather3A_3232[%add3A_1750, %broadcast_in_dim3A_3221] : memref<48x128xf32, #tpu.memory_space<vmem>>[vector<16xi32>, vector<16xi32>], vector<16xf32>,
      %gather3A_3234 = arith.constant 1 : i32
      %gather3A_3235 = arith.constant 0 : i32
      %gather3A_3236 = arith.constant 0 : i32
      %gather3A_3237 = tpu.memref_slice %arg11[%gather3A_3234, %gather3A_3235, %gather3A_3236] : memref<2x48x128xf32, #tpu.memory_space<vmem>> -> memref<1x48x128xf32, #tpu.memory_space<vmem>>
      %gather3A_3238 = tpu.memref_squeeze %gather3A_3237 : memref<1x48x128xf32, #tpu.memory_space<vmem>> -> memref<48x128xf32, #tpu.memory_space<vmem>>
      %gather3A_3239 = tpu.vector_load_idx %gather3A_3238[%add3A_1753, %broadcast_in_dim3A_3221] : memref<48x128xf32, #tpu.memory_space<vmem>>[vector<16xi32>, vector<16xi32>], vector<16xf32>,
      %add3A_3240 = arith.addf %gather3A_3227, %gather3A_3239 : vector<16xf32>
      %sub3A_3241 = arith.subf %add3A_3240, %gather3A_3233 : vector<16xf32>
      %mul3A_3242 = arith.mulf %sub3A_3241, %sub3A_3241 : vector<16xf32>
      %add3A_3243 = arith.addf %add3A_3219, %mul3A_3242 : vector<16xf32>
      %broadcast_in_dim3A_3244 = arith.constant 62 : i32
      %broadcast_in_dim3A_3245 = vector.broadcast %broadcast_in_dim3A_3244 : i32 to vector<16xi32>
      %gather3A_3246 = arith.constant 1 : i32
      %gather3A_3247 = arith.constant 0 : i32
      %gather3A_3248 = arith.constant 0 : i32
      %gather3A_3249 = tpu.memref_slice %arg11[%gather3A_3246, %gather3A_3247, %gather3A_3248] : memref<2x48x128xf32, #tpu.memory_space<vmem>> -> memref<1x48x128xf32, #tpu.memory_space<vmem>>
      %gather3A_3250 = tpu.memref_squeeze %gather3A_3249 : memref<1x48x128xf32, #tpu.memory_space<vmem>> -> memref<48x128xf32, #tpu.memory_space<vmem>>
      %gather3A_3251 = tpu.vector_load_idx %gather3A_3250[%iota3A, %broadcast_in_dim3A_3245] : memref<48x128xf32, #tpu.memory_space<vmem>>[vector<16xi32>, vector<16xi32>], vector<16xf32>,
      %gather3A_3252 = arith.constant 1 : i32
      %gather3A_3253 = arith.constant 0 : i32
      %gather3A_3254 = arith.constant 0 : i32
      %gather3A_3255 = tpu.memref_slice %arg11[%gather3A_3252, %gather3A_3253, %gather3A_3254] : memref<2x48x128xf32, #tpu.memory_space<vmem>> -> memref<1x48x128xf32, #tpu.memory_space<vmem>>
      %gather3A_3256 = tpu.memref_squeeze %gather3A_3255 : memref<1x48x128xf32, #tpu.memory_space<vmem>> -> memref<48x128xf32, #tpu.memory_space<vmem>>
      %gather3A_3257 = tpu.vector_load_idx %gather3A_3256[%add3A_1750, %broadcast_in_dim3A_3245] : memref<48x128xf32, #tpu.memory_space<vmem>>[vector<16xi32>, vector<16xi32>], vector<16xf32>,
      %gather3A_3258 = arith.constant 1 : i32
      %gather3A_3259 = arith.constant 0 : i32
      %gather3A_3260 = arith.constant 0 : i32
      %gather3A_3261 = tpu.memref_slice %arg11[%gather3A_3258, %gather3A_3259, %gather3A_3260] : memref<2x48x128xf32, #tpu.memory_space<vmem>> -> memref<1x48x128xf32, #tpu.memory_space<vmem>>
      %gather3A_3262 = tpu.memref_squeeze %gather3A_3261 : memref<1x48x128xf32, #tpu.memory_space<vmem>> -> memref<48x128xf32, #tpu.memory_space<vmem>>
      %gather3A_3263 = tpu.vector_load_idx %gather3A_3262[%add3A_1753, %broadcast_in_dim3A_3245] : memref<48x128xf32, #tpu.memory_space<vmem>>[vector<16xi32>, vector<16xi32>], vector<16xf32>,
      %add3A_3264 = arith.addf %gather3A_3251, %gather3A_3263 : vector<16xf32>
      %sub3A_3265 = arith.subf %add3A_3264, %gather3A_3257 : vector<16xf32>
      %mul3A_3266 = arith.mulf %sub3A_3265, %sub3A_3265 : vector<16xf32>
      %add3A_3267 = arith.addf %add3A_3243, %mul3A_3266 : vector<16xf32>
      %broadcast_in_dim3A_3268 = arith.constant 63 : i32
      %broadcast_in_dim3A_3269 = vector.broadcast %broadcast_in_dim3A_3268 : i32 to vector<16xi32>
      %gather3A_3270 = arith.constant 1 : i32
      %gather3A_3271 = arith.constant 0 : i32
      %gather3A_3272 = arith.constant 0 : i32
      %gather3A_3273 = tpu.memref_slice %arg11[%gather3A_3270, %gather3A_3271, %gather3A_3272] : memref<2x48x128xf32, #tpu.memory_space<vmem>> -> memref<1x48x128xf32, #tpu.memory_space<vmem>>
      %gather3A_3274 = tpu.memref_squeeze %gather3A_3273 : memref<1x48x128xf32, #tpu.memory_space<vmem>> -> memref<48x128xf32, #tpu.memory_space<vmem>>
      %gather3A_3275 = tpu.vector_load_idx %gather3A_3274[%iota3A, %broadcast_in_dim3A_3269] : memref<48x128xf32, #tpu.memory_space<vmem>>[vector<16xi32>, vector<16xi32>], vector<16xf32>,
      %gather3A_3276 = arith.constant 1 : i32
      %gather3A_3277 = arith.constant 0 : i32
      %gather3A_3278 = arith.constant 0 : i32
      %gather3A_3279 = tpu.memref_slice %arg11[%gather3A_3276, %gather3A_3277, %gather3A_3278] : memref<2x48x128xf32, #tpu.memory_space<vmem>> -> memref<1x48x128xf32, #tpu.memory_space<vmem>>
      %gather3A_3280 = tpu.memref_squeeze %gather3A_3279 : memref<1x48x128xf32, #tpu.memory_space<vmem>> -> memref<48x128xf32, #tpu.memory_space<vmem>>
      %gather3A_3281 = tpu.vector_load_idx %gather3A_3280[%add3A_1750, %broadcast_in_dim3A_3269] : memref<48x128xf32, #tpu.memory_space<vmem>>[vector<16xi32>, vector<16xi32>], vector<16xf32>,
      %gather3A_3282 = arith.constant 1 : i32
      %gather3A_3283 = arith.constant 0 : i32
      %gather3A_3284 = arith.constant 0 : i32
      %gather3A_3285 = tpu.memref_slice %arg11[%gather3A_3282, %gather3A_3283, %gather3A_3284] : memref<2x48x128xf32, #tpu.memory_space<vmem>> -> memref<1x48x128xf32, #tpu.memory_space<vmem>>
      %gather3A_3286 = tpu.memref_squeeze %gather3A_3285 : memref<1x48x128xf32, #tpu.memory_space<vmem>> -> memref<48x128xf32, #tpu.memory_space<vmem>>
      %gather3A_3287 = tpu.vector_load_idx %gather3A_3286[%add3A_1753, %broadcast_in_dim3A_3269] : memref<48x128xf32, #tpu.memory_space<vmem>>[vector<16xi32>, vector<16xi32>], vector<16xf32>,
      %add3A_3288 = arith.addf %gather3A_3275, %gather3A_3287 : vector<16xf32>
      %sub3A_3289 = arith.subf %add3A_3288, %gather3A_3281 : vector<16xf32>
      %mul3A_3290 = arith.mulf %sub3A_3289, %sub3A_3289 : vector<16xf32>
      %add3A_3291 = arith.addf %add3A_3267, %mul3A_3290 : vector<16xf32>
      %neg3A_3292 = arith.constant 0.000000e+00 : f32
      %neg3A_3293 = vector.broadcast %neg3A_3292 : f32 to vector<16xf32>
      %neg3A_3294 = arith.subf %neg3A_3293, %add3A_3291 : vector<16xf32>
      %mul3A_3295 = arith.constant 16 : i32
      %mul3A_3296 = arith.muli %add3A_1747, %mul3A_3295 : i32
      %swap3A_3297 = arith.index_cast %mul3A_3296 : i32 to index
      %swap3A_3298 = tpu.vector_load %arg13[%swap3A_3297] {strides = array<i32>} : memref<512xf32, #tpu.memory_space<vmem>>, vector<16xf32>,
      tpu.vector_store %arg13[%swap3A_3297], %neg3A_3294 {strides = array<i32>} : memref<512xf32, #tpu.memory_space<vmem>>, vector<16xf32>,
      %scan3A_3299 = arith.constant 0 : i32
      scf.yield %scan3A_3299 : i32
    }
    %scan3A_59 = arith.constant 16 : i32
    "tpu.region"() ({
      %run_scoped3A = tpu.sem_alloc : memref<!tpu.dma_semaphore, #tpu.memory_space<semaphore_mem>>
      %dma_start3A_60 = tpu.memref_slice %arg7[%mul3A_2] : memref<16384xf32, #tpu.memory_space<hbm>> -> memref<512xf32, #tpu.memory_space<hbm>>
      %dma_start3A_61 = tpu.memref_slice %arg7[%mul3A_2] : memref<16384xf32, #tpu.memory_space<hbm>> -> memref<512xf32, #tpu.memory_space<hbm>>
      tpu.enqueue_dma source(%arg13 : memref<512xf32, #tpu.memory_space<vmem>>) target(%dma_start3A_61 : memref<512xf32, #tpu.memory_space<hbm>>) target_semaphore(%run_scoped3A : memref<!tpu.dma_semaphore, #tpu.memory_space<semaphore_mem>>)
      %dma_wait3A = tpu.memref_slice %arg7[%mul3A_2] : memref<16384xf32, #tpu.memory_space<hbm>> -> memref<512xf32, #tpu.memory_space<hbm>>
      %dma_wait3A_62 = tpu.memref_slice %arg7[%mul3A_2] : memref<16384xf32, #tpu.memory_space<hbm>> -> memref<512xf32, #tpu.memory_space<hbm>>
      tpu.wait_dma2 semaphore(%run_scoped3A : memref<!tpu.dma_semaphore, #tpu.memory_space<semaphore_mem>>) src(%arg13 : memref<512xf32, #tpu.memory_space<vmem>>) dst(%dma_wait3A_62 : memref<512xf32, #tpu.memory_space<hbm>>)
      tpu.yield
    }) : () -> ()
    return
  }
}

module attributes {stable_mosaic.version = 14 : i64} {
  func.func @_transpose_body(%arg0: i32, %arg1: memref<64x8192xf32, #tpu.memory_space<vmem>>, %arg2: memref<8192x128xf32, #tpu.memory_space<vmem>>) attributes {dimension_semantics = [#tpu.dimension_semantics<arbitrary>], iteration_bounds = array<i64: 123>, scalar_prefetch = 0 : i64, scratch_operands = 0 : i64, tpu.core_type = #tpu.core_type<tc>, window_params = [{transform_indices = @transform_0, window_bounds = array<i64: 64, 8192>}, {transform_indices = @transform_1, window_bounds = array<i64: 8192, 128>}]} {
    %get3A = arith.constant 0 : index
    %get3A_0 = arith.constant 0 : index
    %get3A_1 = vector.load %arg1[%get3A, %get3A_0] : memref<64x8192xf32, #tpu.memory_space<vmem>>, vector<64x8192xf32>
    %transpose3A = tpu.transpose %get3A_1, [1, 0] : vector<64x8192xf32> -> vector<8192x64xf32>
    %broadcast_in_dim3A = arith.constant 0.000000e+00 : f32
    %broadcast_in_dim3A_2 = vector.broadcast %broadcast_in_dim3A : f32 to vector<8192x64xf32>
    %concatenate3A = tpu.concatenate %transpose3A, %broadcast_in_dim3A_2 in 1 : vector<8192x64xf32>, vector<8192x64xf32> -> vector<8192x128xf32>
    %swap3A = arith.constant 0 : index
    %swap3A_3 = arith.constant 0 : index
    %swap3A_4 = vector.load %arg2[%swap3A, %swap3A_3] : memref<8192x128xf32, #tpu.memory_space<vmem>>, vector<8192x128xf32>
    tpu.vector_store %arg2[%swap3A, %swap3A_3], %concatenate3A {strides = array<i32>} : memref<8192x128xf32, #tpu.memory_space<vmem>>, vector<8192x128xf32>,
    return
  }
  func.func @transform_0(%arg0: i32) -> (i32, i32) {
    %c0_i32 = arith.constant 0 : i32
    %c0_i32_0 = arith.constant 0 : i32
    return %c0_i32, %arg0 : i32, i32
  }
  func.func @transform_1(%arg0: i32) -> (i32, i32) {
    %c0_i32 = arith.constant 0 : i32
    %c0_i32_0 = arith.constant 0 : i32
    return %arg0, %c0_i32 : i32, i32
  }
}

module attributes {stable_mosaic.version = 14 : i64} {
  func.func @_transpose_body(%arg0: i32, %arg1: memref<64x8192xf32, #tpu.memory_space<vmem>>, %arg2: memref<8192x128xf32, #tpu.memory_space<vmem>>) attributes {dimension_semantics = [#tpu.dimension_semantics<arbitrary>], iteration_bounds = array<i64: 1>, scalar_prefetch = 0 : i64, scratch_operands = 0 : i64, tpu.core_type = #tpu.core_type<tc>, window_params = [{transform_indices = @transform_0, window_bounds = array<i64: 64, 8192>}, {transform_indices = @transform_1, window_bounds = array<i64: 8192, 128>}]} {
    %get3A = arith.constant 0 : index
    %get3A_0 = arith.constant 0 : index
    %get3A_1 = vector.load %arg1[%get3A, %get3A_0] : memref<64x8192xf32, #tpu.memory_space<vmem>>, vector<64x8192xf32>
    %transpose3A = tpu.transpose %get3A_1, [1, 0] : vector<64x8192xf32> -> vector<8192x64xf32>
    %broadcast_in_dim3A = arith.constant 0.000000e+00 : f32
    %broadcast_in_dim3A_2 = vector.broadcast %broadcast_in_dim3A : f32 to vector<8192x64xf32>
    %concatenate3A = tpu.concatenate %transpose3A, %broadcast_in_dim3A_2 in 1 : vector<8192x64xf32>, vector<8192x64xf32> -> vector<8192x128xf32>
    %swap3A = arith.constant 0 : index
    %swap3A_3 = arith.constant 0 : index
    %swap3A_4 = vector.load %arg2[%swap3A, %swap3A_3] : memref<8192x128xf32, #tpu.memory_space<vmem>>, vector<8192x128xf32>
    tpu.vector_store %arg2[%swap3A, %swap3A_3], %concatenate3A {strides = array<i32>} : memref<8192x128xf32, #tpu.memory_space<vmem>>, vector<8192x128xf32>,
    return
  }
  func.func @transform_0(%arg0: i32) -> (i32, i32) {
    %c0_i32 = arith.constant 0 : i32
    %c0_i32_0 = arith.constant 0 : i32
    return %c0_i32, %arg0 : i32, i32
  }
  func.func @transform_1(%arg0: i32) -> (i32, i32) {
    %c0_i32 = arith.constant 0 : i32
    %c0_i32_0 = arith.constant 0 : i32
    return %arg0, %c0_i32 : i32, i32
  }
}

</mosaic_0001>

<sc_bundles>
// kernel: _score.5.cloned.1.call-start
scs
__scs_entry_jumppad:
0x0: {  	(pc) =	sbr.rel $0x88, $3  }
0x1: {  	(tag) =	ssettag $0x0;
	lr =	simm.s32 $0x1  }
0x2: {  	[smem:$0x3F9C] =	sst lr;
	_ =	strace $0xD0000000  }
0x3: {  	_ = 	snop  }
0x4: {  	_ = 	snop  }
0x5: {  	_ = 	snop  }
0x6: {  	_ = 	snop  }
0x7: {  	_ = 	snop  }
__scs_overlays_trampoline_lowered:
0x8: {  	[smem:$0x3FAB] =	sst s0  }
0x9: {  	[smem:$0x3FAC] =	sst s1  }
0xa: {  	[smem:$0x3FAD] =	sst s2  }
0xb: {  	[smem:$0x3FAE] =	sst s3  }
0xc: {  	[smem:$0x3FAF] =	sst s4  }
0xd: {  	[smem:$0x3FB0] =	sst s5  }
0xe: {  	[smem:$0x3FB1] =	sst s6  }
0xf: {  	[smem:$0x3FB2] =	sst s7  }
0x10: {  	[smem:$0x3FB3] =	sst s8  }
0x11: {  	[smem:$0x3FB4] =	sst s9;
	s0 =	simm.s32 @!p0 $0x0  }
0x12: {  	s1 =	sld [smem:$0x3F9A];
	s0 =	simm.s32 @p0 $0x1  }
0x13: {  	[smem:$0x3FB5] =	sst s0;
	s0 =	simm.s32 @!p1 $0x0  }
0x14: {  	s2 =	sld [smem:$0x3F99];
	s0 =	simm.s32 @p1 $0x1  }
0x15: {  	[smem:$0x3FB6] =	sst s0;
	s0 =	simm.s32 @!p2 $0x0  }
0x16: {  	s3 =	sld [smem:$0x3FDB];
	s0 =	simm.s32 @p2 $0x1  }
0x17: {  	s4 =	simm.s32 $0x1BF5;
	[smem:$0x3FB8] =	sst s0  }
0x18: {  	s0 =	sld [smem:$0x3F9B];
	_ =	swait.ge [sflag:s4], $0x0  }
0x19: {  	s7 =	sld [smem:$0x3F9C]  }
0x1a: {  	s8 =	sadd.s32 $0xFFFFE003, lr  }
0x1b: {  	s9 =	sadd.s32 $0xFFFFFEF7, lr;
	s5 =	simm.s32 $0xFFFFFFFF;
	p2 =	slt.u32 s8, $0xFFFFF086  }
0x1c: {  	p1 =	slt.u32 s9, $0xF7A;
	s5 =	simm.s32 @!p2 $0x0  }
0x1d: {  	s5 =	simm.s32 @p1 $0x1;
	p0 =	seq.s32 s7, s2  }
0x1e: {  	s7 =	smul.u32 @!p0 $0xF7A, s2;
	p2 =	seq.s32 @!p0 s5, $0x0  }
0x1f: {  	s9 =	smul.u32 $0xF7A, s1;
	s8 =	simm.s32 @!p0 $0x1BF5;
	p2 =	por !p2, p0  }
0x20: {  	[sflag:s8] =	ssyncset.s32 @!p0 $0xFFFFF086;
	s6 =	sadd.s32 @!p0 s3, s7;
	s7 =	simm.s32 @!p0 $0x108  }
0x21: {  	s3 =	sadd.s32 s3, s9;
	s6 =	sadd.s32 @!p0 $0x88, s6;
	s7 =	simm.s32 @p2 $0x1082  }
0x22: {  	[simem:s7], [sflag:s8] =	dma.local @!p0 [hbm:s6], $0xF7A  }
0x23: {  	s9 =	sor.u32 $0xD0000000, s2;
	s6 =	simm.s32 $0x108;
	_ =	swait.ge @!p0 [sflag:s8], $0x0  }
0x24: {  	s3 =	sadd.s32 $0x88, s3;
	s6 =	simm.s32 @!p1 $0x1082;
	[sflag:s4] =	ssyncset.s32 $0xFFFFF086  }
0x25: {  	[simem:s6], [sflag:s4] =	dma.local [hbm:s3], $0xF7A  }
0x26: {  	[smem:$0x3F9C] =	sst s1;
	(tag) =	ssettag s2;
	_ =	strace s9  }
0x27: {  	s1 =	sld [smem:$0x3FAC]  }
0x28: {  	s2 =	sld [smem:$0x3FAD]  }
0x29: {  	s4 =	sld [smem:$0x3FAF]  }
0x2a: {  	p0 =	seq.s32 s5, $0x0;
	s5 =	sld [smem:$0x3FB0]  }
0x2b: {  	s6 =	sld [smem:$0x3FB1]  }
0x2c: {  	s7 =	sld [smem:$0x3FB2]  }
0x2d: {  	s3 =	simm.s32 $0x108;
	s8 =	sld [smem:$0x3FB3]  }
0x2e: {  	s3 =	simm.s32 @!p0 $0x1082;
	s9 =	sld [smem:$0x3FB4]  }
0x2f: {  	lr =	sadd.s32 s0, s3;
	s0 =	sld [smem:$0x3FAB]  }
0x30: {  	s3 =	sld [smem:$0x3FAE]  }
0x31: {  	[smem:$0x3FB7] =	sst s10  }
0x32: {  	s10 =	sld [smem:$0x3FB5];
	_ =	sdelay $0x3  }
0x33: {  	p0 =	seq.s32 s10, $0x1;
	s10 =	sld [smem:$0x3FB7];
	_ =	sdelay $0x3  }
0x34: {  	[smem:$0x3FB7] =	sst s10  }
0x35: {  	s10 =	sld [smem:$0x3FB6];
	_ =	sdelay $0x3  }
0x36: {  	p1 =	seq.s32 s10, $0x1;
	s10 =	sld [smem:$0x3FB7];
	_ =	sdelay $0x3  }
0x37: {  	[smem:$0x3FB7] =	sst s10  }
0x38: {  	s10 =	sld [smem:$0x3FB8]  }
0x39: {  	_ = 	snop;
	(pc) =	sbr.ind lr, $3  }
0x3a: {  	_ = 	snop  }
0x3b: {  	_ = 	snop  }
0x3c: {  	p2 =	seq.s32 s10, $0x1;
	s10 =	sld [smem:$0x3FB7]  }
0x3d: {  	_ =	shalt  }
0x3e: {  	_ =	shalt  }
0x3f: {  	_ =	shalt  }
0x40: {  	_ =	shalt  }
0x41: {  	_ =	shalt  }
0x42: {  	_ =	shalt  }
0x43: {  	_ =	shalt  }
0x44: {  	_ =	shalt  }
0x45: {  	_ =	shalt  }
0x46: {  	_ =	shalt  }
0x47: {  	_ =	shalt  }
0x48: {  	_ =	shalt  }
0x49: {  	_ =	shalt  }
0x4a: {  	_ =	shalt  }
0x4b: {  	_ =	shalt  }
0x4c: {  	_ =	shalt  }
0x4d: {  	_ =	shalt  }
0x4e: {  	_ =	shalt  }
0x4f: {  	_ =	shalt  }
0x50: {  	_ =	shalt  }
0x51: {  	_ =	shalt  }
0x52: {  	_ =	shalt  }
0x53: {  	_ =	shalt  }
0x54: {  	_ =	shalt  }
0x55: {  	_ =	shalt  }
0x56: {  	_ =	shalt  }
0x57: {  	_ =	shalt  }
0x58: {  	_ =	shalt  }
0x59: {  	_ =	shalt  }
0x5a: {  	_ =	shalt  }
0x5b: {  	_ =	shalt  }
0x5c: {  	_ =	shalt  }
0x5d: {  	_ =	shalt  }
0x5e: {  	_ =	shalt  }
0x5f: {  	_ =	shalt  }
0x60: {  	_ =	shalt  }
0x61: {  	_ =	shalt  }
0x62: {  	_ =	shalt  }
0x63: {  	_ =	shalt  }
0x64: {  	_ =	shalt  }
0x65: {  	_ =	shalt  }
0x66: {  	_ =	shalt  }
0x67: {  	_ =	shalt  }
0x68: {  	_ =	shalt  }
0x69: {  	_ =	shalt  }
0x6a: {  	_ =	shalt  }
0x6b: {  	_ =	shalt  }
0x6c: {  	_ =	shalt  }
0x6d: {  	_ =	shalt  }
0x6e: {  	_ =	shalt  }
0x6f: {  	_ =	shalt  }
0x70: {  	_ =	shalt  }
0x71: {  	_ =	shalt  }
0x72: {  	_ =	shalt  }
0x73: {  	_ =	shalt  }
0x74: {  	_ =	shalt  }
0x75: {  	_ =	shalt  }
0x76: {  	_ =	shalt  }
0x77: {  	_ =	shalt  }
0x78: {  	_ =	shalt  }
0x79: {  	_ =	shalt  }
0x7a: {  	_ =	shalt  }
0x7b: {  	_ =	shalt  }
0x7c: {  	_ =	shalt  }
0x7d: {  	_ =	shalt  }
0x7e: {  	_ =	shalt  }
0x7f: {  	_ =	shalt  }
0x80: {  	_ =	shalt  }
0x81: {  	_ =	shalt  }
0x82: {  	_ =	shalt  }
0x83: {  	_ =	shalt  }
0x84: {  	_ =	shalt  }
0x85: {  	_ =	shalt  }
0x86: {  	_ =	shalt  }
0x87: {  	_ =	shalt  }
.Lfunc_end0:
.L_simem_size_0:
called_computation_lowered:
.L_overlay_start_0:
0x88: {  	s2 =	sld [smem:$0x3FD9]  }
0x89: {  	s3 =	sld [smem:$0x3FFE];
	_ =	sdelay $0x1  }
0x8a: {  	s1 =	srdreg.scid  }
0x8b: {  	s0 =	sand.u32 $0x1, s1  }
0x8c: {  	s17 =	sshll.u32 s0, $0xA;
	s2 =	sadd.s32 s3, s2  }
0x8d: {  	s2 =	sadd.s32 s2, s17  }
0x8e: {  	[smem:$0x3FC3] =	sst s2  }
0x8f: {  	_ = 	snop  }
0x90: {  	s2 =	sld [smem:$0x3FC9]  }
0x91: {  	s18 =	sld [smem:$0x3FC8]  }
0x92: {  	s4 =	sld [smem:$0x3FC7]  }
0x93: {  	s5 =	sld [smem:$0x3FD0];
	(tm) =	ssettm $0x1  }
0x94: {  	s6 =	sld [smem:$0x3FFB];
	_ =	sdelay $0x3  }
0x95: {  	_ =	strace s6  }
0x96: {  	s6 =	sld [smem:$0x3FFC];
	_ =	sdelay $0x3  }
0x97: {  	_ =	strace s6  }
0x98: {  	s6 =	sld [smem:$0x3FFD];
	_ =	sdelay $0x3  }
0x99: {  	_ =	strace s6  }
0x9a: {  	_ =	strace $0x8FFFFFFF  }
0x9b: {  	s19 =	sld [smem:$0x3FDB];
	_ =	sdelay $0x1  }
0x9c: {  	s7 =	simm.s32 $_scs_section_size  }
0x9d: {  	s8 =	simm.s32 $_size__tile_overlayer_lowered;
	s9 =	simm.s32 $_tile_overlayer_lowered  }
0x9e: {  	s22 =	simm.s32 $0x1BFF;
	s21 =	sshll.u32 s9, $0x1;
	s6 =	sadd.s32 s7, s19  }
0x9f: {  	s10 =	simm.s32 $0x0;
	s20 =	sshll.u32 s8, $0x1;
	s8 =	sadd.s32 s21, s6  }
0xa0: {  	[timem:s10], [sflag:s22] =	dma.local [hbm:s8], s20  }
0xa1: {  	_ =	swait.ge [sflag:s22], s20  }
0xa2: {  	s7 =	ssub.s32 $0x0, s20;
	[sflag:s22] =	ssyncset.done $0x0  }
0xa3: {  	[sflag:s22] =	ssyncadd.s32 s7;
	_ =	sdelay $0x1  }
0xa4: {  	s23 =	simm.s32 $0x1B8B  }
0xa5: {  	_ =	swait.ge [sflag:s23], $0x1  }
0xa6: {  	[sflag:s23] =	ssyncset.done $0x0  }
0xa7: {  	s25 =	simm.s32 $0x1B8E;
	s24 =	sld [smem:$0x3FFE];
	[sflag:s23] =	ssyncadd.s32 $0xFFFFFFFF  }
0xa8: {  	s26 =	simm.s32 $execute0_lowered;
	[smem:$0x3FD2] =	sst s25  }
0xa9: {  	s8 =	sshll.u32 s26, $0x1;
	_ =	strace $0x80000046;
	[dreg:$0x1] =	wrdreg $0xFFFFFFFF  }
0xaa: {  	s28 =	simm.s32 $_size_execute0_lowered;
	s6 =	sadd.s32 s6, s8;
	[dreg:$0x0] =	wrdreg $0x0  }
0xab: {  	s8 =	sshll.u32 s28, $0x1;
	[dreg:$0x2] =	wrdreg s6  }
0xac: {  	[dreg:$0x3] =	wrdreg s8  }
0xad: {  	[dreg:$0x4] =	wrdreg $0xC0  }
0xae: {  	_ =	task [dreg:s10], $0x5FFFF  }
0xaf: {  	[dreg:$0x1] =	wrdreg $0xFFFFFFFF  }
0xb0: {  	[dreg:$0x0] =	wrdreg $0x60  }
0xb1: {  	[dreg:$0x2] =	wrdreg s2  }
0xb2: {  	[dreg:$0x3] =	wrdreg s18  }
0xb3: {  	[dreg:$0x4] =	wrdreg s4  }
0xb4: {  	[dreg:$0x5] =	wrdreg s24  }
0xb5: {  	[dreg:$0x6] =	wrdreg s5  }
0xb6: {  	[dreg:$0x7] =	wrdreg $0x9  }
0xb7: {  	_ =	task.clear_ibuf [dreg:s10], $0x8FFFF;
	_ =	strace $0x90000046  }
0xb8: {  	s29 =	simm.s32 $0x9;
	_ =	strace $0x80000048  }
0xb9: {  	_ =	swait.ge [sflag:s29], $0x1  }
0xba: {  	[sflag:s29] =	ssyncadd.s32 $0xFFFFFFFF  }
0xbb: {  	_ =	strace $0x90000048  }
0xbc: {  	_ =	sfence  }
0xbd: {  	s30 =	sld [smem:$0x0];
	_ =	sdelay $0x2  }
0xbe: {  	s31 =	sshll.u32 s1, $0xD;
	s1 =	sshrl.u32 s1, $0x2  }
0xbf: {  	s3 =	sand.u32 $0x4000, s31;
	s1 =	sadd.s32 s1, s30  }
0xc0: {  	s0 =	sor.u32 s3, s0;
	s1 =	sshll.u32 s1, $0x11  }
0xc1: {  	s0 =	sor.u32 s1, s0  }
0xc2: {  	s0 =	sadd.s32 $0x8F2B, s0  }
0xc3: {  	[sflag:s0] =	ssyncadd.remote.s32 $0x1  }
0xc4: {  	_ =	sfence.sel $0xFFFF  }
0xc5: {  	[dreg:$0x0] =	wrdreg $0xFFFFFFFF;
	(pc) =	sbr.abs _section_cstart, $3  }
0xc6: {  	[dreg:$0x1] =	wrdreg $0xFFFFFFFF  }
0xc7: {  	_ =	task.clear_ibuf [dreg:s10], $0x2FFFF;
	_ =	strace $0x9FFFFFFF  }
0xc8: {  	(tm) =	ssettm $0x7FFFFFFF  }
0xc9: {  	_ =	shalt  }
tec
execute0_lowered:
.L_overlay_start_1:
0x0: {  	(tag) =	ssettag $0x1  }
0x1: {  	s0 =	rddreg [dreg:$0x0]  }
0x2: {  	v0 =	vlaneseq.u32;
	s6 =	rddreg [dreg:$0x1]  }
0x3: {  	s7 =	rddreg [dreg:$0x2];
	v0 =	vmul.u32 $0x80, v0  }
0x4: {  	s4 =	rddreg [dreg:$0x3];
	s1 =	simm.s32 $0x0  }
0x5: {  	[smem:$0x7FF] =	sst s1;
	v1 =	vor.u32 $0x813, v0  }
0x6: {  	s8 =	rddreg [dreg:$0x4];
	_ =	strace $0x80000047;
	v4 =	vor.u32 $0x800, v0;
	[tilespmem:$0x1FC10] =	vst v1  }
0x7: {  	v5 =	vor.u32 $0x1000, v0;
	[tilespmem:$0x1FC70] =	vst v4  }
0x8: {  	v6 =	vor.u32 $0x1, v0;
	[tilespmem:$0x1FC80] =	vst v5  }
0x9: {  	v7 =	vor.u32 $0x801, v0;
	[tilespmem:$0x1FC90] =	vst v6  }
0xa: {  	v8 =	vor.u32 $0x1001, v0;
	[tilespmem:$0x1FCA0] =	vst v7  }
0xb: {  	v9 =	vor.u32 $0x2, v0;
	[tilespmem:$0x1FCB0] =	vst v8  }
0xc: {  	v10 =	vor.u32 $0x802, v0;
	[tilespmem:$0x1FCC0] =	vst v9  }
0xd: {  	v11 =	vor.u32 $0x1002, v0;
	[tilespmem:$0x1FCD0] =	vst v10  }
0xe: {  	v12 =	vor.u32 $0x3, v0;
	[tilespmem:$0x1FCE0] =	vst v11  }
0xf: {  	v13 =	vor.u32 $0x803, v0;
	[tilespmem:$0x1FCF0] =	vst v12  }
0x10: {  	v14 =	vor.u32 $0x1003, v0;
	[tilespmem:$0x1FD00] =	vst v13  }
0x11: {  	v15 =	vor.u32 $0x4, v0;
	[tilespmem:$0x1FD10] =	vst v14  }
0x12: {  	v16 =	vor.u32 $0x804, v0;
	[tilespmem:$0x1FD20] =	vst v15  }
0x13: {  	v17 =	vor.u32 $0x1004, v0;
	[tilespmem:$0x1FD30] =	vst v16  }
0x14: {  	v18 =	vor.u32 $0x5, v0;
	[tilespmem:$0x1FD40] =	vst v17  }
0x15: {  	v19 =	vor.u32 $0x805, v0;
	[tilespmem:$0x1FD50] =	vst v18  }
0x16: {  	v20 =	vor.u32 $0x1005, v0;
	[tilespmem:$0x1FD60] =	vst v19  }
0x17: {  	v21 =	vor.u32 $0x6, v0;
	[tilespmem:$0x1FD70] =	vst v20  }
0x18: {  	v22 =	vor.u32 $0x806, v0;
	[tilespmem:$0x1FD80] =	vst v21  }
0x19: {  	v23 =	vor.u32 $0x1006, v0;
	[tilespmem:$0x1FD90] =	vst v22  }
0x1a: {  	v24 =	vor.u32 $0x7, v0;
	[tilespmem:$0x1FDA0] =	vst v23  }
0x1b: {  	v25 =	vor.u32 $0x807, v0;
	[tilespmem:$0x1FDB0] =	vst v24  }
0x1c: {  	v26 =	vor.u32 $0x1007, v0;
	[tilespmem:$0x1FDC0] =	vst v25  }
0x1d: {  	v63 =	vor.u32 $0x8, v0;
	[tilespmem:$0x1FDD0] =	vst v26  }
0x1e: {  	v27 =	vor.u32 $0x808, v0;
	[tilespmem:$0x1FDE0] =	vst v63  }
0x1f: {  	v28 =	vor.u32 $0x1008, v0;
	[tilespmem:$0x1FDF0] =	vst v27  }
0x20: {  	v29 =	vor.u32 $0x9, v0;
	[tilespmem:$0x1FE00] =	vst v28  }
0x21: {  	v30 =	vor.u32 $0x809, v0;
	[tilespmem:$0x1FE10] =	vst v29  }
0x22: {  	v31 =	vor.u32 $0x1009, v0;
	[tilespmem:$0x1FE20] =	vst v30  }
0x23: {  	v32 =	vor.u32 $0xA, v0;
	[tilespmem:$0x1FE30] =	vst v31  }
0x24: {  	v33 =	vor.u32 $0x80A, v0;
	[tilespmem:$0x1FE40] =	vst v32  }
0x25: {  	v34 =	vor.u32 $0x100A, v0;
	[tilespmem:$0x1FE50] =	vst v33  }
0x26: {  	v35 =	vor.u32 $0xB, v0;
	[tilespmem:$0x1FE60] =	vst v34  }
0x27: {  	v36 =	vor.u32 $0x80B, v0;
	[tilespmem:$0x1FE70] =	vst v35  }
0x28: {  	v37 =	vor.u32 $0x100B, v0;
	[tilespmem:$0x1FE80] =	vst v36  }
0x29: {  	v38 =	vor.u32 $0xC, v0;
	[tilespmem:$0x1FE90] =	vst v37  }
0x2a: {  	v39 =	vor.u32 $0x80C, v0;
	[tilespmem:$0x1FEA0] =	vst v38  }
0x2b: {  	v41 =	vor.u32 $0x100C, v0;
	[tilespmem:$0x1FEB0] =	vst v39  }
0x2c: {  	v42 =	vor.u32 $0xD, v0;
	[tilespmem:$0x1FEC0] =	vst v41  }
0x2d: {  	v62 =	vor.u32 $0x80D, v0;
	[tilespmem:$0x1FED0] =	vst v42  }
0x2e: {  	v40 =	vor.u32 $0x100D, v0;
	[tilespmem:$0x1FEE0] =	vst v62  }
0x2f: {  	v46 =	vor.u32 $0xE, v0;
	[tilespmem:$0x1FEF0] =	vst v40  }
0x30: {  	v47 =	vor.u32 $0x80E, v0;
	[tilespmem:$0x1FF00] =	vst v46  }
0x31: {  	v48 =	vor.u32 $0x100E, v0;
	[tilespmem:$0x1FF10] =	vst v47  }
0x32: {  	v49 =	vor.u32 $0xF, v0;
	[tilespmem:$0x1FF20] =	vst v48  }
0x33: {  	v50 =	vor.u32 $0x80F, v0;
	[tilespmem:$0x1FF30] =	vst v49  }
0x34: {  	v51 =	vor.u32 $0x100F, v0;
	[tilespmem:$0x1FF40] =	vst v50  }
0x35: {  	v52 =	vor.u32 $0x10, v0;
	[tilespmem:$0x1FF50] =	vst v51  }
0x36: {  	v53 =	vor.u32 $0x810, v0;
	[tilespmem:$0x1FF60] =	vst v52  }
0x37: {  	v54 =	vor.u32 $0x1010, v0;
	[tilespmem:$0x1FF70] =	vst v53  }
0x38: {  	v55 =	vor.u32 $0x11, v0;
	[tilespmem:$0x1FF80] =	vst v54  }
0x39: {  	s3 =	srdreg.scid;
	v56 =	vor.u32 $0x811, v0;
	[tilespmem:$0x1FF90] =	vst v55  }
0x3a: {  	s2 =	stileid.u32;
	s13 =	simm.s32 $0x10;
	s14 =	simm.s32 $0x3600;
	v57 =	vor.u32 $0x1011, v0;
	[tilespmem:$0x1FFA0] =	vst v56  }
0x3b: {  	s15 =	simm.s32 $0x600;
	s16 =	simm.s32 $0x3680;
	s17 =	simm.s32 $0xE00;
	v58 =	vor.u32 $0x12, v0;
	[tilespmem:$0x1FFB0] =	vst v57  }
0x3c: {  	s18 =	simm.s32 $0x3700;
	s19 =	simm.s32 $0x1600;
	s20 =	simm.s32 $0x3780;
	v59 =	vor.u32 $0x812, v0;
	[tilespmem:$0x1FFC0] =	vst v58  }
0x3d: {  	s21 =	simm.s32 $0x1E00;
	s22 =	simm.s32 $0x3800;
	s23 =	simm.s32 $0x2600;
	v60 =	vor.u32 $0x1012, v0;
	[tilespmem:$0x1FFD0] =	vst v59  }
0x3e: {  	s24 =	simm.s32 $0x3880;
	s25 =	simm.s32 $0x2E00;
	s26 =	simm.s32 $0x1;
	v61 =	vor.u32 $0x13, v0;
	[tilespmem:$0x1FFE0] =	vst v60  }
0x3f: {  	s28 =	simm.s32 $0x2;
	s29 =	simm.s32 $0x3A00;
	s3 =	sand.u32 $0x1, s3;
	v1 =	vor.u32 $0x1013, v0;
	[tilespmem:$0x1FFF0] =	vst v61  }
0x40: {  	s30 =	simm.s32 $0x0;
	s9 =	sshll.u32 s2, $0x7;
	s5 =	ssub.s32 $0x2, s3;
	[tilespmem:$0x1FC20] =	vst v1;
	v1 =	vor.u32 $0x14, v0  }
0x41: {  	s10 =	sshll.u32 s3, $0x6;
	s3 =	sadd.s32 $0x20800, s4;
	s4 =	sadd.s32 $0x800, s4;
	[tilespmem:$0x1FC30] =	vst v1;
	v1 =	vor.u32 $0x814, v0  }
0x42: {  	s11 =	sshrl.u32 s5, $0x1;
	s9 =	sor.u32 s10, s9;
	s10 =	simm.s32 $0x3;
	[tilespmem:$0x1FC40] =	vst v1;
	v1 =	vor.u32 $0x1014, v0  }
0x43: {  	s31 =	ssub.s32 s5, s11;
	s5 =	sadd.s32 s0, s9;
	s6 =	sadd.s32 s6, s9;
	[tilespmem:$0x1FC50] =	vst v1;
	v1 =	vor.u32 $0x15, v0  }
0x44: {  	s7 =	sadd.s32 s7, s9;
	s8 =	sadd.s32 s8, s9;
	s9 =	smax.u32 s31, $0x1;
	[tilespmem:$0x1FC60] =	vst v1  }
.LBB2_1:
0x45: {  	[tilespmem:s1], [sflag:$0x3] =	stream.linear.gather [hbm4b:s5+s1], $0x200, $0x38;
	[tilespmem:$0x3C00] =	vst v63  }
0x46: {  	_ =	swait.ge [sflag:s10], $0x200  }
0x47: {  	[sflag:s10] =	ssyncset.done $0x0  }
0x48: {  	s0 =	simm.s32 $0x200;
	[sflag:s10] =	ssyncadd.s32 $0xFFFFFE00  }
0x49: {  	[tilespmem:s0], [sflag:$0x3] =	stream.linear.gather [hbm4b:s6+s1], $0x200, $0x38;
	[tilespmem:$0x3C00] =	vst v63  }
0x4a: {  	_ =	swait.ge [sflag:s10], $0x200  }
0x4b: {  	[sflag:s10] =	ssyncset.done $0x0  }
0x4c: {  	s12 =	simm.s32 $0x400;
	[sflag:s10] =	ssyncadd.s32 $0xFFFFFE00  }
0x4d: {  	[tilespmem:s12], [sflag:$0x3] =	stream.linear.gather [hbm4b:s7+s1], $0x200, $0x38;
	[tilespmem:$0x3C00] =	vst v63  }
0x4e: {  	_ =	swait.ge [sflag:s10], $0x200  }
0x4f: {  	[sflag:s10] =	ssyncset.done $0x0  }
0x50: {  	[sflag:s10] =	ssyncadd.s32 $0xFFFFFE00  }
0x51: {  	v1 =	vld [tilespmem:$0x0]  }
0x52: {  	v2 =	vld [tilespmem:$0x400]  }
0x53: {  	v3 =	vld [tilespmem:$0x200];
	_ =	sdelay $0x2  }
0x54: {  	[tilespmem:$0x3600] =	vst v1  }
0x55: {  	[tilespmem:$0x3680] =	vst v2  }
0x56: {  	[tilespmem:$0x3700] =	vst v3  }
0x57: {  	[tilespmem:s15], [sflag:$0x1] =	stream.indirect.gather [hbm4b:s3+s13], $0x80, s14, s13, $0xb8;
	[tilespmem:$0x3C00] =	vst v63  }
0x58: {  	_ = 	snop  }
0x59: {  	[tilespmem:s17], [sflag:$0x1] =	stream.indirect.gather [hbm4b:s3+s13], $0x80, s16, s13, $0xb8;
	[tilespmem:$0x3C00] =	vst v63  }
0x5a: {  	s31 =	simm.s32 $0x0  }
0x5b: {  	[tilespmem:s19], [sflag:$0x1] =	stream.indirect.gather [hbm4b:s4+s13], $0x80, s18, s13, $0xb8;
	[tilespmem:$0x3C00] =	vst v63  }
.LBB2_2:
0x5c: {  	s0 =	sshra.s32 s31, $0x2  }
0x5d: {  	v1 =	vld [tilespmem:s0+$0x10];
	_ =	sdelay $0x4  }
0x5e: {  	[tilespmem:$0x3780] =	vst v1  }
0x5f: {  	v1 =	vld [tilespmem:s0+$0x410];
	_ =	sdelay $0x4  }
0x60: {  	[tilespmem:$0x3800] =	vst v1  }
0x61: {  	v1 =	vld [tilespmem:s0+$0x210];
	_ =	sdelay $0x4  }
0x62: {  	[tilespmem:$0x3880] =	vst v1  }
0x63: {  	[tilespmem:s21], [sflag:$0x2] =	stream.indirect.gather [hbm4b:s3+s13], $0x80, s20, s13, $0xb8;
	[tilespmem:$0x3C00] =	vst v63  }
0x64: {  	_ = 	snop  }
0x65: {  	[tilespmem:s23], [sflag:$0x2] =	stream.indirect.gather [hbm4b:s3+s13], $0x80, s22, s13, $0xb8;
	[tilespmem:$0x3C00] =	vst v63  }
0x66: {  	_ = 	snop  }
0x67: {  	[tilespmem:s25], [sflag:$0x2] =	stream.indirect.gather [hbm4b:s4+s13], $0x80, s24, s13, $0xb8;
	[tilespmem:$0x3C00] =	vst v63  }
0x68: {  	_ =	swait.ge [sflag:s26], $0x800  }
0x69: {  	[sflag:s26] =	ssyncset.done $0x0  }
0x6a: {  	[sflag:s26] =	ssyncadd.s32 $0xFFFFF800  }
0x6b: {  	_ =	swait.ge [sflag:s26], $0x800  }
0x6c: {  	[sflag:s26] =	ssyncset.done $0x0  }
0x6d: {  	[sflag:s26] =	ssyncadd.s32 $0xFFFFF800  }
0x6e: {  	_ =	swait.ge [sflag:s26], $0x800  }
0x6f: {  	v40 =	vld [tilespmem:$0x1FE70]  }
0x70: {  	v41 =	vld [tilespmem:$0x1FE80]  }
0x71: {  	v43 =	vld [tilespmem:$0x1FE90]  }
0x72: {  	[sflag:s26] =	ssyncset.done $0x0;
	v44 =	vld [tilespmem:$0x1FEA0]  }
0x73: {  	v45 =	vld [tilespmem:$0x1FEC0];
	[sflag:s26] =	ssyncadd.s32 $0xFFFFF800  }
0x74: {  	v1 =	vld.idx.msk [tilespmem:v0+s15+$0x0], $0xffff  }
0x75: {  	v2 =	vld.idx.msk [tilespmem:v4+s15+$0x0], $0xffff  }
0x76: {  	v3 =	vld.idx.msk [tilespmem:v5+s15+$0x0], $0xffff  }
0x77: {  	v4 =	vld.idx.msk [tilespmem:v6+s15+$0x0], $0xffff  }
0x78: {  	v5 =	vld.idx.msk [tilespmem:v7+s15+$0x0], $0xffff  }
0x79: {  	v6 =	vld.idx.msk [tilespmem:v8+s15+$0x0], $0xffff  }
0x7a: {  	v7 =	vld.idx.msk [tilespmem:v9+s15+$0x0], $0xffff  }
0x7b: {  	v8 =	vld.idx.msk [tilespmem:v10+s15+$0x0], $0xffff  }
0x7c: {  	v9 =	vld.idx.msk [tilespmem:v11+s15+$0x0], $0xffff  }
0x7d: {  	v10 =	vld.idx.msk [tilespmem:v12+s15+$0x0], $0xffff  }
0x7e: {  	v11 =	vld.idx.msk [tilespmem:v13+s15+$0x0], $0xffff  }
0x7f: {  	v12 =	vld.idx.msk [tilespmem:v14+s15+$0x0], $0xffff  }
0x80: {  	v13 =	vld.idx.msk [tilespmem:v15+s15+$0x0], $0xffff  }
0x81: {  	v14 =	vld.idx.msk [tilespmem:v16+s15+$0x0], $0xffff  }
0x82: {  	v15 =	vld.idx.msk [tilespmem:v17+s15+$0x0], $0xffff  }
0x83: {  	v16 =	vld.idx.msk [tilespmem:v18+s15+$0x0], $0xffff  }
0x84: {  	v17 =	vld.idx.msk [tilespmem:v19+s15+$0x0], $0xffff  }
0x85: {  	v18 =	vld.idx.msk [tilespmem:v20+s15+$0x0], $0xffff  }
0x86: {  	v19 =	vld.idx.msk [tilespmem:v21+s15+$0x0], $0xffff  }
0x87: {  	v20 =	vld.idx.msk [tilespmem:v22+s15+$0x0], $0xffff  }
0x88: {  	v21 =	vld.idx.msk [tilespmem:v23+s15+$0x0], $0xffff  }
0x89: {  	v22 =	vld.idx.msk [tilespmem:v24+s15+$0x0], $0xffff  }
0x8a: {  	v23 =	vld.idx.msk [tilespmem:v25+s15+$0x0], $0xffff  }
0x8b: {  	v24 =	vld.idx.msk [tilespmem:v26+s15+$0x0], $0xffff  }
0x8c: {  	v25 =	vld.idx.msk [tilespmem:v63+s15+$0x0], $0xffff  }
0x8d: {  	v26 =	vld.idx.msk [tilespmem:v27+s15+$0x0], $0xffff  }
0x8e: {  	v27 =	vld.idx.msk [tilespmem:v28+s15+$0x0], $0xffff  }
0x8f: {  	v28 =	vld.idx.msk [tilespmem:v29+s15+$0x0], $0xffff  }
0x90: {  	v29 =	vld.idx.msk [tilespmem:v30+s15+$0x0], $0xffff  }
0x91: {  	v30 =	vld.idx.msk [tilespmem:v31+s15+$0x0], $0xffff  }
0x92: {  	v31 =	vld.idx.msk [tilespmem:v32+s15+$0x0], $0xffff  }
0x93: {  	v32 =	vld.idx.msk [tilespmem:v33+s15+$0x0], $0xffff  }
0x94: {  	v33 =	vld.idx.msk [tilespmem:v34+s15+$0x0], $0xffff  }
0x95: {  	v63 =	vld.idx.msk [tilespmem:v54+s15+$0x0], $0xffff  }
0x96: {  	v54 =	vld.idx.msk [tilespmem:v59+s15+$0x0], $0xffff  }
0x97: {  	v1 =	vadd.f32 v3, v1;
	v3 =	vadd.f32 v6, v4;
	v4 =	vld.idx.msk [tilespmem:v46+s15+$0x0], $0xffff  }
0x98: {  	v6 =	vld.idx.msk [tilespmem:v47+s15+$0x0], $0xffff  }
0x99: {  	v47 =	vld.idx.msk [tilespmem:v53+s15+$0x0], $0xffff  }
0x9a: {  	v35 =	vld.idx.msk [tilespmem:v40+s15+$0x0], $0xffff  }
0x9b: {  	v36 =	vld.idx.msk [tilespmem:v41+s15+$0x0], $0xffff;
	v1 =	vsub.f32 v1, v2;
	v2 =	vsub.f32 v3, v5  }
0x9c: {  	v37 =	vld.idx.msk [tilespmem:v43+s15+$0x0], $0xffff;
	v5 =	vadd.f32 v9, v7  }
0x9d: {  	v38 =	vld.idx.msk [tilespmem:v44+s15+$0x0], $0xffff;
	v1 =	vmul.f32 v1, v1;
	v2 =	vmul.f32 v2, v2  }
0x9e: {  	v40 =	vld.idx.msk [tilespmem:v39+s15+$0x0], $0xffff;
	v5 =	vsub.f32 v5, v8;
	v8 =	vadd.f32 v12, v10  }
0x9f: {  	v41 =	vld.idx.msk [tilespmem:v45+s15+$0x0], $0xffff;
	v1 =	vadd.f32 v2, v1  }
0xa0: {  	v43 =	vld.idx.msk [tilespmem:v42+s15+$0x0], $0xffff;
	v5 =	vmul.f32 v5, v5;
	v8 =	vsub.f32 v8, v11;
	v11 =	vadd.f32 v15, v13  }
0xa1: {  	v44 =	vld.idx.msk [tilespmem:v62+s15+$0x0], $0xffff  }
0xa2: {  	v62 =	vld [tilespmem:$0x1FEF0];
	v1 =	vadd.f32 v5, v1;
	v5 =	vmul.f32 v8, v8;
	v8 =	vsub.f32 v11, v14  }
0xa3: {  	v3 =	vld.idx.msk [tilespmem:v48+s15+$0x0], $0xffff;
	v11 =	vadd.f32 v18, v16  }
0xa4: {  	v7 =	vld.idx.msk [tilespmem:v49+s15+$0x0], $0xffff;
	v1 =	vadd.f32 v5, v1;
	v5 =	vmul.f32 v8, v8  }
0xa5: {  	v9 =	vld.idx.msk [tilespmem:v50+s15+$0x0], $0xffff;
	v8 =	vsub.f32 v11, v17;
	v11 =	vadd.f32 v21, v19  }
0xa6: {  	v50 =	vld.idx.msk [tilespmem:v55+s15+$0x0], $0xffff;
	v1 =	vadd.f32 v5, v1  }
0xa7: {  	v10 =	vld.idx.msk [tilespmem:v51+s15+$0x0], $0xffff;
	v5 =	vmul.f32 v8, v8;
	v8 =	vsub.f32 v11, v20;
	v11 =	vadd.f32 v24, v22  }
0xa8: {  	v51 =	vld.idx.msk [tilespmem:v56+s15+$0x0], $0xffff  }
0xa9: {  	v12 =	vld [tilespmem:$0x1FC20];
	v1 =	vadd.f32 v5, v1;
	v5 =	vmul.f32 v8, v8;
	v8 =	vsub.f32 v11, v23  }
0xaa: {  	v11 =	vld [tilespmem:$0x1FC10]  }
0xab: {  	v2 =	vld.idx.msk [tilespmem:v52+s15+$0x0], $0xffff;
	v1 =	vadd.f32 v5, v1;
	v5 =	vmul.f32 v8, v8  }
0xac: {  	v15 =	vor.u32 $0x1A, v0;
	v8 =	vld [tilespmem:$0x1FC30]  }
0xad: {  	v1 =	vadd.f32 v5, v1;
	v5 =	vld [tilespmem:$0x1FC50]  }
0xae: {  	v52 =	vld.idx.msk [tilespmem:v57+s15+$0x0], $0xffff  }
0xaf: {  	v45 =	vld.idx.msk [tilespmem:v62+s15+$0x0], $0xffff  }
0xb0: {  	v21 =	vld.idx.msk [tilespmem:v58+s15+$0x0], $0xffff  }
0xb1: {  	v58 =	vld.idx.msk [tilespmem:v15+s15+$0x0], $0xffff  }
0xb2: {  	v23 =	vld.idx.msk [tilespmem:v11+s15+$0x0], $0xffff;
	v11 =	vadd.f32 v27, v25  }
0xb3: {  	v3 =	vadd.f32 v3, v4;
	v20 =	vld.idx.msk [tilespmem:v60+s15+$0x0], $0xffff  }
0xb4: {  	v55 =	vld.idx.msk [tilespmem:v8+s15+$0x0], $0xffff;
	v8 =	vsub.f32 v11, v26;
	v11 =	vadd.f32 v30, v28  }
0xb5: {  	v3 =	vsub.f32 v3, v6;
	v6 =	vor.u32 $0x1B, v0;
	v28 =	vld.idx.msk [tilespmem:v5+s15+$0x0], $0xffff  }
0xb6: {  	v16 =	vor.u32 $0x1019, v0;
	v5 =	vmul.f32 v8, v8;
	v8 =	vsub.f32 v11, v29;
	v11 =	vld [tilespmem:$0x1FC60]  }
0xb7: {  	v14 =	vor.u32 $0x81A, v0;
	v25 =	vld.idx.msk [tilespmem:v12+s15+$0x0], $0xffff  }
0xb8: {  	v17 =	vor.u32 $0x819, v0;
	v2 =	vadd.f32 v63, v2;
	v12 =	vld [tilespmem:$0x1FC40]  }
0xb9: {  	v24 =	vld.idx.msk [tilespmem:v61+s15+$0x0], $0xffff  }
0xba: {  	[tilespmem:$0x1F600] =	vst v6;
	v2 =	vsub.f32 v2, v47;
	v47 =	vld.idx.msk [tilespmem:v6+s15+$0x0], $0xffff;
	v6 =	vor.u32 $0x101C, v0  }
0xbb: {  	v57 =	vld.idx.msk [tilespmem:v16+s15+$0x0], $0xffff  }
0xbc: {  	v59 =	vor.u32 $0x815, v0;
	v48 =	vld.idx.msk [tilespmem:v14+s15+$0x0], $0xffff  }
0xbd: {  	v53 =	vor.u32 $0x1015, v0;
	v56 =	vld.idx.msk [tilespmem:v17+s15+$0x0], $0xffff  }
0xbe: {  	v49 =	vor.u32 $0x16, v0;
	v30 =	vld.idx.msk [tilespmem:v11+s15+$0x0], $0xffff;
	v11 =	vadd.f32 v33, v31  }
0xbf: {  	v46 =	vor.u32 $0x816, v0;
	v39 =	vor.u32 $0x17, v0;
	v24 =	vadd.f32 v25, v24;
	v25 =	vld.idx.msk [tilespmem:v6+s15+$0x0], $0xffff  }
0xc0: {  	v1 =	vadd.f32 v5, v1;
	v5 =	vmul.f32 v8, v8;
	v26 =	vld.idx.msk [tilespmem:v12+s15+$0x0], $0xffff;
	v8 =	vsub.f32 v11, v32  }
0xc1: {  	v42 =	vor.u32 $0x1016, v0;
	v31 =	vld.idx.msk [tilespmem:v59+s15+$0x0], $0xffff;
	v11 =	vadd.f32 v37, v35  }
0xc2: {  	v29 =	vor.u32 $0x1017, v0;
	v1 =	vadd.f32 v5, v1;
	v33 =	vld.idx.msk [tilespmem:v53+s15+$0x0], $0xffff;
	v5 =	vmul.f32 v8, v8  }
0xc3: {  	v34 =	vor.u32 $0x817, v0;
	v32 =	vld.idx.msk [tilespmem:v49+s15+$0x0], $0xffff;
	v8 =	vsub.f32 v11, v36;
	v11 =	vadd.f32 v41, v38  }
0xc4: {  	v63 =	vor.u32 $0x81E, v0;
	v27 =	vor.u32 $0x18, v0;
	v35 =	vld.idx.msk [tilespmem:v46+s15+$0x0], $0xffff;
	v1 =	vadd.f32 v5, v1  }
0xc5: {  	v37 =	vld.idx.msk [tilespmem:v39+s15+$0x0], $0xffff;
	v5 =	vmul.f32 v8, v8;
	v8 =	vsub.f32 v11, v40;
	v11 =	vadd.f32 v45, v43  }
0xc6: {  	v18 =	vor.u32 $0x19, v0;
	v22 =	vor.u32 $0x818, v0;
	v28 =	vadd.f32 v28, v55;
	v36 =	vld.idx.msk [tilespmem:v42+s15+$0x0], $0xffff  }
0xc7: {  	v40 =	vld.idx.msk [tilespmem:v29+s15+$0x0], $0xffff;
	v1 =	vadd.f32 v5, v1;
	v5 =	vmul.f32 v8, v8;
	v8 =	vsub.f32 v11, v44  }
0xc8: {  	[tilespmem:$0x1F650] =	vst v6;
	v6 =	vor.u32 $0x1020, v0;
	v26 =	vsub.f32 v28, v26;
	v38 =	vld.idx.msk [tilespmem:v34+s15+$0x0], $0xffff  }
0xc9: {  	v41 =	vld.idx.msk [tilespmem:v27+s15+$0x0], $0xffff;
	v1 =	vadd.f32 v5, v1;
	v4 =	vmul.f32 v8, v8;
	v8 =	vor.u32 $0x101A, v0  }
0xca: {  	v28 =	vadd.f32 v33, v30;
	v30 =	vld.idx.msk [tilespmem:v63+s15+$0x0], $0xffff;
	v5 =	vadd.f32 v10, v7;
	v7 =	vor.u32 $0x81B, v0  }
0xcb: {  	v19 =	vor.u32 $0x1018, v0;
	v3 =	vmul.f32 v3, v3;
	v43 =	vld.idx.msk [tilespmem:v22+s15+$0x0], $0xffff;
	v1 =	vadd.f32 v4, v1  }
0xcc: {  	[tilespmem:$0x1F6F0] =	vst v6;
	v45 =	vld.idx.msk [tilespmem:v18+s15+$0x0], $0xffff;
	v40 =	vadd.f32 v40, v37;
	v4 =	vsub.f32 v5, v9;
	v5 =	vor.u32 $0x101B, v0  }
0xcd: {  	[tilespmem:$0x1F5F0] =	vst v8;
	v37 =	vld.idx.msk [tilespmem:v6+s15+$0x0], $0xffff;
	v6 =	vor.u32 $0x2A, v0;
	v9 =	vor.u32 $0x1C, v0;
	v1 =	vadd.f32 v3, v1  }
0xce: {  	[tilespmem:$0x1F610] =	vst v7;
	v3 =	vmul.f32 v4, v4;
	v4 =	vadd.f32 v52, v50;
	v60 =	vld.idx.msk [tilespmem:v8+s15+$0x0], $0xffff;
	v8 =	vor.u32 $0x81C, v0  }
0xcf: {  	v2 =	vmul.f32 v2, v2;
	[tilespmem:$0x1F8B0] =	vst v6;
	v50 =	vld.idx.msk [tilespmem:v7+s15+$0x0], $0xffff;
	v7 =	vor.u32 $0x1D, v0  }
0xd0: {  	v44 =	vld.idx.msk [tilespmem:v19+s15+$0x0], $0xffff;
	[tilespmem:$0x1F620] =	vst v5;
	v1 =	vadd.f32 v3, v1;
	v3 =	vsub.f32 v4, v51;
	v4 =	vor.u32 $0x81D, v0  }
0xd1: {  	v20 =	vadd.f32 v20, v21;
	[tilespmem:$0x1F630] =	vst v9;
	v51 =	vld.idx.msk [tilespmem:v5+s15+$0x0], $0xffff;
	v5 =	vor.u32 $0x101D, v0  }
0xd2: {  	[tilespmem:$0x1F640] =	vst v8;
	v21 =	vld.idx.msk [tilespmem:v9+s15+$0x0], $0xffff;
	v1 =	vadd.f32 v2, v1;
	v52 =	vmul.f32 v3, v3;
	v3 =	vor.u32 $0x1E, v0  }
0xd3: {  	v20 =	vsub.f32 v20, v54;
	[tilespmem:$0x1F660] =	vst v7;
	v2 =	vor.u32 $0x81F, v0;
	v61 =	vld.idx.msk [tilespmem:v8+s15+$0x0], $0xffff  }
0xd4: {  	[tilespmem:$0x1F670] =	vst v4;
	v52 =	vadd.f32 v52, v1;
	v54 =	vld.idx.msk [tilespmem:v7+s15+$0x0], $0xffff;
	v1 =	vor.u32 $0x1F, v0  }
0xd5: {  	v62 =	vor.u32 $0x101E, v0;
	v20 =	vmul.f32 v20, v20;
	v23 =	vsub.f32 v24, v23;
	[tilespmem:$0x1F680] =	vst v5;
	v24 =	vld.idx.msk [tilespmem:v4+s15+$0x0], $0xffff  }
0xd6: {  	[tilespmem:$0x1F690] =	vst v3;
	v55 =	vld.idx.msk [tilespmem:v5+s15+$0x0], $0xffff;
	v5 =	vor.u32 $0x20, v0  }
0xd7: {  	v23 =	vmul.f32 v23, v23;
	[tilespmem:$0x1F6B0] =	vst v2;
	v20 =	vadd.f32 v20, v52;
	v52 =	vld.idx.msk [tilespmem:v3+s15+$0x0], $0xffff;
	v3 =	vor.u32 $0x101F, v0  }
0xd8: {  	v26 =	vmul.f32 v26, v26;
	v32 =	vadd.f32 v36, v32;
	[tilespmem:$0x1F6A0] =	vst v1;
	v4 =	vor.u32 $0x820, v0;
	v33 =	vld.idx.msk [tilespmem:v2+s15+$0x0], $0xffff  }
0xd9: {  	v28 =	vsub.f32 v28, v31;
	[tilespmem:$0x1F6E0] =	vst v4;
	v20 =	vadd.f32 v23, v20;
	v31 =	vld.idx.msk [tilespmem:v1+s15+$0x0], $0xffff;
	v1 =	vor.u32 $0x21, v0  }
0xda: {  	v32 =	vsub.f32 v32, v35;
	[tilespmem:$0x1F6D0] =	vst v5;
	v2 =	vor.u32 $0x821, v0;
	v23 =	vld.idx.msk [tilespmem:v62+s15+$0x0], $0xffff  }
0xdb: {  	[tilespmem:$0x1F6C0] =	vst v3;
	v20 =	vadd.f32 v26, v20;
	v26 =	vmul.f32 v28, v28;
	v36 =	vld.idx.msk [tilespmem:v5+s15+$0x0], $0xffff;
	v5 =	vor.u32 $0x822, v0  }
0xdc: {  	v35 =	vsub.f32 v40, v38;
	v44 =	vadd.f32 v44, v41;
	[tilespmem:$0x1F710] =	vst v2;
	v28 =	vld.idx.msk [tilespmem:v3+s15+$0x0], $0xffff;
	v3 =	vor.u32 $0x1021, v0  }
0xdd: {  	v32 =	vmul.f32 v32, v32;
	[tilespmem:$0x1F700] =	vst v1;
	v20 =	vadd.f32 v26, v20;
	v26 =	vld.idx.msk [tilespmem:v4+s15+$0x0], $0xffff;
	v4 =	vor.u32 $0x22, v0  }
0xde: {  	v57 =	vadd.f32 v57, v45;
	v38 =	vsub.f32 v44, v43;
	[tilespmem:$0x1F740] =	vst v5;
	v40 =	vld.idx.msk [tilespmem:v1+s15+$0x0], $0xffff;
	v1 =	vor.u32 $0x1022, v0  }
0xdf: {  	[tilespmem:$0x1F720] =	vst v3;
	v20 =	vadd.f32 v32, v20;
	v32 =	vmul.f32 v35, v35;
	v35 =	vld.idx.msk [tilespmem:v2+s15+$0x0], $0xffff;
	v2 =	vor.u32 $0x23, v0  }
0xe0: {  	[tilespmem:$0x1F730] =	vst v4;
	v44 =	vld.idx.msk [tilespmem:v5+s15+$0x0], $0xffff;
	v5 =	vor.u32 $0x24, v0  }
0xe1: {  	v41 =	vsub.f32 v57, v56;
	v38 =	vmul.f32 v38, v38;
	[tilespmem:$0x1F750] =	vst v1;
	v43 =	vld.idx.msk [tilespmem:v3+s15+$0x0], $0xffff;
	v3 =	vor.u32 $0x823, v0  }
0xe2: {  	v60 =	vadd.f32 v60, v58;
	[tilespmem:$0x1F760] =	vst v2;
	v20 =	vadd.f32 v32, v20;
	v32 =	vld.idx.msk [tilespmem:v4+s15+$0x0], $0xffff;
	v4 =	vor.u32 $0x1023, v0  }
0xe3: {  	v58 =	vmul.f32 v41, v41;
	v47 =	vadd.f32 v51, v47;
	[tilespmem:$0x1F790] =	vst v5;
	v56 =	vld.idx.msk [tilespmem:v1+s15+$0x0], $0xffff;
	v1 =	vor.u32 $0x824, v0  }
0xe4: {  	v45 =	vsub.f32 v60, v48;
	[tilespmem:$0x1F770] =	vst v3;
	v20 =	vadd.f32 v38, v20;
	v41 =	vld.idx.msk [tilespmem:v2+s15+$0x0], $0xffff;
	v2 =	vor.u32 $0x1024, v0  }
0xe5: {  	v47 =	vsub.f32 v47, v50;
	[tilespmem:$0x1F780] =	vst v4;
	v50 =	vld.idx.msk [tilespmem:v5+s15+$0x0], $0xffff;
	v5 =	vor.u32 $0x1025, v0  }
0xe6: {  	v45 =	vmul.f32 v45, v45;
	[tilespmem:$0x1F7A0] =	vst v1;
	v20 =	vadd.f32 v58, v20;
	v48 =	vld.idx.msk [tilespmem:v3+s15+$0x0], $0xffff;
	v3 =	vor.u32 $0x25, v0  }
0xe7: {  	v21 =	vadd.f32 v25, v21;
	[tilespmem:$0x1F7B0] =	vst v2;
	v38 =	vld.idx.msk [tilespmem:v4+s15+$0x0], $0xffff;
	v4 =	vor.u32 $0x825, v0  }
0xe8: {  	v60 =	vmul.f32 v47, v47;
	[tilespmem:$0x1F7E0] =	vst v5;
	v20 =	vadd.f32 v45, v20;
	v25 =	vld.idx.msk [tilespmem:v1+s15+$0x0], $0xffff  }
0xe9: {  	[tilespmem:$0x1F7C0] =	vst v3;
	v1 =	vor.u32 $0x26, v0;
	v47 =	vld.idx.msk [tilespmem:v2+s15+$0x0], $0xffff  }
0xea: {  	v21 =	vsub.f32 v21, v61;
	[tilespmem:$0x1F7D0] =	vst v4;
	v2 =	vor.u32 $0x826, v0;
	v20 =	vadd.f32 v60, v20;
	v60 =	vld.idx.msk [tilespmem:v5+s15+$0x0], $0xffff  }
0xeb: {  	v57 =	vadd.f32 v55, v54;
	[tilespmem:$0x1F7F0] =	vst v1;
	v5 =	vor.u32 $0x827, v0;
	v58 =	vld.idx.msk [tilespmem:v3+s15+$0x0], $0xffff  }
0xec: {  	v21 =	vmul.f32 v21, v21;
	v23 =	vadd.f32 v23, v52;
	[tilespmem:$0x1F800] =	vst v2;
	v3 =	vor.u32 $0x1026, v0;
	v45 =	vld.idx.msk [tilespmem:v4+s15+$0x0], $0xffff  }
0xed: {  	v24 =	vsub.f32 v57, v24;
	v4 =	vor.u32 $0x27, v0;
	[tilespmem:$0x1F830] =	vst v5;
	v38 =	vadd.f32 v38, v41;
	v41 =	vld.idx.msk [tilespmem:v6+s15+$0x0], $0xffff  }
0xee: {  	v23 =	vsub.f32 v23, v30;
	[tilespmem:$0x1F810] =	vst v3;
	v52 =	vld.idx.msk [tilespmem:v1+s15+$0x0], $0xffff;
	v1 =	vor.u32 $0x1027, v0  }
0xef: {  	v20 =	vadd.f32 v21, v20;
	v21 =	vmul.f32 v24, v24;
	[tilespmem:$0x1F820] =	vst v4;
	v24 =	vld.idx.msk [tilespmem:v2+s15+$0x0], $0xffff;
	v2 =	vor.u32 $0x28, v0  }
0xf0: {  	v28 =	vadd.f32 v28, v31;
	[tilespmem:$0x1F840] =	vst v1;
	v31 =	vld.idx.msk [tilespmem:v5+s15+$0x0], $0xffff;
	v5 =	vor.u32 $0x29, v0  }
0xf1: {  	v23 =	vmul.f32 v23, v23;
	[tilespmem:$0x1F850] =	vst v2;
	v30 =	vld.idx.msk [tilespmem:v3+s15+$0x0], $0xffff;
	v3 =	vor.u32 $0x828, v0  }
0xf2: {  	v28 =	vsub.f32 v28, v33;
	v20 =	vadd.f32 v21, v20;
	v21 =	vld.idx.msk [tilespmem:v4+s15+$0x0], $0xffff;
	v4 =	vor.u32 $0x1028, v0;
	[tilespmem:$0x1F880] =	vst v5  }
0xf3: {  	v61 =	vadd.f32 v37, v36;
	v43 =	vadd.f32 v43, v40;
	[tilespmem:$0x1F860] =	vst v3;
	v36 =	vld.idx.msk [tilespmem:v1+s15+$0x0], $0xffff;
	v1 =	vor.u32 $0x829, v0  }
0xf4: {  	v20 =	vadd.f32 v23, v20;
	v23 =	vmul.f32 v28, v28;
	[tilespmem:$0x1F870] =	vst v4;
	v28 =	vld.idx.msk [tilespmem:v2+s15+$0x0], $0xffff;
	v2 =	vor.u32 $0x1029, v0  }
0xf5: {  	v26 =	vsub.f32 v61, v26;
	v33 =	vsub.f32 v43, v35;
	[tilespmem:$0x1F890] =	vst v1;
	v35 =	vld.idx.msk [tilespmem:v5+s15+$0x0], $0xffff;
	v5 =	vor.u32 $0x102B, v0  }
0xf6: {  	[tilespmem:$0x1F8A0] =	vst v2;
	v37 =	vld.idx.msk [tilespmem:v3+s15+$0x0], $0xffff;
	v3 =	vor.u32 $0x82A, v0  }
0xf7: {  	v26 =	vmul.f32 v26, v26;
	v20 =	vadd.f32 v23, v20;
	v23 =	vld.idx.msk [tilespmem:v4+s15+$0x0], $0xffff;
	v4 =	vor.u32 $0x102A, v0;
	[tilespmem:$0x1F900] =	vst v5  }
0xf8: {  	v32 =	vadd.f32 v56, v32;
	[tilespmem:$0x1F8C0] =	vst v3;
	v40 =	vld.idx.msk [tilespmem:v1+s15+$0x0], $0xffff;
	v1 =	vor.u32 $0x2B, v0  }
0xf9: {  	v20 =	vadd.f32 v26, v20;
	v26 =	vmul.f32 v33, v33;
	[tilespmem:$0x1F8D0] =	vst v4;
	v33 =	vld.idx.msk [tilespmem:v2+s15+$0x0], $0xffff;
	v2 =	vor.u32 $0x82B, v0  }
0xfa: {  	v58 =	vadd.f32 v60, v58;
	[tilespmem:$0x1F8E0] =	vst v1;
	v60 =	vld.idx.msk [tilespmem:v5+s15+$0x0], $0xffff;
	v5 =	vor.u32 $0x82D, v0  }
0xfb: {  	v32 =	vsub.f32 v32, v44;
	v20 =	vadd.f32 v26, v20;
	[tilespmem:$0x1F8F0] =	vst v2;
	v26 =	vld.idx.msk [tilespmem:v3+s15+$0x0], $0xffff;
	v3 =	vor.u32 $0x2C, v0  }
0xfc: {  	v38 =	vsub.f32 v38, v48;
	v56 =	vadd.f32 v47, v50;
	v55 =	vld.idx.msk [tilespmem:v4+s15+$0x0], $0xffff;
	v4 =	vor.u32 $0x82C, v0;
	[tilespmem:$0x1F950] =	vst v5  }
0xfd: {  	v32 =	vmul.f32 v32, v32;
	v30 =	vadd.f32 v30, v52;
	[tilespmem:$0x1F910] =	vst v3;
	v47 =	vld.idx.msk [tilespmem:v1+s15+$0x0], $0xffff;
	v1 =	vor.u32 $0x102C, v0  }
0xfe: {  	v57 =	vmul.f32 v38, v38;
	v25 =	vsub.f32 v56, v25;
	[tilespmem:$0x1F920] =	vst v4;
	v38 =	vld.idx.msk [tilespmem:v2+s15+$0x0], $0xffff;
	v2 =	vor.u32 $0x2D, v0  }
0xff: {  	v20 =	vadd.f32 v32, v20;
	v24 =	vsub.f32 v30, v24;
	[tilespmem:$0x1F930] =	vst v1;
	v30 =	vld.idx.msk [tilespmem:v5+s15+$0x0], $0xffff;
	v5 =	vor.u32 $0x2F, v0  }
0x100: {  	v25 =	vmul.f32 v25, v25;
	[tilespmem:$0x1F940] =	vst v2;
	v32 =	vld.idx.msk [tilespmem:v3+s15+$0x0], $0xffff;
	v3 =	vor.u32 $0x102D, v0  }
0x101: {  	v44 =	vsub.f32 v58, v45;
	v20 =	vadd.f32 v57, v20;
	v45 =	vld.idx.msk [tilespmem:v4+s15+$0x0], $0xffff;
	[tilespmem:$0x1F9A0] =	vst v5  }
0x102: {  	v4 =	vor.u32 $0x2E, v0;
	[tilespmem:$0x1F960] =	vst v3;
	v61 =	vld.idx.msk [tilespmem:v1+s15+$0x0], $0xffff  }
0x103: {  	v20 =	vadd.f32 v25, v20;
	v25 =	vmul.f32 v44, v44;
	[tilespmem:$0x1F970] =	vst v4;
	v1 =	vor.u32 $0x82E, v0;
	v51 =	vld.idx.msk [tilespmem:v2+s15+$0x0], $0xffff  }
0x104: {  	v21 =	vadd.f32 v36, v21;
	v33 =	vadd.f32 v33, v35;
	v2 =	vor.u32 $0x102E, v0;
	[tilespmem:$0x1F980] =	vst v1;
	v35 =	vld.idx.msk [tilespmem:v5+s15+$0x0], $0xffff  }
0x105: {  	v20 =	vadd.f32 v25, v20;
	[tilespmem:$0x1F990] =	vst v2;
	v5 =	vor.u32 $0x1030, v0;
	v25 =	vld.idx.msk [tilespmem:v3+s15+$0x0], $0xffff;
	v3 =	vor.u32 $0x82F, v0  }
0x106: {  	v21 =	vsub.f32 v21, v31;
	v24 =	vmul.f32 v24, v24;
	[tilespmem:$0x1F9F0] =	vst v5  }
0x107: {  	v23 =	vadd.f32 v23, v28;
	v31 =	vld.idx.msk [tilespmem:v4+s15+$0x0], $0xffff;
	v4 =	vor.u32 $0x102F, v0;
	[tilespmem:$0x1F9B0] =	vst v3  }
0x108: {  	v21 =	vmul.f32 v21, v21;
	v20 =	vadd.f32 v24, v20;
	[tilespmem:$0x1F9C0] =	vst v4;
	v28 =	vld.idx.msk [tilespmem:v1+s15+$0x0], $0xffff;
	v1 =	vor.u32 $0x30, v0  }
0x109: {  	v23 =	vsub.f32 v23, v37;
	v24 =	vld.idx.msk [tilespmem:v2+s15+$0x0], $0xffff;
	v2 =	vor.u32 $0x830, v0;
	[tilespmem:$0x1F9D0] =	vst v1  }
0x10a: {  	v54 =	vadd.f32 v55, v41;
	v20 =	vadd.f32 v21, v20;
	[tilespmem:$0x1F9E0] =	vst v2;
	v21 =	vld.idx.msk [tilespmem:v3+s15+$0x0], $0xffff;
	v3 =	vor.u32 $0x31, v0  }
0x10b: {  	v33 =	vsub.f32 v33, v40;
	v23 =	vmul.f32 v23, v23;
	[tilespmem:$0x1FA00] =	vst v3  }
0x10c: {  	v26 =	vsub.f32 v54, v26;
	v57 =	vadd.f32 v60, v47;
	v52 =	vld.idx.msk [tilespmem:v4+s15+$0x0], $0xffff;
	v4 =	vor.u32 $0x831, v0  }
0x10d: {  	v20 =	vadd.f32 v23, v20;
	v23 =	vmul.f32 v33, v33;
	v55 =	vld.idx.msk [tilespmem:v1+s15+$0x0], $0xffff;
	v1 =	vor.u32 $0x1031, v0  }
0x10e: {  	v37 =	vsub.f32 v57, v38;
	v56 =	vld.idx.msk [tilespmem:v2+s15+$0x0], $0xffff;
	v2 =	vor.u32 $0x32, v0  }
0x10f: {  	v26 =	vmul.f32 v26, v26;
	v20 =	vadd.f32 v23, v20;
	v58 =	vld.idx.msk [tilespmem:v5+s15+$0x0], $0xffff;
	v5 =	vor.u32 $0x832, v0  }
0x110: {  	v32 =	vadd.f32 v61, v32;
	v23 =	vld.idx.msk [tilespmem:v3+s15+$0x0], $0xffff;
	v3 =	vor.u32 $0x1032, v0  }
0x111: {  	v20 =	vadd.f32 v26, v20;
	v26 =	vmul.f32 v37, v37;
	[tilespmem:$0x1FA10] =	vst v4;
	v60 =	vld.idx.msk [tilespmem:v4+s15+$0x0], $0xffff;
	v4 =	vor.u32 $0x33, v0  }
0x112: {  	v32 =	vsub.f32 v32, v45;
	v25 =	vadd.f32 v25, v51;
	[tilespmem:$0x1FA20] =	vst v1;
	v61 =	vld.idx.msk [tilespmem:v1+s15+$0x0], $0xffff;
	v1 =	vor.u32 $0x833, v0  }
0x113: {  	v20 =	vadd.f32 v26, v20;
	[tilespmem:$0x1FA30] =	vst v2;
	v48 =	vld.idx.msk [tilespmem:v2+s15+$0x0], $0xffff;
	v2 =	vor.u32 $0x1033, v0  }
0x114: {  	v25 =	vsub.f32 v25, v30;
	v30 =	vmul.f32 v32, v32;
	[tilespmem:$0x1FA40] =	vst v5;
	v50 =	vld.idx.msk [tilespmem:v5+s15+$0x0], $0xffff;
	v5 =	vor.u32 $0x34, v0  }
0x115: {  	v24 =	vadd.f32 v24, v31;
	[tilespmem:$0x1FA50] =	vst v3;
	v26 =	vld.idx.msk [tilespmem:v3+s15+$0x0], $0xffff;
	v3 =	vor.u32 $0x834, v0  }
0x116: {  	v20 =	vadd.f32 v30, v20;
	v25 =	vmul.f32 v25, v25;
	[tilespmem:$0x1FA60] =	vst v4;
	v51 =	vld.idx.msk [tilespmem:v4+s15+$0x0], $0xffff;
	v4 =	vor.u32 $0x1034, v0  }
0x117: {  	v24 =	vsub.f32 v24, v28;
	[tilespmem:$0x1FA70] =	vst v1;
	v31 =	vld.idx.msk [tilespmem:v1+s15+$0x0], $0xffff;
	v1 =	vor.u32 $0x35, v0  }
0x118: {  	v20 =	vadd.f32 v25, v20;
	v28 =	vadd.f32 v52, v35;
	[tilespmem:$0x1FA80] =	vst v2;
	v30 =	vld.idx.msk [tilespmem:v2+s15+$0x0], $0xffff;
	v2 =	vor.u32 $0x835, v0  }
0x119: {  	v24 =	vmul.f32 v24, v24;
	v54 =	vadd.f32 v58, v55;
	[tilespmem:$0x1FA90] =	vst v5;
	v52 =	vld.idx.msk [tilespmem:v5+s15+$0x0], $0xffff;
	v5 =	vor.u32 $0x1035, v0  }
0x11a: {  	v21 =	vsub.f32 v28, v21;
	[tilespmem:$0x1FAA0] =	vst v3;
	v25 =	vld.idx.msk [tilespmem:v3+s15+$0x0], $0xffff;
	v3 =	vor.u32 $0x36, v0  }
0x11b: {  	v20 =	vadd.f32 v24, v20;
	v33 =	vsub.f32 v54, v56;
	[tilespmem:$0x1FAB0] =	vst v4;
	v28 =	vld.idx.msk [tilespmem:v4+s15+$0x0], $0xffff;
	v4 =	vor.u32 $0x836, v0  }
0x11c: {  	v21 =	vmul.f32 v21, v21;
	v23 =	vadd.f32 v61, v23;
	[tilespmem:$0x1FAC0] =	vst v1;
	v55 =	vld.idx.msk [tilespmem:v1+s15+$0x0], $0xffff;
	v1 =	vor.u32 $0x1036, v0  }
0x11d: {  	v33 =	vmul.f32 v33, v33;
	[tilespmem:$0x1FAD0] =	vst v2;
	v24 =	vld.idx.msk [tilespmem:v2+s15+$0x0], $0xffff;
	v2 =	vor.u32 $0x37, v0  }
0x11e: {  	[tilespmem:$0x1FAE0] =	vst v5;
	v20 =	vadd.f32 v21, v20;
	v23 =	vsub.f32 v23, v60;
	v56 =	vld.idx.msk [tilespmem:v5+s15+$0x0], $0xffff;
	v5 =	vor.u32 $0x837, v0  }
0x11f: {  	v26 =	vadd.f32 v26, v48;
	[tilespmem:$0x1FAF0] =	vst v3;
	v21 =	vld.idx.msk [tilespmem:v3+s15+$0x0], $0xffff;
	v3 =	vor.u32 $0x1037, v0  }
0x120: {  	v20 =	vadd.f32 v33, v20;
	v23 =	vmul.f32 v23, v23;
	[tilespmem:$0x1FB00] =	vst v4;
	v8 =	vld.idx.msk [tilespmem:v4+s15+$0x0], $0xffff;
	v4 =	vor.u32 $0x38, v0  }
0x121: {  	v26 =	vsub.f32 v26, v50;
	v30 =	vadd.f32 v30, v51;
	[tilespmem:$0x1FB10] =	vst v1;
	v57 =	vld.idx.msk [tilespmem:v1+s15+$0x0], $0xffff;
	v1 =	vor.u32 $0x838, v0  }
0x122: {  	[tilespmem:$0x1FB20] =	vst v2;
	v20 =	vadd.f32 v23, v20;
	v58 =	vld.idx.msk [tilespmem:v2+s15+$0x0], $0xffff;
	v2 =	vor.u32 $0x1038, v0;
	v28 =	vadd.f32 v28, v52  }
0x123: {  	[tilespmem:$0x1FB30] =	vst v5;
	v30 =	vsub.f32 v30, v31;
	v26 =	vmul.f32 v26, v26;
	v7 =	vld.idx.msk [tilespmem:v5+s15+$0x0], $0xffff;
	v5 =	vor.u32 $0x39, v0  }
0x124: {  	[tilespmem:$0x1FB40] =	vst v3;
	v25 =	vsub.f32 v28, v25;
	v28 =	vadd.f32 v56, v55;
	v23 =	vld.idx.msk [tilespmem:v3+s15+$0x0], $0xffff;
	v3 =	vor.u32 $0x839, v0  }
0x125: {  	v10 =	vor.u32 $0x103A, v0;
	v20 =	vadd.f32 v26, v20;
	v26 =	vmul.f32 v30, v30;
	v9 =	vld.idx.msk [tilespmem:v4+s15+$0x0], $0xffff  }
0x126: {  	[tilespmem:$0x1FB50] =	vst v4;
	v24 =	vsub.f32 v28, v24;
	v28 =	vor.u32 $0x83B, v0;
	v12 =	vld.idx.msk [tilespmem:v1+s15+$0x0], $0xffff  }
0x127: {  	[tilespmem:$0x1FB60] =	vst v1;
	v20 =	vadd.f32 v26, v20;
	v25 =	vmul.f32 v25, v25;
	v4 =	vor.u32 $0x1039, v0;
	v30 =	vld.idx.msk [tilespmem:v2+s15+$0x0], $0xffff  }
0x128: {  	[tilespmem:$0x1FB80] =	vst v5;
	v1 =	vor.u32 $0x3A, v0;
	v5 =	vld.idx.msk [tilespmem:v5+s15+$0x0], $0xffff;
	v21 =	vadd.f32 v57, v21  }
0x129: {  	[tilespmem:$0x1FB70] =	vst v2;
	v2 =	vor.u32 $0x83A, v0;
	v20 =	vadd.f32 v25, v20;
	v24 =	vmul.f32 v24, v24;
	v11 =	vld.idx.msk [tilespmem:v3+s15+$0x0], $0xffff  }
0x12a: {  	[tilespmem:$0x1FB90] =	vst v3;
	v8 =	vsub.f32 v21, v8;
	v3 =	vor.u32 $0x3B, v0;
	v21 =	vadd.f32 v23, v58;
	v23 =	vld.idx.msk [tilespmem:v10+s15+$0x0], $0xffff  }
0x12b: {  	[tilespmem:$0x1FBD0] =	vst v10;
	v61 =	vor.u32 $0x3C, v0;
	v10 =	vld.idx.msk [tilespmem:v28+s15+$0x0], $0xffff  }
0x12c: {  	v57 =	vor.u32 $0x103C, v0;
	v20 =	vadd.f32 v24, v20;
	v26 =	vld.idx.msk [tilespmem:v4+s15+$0x0], $0xffff  }
0x12d: {  	[tilespmem:$0x1FBB0] =	vst v1;
	v8 =	vmul.f32 v8, v8;
	v6 =	vld.idx.msk [tilespmem:v1+s15+$0x0], $0xffff;
	v1 =	vor.u32 $0x103B, v0;
	v7 =	vsub.f32 v21, v7  }
0x12e: {  	v60 =	vor.u32 $0x83C, v0;
	v56 =	vor.u32 $0x83D, v0;
	[tilespmem:$0x1FBA0] =	vst v4;
	v13 =	vld.idx.msk [tilespmem:v2+s15+$0x0], $0xffff  }
0x12f: {  	v9 =	vadd.f32 v30, v9;
	v8 =	vadd.f32 v8, v20;
	v7 =	vmul.f32 v7, v7;
	v4 =	vld.idx.msk [tilespmem:v3+s15+$0x0], $0xffff  }
0x130: {  	v55 =	vor.u32 $0x103D, v0;
	[tilespmem:$0x1FBE0] =	vst v3;
	v3 =	vld.idx.msk [tilespmem:v61+s15+$0x0], $0xffff  }
0x131: {  	v58 =	vor.u32 $0x3D, v0;
	v9 =	vsub.f32 v9, v12;
	v7 =	vadd.f32 v7, v8;
	v8 =	vld.idx.msk [tilespmem:v57+s15+$0x0], $0xffff  }
0x132: {  	v51 =	vor.u32 $0x103E, v0;
	[tilespmem:$0x1FC00] =	vst v1;
	v1 =	vld.idx.msk [tilespmem:v1+s15+$0x0], $0xffff  }
0x133: {  	v54 =	vor.u32 $0x3E, v0;
	[tilespmem:$0x1FBC0] =	vst v2;
	v2 =	vld.idx.msk [tilespmem:v56+s15+$0x0], $0xffff;
	v9 =	vmul.f32 v9, v9;
	v5 =	vadd.f32 v26, v5  }
0x134: {  	v52 =	vor.u32 $0x83E, v0;
	v12 =	vld.idx.msk [tilespmem:v60+s15+$0x0], $0xffff;
	v6 =	vadd.f32 v23, v6  }
0x135: {  	v50 =	vor.u32 $0x3F, v0;
	v7 =	vadd.f32 v9, v7;
	v9 =	vld.idx.msk [tilespmem:v55+s15+$0x0], $0xffff;
	v5 =	vsub.f32 v5, v11  }
0x136: {  	v48 =	vor.u32 $0x103F, v0;
	v11 =	vld.idx.msk [tilespmem:v58+s15+$0x0], $0xffff;
	v6 =	vsub.f32 v6, v13  }
0x137: {  	v5 =	vmul.f32 v5, v5;
	v3 =	vadd.f32 v8, v3;
	v8 =	vld.idx.msk [tilespmem:v51+s15+$0x0], $0xffff;
	v1 =	vadd.f32 v1, v4  }
0x138: {  	v47 =	vor.u32 $0x83F, v0;
	v4 =	vld.idx.msk [tilespmem:v54+s15+$0x0], $0xffff  }
0x139: {  	v6 =	vmul.f32 v6, v6;
	v5 =	vadd.f32 v5, v7;
	v7 =	vld.idx.msk [tilespmem:v52+s15+$0x0], $0xffff;
	v1 =	vsub.f32 v1, v10  }
0x13a: {  	v10 =	vld.idx.msk [tilespmem:v50+s15+$0x0], $0xffff  }
0x13b: {  	v3 =	vsub.f32 v3, v12;
	v5 =	vadd.f32 v6, v5;
	v6 =	vld.idx.msk [tilespmem:v48+s15+$0x0], $0xffff;
	v1 =	vmul.f32 v1, v1  }
0x13c: {  	v9 =	vadd.f32 v9, v11  }
0x13d: {  	v3 =	vmul.f32 v3, v3;
	v1 =	vadd.f32 v1, v5;
	v5 =	vld.idx.msk [tilespmem:v47+s15+$0x0], $0xffff  }
0x13e: {  	v2 =	vsub.f32 v9, v2;
	v4 =	vadd.f32 v8, v4  }
0x13f: {  	v1 =	vadd.f32 v3, v1  }
0x140: {  	v2 =	vmul.f32 v2, v2;
	v3 =	vsub.f32 v4, v7;
	v4 =	vadd.f32 v6, v10;
	_ =	sdelay $0x1  }
0x141: {  	v1 =	vadd.f32 v2, v1;
	v3 =	vmul.f32 v3, v3;
	v2 =	vsub.f32 v4, v5;
	_ =	sdelay $0x1  }
0x142: {  	v1 =	vadd.f32 v3, v1;
	v2 =	vmul.f32 v2, v2;
	_ =	sdelay $0x1  }
0x143: {  	v1 =	vadd.f32 v2, v1;
	_ =	sdelay $0x1  }
0x144: {  	v1 =	vsub.f32 $0.0e+00, v1  }
0x145: {  	p0 =	seq.s32 s31, $0x780  }
0x146: {  	s2 =	sshra.s32 @!p0 s31, $0x2;
	[tilespmem:s0+$0x3A00] =	vst v1  }
0x147: {  	v1 =	vld @!p0 [tilespmem:s2+$0x20];
	_ =	sdelay $0x4  }
0x148: {  	[tilespmem:$0x3600] =	vst @!p0 v1  }
0x149: {  	v1 =	vld @!p0 [tilespmem:s2+$0x420];
	_ =	sdelay $0x4  }
0x14a: {  	[tilespmem:$0x3680] =	vst @!p0 v1  }
0x14b: {  	v1 =	vld @!p0 [tilespmem:s2+$0x220];
	_ =	sdelay $0x4  }
0x14c: {  	s11 =	simm.s32 @!p0 $0x3600;
	s12 =	simm.s32 @!p0 $0x600;
	s2 =	simm.s32 @!p0 $0x10;
	[tilespmem:$0x3700] =	vst @!p0 v1  }
0x14d: {  	[tilespmem:s12], [sflag:$0x1] =	stream.indirect.gather @!p0 [hbm4b:s3+s2], $0x80, s11, s2, $0xb8;
	[tilespmem:$0x3C00] =	vst v63  }
0x14e: {  	s11 =	simm.s32 @!p0 $0x3680;
	s12 =	simm.s32 @!p0 $0xE00  }
0x14f: {  	[tilespmem:s12], [sflag:$0x1] =	stream.indirect.gather @!p0 [hbm4b:s3+s2], $0x80, s11, s2, $0xb8;
	[tilespmem:$0x3C00] =	vst v63  }
0x150: {  	[tilespmem:$0x1FBF0] =	vst v28;
	s11 =	simm.s32 @!p0 $0x3700;
	s12 =	simm.s32 @!p0 $0x1600  }
0x151: {  	[tilespmem:s12], [sflag:$0x1] =	stream.indirect.gather @!p0 [hbm4b:s4+s2], $0x80, s11, s2, $0xb8;
	[tilespmem:$0x3C00] =	vst v63  }
0x152: {  	_ =	swait.ge [sflag:s28], $0x800  }
0x153: {  	[sflag:s28] =	ssyncset.done $0x0  }
0x154: {  	[sflag:s28] =	ssyncadd.s32 $0xFFFFF800  }
0x155: {  	_ =	swait.ge [sflag:s28], $0x800  }
0x156: {  	[sflag:s28] =	ssyncset.done $0x0  }
0x157: {  	[sflag:s28] =	ssyncadd.s32 $0xFFFFF800  }
0x158: {  	_ =	swait.ge [sflag:s28], $0x800  }
0x159: {  	v1 =	vld [tilespmem:$0x1F5F0];
	_ =	sdelay $0x5  }
0x15a: {  	[sflag:s28] =	ssyncset.done $0x0  }
0x15b: {  	[sflag:s28] =	ssyncadd.s32 $0xFFFFF800  }
0x15c: {  	v25 =	vld.idx.msk [tilespmem:v1+s21+$0x0], $0xffff  }
0x15d: {  	v1 =	vld [tilespmem:$0x1F600];
	_ =	sdelay $0x7  }
0x15e: {  	v31 =	vld.idx.msk [tilespmem:v1+s21+$0x0], $0xffff  }
0x15f: {  	v1 =	vld [tilespmem:$0x1F610];
	_ =	sdelay $0x7  }
0x160: {  	v35 =	vld.idx.msk [tilespmem:v1+s21+$0x0], $0xffff  }
0x161: {  	v1 =	vld [tilespmem:$0x1F620];
	_ =	sdelay $0x7  }
0x162: {  	v26 =	vld.idx.msk [tilespmem:v1+s21+$0x0], $0xffff  }
0x163: {  	v1 =	vld [tilespmem:$0x1F630];
	_ =	sdelay $0x7  }
0x164: {  	v36 =	vld.idx.msk [tilespmem:v1+s21+$0x0], $0xffff  }
0x165: {  	v1 =	vld [tilespmem:$0x1F640];
	_ =	sdelay $0x7  }
0x166: {  	v41 =	vld.idx.msk [tilespmem:v1+s21+$0x0], $0xffff  }
0x167: {  	v1 =	vld [tilespmem:$0x1F650];
	_ =	sdelay $0x7  }
0x168: {  	v33 =	vld.idx.msk [tilespmem:v1+s21+$0x0], $0xffff  }
0x169: {  	v1 =	vld [tilespmem:$0x1F660];
	_ =	sdelay $0x7  }
0x16a: {  	v38 =	vld.idx.msk [tilespmem:v1+s21+$0x0], $0xffff  }
0x16b: {  	v1 =	vld [tilespmem:$0x1F670];
	_ =	sdelay $0x7  }
0x16c: {  	v44 =	vld.idx.msk [tilespmem:v1+s21+$0x0], $0xffff  }
0x16d: {  	v1 =	vld [tilespmem:$0x1F680];
	_ =	sdelay $0x6  }
0x16e: {  	v6 =	vld [tilespmem:$0x1FCF0]  }
0x16f: {  	v37 =	vld.idx.msk [tilespmem:v1+s21+$0x0], $0xffff  }
0x170: {  	v1 =	vld [tilespmem:$0x1F690]  }
0x171: {  	v10 =	vld [tilespmem:$0x1FD20]  }
0x172: {  	v13 =	vld [tilespmem:$0x1FD50]  }
0x173: {  	v20 =	vld [tilespmem:$0x1FDB0]  }
0x174: {  	v59 =	vld.idx.msk [tilespmem:v59+s21+$0x0], $0xffff  }
0x175: {  	v53 =	vld.idx.msk [tilespmem:v53+s21+$0x0], $0xffff  }
0x176: {  	v49 =	vld.idx.msk [tilespmem:v49+s21+$0x0], $0xffff  }
0x177: {  	v46 =	vld.idx.msk [tilespmem:v46+s21+$0x0], $0xffff  }
0x178: {  	v43 =	vld.idx.msk [tilespmem:v1+s21+$0x0], $0xffff  }
0x179: {  	v1 =	vld [tilespmem:$0x1FC70]  }
0x17a: {  	v42 =	vld.idx.msk [tilespmem:v42+s21+$0x0], $0xffff  }
0x17b: {  	v39 =	vld.idx.msk [tilespmem:v39+s21+$0x0], $0xffff  }
0x17c: {  	v34 =	vld.idx.msk [tilespmem:v34+s21+$0x0], $0xffff  }
0x17d: {  	v23 =	vld.idx.msk [tilespmem:v22+s21+$0x0], $0xffff  }
0x17e: {  	v21 =	vld.idx.msk [tilespmem:v19+s21+$0x0], $0xffff  }
0x17f: {  	v24 =	vld.idx.msk [tilespmem:v18+s21+$0x0], $0xffff  }
0x180: {  	v45 =	vld.idx.msk [tilespmem:v63+s21+$0x0], $0xffff  }
0x181: {  	v63 =	vld.idx.msk [tilespmem:v1+s21+$0x0], $0xffff  }
0x182: {  	v1 =	vld [tilespmem:$0x1FC80]  }
0x183: {  	v30 =	vld.idx.msk [tilespmem:v17+s21+$0x0], $0xffff  }
0x184: {  	v22 =	vld.idx.msk [tilespmem:v16+s21+$0x0], $0xffff  }
0x185: {  	v28 =	vld.idx.msk [tilespmem:v15+s21+$0x0], $0xffff  }
0x186: {  	v32 =	vld.idx.msk [tilespmem:v14+s21+$0x0], $0xffff  }
0x187: {  	v15 =	vld [tilespmem:$0x1FD80]  }
0x188: {  	v7 =	vld.idx.msk [tilespmem:v6+s21+$0x0], $0xffff  }
0x189: {  	v6 =	vld [tilespmem:$0x1FD00]  }
0x18a: {  	v5 =	vld.idx.msk [tilespmem:v1+s21+$0x0], $0xffff  }
0x18b: {  	v1 =	vld [tilespmem:$0x1FC90]  }
0x18c: {  	v12 =	vld.idx.msk [tilespmem:v10+s21+$0x0], $0xffff  }
0x18d: {  	v10 =	vld [tilespmem:$0x1FD30]  }
0x18e: {  	v14 =	vld.idx.msk [tilespmem:v13+s21+$0x0], $0xffff  }
0x18f: {  	v13 =	vld [tilespmem:$0x1FD60]  }
0x190: {  	v17 =	vld.idx.msk [tilespmem:v15+s21+$0x0], $0xffff  }
0x191: {  	v15 =	vld [tilespmem:$0x1FD90]  }
0x192: {  	v11 =	vld.idx.msk [tilespmem:v6+s21+$0x0], $0xffff  }
0x193: {  	v4 =	vld.idx.msk [tilespmem:v1+s21+$0x0], $0xffff  }
0x194: {  	v1 =	vld [tilespmem:$0x1FCA0]  }
0x195: {  	v6 =	vld [tilespmem:$0x1FD10]  }
0x196: {  	v16 =	vld.idx.msk [tilespmem:v10+s21+$0x0], $0xffff  }
0x197: {  	v10 =	vld [tilespmem:$0x1FD40]  }
0x198: {  	v18 =	vld.idx.msk [tilespmem:v13+s21+$0x0], $0xffff  }
0x199: {  	v13 =	vld [tilespmem:$0x1FD70]  }
0x19a: {  	v19 =	vld.idx.msk [tilespmem:v15+s21+$0x0], $0xffff  }
0x19b: {  	v15 =	vld [tilespmem:$0x1FDA0]  }
0x19c: {  	v9 =	vld.idx.msk [tilespmem:v1+s21+$0x0], $0xffff  }
0x19d: {  	v1 =	vld [tilespmem:$0x1FCB0]  }
0x19e: {  	v29 =	vld.idx.msk [tilespmem:v29+s21+$0x0], $0xffff  }
0x19f: {  	v27 =	vld.idx.msk [tilespmem:v27+s21+$0x0], $0xffff  }
0x1a0: {  	v40 =	vld.idx.msk [tilespmem:v62+s21+$0x0], $0xffff  }
0x1a1: {  	v6 =	vld.idx.msk [tilespmem:v6+s21+$0x0], $0xffff  }
0x1a2: {  	v10 =	vld.idx.msk [tilespmem:v10+s21+$0x0], $0xffff  }
0x1a3: {  	v13 =	vld.idx.msk [tilespmem:v13+s21+$0x0], $0xffff  }
0x1a4: {  	v15 =	vld.idx.msk [tilespmem:v15+s21+$0x0], $0xffff  }
0x1a5: {  	v2 =	vld.idx.msk [tilespmem:v1+s21+$0x0], $0xffff  }
0x1a6: {  	v1 =	vld [tilespmem:$0x1FCC0]  }
0x1a7: {  	v62 =	vld.idx.msk [tilespmem:v0+s21+$0x0], $0xffff  }
0x1a8: {  	v20 =	vld.idx.msk [tilespmem:v20+s21+$0x0], $0xffff  }
0x1a9: {  	v6 =	vadd.f32 v6, v7;
	v7 =	vld [tilespmem:$0x1FE00]  }
0x1aa: {  	v10 =	vadd.f32 v10, v12;
	v12 =	vadd.f32 v13, v14;
	v13 =	vld [tilespmem:$0x1FE50]  }
0x1ab: {  	v14 =	vadd.f32 v15, v17;
	v15 =	vld [tilespmem:$0x1FE70]  }
0x1ac: {  	v10 =	vsub.f32 v10, v16;
	v16 =	vld [tilespmem:$0x1FE80]  }
0x1ad: {  	v17 =	vld [tilespmem:$0x1FEA0]  }
0x1ae: {  	v3 =	vld.idx.msk [tilespmem:v1+s21+$0x0], $0xffff  }
0x1af: {  	v12 =	vsub.f32 v12, v18;
	v18 =	vadd.f32 v22, v24;
	v1 =	vld [tilespmem:$0x1FCD0]  }
0x1b0: {  	v24 =	vld [tilespmem:$0x1F7D0]  }
0x1b1: {  	v18 =	vsub.f32 v18, v30;
	v30 =	vld [tilespmem:$0x1F830]  }
0x1b2: {  	v7 =	vld.idx.msk [tilespmem:v7+s21+$0x0], $0xffff  }
0x1b3: {  	v13 =	vld.idx.msk [tilespmem:v13+s21+$0x0], $0xffff  }
0x1b4: {  	v22 =	vadd.f32 v26, v31;
	v26 =	vld [tilespmem:$0x1F7F0]  }
0x1b5: {  	v31 =	vld [tilespmem:$0x1F840]  }
0x1b6: {  	v15 =	vld.idx.msk [tilespmem:v15+s21+$0x0], $0xffff  }
0x1b7: {  	v8 =	vld.idx.msk [tilespmem:v1+s21+$0x0], $0xffff  }
0x1b8: {  	v1 =	vld [tilespmem:$0x1FCE0]  }
0x1b9: {  	v16 =	vld.idx.msk [tilespmem:v16+s21+$0x0], $0xffff  }
0x1ba: {  	v17 =	vld.idx.msk [tilespmem:v17+s21+$0x0], $0xffff  }
0x1bb: {  	v24 =	vld.idx.msk [tilespmem:v24+s21+$0x0], $0xffff  }
0x1bc: {  	v30 =	vld.idx.msk [tilespmem:v30+s21+$0x0], $0xffff;
	v5 =	vadd.f32 v5, v62;
	v2 =	vadd.f32 v2, v4  }
0x1bd: {  	v26 =	vld.idx.msk [tilespmem:v26+s21+$0x0], $0xffff  }
0x1be: {  	v62 =	vld [tilespmem:$0x1FE10];
	v5 =	vsub.f32 v5, v63;
	v2 =	vsub.f32 v2, v9  }
0x1bf: {  	v63 =	vld [tilespmem:$0x1FDE0]  }
0x1c0: {  	v5 =	vmul.f32 v5, v5;
	v2 =	vmul.f32 v2, v2;
	v1 =	vld.idx.msk [tilespmem:v1+s21+$0x0], $0xffff  }
0x1c1: {  	v4 =	vld [tilespmem:$0x1FDC0]  }
0x1c2: {  	v2 =	vadd.f32 v2, v5;
	v5 =	vsub.f32 v6, v11;
	v6 =	vld [tilespmem:$0x1FE20]  }
0x1c3: {  	v11 =	vld [tilespmem:$0x1FE30]  }
0x1c4: {  	v31 =	vld.idx.msk [tilespmem:v31+s21+$0x0], $0xffff  }
0x1c5: {  	v1 =	vadd.f32 v1, v3;
	v3 =	vld [tilespmem:$0x1FDD0]  }
0x1c6: {  	v62 =	vld.idx.msk [tilespmem:v62+s21+$0x0], $0xffff  }
0x1c7: {  	v1 =	vsub.f32 v1, v8;
	v8 =	vld [tilespmem:$0x1FDF0]  }
0x1c8: {  	v9 =	vld.idx.msk [tilespmem:v63+s21+$0x0], $0xffff  }
0x1c9: {  	v4 =	vld.idx.msk [tilespmem:v4+s21+$0x0], $0xffff  }
0x1ca: {  	v6 =	vld.idx.msk [tilespmem:v6+s21+$0x0], $0xffff;
	v1 =	vmul.f32 v1, v1  }
0x1cb: {  	v11 =	vld.idx.msk [tilespmem:v11+s21+$0x0], $0xffff  }
0x1cc: {  	v1 =	vadd.f32 v1, v2;
	v2 =	vmul.f32 v5, v5;
	v5 =	vld [tilespmem:$0x1FE40]  }
0x1cd: {  	v3 =	vld.idx.msk [tilespmem:v3+s21+$0x0], $0xffff  }
0x1ce: {  	v10 =	vmul.f32 v10, v10;
	v1 =	vadd.f32 v2, v1;
	v2 =	vld [tilespmem:$0x1FE60]  }
0x1cf: {  	v8 =	vld.idx.msk [tilespmem:v8+s21+$0x0], $0xffff  }
0x1d0: {  	v12 =	vmul.f32 v12, v12;
	v1 =	vadd.f32 v10, v1;
	v10 =	vsub.f32 v14, v19;
	v14 =	vld [tilespmem:$0x1FE90]  }
0x1d1: {  	v19 =	vld [tilespmem:$0x1F780]  }
0x1d2: {  	v1 =	vadd.f32 v12, v1;
	v12 =	vld [tilespmem:$0x1FEB0];
	v3 =	vadd.f32 v3, v20  }
0x1d3: {  	v20 =	vadd.f32 v25, v28;
	v25 =	vadd.f32 v33, v36;
	v33 =	vld [tilespmem:$0x1FE50]  }
0x1d4: {  	v28 =	vld [tilespmem:$0x1F810]  }
0x1d5: {  	v5 =	vld.idx.msk [tilespmem:v5+s21+$0x0], $0xffff  }
0x1d6: {  	v3 =	vsub.f32 v3, v4;
	v4 =	vadd.f32 v7, v9;
	v7 =	vld [tilespmem:$0x1FEC0]  }
0x1d7: {  	v9 =	vld [tilespmem:$0x1FED0]  }
0x1d8: {  	v20 =	vsub.f32 v20, v32;
	v32 =	vld [tilespmem:$0x1FE40]  }
0x1d9: {  	v2 =	vld.idx.msk [tilespmem:v2+s21+$0x0], $0xffff  }
0x1da: {  	v10 =	vmul.f32 v10, v10;
	v4 =	vsub.f32 v4, v8;
	v8 =	vadd.f32 v11, v62;
	v62 =	vld [tilespmem:$0x1FEE0]  }
0x1db: {  	v11 =	vld [tilespmem:$0x1FEF0]  }
0x1dc: {  	v1 =	vadd.f32 v10, v1;
	v3 =	vmul.f32 v3, v3;
	v14 =	vld.idx.msk [tilespmem:v14+s21+$0x0], $0xffff  }
0x1dd: {  	v19 =	vld.idx.msk [tilespmem:v19+s21+$0x0], $0xffff  }
0x1de: {  	v1 =	vadd.f32 v3, v1;
	v3 =	vsub.f32 v8, v6;
	v6 =	vld [tilespmem:$0x1FF00]  }
0x1df: {  	v4 =	vmul.f32 v4, v4;
	v12 =	vld.idx.msk [tilespmem:v12+s21+$0x0], $0xffff  }
0x1e0: {  	v2 =	vadd.f32 v2, v5;
	v5 =	vld [tilespmem:$0x1FF10]  }
0x1e1: {  	v1 =	vadd.f32 v4, v1;
	v4 =	vld [tilespmem:$0x1FF20]  }
0x1e2: {  	v28 =	vld.idx.msk [tilespmem:v28+s21+$0x0], $0xffff  }
0x1e3: {  	v7 =	vld.idx.msk [tilespmem:v7+s21+$0x0], $0xffff  }
0x1e4: {  	v3 =	vmul.f32 v3, v3;
	v9 =	vld.idx.msk [tilespmem:v9+s21+$0x0], $0xffff  }
0x1e5: {  	v2 =	vsub.f32 v2, v13;
	v13 =	vld [tilespmem:$0x1FF30]  }
0x1e6: {  	v1 =	vadd.f32 v3, v1;
	v3 =	vld [tilespmem:$0x1FF40]  }
0x1e7: {  	v8 =	vadd.f32 v14, v15;
	v14 =	vld [tilespmem:$0x1FF50]  }
0x1e8: {  	v15 =	vld [tilespmem:$0x1FF60]  }
0x1e9: {  	v10 =	vld.idx.msk [tilespmem:v62+s21+$0x0], $0xffff  }
0x1ea: {  	v11 =	vld.idx.msk [tilespmem:v11+s21+$0x0], $0xffff  }
0x1eb: {  	v8 =	vsub.f32 v8, v16;
	v16 =	vld [tilespmem:$0x1F750]  }
0x1ec: {  	v6 =	vld.idx.msk [tilespmem:v6+s21+$0x0], $0xffff  }
0x1ed: {  	v7 =	vadd.f32 v7, v17;
	v17 =	vld [tilespmem:$0x1F760]  }
0x1ee: {  	v2 =	vmul.f32 v2, v2;
	v5 =	vld.idx.msk [tilespmem:v5+s21+$0x0], $0xffff  }
0x1ef: {  	v4 =	vld.idx.msk [tilespmem:v4+s21+$0x0], $0xffff  }
0x1f0: {  	v1 =	vadd.f32 v2, v1;
	v2 =	vsub.f32 v7, v12;
	v7 =	vmul.f32 v8, v8;
	v8 =	vld [tilespmem:$0x1FF70]  }
0x1f1: {  	v9 =	vadd.f32 v11, v9;
	v11 =	vld [tilespmem:$0x1FF80]  }
0x1f2: {  	v12 =	vld [tilespmem:$0x1FFD0]  }
0x1f3: {  	v13 =	vld.idx.msk [tilespmem:v13+s21+$0x0], $0xffff  }
0x1f4: {  	v3 =	vld.idx.msk [tilespmem:v3+s21+$0x0], $0xffff  }
0x1f5: {  	v14 =	vld.idx.msk [tilespmem:v14+s21+$0x0], $0xffff  }
0x1f6: {  	v15 =	vld.idx.msk [tilespmem:v15+s21+$0x0], $0xffff  }
0x1f7: {  	v1 =	vadd.f32 v7, v1;
	v7 =	vld [tilespmem:$0x1FF90]  }
0x1f8: {  	v9 =	vsub.f32 v9, v10;
	v10 =	vld [tilespmem:$0x1FFC0]  }
0x1f9: {  	v2 =	vmul.f32 v2, v2;
	v16 =	vld.idx.msk [tilespmem:v16+s21+$0x0], $0xffff;
	v4 =	vadd.f32 v4, v6  }
0x1fa: {  	v6 =	vld [tilespmem:$0x1FFA0]  }
0x1fb: {  	v1 =	vadd.f32 v2, v1;
	v2 =	vld [tilespmem:$0x1FFB0];
	v4 =	vsub.f32 v4, v5  }
0x1fc: {  	v5 =	vadd.f32 v14, v13;
	v13 =	vadd.f32 v29, v39;
	v39 =	vld [tilespmem:$0x1FEB0]  }
0x1fd: {  	v14 =	vld [tilespmem:$0x1F730]  }
0x1fe: {  	v17 =	vld.idx.msk [tilespmem:v17+s21+$0x0], $0xffff  }
0x1ff: {  	v8 =	vld.idx.msk [tilespmem:v8+s21+$0x0], $0xffff  }
0x200: {  	v11 =	vld.idx.msk [tilespmem:v11+s21+$0x0], $0xffff  }
0x201: {  	v12 =	vld.idx.msk [tilespmem:v12+s21+$0x0], $0xffff  }
0x202: {  	v9 =	vmul.f32 v9, v9;
	v3 =	vsub.f32 v5, v3;
	v5 =	vld [tilespmem:$0x1FFE0]  }
0x203: {  	v13 =	vsub.f32 v13, v34;
	v34 =	vld [tilespmem:$0x1FE60]  }
0x204: {  	v1 =	vadd.f32 v9, v1;
	v4 =	vmul.f32 v4, v4;
	v7 =	vld.idx.msk [tilespmem:v7+s21+$0x0], $0xffff  }
0x205: {  	v10 =	vld.idx.msk [tilespmem:v10+s21+$0x0], $0xffff  }
0x206: {  	v1 =	vadd.f32 v4, v1;
	v4 =	vld [tilespmem:$0x1FC10]  }
0x207: {  	v3 =	vmul.f32 v3, v3;
	v6 =	vld.idx.msk [tilespmem:v6+s21+$0x0], $0xffff  }
0x208: {  	v2 =	vld.idx.msk [tilespmem:v2+s21+$0x0], $0xffff  }
0x209: {  	v1 =	vadd.f32 v3, v1;
	v3 =	vld [tilespmem:$0x1FC30]  }
0x20a: {  	v9 =	vadd.f32 v11, v15;
	v11 =	vld [tilespmem:$0x1FFF0]  }
0x20b: {  	v15 =	vadd.f32 v21, v27;
	v21 =	vld [tilespmem:$0x1F7A0]  }
0x20c: {  	v14 =	vld.idx.msk [tilespmem:v14+s21+$0x0], $0xffff  }
0x20d: {  	v8 =	vsub.f32 v9, v8;
	v9 =	vld [tilespmem:$0x1FC40]  }
0x20e: {  	v5 =	vld.idx.msk [tilespmem:v5+s21+$0x0], $0xffff  }
0x20f: {  	v2 =	vadd.f32 v2, v7;
	v7 =	vld [tilespmem:$0x1FC20]  }
0x210: {  	v4 =	vld.idx.msk [tilespmem:v4+s21+$0x0], $0xffff  }
0x211: {  	v2 =	vsub.f32 v2, v6;
	v6 =	vmul.f32 v8, v8;
	v8 =	vld [tilespmem:$0x1FC50]  }
0x212: {  	v3 =	vld.idx.msk [tilespmem:v3+s21+$0x0], $0xffff  }
0x213: {  	v11 =	vld.idx.msk [tilespmem:v11+s21+$0x0], $0xffff  }
0x214: {  	v1 =	vadd.f32 v6, v1;
	v6 =	vld [tilespmem:$0x1FC60]  }
0x215: {  	v5 =	vadd.f32 v5, v10;
	v10 =	vld [tilespmem:$0x1F6A0]  }
0x216: {  	v21 =	vld.idx.msk [tilespmem:v21+s21+$0x0], $0xffff  }
0x217: {  	v9 =	vld.idx.msk [tilespmem:v9+s21+$0x0], $0xffff  }
0x218: {  	v2 =	vmul.f32 v2, v2;
	v5 =	vsub.f32 v5, v12;
	v12 =	vld [tilespmem:$0x1F710]  }
0x219: {  	v7 =	vld.idx.msk [tilespmem:v7+s21+$0x0], $0xffff  }
0x21a: {  	v1 =	vadd.f32 v2, v1;
	v2 =	vmul.f32 v5, v5;
	v5 =	vld [tilespmem:$0x1F6B0]  }
0x21b: {  	v8 =	vld.idx.msk [tilespmem:v8+s21+$0x0], $0xffff  }
0x21c: {  	v1 =	vadd.f32 v2, v1;
	v2 =	vld [tilespmem:$0x1F6D0]  }
0x21d: {  	v6 =	vld.idx.msk [tilespmem:v6+s21+$0x0], $0xffff  }
0x21e: {  	v10 =	vld.idx.msk [tilespmem:v10+s21+$0x0], $0xffff  }
0x21f: {  	v7 =	vadd.f32 v7, v11;
	v11 =	vadd.f32 v42, v49;
	v49 =	vld [tilespmem:$0x1FF30]  }
0x220: {  	v42 =	vld [tilespmem:$0x1FED0]  }
0x221: {  	v12 =	vld.idx.msk [tilespmem:v12+s21+$0x0], $0xffff  }
0x222: {  	v4 =	vsub.f32 v7, v4;
	v7 =	vld [tilespmem:$0x1F6C0]  }
0x223: {  	v3 =	vadd.f32 v8, v3;
	v8 =	vld [tilespmem:$0x1F6E0]  }
0x224: {  	v11 =	vsub.f32 v11, v46;
	v46 =	vld [tilespmem:$0x1FF00]  }
0x225: {  	v5 =	vld.idx.msk [tilespmem:v5+s21+$0x0], $0xffff  }
0x226: {  	v6 =	vadd.f32 v53, v6;
	v53 =	vld [tilespmem:$0x1FF70]  }
0x227: {  	v3 =	vsub.f32 v3, v9;
	v4 =	vmul.f32 v4, v4;
	v9 =	vld [tilespmem:$0x1F6F0]  }
0x228: {  	v2 =	vld.idx.msk [tilespmem:v2+s21+$0x0], $0xffff  }
0x229: {  	v1 =	vadd.f32 v4, v1;
	v4 =	vsub.f32 v6, v59;
	v59 =	vld [tilespmem:$0x1FFD0];
	v3 =	vmul.f32 v3, v3  }
0x22a: {  	v6 =	vld [tilespmem:$0x1F700]  }
0x22b: {  	v1 =	vadd.f32 v3, v1;
	v3 =	vmul.f32 v4, v4;
	v4 =	vld [tilespmem:$0x1F720]  }
0x22c: {  	v7 =	vld.idx.msk [tilespmem:v7+s21+$0x0], $0xffff  }
0x22d: {  	v8 =	vld.idx.msk [tilespmem:v8+s21+$0x0], $0xffff  }
0x22e: {  	v11 =	vmul.f32 v11, v11;
	v1 =	vadd.f32 v3, v1;
	v3 =	vld [tilespmem:$0x1F740]  }
0x22f: {  	v9 =	vld.idx.msk [tilespmem:v9+s21+$0x0], $0xffff  }
0x230: {  	v1 =	vadd.f32 v11, v1;
	v11 =	vsub.f32 v15, v23;
	v15 =	vld [tilespmem:$0x1F770]  }
0x231: {  	v13 =	vmul.f32 v13, v13;
	v23 =	vld [tilespmem:$0x1F7C0]  }
0x232: {  	v6 =	vld.idx.msk [tilespmem:v6+s21+$0x0], $0xffff  }
0x233: {  	v1 =	vadd.f32 v13, v1;
	v13 =	vld [tilespmem:$0x1F790]  }
0x234: {  	v11 =	vmul.f32 v11, v11;
	v7 =	vadd.f32 v7, v10;
	v10 =	vld [tilespmem:$0x1F860]  }
0x235: {  	v4 =	vld.idx.msk [tilespmem:v4+s21+$0x0], $0xffff  }
0x236: {  	v1 =	vadd.f32 v11, v1;
	v11 =	vld [tilespmem:$0x1F7B0]  }
0x237: {  	v5 =	vsub.f32 v7, v5;
	v7 =	vld [tilespmem:$0x1F880]  }
0x238: {  	v18 =	vmul.f32 v18, v18;
	v2 =	vadd.f32 v9, v2;
	v9 =	vld [tilespmem:$0x1F890]  }
0x239: {  	v3 =	vld.idx.msk [tilespmem:v3+s21+$0x0], $0xffff  }
0x23a: {  	v1 =	vadd.f32 v18, v1;
	v18 =	vsub.f32 v22, v35;
	v22 =	vld [tilespmem:$0x1F7E0]  }
0x23b: {  	v2 =	vsub.f32 v2, v8;
	v8 =	vld [tilespmem:$0x1F8B0]  }
0x23c: {  	v20 =	vmul.f32 v20, v20;
	v15 =	vld.idx.msk [tilespmem:v15+s21+$0x0], $0xffff  }
0x23d: {  	v23 =	vld.idx.msk [tilespmem:v23+s21+$0x0], $0xffff  }
0x23e: {  	v1 =	vadd.f32 v20, v1;
	v20 =	vld [tilespmem:$0x1F800]  }
0x23f: {  	v18 =	vmul.f32 v18, v18;
	v4 =	vadd.f32 v4, v6;
	v6 =	vld [tilespmem:$0x1F8A0]  }
0x240: {  	v13 =	vld.idx.msk [tilespmem:v13+s21+$0x0], $0xffff  }
0x241: {  	v1 =	vadd.f32 v18, v1;
	v18 =	vld [tilespmem:$0x1F820]  }
0x242: {  	v25 =	vsub.f32 v25, v41;
	v10 =	vld.idx.msk [tilespmem:v10+s21+$0x0], $0xffff  }
0x243: {  	v4 =	vsub.f32 v4, v12;
	v12 =	vadd.f32 v16, v14;
	v14 =	vld [tilespmem:$0x1F8D0]  }
0x244: {  	v25 =	vmul.f32 v25, v25;
	v29 =	vadd.f32 v40, v43;
	v16 =	vld [tilespmem:$0x1F8F0]  }
0x245: {  	v27 =	vadd.f32 v37, v38;
	v11 =	vld.idx.msk [tilespmem:v11+s21+$0x0], $0xffff  }
0x246: {  	v1 =	vadd.f32 v25, v1;
	v25 =	vsub.f32 v29, v45;
	v29 =	vld [tilespmem:$0x1F850]  }
0x247: {  	v27 =	vsub.f32 v27, v44;
	v7 =	vld.idx.msk [tilespmem:v7+s21+$0x0], $0xffff  }
0x248: {  	v9 =	vld.idx.msk [tilespmem:v9+s21+$0x0], $0xffff  }
0x249: {  	v27 =	vmul.f32 v27, v27;
	v3 =	vsub.f32 v12, v3;
	v12 =	vadd.f32 v19, v17;
	v19 =	vld [tilespmem:$0x1F940]  }
0x24a: {  	v22 =	vld.idx.msk [tilespmem:v22+s21+$0x0], $0xffff  }
0x24b: {  	v1 =	vadd.f32 v27, v1;
	v27 =	vld [tilespmem:$0x1F870]  }
0x24c: {  	v8 =	vld.idx.msk [tilespmem:v8+s21+$0x0], $0xffff  }
0x24d: {  	v25 =	vmul.f32 v25, v25;
	v12 =	vsub.f32 v12, v15;
	v15 =	vld [tilespmem:$0x1F920]  }
0x24e: {  	v20 =	vld.idx.msk [tilespmem:v20+s21+$0x0], $0xffff  }
0x24f: {  	v1 =	vadd.f32 v25, v1;
	v25 =	vld [tilespmem:$0x1F9B0]  }
0x250: {  	v6 =	vld.idx.msk [tilespmem:v6+s21+$0x0], $0xffff  }
0x251: {  	v5 =	vmul.f32 v5, v5;
	v11 =	vadd.f32 v11, v13;
	v13 =	vld [tilespmem:$0x1F910]  }
0x252: {  	v18 =	vld.idx.msk [tilespmem:v18+s21+$0x0], $0xffff  }
0x253: {  	v1 =	vadd.f32 v5, v1;
	v5 =	vld [tilespmem:$0x1F8C0]  }
0x254: {  	v14 =	vld.idx.msk [tilespmem:v14+s21+$0x0], $0xffff  }
0x255: {  	v16 =	vld.idx.msk [tilespmem:v16+s21+$0x0], $0xffff  }
0x256: {  	v17 =	vadd.f32 v22, v23;
	v22 =	vld [tilespmem:$0x1F960]  }
0x257: {  	v2 =	vmul.f32 v2, v2;
	v23 =	vld [tilespmem:$0x1F990]  }
0x258: {  	v29 =	vld.idx.msk [tilespmem:v29+s21+$0x0], $0xffff  }
0x259: {  	v1 =	vadd.f32 v2, v1;
	v2 =	vmul.f32 v4, v4;
	v4 =	vld [tilespmem:$0x1F8E0]  }
0x25a: {  	v19 =	vld.idx.msk [tilespmem:v19+s21+$0x0], $0xffff  }
0x25b: {  	v27 =	vld.idx.msk [tilespmem:v27+s21+$0x0], $0xffff  }
0x25c: {  	v1 =	vadd.f32 v2, v1;
	v2 =	vld [tilespmem:$0x1F900]  }
0x25d: {  	v6 =	vadd.f32 v6, v7;
	v7 =	vld [tilespmem:$0x1F9D0]  }
0x25e: {  	v3 =	vmul.f32 v3, v3;
	v15 =	vld.idx.msk [tilespmem:v15+s21+$0x0], $0xffff  }
0x25f: {  	v18 =	vadd.f32 v31, v18;
	v31 =	vld [tilespmem:$0x1FE30]  }
0x260: {  	v1 =	vadd.f32 v3, v1;
	v3 =	vsub.f32 v11, v21;
	v11 =	vmul.f32 v12, v12;
	v12 =	vld [tilespmem:$0x1F930]  }
0x261: {  	v21 =	vadd.f32 v28, v26;
	v28 =	vld [tilespmem:$0x1FE00]  }
0x262: {  	v26 =	vld [tilespmem:$0x1FDD0]  }
0x263: {  	v25 =	vld.idx.msk [tilespmem:v25+s21+$0x0], $0xffff  }
0x264: {  	v8 =	vadd.f32 v14, v8;
	v14 =	vld [tilespmem:$0x1FA00]  }
0x265: {  	v13 =	vld.idx.msk [tilespmem:v13+s21+$0x0], $0xffff  }
0x266: {  	v5 =	vld.idx.msk [tilespmem:v5+s21+$0x0], $0xffff  }
0x267: {  	v1 =	vadd.f32 v11, v1;
	v11 =	vld [tilespmem:$0x1F950]  }
0x268: {  	v20 =	vsub.f32 v21, v20;
	v21 =	vld [tilespmem:$0x1F980]  }
0x269: {  	v22 =	vld.idx.msk [tilespmem:v22+s21+$0x0], $0xffff  }
0x26a: {  	v23 =	vld.idx.msk [tilespmem:v23+s21+$0x0], $0xffff  }
0x26b: {  	v17 =	vsub.f32 v17, v24;
	v24 =	vadd.f32 v27, v29;
	v29 =	vld [tilespmem:$0x1FE10]  }
0x26c: {  	v3 =	vmul.f32 v3, v3;
	v27 =	vld [tilespmem:$0x1FDF0]  }
0x26d: {  	v4 =	vld.idx.msk [tilespmem:v4+s21+$0x0], $0xffff  }
0x26e: {  	v1 =	vadd.f32 v3, v1;
	v3 =	vld [tilespmem:$0x1F970]  }
0x26f: {  	v17 =	vmul.f32 v17, v17;
	v10 =	vsub.f32 v24, v10;
	v24 =	vld [tilespmem:$0x1FDB0]  }
0x270: {  	v2 =	vld.idx.msk [tilespmem:v2+s21+$0x0], $0xffff  }
0x271: {  	v1 =	vadd.f32 v17, v1;
	v17 =	vsub.f32 v18, v30;
	v30 =	vld [tilespmem:$0x1FE20]  }
0x272: {  	v18 =	vmul.f32 v20, v20;
	v20 =	vld [tilespmem:$0x1F9A0]  }
0x273: {  	v7 =	vld.idx.msk [tilespmem:v7+s21+$0x0], $0xffff  }
0x274: {  	v6 =	vsub.f32 v6, v9;
	v9 =	vmul.f32 v10, v10;
	v10 =	vld [tilespmem:$0x1F9F0]  }
0x275: {  	v5 =	vsub.f32 v8, v5;
	v8 =	vld [tilespmem:$0x1FA10]  }
0x276: {  	v12 =	vld.idx.msk [tilespmem:v12+s21+$0x0], $0xffff  }
0x277: {  	v1 =	vadd.f32 v18, v1;
	v18 =	vld [tilespmem:$0x1F9C0]  }
0x278: {  	v14 =	vld.idx.msk [tilespmem:v14+s21+$0x0], $0xffff  }
0x279: {  	v17 =	vmul.f32 v17, v17;
	v11 =	vld.idx.msk [tilespmem:v11+s21+$0x0], $0xffff  }
0x27a: {  	v21 =	vld.idx.msk [tilespmem:v21+s21+$0x0], $0xffff  }
0x27b: {  	v1 =	vadd.f32 v17, v1;
	v17 =	vld [tilespmem:$0x1F9E0]  }
0x27c: {  	v2 =	vadd.f32 v2, v4;
	v4 =	vld [tilespmem:$0x1FA20]  }
0x27d: {  	v3 =	vld.idx.msk [tilespmem:v3+s21+$0x0], $0xffff  }
0x27e: {  	v1 =	vadd.f32 v9, v1;
	v9 =	vadd.f32 v12, v13;
	v12 =	vld [tilespmem:$0x1FA40]  }
0x27f: {  	v13 =	vadd.f32 v22, v19;
	v22 =	vld [tilespmem:$0x1FD90]  }
0x280: {  	v2 =	vsub.f32 v2, v16;
	v16 =	vld [tilespmem:$0x1FA70]  }
0x281: {  	v6 =	vmul.f32 v6, v6;
	v19 =	vld [tilespmem:$0x1FAB0]  }
0x282: {  	v20 =	vld.idx.msk [tilespmem:v20+s21+$0x0], $0xffff  }
0x283: {  	v1 =	vadd.f32 v6, v1;
	v6 =	vld [tilespmem:$0x1FA30]  }
0x284: {  	v10 =	vld.idx.msk [tilespmem:v10+s21+$0x0], $0xffff  }
0x285: {  	v8 =	vld.idx.msk [tilespmem:v8+s21+$0x0], $0xffff  }
0x286: {  	v5 =	vmul.f32 v5, v5;
	v9 =	vsub.f32 v9, v15;
	v15 =	vld [tilespmem:$0x1FA60]  }
0x287: {  	v18 =	vld.idx.msk [tilespmem:v18+s21+$0x0], $0xffff  }
0x288: {  	v1 =	vadd.f32 v5, v1;
	v5 =	vld [tilespmem:$0x1FA50]  }
0x289: {  	v2 =	vmul.f32 v2, v2;
	v3 =	vadd.f32 v23, v3;
	v23 =	vld [tilespmem:$0x1FDA0]  }
0x28a: {  	v17 =	vld.idx.msk [tilespmem:v17+s21+$0x0], $0xffff  }
0x28b: {  	v1 =	vadd.f32 v2, v1;
	v2 =	vsub.f32 v13, v11;
	v11 =	vld [tilespmem:$0x1FA80]  }
0x28c: {  	v13 =	vld [tilespmem:$0x1FA90]  }
0x28d: {  	v9 =	vmul.f32 v9, v9;
	v4 =	vld.idx.msk [tilespmem:v4+s21+$0x0], $0xffff  }
0x28e: {  	v3 =	vsub.f32 v3, v21;
	v21 =	vld [tilespmem:$0x1FD80]  }
0x28f: {  	v1 =	vadd.f32 v9, v1;
	v9 =	vld [tilespmem:$0x1FAA0]  }
0x290: {  	v7 =	vadd.f32 v10, v7;
	v10 =	vld [tilespmem:$0x1FAD0]  }
0x291: {  	v12 =	vld.idx.msk [tilespmem:v12+s21+$0x0], $0xffff  }
0x292: {  	v16 =	vld.idx.msk [tilespmem:v16+s21+$0x0], $0xffff  }
0x293: {  	v19 =	vld.idx.msk [tilespmem:v19+s21+$0x0], $0xffff  }
0x294: {  	v2 =	vmul.f32 v2, v2;
	v18 =	vadd.f32 v18, v20;
	v20 =	vld [tilespmem:$0x1FAE0]  }
0x295: {  	v6 =	vld.idx.msk [tilespmem:v6+s21+$0x0], $0xffff  }
0x296: {  	v1 =	vadd.f32 v2, v1;
	v2 =	vld [tilespmem:$0x1FAC0]  }
0x297: {  	v15 =	vld.idx.msk [tilespmem:v15+s21+$0x0], $0xffff  }
0x298: {  	v3 =	vmul.f32 v3, v3;
	v18 =	vsub.f32 v18, v25;
	v25 =	vld [tilespmem:$0x1FDC0]  }
0x299: {  	v5 =	vld.idx.msk [tilespmem:v5+s21+$0x0], $0xffff  }
0x29a: {  	v1 =	vadd.f32 v3, v1;
	v3 =	vsub.f32 v7, v17;
	v17 =	vld [tilespmem:$0x1FAF0]  }
0x29b: {  	v4 =	vadd.f32 v4, v14;
	v14 =	vld [tilespmem:$0x1FB00]  }
0x29c: {  	v7 =	vmul.f32 v18, v18;
	v18 =	vld [tilespmem:$0x1FD50]  }
0x29d: {  	v11 =	vld.idx.msk [tilespmem:v11+s21+$0x0], $0xffff  }
0x29e: {  	v13 =	vld.idx.msk [tilespmem:v13+s21+$0x0], $0xffff  }
0x29f: {  	v1 =	vadd.f32 v7, v1;
	v7 =	vld [tilespmem:$0x1FB10]  }
0x2a0: {  	v9 =	vld.idx.msk [tilespmem:v9+s21+$0x0], $0xffff  }
0x2a1: {  	v10 =	vld.idx.msk [tilespmem:v10+s21+$0x0], $0xffff  }
0x2a2: {  	v3 =	vmul.f32 v3, v3;
	v20 =	vld.idx.msk [tilespmem:v20+s21+$0x0], $0xffff  }
0x2a3: {  	v5 =	vadd.f32 v5, v6;
	v6 =	vld [tilespmem:$0x1FB20]  }
0x2a4: {  	v1 =	vadd.f32 v3, v1;
	v3 =	vld [tilespmem:$0x1FB30]  }
0x2a5: {  	v2 =	vld.idx.msk [tilespmem:v2+s21+$0x0], $0xffff  }
0x2a6: {  	v4 =	vsub.f32 v4, v8;
	v8 =	vadd.f32 v11, v15;
	v11 =	vld [tilespmem:$0x1FB40]  }
0x2a7: {  	v5 =	vsub.f32 v5, v12;
	v12 =	vld [tilespmem:$0x1FB50]  }
0x2a8: {  	v13 =	vadd.f32 v19, v13;
	v19 =	vld [tilespmem:$0x1FD60]  }
0x2a9: {  	v15 =	vld [tilespmem:$0x1FB70]  }
0x2aa: {  	v4 =	vmul.f32 v4, v4;
	v17 =	vld.idx.msk [tilespmem:v17+s21+$0x0], $0xffff  }
0x2ab: {  	v14 =	vld.idx.msk [tilespmem:v14+s21+$0x0], $0xffff  }
0x2ac: {  	v1 =	vadd.f32 v4, v1;
	v4 =	vsub.f32 v8, v16;
	v8 =	vld [tilespmem:$0x1FB60]  }
0x2ad: {  	v9 =	vsub.f32 v13, v9;
	v13 =	vld [tilespmem:$0x1FB90]  }
0x2ae: {  	v5 =	vmul.f32 v5, v5;
	v16 =	vld [tilespmem:$0x1FBC0]  }
0x2af: {  	v7 =	vld.idx.msk [tilespmem:v7+s21+$0x0], $0xffff  }
0x2b0: {  	v1 =	vadd.f32 v5, v1;
	v5 =	vld [tilespmem:$0x1FB80]  }
0x2b1: {  	v2 =	vadd.f32 v20, v2;
	v20 =	vld [tilespmem:$0x1FD70]  }
0x2b2: {  	v4 =	vmul.f32 v4, v4;
	v6 =	vld.idx.msk [tilespmem:v6+s21+$0x0], $0xffff  }
0x2b3: {  	v3 =	vld.idx.msk [tilespmem:v3+s21+$0x0], $0xffff  }
0x2b4: {  	v1 =	vadd.f32 v4, v1;
	v4 =	vld [tilespmem:$0x1FBA0]  }
0x2b5: {  	v2 =	vsub.f32 v2, v10;
	v10 =	vld [tilespmem:$0x1FBB0]  }
0x2b6: {  	v11 =	vld.idx.msk [tilespmem:v11+s21+$0x0], $0xffff  }
0x2b7: {  	v9 =	vmul.f32 v9, v9;
	v12 =	vld.idx.msk [tilespmem:v12+s21+$0x0], $0xffff  }
0x2b8: {  	v15 =	vld.idx.msk [tilespmem:v15+s21+$0x0], $0xffff  }
0x2b9: {  	v1 =	vadd.f32 v9, v1;
	v9 =	vld [tilespmem:$0x1FBD0]  }
0x2ba: {  	v7 =	vadd.f32 v7, v17;
	v17 =	vld [tilespmem:$0x1FD40]  }
0x2bb: {  	v8 =	vld.idx.msk [tilespmem:v8+s21+$0x0], $0xffff  }
0x2bc: {  	v13 =	vld.idx.msk [tilespmem:v13+s21+$0x0], $0xffff  }
0x2bd: {  	v16 =	vld.idx.msk [tilespmem:v16+s21+$0x0], $0xffff  }
0x2be: {  	v7 =	vsub.f32 v7, v14;
	v14 =	vld [tilespmem:$0x1FD10]  }
0x2bf: {  	v2 =	vmul.f32 v2, v2;
	v5 =	vld.idx.msk [tilespmem:v5+s21+$0x0], $0xffff  }
0x2c0: {  	v6 =	vadd.f32 v11, v6;
	v11 =	vld [tilespmem:$0x1FBE0]  }
0x2c1: {  	v1 =	vadd.f32 v2, v1;
	v2 =	vmul.f32 v7, v7;
	v7 =	vld [tilespmem:$0x1FBF0]  }
0x2c2: {  	v4 =	vld.idx.msk [tilespmem:v4+s21+$0x0], $0xffff  }
0x2c3: {  	v10 =	vld.idx.msk [tilespmem:v10+s21+$0x0], $0xffff  }
0x2c4: {  	v3 =	vsub.f32 v6, v3;
	v6 =	vadd.f32 v15, v12;
	v15 =	vld [tilespmem:$0x1FD20]  }
0x2c5: {  	v12 =	vld [tilespmem:$0x1FC00]  }
0x2c6: {  	v1 =	vadd.f32 v2, v1;
	v2 =	vld.idx.msk [tilespmem:v61+s21+$0x0], $0xffff  }
0x2c7: {  	v61 =	vld [tilespmem:$0x1FFF0]  }
0x2c8: {  	v9 =	vld.idx.msk [tilespmem:v9+s21+$0x0], $0xffff  }
0x2c9: {  	v6 =	vsub.f32 v6, v8;
	v8 =	vld.idx.msk [tilespmem:v57+s21+$0x0], $0xffff  }
0x2ca: {  	v57 =	vld [tilespmem:$0x1FFB0]  }
0x2cb: {  	v4 =	vadd.f32 v4, v5;
	v5 =	vld.idx.msk [tilespmem:v60+s21+$0x0], $0xffff  }
0x2cc: {  	v60 =	vld [tilespmem:$0x1FFE0]  }
0x2cd: {  	v3 =	vmul.f32 v3, v3;
	v11 =	vld.idx.msk [tilespmem:v11+s21+$0x0], $0xffff  }
0x2ce: {  	v7 =	vld.idx.msk [tilespmem:v7+s21+$0x0], $0xffff  }
0x2cf: {  	v1 =	vadd.f32 v3, v1;
	v3 =	vsub.f32 v4, v13;
	v13 =	vld [tilespmem:$0x1FD00]  }
0x2d0: {  	v4 =	vmul.f32 v6, v6;
	v6 =	vld.idx.msk [tilespmem:v58+s21+$0x0], $0xffff  }
0x2d1: {  	v58 =	vld [tilespmem:$0x1FFC0]  }
0x2d2: {  	v9 =	vadd.f32 v9, v10;
	v10 =	vld.idx.msk [tilespmem:v56+s21+$0x0], $0xffff  }
0x2d3: {  	v56 =	vld [tilespmem:$0x1FFA0]  }
0x2d4: {  	v12 =	vld.idx.msk [tilespmem:v12+s21+$0x0], $0xffff  }
0x2d5: {  	v1 =	vadd.f32 v4, v1;
	v4 =	vld.idx.msk [tilespmem:v55+s21+$0x0], $0xffff  }
0x2d6: {  	v3 =	vmul.f32 v3, v3;
	v55 =	vld [tilespmem:$0x1FF90]  }
0x2d7: {  	v9 =	vsub.f32 v9, v16;
	v16 =	vld [tilespmem:$0x1FD30]  }
0x2d8: {  	v1 =	vadd.f32 v3, v1;
	v3 =	vld.idx.msk [tilespmem:v52+s21+$0x0], $0xffff  }
0x2d9: {  	v52 =	vld [tilespmem:$0x1FF60];
	v11 =	vadd.f32 v12, v11  }
0x2da: {  	v2 =	vadd.f32 v8, v2;
	v8 =	vmul.f32 v9, v9;
	v9 =	vld.idx.msk [tilespmem:v51+s21+$0x0], $0xffff  }
0x2db: {  	v12 =	vld.idx.msk [tilespmem:v54+s21+$0x0], $0xffff;
	v7 =	vsub.f32 v11, v7  }
0x2dc: {  	v11 =	vld.idx.msk [tilespmem:v50+s21+$0x0], $0xffff  }
0x2dd: {  	v2 =	vsub.f32 v2, v5;
	v1 =	vadd.f32 v8, v1;
	v5 =	vmul.f32 v7, v7;
	v7 =	vld.idx.msk [tilespmem:v48+s21+$0x0], $0xffff  }
0x2de: {  	v51 =	vld [tilespmem:$0x1FF50];
	v4 =	vadd.f32 v4, v6  }
0x2df: {  	v2 =	vmul.f32 v2, v2;
	v1 =	vadd.f32 v5, v1;
	v5 =	vld.idx.msk [tilespmem:v47+s21+$0x0], $0xffff  }
0x2e0: {  	v8 =	vld [tilespmem:$0x1FCB0];
	v4 =	vsub.f32 v4, v10;
	v6 =	vadd.f32 v9, v12  }
0x2e1: {  	v54 =	vld [tilespmem:$0x1FF80];
	v1 =	vadd.f32 v2, v1  }
0x2e2: {  	v50 =	vld [tilespmem:$0x1FF40];
	v4 =	vmul.f32 v4, v4;
	v2 =	vsub.f32 v6, v3;
	v3 =	vadd.f32 v7, v11  }
0x2e3: {  	v10 =	vld [tilespmem:$0x1FCD0]  }
0x2e4: {  	v48 =	vld [tilespmem:$0x1FF20];
	v1 =	vadd.f32 v4, v1;
	v2 =	vmul.f32 v2, v2;
	v3 =	vsub.f32 v3, v5  }
0x2e5: {  	v12 =	vld [tilespmem:$0x1FCF0]  }
0x2e6: {  	s31 =	sadd.s32 $0x80, s31;
	v9 =	vld [tilespmem:$0x1FCC0];
	v1 =	vadd.f32 v2, v1;
	v2 =	vmul.f32 v3, v3  }
0x2e7: {  	p0 =	sne.s32 s31, $0x800;
	v47 =	vld [tilespmem:$0x1FF10]  }
.Ltmp0:
0x2e8: {  	v6 =	vld [tilespmem:$0x1FC90];
	v1 =	vadd.f32 v2, v1;
	(pc) =	sbr.rel @p0 .LBB2_2-.Ltmp0, $4  }
0x2e9: {  	v11 =	vld [tilespmem:$0x1FCE0]  }
0x2ea: {  	v7 =	vld [tilespmem:$0x1FCA0];
	v1 =	vsub.f32 $0.0e+00, v1  }
0x2eb: {  	v4 =	vld [tilespmem:$0x1FC70]  }
0x2ec: {  	v5 =	vld [tilespmem:$0x1FC80];
	[tilespmem:s0+$0x3A10] =	vst v1  }
0x2ed: {  	s30 =	sadd.s32 $0x1, s30  }
0x2ee: {  	p0 =	sne.s32 s30, s9  }
.Ltmp1:
0x2ef: {  	_ = 	snop;
	(pc) =	sbr.rel @p0 .LBB2_1-.Ltmp1, $4  }
0x2f0: {  	[hbm4b:s8+s1] =	stream.linear.scatter [tilespmem:s29], [sflag:$0x3], $0x200, $0x38;
	[tilespmem:$0x3C00] =	vst v63  }
0x2f1: {  	_ =	swait.ge [sflag:s10], $0x200  }
0x2f2: {  	[sflag:s10] =	ssyncset.done $0x0  }
0x2f3: {  	[sflag:s10] =	ssyncadd.s32 $0xFFFFFE00  }
0x2f4: {  	_ =	sfence.sel $0x180000  }
0x2f5: {  	[bflag:$0x0] =	sbarrier.arrive $0xFFFF  }
0x2f6: {  	_ =	strace $0x90000047  }
0x2f7: {  	s0 =	stileid.u32;
	[bflag:$0x2] =	sbarrier.arrive $0xFFFF  }
0x2f8: {  	p0 =	sne.s32 s0, $0x0;
	s0 =	rddreg [dreg:$0x5]  }
0x2f9: {  	s0 =	sadd.s32 @!p0 $0x100000, s0  }
0x2fa: {  	[sflag:s0] =	ssyncadd.tile.s32 @!p0 $0x1;
	_ =	shalt  }
.Lfunc_end2:
_tile_overlayer_lowered:
.L_overlay_start_2:
0x2fb: {  	(tag) =	ssettag $0x2  }
0x2fc: {  	s0 =	rddreg [dreg:$0x0];
	s2 =	stileid.u32  }
0x2fd: {  	s1 =	rddreg [dreg:$0x1];
	p0 =	sne.s32 s2, $0x0  }
0x2fe: {  	s3 =	rddreg [dreg:$0x2];
	[bflag:$0x3] =	sbarrier.arrive $0xFFFF;
	s2 =	simm.s32 @!p0 $0x1C03  }
0x2ff: {  	[timem:s3], [sflag:s2] =	dma.local @!p0 [hbm:s0], s1  }
0x300: {  	s0 =	simm.s32 @!p0 $0x3  }
0x301: {  	_ =	swait.ge @!p0 [sflag:s0], s1  }
0x302: {  	s1 =	ssub.s32 @!p0 $0x0, s1;
	[sflag:s0] =	ssyncset.done @!p0 $0x0  }
0x303: {  	[sflag:s0] =	ssyncadd.s32 @!p0 s1  }
0x304: {  	[bflag:$0x3] =	sbarrier.arrive $0xFFFF  }
0x305: {  	_ =	shalt  }

</sc_bundles>
